<compile_context>
chip_gen: v7x
topology: tpu7x:2x2x1
jax: 0.10.2.dev20260603
libtpu: 0.0.44.dev20260713+nightly
codegen_flags: <defaults>
</compile_context>

<pallas_src>
import functools

import jax
import jax.numpy as jnp
from jax import lax
from jax.experimental import pallas as pl
from jax.experimental.pallas import tpu as pltpu
from jax.experimental.pallas import tpu_sc as plsc

_N = 10000
_E = 320000
_C = 128
_K = _N // 2

_NC = 2
_NS = 16
_L = 16

_CORE0 = 2504
_TBL = 10048
_SENT = _K

_EPW = _E // _NS
_BLK = 2000
_NBLK = _EPW // _BLK
_VPB = _BLK // _L

_SLAB = 128
_STG = 12288 + _SLAB
_MAXSLAB = _STG // _SLAB
_PMAX = _STG - _SLAB
_ACCR = 2520


def _scores_body(x_ref, w_ref, o_ref):
    z = jnp.dot(x_ref[...], w_ref[...], preferred_element_type=jnp.float32)
    o_ref[...] = jax.nn.sigmoid(z)


def _scores(x, W):
    return pl.pallas_call(
        _scores_body,
        out_shape=jax.ShapeDtypeStruct((_N, 1), jnp.float32),
    )(x, W)


def _sag_body(x_hbm, src_hbm, dst_hbm, idx_hbm, out_hbm,
              rank_tbl, sblk_s, sblk_d, sblk_s1, sblk_d1, stg,
              fs0, fr0, fs1, fr1, fs2, fr2, fs3, fr3,
              rows0, rows1, rows2, rows3, acc_sh,
              g0, g1, g2, g3, s0, s1, s2, s3, es0, ed0, es1, ed1):
    c = lax.axis_index("c")
    s = lax.axis_index("s")
    core_base = jnp.where(c == 0, 0, _CORE0)
    core_size = jnp.where(c == 0, _CORE0, _K - _CORE0)
    iota = lax.iota(jnp.int32, _L)

    ebase = pl.multiple_of(s * _EPW, _BLK)

    def _load_block(b, ss, dd, sem_s, sem_d):
        pltpu.async_copy(src_hbm.at[pl.ds(ebase + b * _BLK, _BLK)], ss, sem_s)
        pltpu.async_copy(dst_hbm.at[pl.ds(ebase + b * _BLK, _BLK)], dd, sem_d)

    def _wait_block(ss, dd, sem_s, sem_d):
        pltpu.make_async_copy(src_hbm.at[pl.ds(0, _BLK)], ss, sem_s).wait()
        pltpu.make_async_copy(dst_hbm.at[pl.ds(0, _BLK)], dd, sem_d).wait()

    _load_block(0, sblk_s, sblk_d, es0, ed0)
    idx_cp = pltpu.async_copy(idx_hbm, stg.at[pl.ds(0, _K + 8)], g0)

    with jax.named_scope("prep"):
        @pl.loop(0, _TBL // _L)
        def _init(i):
            rank_tbl[pl.ds(i * _L, _L)] = jnp.full((_L,), _SENT, jnp.int32)

        idx_cp.wait()

        @pl.loop(0, (_K + 8) // _L)
        def _scat(i):
            nodes = stg[pl.ds(i * _L, _L)]
            ranks = i * _L + iota
            plsc.store_scatter(rank_tbl, [nodes], ranks)

        @pl.loop(0, 40)
        def _z(i):
            for j in range(_C // _L):
                rows0[i, pl.ds(j * _L, _L)] = jnp.zeros((_L,), jnp.float32)

        @pl.loop(0, -(-(_ACCR // 40) // _NS))
        def _zcp(t):
            cid = s + _NS * t

            @pl.when(cid < _ACCR // 40)
            def _():
                pltpu.sync_copy(rows0.at[pl.ds(0, 40)],
                                acc_sh.at[pl.ds(cid * 40, 40)])

        plsc.subcore_barrier()

    def _compact_block(ss, dd, off):
        def _vec(v, off):
            srcs = ss[pl.ds(v * _L, _L)]
            dsts = dd[pl.ds(v * _L, _L)]
            ranks = plsc.load_gather(rank_tbl, [dsts])
            loc = ranks - core_base
            mask = (loc >= 0) & (loc < core_size)
            cum = plsc.cumsum(mask.astype(jnp.int32))
            pos = jnp.minimum(off + cum - 1, _PMAX - 1)
            plsc.store_scatter(stg, [pos], srcs | (loc << 14), mask=mask)
            return off + plsc.all_reduce_population_count(mask)

        return pl.loop(0, _VPB, init_carry=off, unroll=25)(_vec)

    def _outer(t, off):
        b0 = 2 * t
        _wait_block(sblk_s, sblk_d, es0, ed0)
        _load_block(b0 + 1, sblk_s1, sblk_d1, es1, ed1)
        off = _compact_block(sblk_s, sblk_d, off)
        _wait_block(sblk_s1, sblk_d1, es1, ed1)

        @pl.when(t < _NBLK // 2 - 1)
        def _():
            _load_block(b0 + 2, sblk_s, sblk_d, es0, ed0)

        return _compact_block(sblk_s1, sblk_d1, off)

    with jax.named_scope("compact"):
        off_v = pl.loop(0, _NBLK // 2,
                        init_carry=jnp.zeros((_L,), jnp.int32))(_outer)
        k = jnp.minimum(jnp.max(off_v), _PMAX)

    dump = jnp.full((_L,), core_size << 14, jnp.int32)
    for j in range(_SLAB // _L):
        plsc.store_scatter(stg, [k + j * _L + iota], dump)

    nslab = (k + _SLAB - 1) // _SLAB

    fss = (fs0, fs1, fs2, fs3)
    frs = (fr0, fr1, fr2, fr3)
    rws = (rows0, rows1, rows2, rows3)
    gsem = (g0, g1, g2, g3)
    ssem = (s0, s1, s2, s3)

    def _fill_fire(i, u):
        base = i * _SLAB
        for j in range(_SLAB // _L):
            v = stg[pl.ds(base + j * _L, _L)]
            fss[u][pl.ds(j * _L, _L)] = v & 0x3FFF
            frs[u][pl.ds(j * _L, _L)] = lax.shift_right_logical(v, 14)
        pltpu.async_copy(x_hbm.at[fss[u]], rws[u], gsem[u])

    for u in range(4):
        @pl.when(u < nslab)
        def _(u=u):
            _fill_fire(u, u)

    with jax.named_scope("fire"):
        @pl.loop(0, -(-_MAXSLAB // 4))
        def _pipe(t):
            for u in range(4):
                i = 4 * t + u

                @pl.when(i < nslab)
                def _(i=i, u=u):
                    pltpu.make_async_copy(
                        x_hbm.at[fss[u]], rws[u], gsem[u]).wait()
                    pltpu.async_copy(
                        rws[u], acc_sh.at[frs[u]], ssem[u], add=True)

            for u in range(4):
                i2 = 4 * (t + 1) + u

                @pl.when(i2 < nslab)
                def _(i2=i2, u=u):
                    pltpu.make_async_copy(
                        rws[u], acc_sh.at[frs[u]], ssem[u]).wait()
                    _fill_fire(i2, u)

        for u in range(4):
            @pl.when(u < nslab)
            def _(u=u):
                pltpu.make_async_copy(rws[u], acc_sh.at[frs[u]], ssem[u]).wait()

        plsc.subcore_barrier()

    nfull = 62

    @pl.loop(0, -(-nfull // _NS))
    def _wb(t):
        cid = s + _NS * t

        @pl.when(cid < nfull)
        def _():
            dst_row = pl.multiple_of(core_base + cid * 40, 8)
            pltpu.sync_copy(acc_sh.at[pl.ds(cid * 40, 40)],
                            out_hbm.at[pl.ds(dst_row, 40)])

    @pl.when((s == 15) & (c == 0))
    def _tail0():
        pltpu.sync_copy(acc_sh.at[pl.ds(2480, _CORE0 - 2480)],
                        out_hbm.at[pl.ds(2480, _CORE0 - 2480)])

    @pl.when((s == 15) & (c == 1))
    def _tail1():
        pltpu.sync_copy(acc_sh.at[pl.ds(2480, _K - _CORE0 - 2480)],
                        out_hbm.at[pl.ds(_CORE0 + 2480, _K - _CORE0 - 2480)])


def _sag_pool(x, src, dst, idx_pad):
    mesh = plsc.VectorSubcoreMesh(core_axis_name="c", subcore_axis_name="s")
    f = functools.partial(
        pl.kernel,
        out_type=jax.ShapeDtypeStruct((_K, _C), jnp.float32),
        mesh=mesh,
        compiler_params=pltpu.CompilerParams(needs_layout_passes=False),
        scratch_types=[
            pltpu.VMEM((_TBL,), jnp.int32),
            pltpu.VMEM((_BLK,), jnp.int32),
            pltpu.VMEM((_BLK,), jnp.int32),
            pltpu.VMEM((_BLK,), jnp.int32),
            pltpu.VMEM((_BLK,), jnp.int32),
            pltpu.VMEM((_STG,), jnp.int32),
            pltpu.VMEM((_SLAB,), jnp.int32),
            pltpu.VMEM((_SLAB,), jnp.int32),
            pltpu.VMEM((_SLAB,), jnp.int32),
            pltpu.VMEM((_SLAB,), jnp.int32),
            pltpu.VMEM((_SLAB,), jnp.int32),
            pltpu.VMEM((_SLAB,), jnp.int32),
            pltpu.VMEM((_SLAB,), jnp.int32),
            pltpu.VMEM((_SLAB,), jnp.int32),
            pltpu.VMEM((_SLAB, _C), jnp.float32),
            pltpu.VMEM((_SLAB, _C), jnp.float32),
            pltpu.VMEM((_SLAB, _C), jnp.float32),
            pltpu.VMEM((_SLAB, _C), jnp.float32),
            pltpu.VMEM_SHARED((_ACCR, _C), jnp.float32),
            pltpu.SemaphoreType.DMA,
            pltpu.SemaphoreType.DMA,
            pltpu.SemaphoreType.DMA,
            pltpu.SemaphoreType.DMA,
            pltpu.SemaphoreType.DMA,
            pltpu.SemaphoreType.DMA,
            pltpu.SemaphoreType.DMA,
            pltpu.SemaphoreType.DMA,
            pltpu.SemaphoreType.DMA,
            pltpu.SemaphoreType.DMA,
            pltpu.SemaphoreType.DMA,
            pltpu.SemaphoreType.DMA,
        ],
    )(_sag_body)
    return f(x, src, dst, idx_pad)


def kernel(x, edge_index, W):
    scores = _scores(x, W).reshape(-1)
    _, idx = lax.top_k(scores, _K)
    idx_pad = jnp.concatenate(
        [idx, jnp.arange(_N, _N + 8, dtype=jnp.int32)])
    out = _sag_pool(x, edge_index[0], edge_index[1], idx_pad)
    return (out, edge_index)

# --- scband reference (transcript-rebuilt; emitter-appended) ---
"""Pipeline reference for scband-sagpool-15917148799734 (READ-ONLY COPY).

The authoritative reference and input builder live on the scoring server;
editing this copy changes nothing except your own understanding.
"""

import jax, jax.numpy as jnp
import numpy as np

N = 10000
E = 320000
C = 128
RATIO = 0.5


def setup_inputs(seed: int = 0) -> dict:
    key = jax.random.key(seed)
    k1, k2, k3 = jax.random.split(key, 3)
    x = jax.random.normal(k1, (N, C), dtype=jnp.float32)
    edge_index = jax.random.randint(k2, (2, E), 0, N, dtype=jnp.int32)
    # Linear(in_channels, 1, bias=False) weight, stored as [C, 1] for x @ W
    W = jax.random.normal(k3, (C, 1), dtype=jnp.float32) * 0.05
    return {"x": x, "edge_index": edge_index, "W": W}


def reference(x, edge_index, W):
    # scores = sigmoid(Linear(x))  -> [N, 1]
    scores = jax.nn.sigmoid(x @ W)
    # edge_weight = scores[src] * scores[dst] -> [E, 1]
    edge_weight = scores[edge_index[0]] * scores[edge_index[1]]
    # softmax over dim=1 (size-1 axis -> all ones, faithful to original)
    edge_weight = jax.nn.softmax(edge_weight, axis=1)
    # message = x[src] * edge_weight (broadcast over channels)
    msgs = x[edge_index[0]] * edge_weight
    # scatter-add into destination nodes
    x_pool = jnp.zeros((x.shape[0], C), dtype=x.dtype).at[edge_index[1]].add(msgs)
    # top-k node selection by score
    num_nodes = int(x.shape[0] * RATIO)
    _, indices = jax.lax.top_k(scores.reshape(-1), num_nodes)
    x_pool = x_pool[indices]
    return (x_pool, edge_index)

if __name__ == "__main__":
    import jax
    _d = setup_inputs()
    print(jax.jit(kernel)(*tuple(_d.values())))

</pallas_src>

<mosaic_0001>
#map = affine_map<(d0, d1) -> (0, 0)>
#map1 = affine_map<(d0, d1) -> (0)>
module attributes {stable_mosaic.version = 14 : i64} {
  func.func @_sag_body(%arg0: i32, %arg1: i32, %arg2: memref<10000x128xf32, #tpu.memory_space<hbm>>, %arg3: memref<320000xi32, #tpu.memory_space<hbm>>, %arg4: memref<320000xi32, #tpu.memory_space<hbm>>, %arg5: memref<5008xi32, #tpu.memory_space<hbm>>, %arg6: memref<5000x128xf32, #tpu.memory_space<hbm>>, %arg7: memref<10048xi32, #tpu.memory_space<vmem>>, %arg8: memref<2000xi32, #tpu.memory_space<vmem>>, %arg9: memref<2000xi32, #tpu.memory_space<vmem>>, %arg10: memref<2000xi32, #tpu.memory_space<vmem>>, %arg11: memref<2000xi32, #tpu.memory_space<vmem>>, %arg12: memref<12416xi32, #tpu.memory_space<vmem>>, %arg13: memref<128xi32, #tpu.memory_space<vmem>>, %arg14: memref<128xi32, #tpu.memory_space<vmem>>, %arg15: memref<128xi32, #tpu.memory_space<vmem>>, %arg16: memref<128xi32, #tpu.memory_space<vmem>>, %arg17: memref<128xi32, #tpu.memory_space<vmem>>, %arg18: memref<128xi32, #tpu.memory_space<vmem>>, %arg19: memref<128xi32, #tpu.memory_space<vmem>>, %arg20: memref<128xi32, #tpu.memory_space<vmem>>, %arg21: memref<128x128xf32, #tpu.memory_space<vmem>>, %arg22: memref<128x128xf32, #tpu.memory_space<vmem>>, %arg23: memref<128x128xf32, #tpu.memory_space<vmem>>, %arg24: memref<128x128xf32, #tpu.memory_space<vmem>>, %arg25: memref<2520x128xf32, #tpu.memory_space<vmem_shared>>, %arg26: memref<!tpu.dma_semaphore, #tpu.memory_space<semaphore_mem>>, %arg27: memref<!tpu.dma_semaphore, #tpu.memory_space<semaphore_mem>>, %arg28: memref<!tpu.dma_semaphore, #tpu.memory_space<semaphore_mem>>, %arg29: memref<!tpu.dma_semaphore, #tpu.memory_space<semaphore_mem>>, %arg30: memref<!tpu.dma_semaphore, #tpu.memory_space<semaphore_mem>>, %arg31: memref<!tpu.dma_semaphore, #tpu.memory_space<semaphore_mem>>, %arg32: memref<!tpu.dma_semaphore, #tpu.memory_space<semaphore_mem>>, %arg33: memref<!tpu.dma_semaphore, #tpu.memory_space<semaphore_mem>>, %arg34: memref<!tpu.dma_semaphore, #tpu.memory_space<semaphore_mem>>, %arg35: memref<!tpu.dma_semaphore, #tpu.memory_space<semaphore_mem>>, %arg36: memref<!tpu.dma_semaphore, #tpu.memory_space<semaphore_mem>>, %arg37: memref<!tpu.dma_semaphore, #tpu.memory_space<semaphore_mem>>) attributes {dimension_semantics = [#tpu.dimension_semantics<core_parallel>, #tpu.dimension_semantics<subcore_parallel>], iteration_bounds = array<i64: 2, 16>, scalar_prefetch = 0 : i64, scratch_operands = 31 : i64, tpu.core_type = #tpu.core_type<sc_vector_subcore>, window_params = [{transform_indices = #map}, {transform_indices = #map1}, {transform_indices = #map1}, {transform_indices = #map1}, {transform_indices = #map}]} {
    %eq3A = arith.constant 0 : i32
    %eq3A_0 = arith.cmpi eq, %arg0, %eq3A : i32
    %jit3A = arith.constant 0 : i32
    %jit3A_1 = arith.constant 2504 : i32
    %select_n3A = arith.select %eq3A_0, %jit3A, %jit3A_1 : i32
    %eq3A_2 = arith.constant 0 : i32
    %eq3A_3 = arith.cmpi eq, %arg0, %eq3A_2 : i32
    %jit3A_4 = arith.constant 2504 : i32
    %jit3A_5 = arith.constant 2496 : i32
    %select_n3A_6 = arith.select %eq3A_3, %jit3A_4, %jit3A_5 : i32
    %iota3A = tpu.iota {dimensions = array<i32: 0>} : vector<16xi32>
    %mul3A = arith.constant 20000 : i32
    %mul3A_7 = arith.muli %arg1, %mul3A : i32
    %multiple_of3A = tpu.assume_multiple %mul3A_7, 2000 : i32
    %add3A = arith.constant 0 : i32
    %add3A_8 = arith.addi %multiple_of3A, %add3A : i32
    %dma_start3A = tpu.memref_slice %arg3[%add3A_8] : memref<320000xi32, #tpu.memory_space<hbm>> -> memref<2000xi32, #tpu.memory_space<hbm>>
    %dma_start3A_9 = tpu.memref_slice %arg3[%add3A_8] : memref<320000xi32, #tpu.memory_space<hbm>> -> memref<2000xi32, #tpu.memory_space<hbm>>
    tpu.enqueue_dma source(%dma_start3A_9 : memref<2000xi32, #tpu.memory_space<hbm>>) target(%arg8 : memref<2000xi32, #tpu.memory_space<vmem>>) target_semaphore(%arg34 : memref<!tpu.dma_semaphore, #tpu.memory_space<semaphore_mem>>)
    %add3A_10 = arith.constant 0 : i32
    %add3A_11 = arith.addi %multiple_of3A, %add3A_10 : i32
    %dma_start3A_12 = tpu.memref_slice %arg4[%add3A_11] : memref<320000xi32, #tpu.memory_space<hbm>> -> memref<2000xi32, #tpu.memory_space<hbm>>
    %dma_start3A_13 = tpu.memref_slice %arg4[%add3A_11] : memref<320000xi32, #tpu.memory_space<hbm>> -> memref<2000xi32, #tpu.memory_space<hbm>>
    tpu.enqueue_dma source(%dma_start3A_13 : memref<2000xi32, #tpu.memory_space<hbm>>) target(%arg9 : memref<2000xi32, #tpu.memory_space<vmem>>) target_semaphore(%arg35 : memref<!tpu.dma_semaphore, #tpu.memory_space<semaphore_mem>>)
    %dma_start3A_14 = arith.constant 0 : i32
    %dma_start3A_15 = tpu.memref_slice %arg12[%dma_start3A_14] : memref<12416xi32, #tpu.memory_space<vmem>> -> memref<5008xi32, #tpu.memory_space<vmem>>
    %dma_start3A_16 = arith.constant 0 : i32
    %dma_start3A_17 = tpu.memref_slice %arg12[%dma_start3A_16] : memref<12416xi32, #tpu.memory_space<vmem>> -> memref<5008xi32, #tpu.memory_space<vmem>>
    tpu.enqueue_dma source(%arg5 : memref<5008xi32, #tpu.memory_space<hbm>>) target(%dma_start3A_17 : memref<5008xi32, #tpu.memory_space<vmem>>) target_semaphore(%arg26 : memref<!tpu.dma_semaphore, #tpu.memory_space<semaphore_mem>>)
    "tpu.trace_start"() <{level = 10 : i32, message = "prep"}> : () -> ()
    %scan3A = arith.constant 0 : i32
    %scan3A_18 = arith.constant 628 : i32
    %scan3A_19 = arith.addi %scan3A, %scan3A_18 : i32
    %scan3A_20 = arith.constant 1 : i32
    scf.for %scan3A_175 = %scan3A to %scan3A_19 step %scan3A_20  : i32 {
      %mul3A_176 = arith.constant 1 : i32
      %mul3A_177 = arith.muli %scan3A_175, %mul3A_176 : i32
      %add3A_178 = arith.constant 0 : i32
      %add3A_179 = arith.addi %add3A_178, %mul3A_177 : i32
      %broadcast_in_dim3A_180 = arith.constant 5000 : i32
      %broadcast_in_dim3A_181 = vector.broadcast %broadcast_in_dim3A_180 : i32 to vector<16xi32>
      %mul3A_182 = arith.constant 16 : i32
      %mul3A_183 = arith.muli %add3A_179, %mul3A_182 : i32
      %swap3A = arith.index_cast %mul3A_183 : i32 to index
      %swap3A_184 = tpu.vector_load %arg7[%swap3A] {strides = array<i32>} : memref<10048xi32, #tpu.memory_space<vmem>>, vector<16xi32>,
      tpu.vector_store %arg7[%swap3A], %broadcast_in_dim3A_181 {strides = array<i32>} : memref<10048xi32, #tpu.memory_space<vmem>>, vector<16xi32>,
    }
    %scan3A_21 = arith.constant 628 : i32
    %dma_wait3A = arith.constant 0 : i32
    %dma_wait3A_22 = tpu.memref_slice %arg12[%dma_wait3A] : memref<12416xi32, #tpu.memory_space<vmem>> -> memref<5008xi32, #tpu.memory_space<vmem>>
    %dma_wait3A_23 = arith.constant 0 : i32
    %dma_wait3A_24 = tpu.memref_slice %arg12[%dma_wait3A_23] : memref<12416xi32, #tpu.memory_space<vmem>> -> memref<5008xi32, #tpu.memory_space<vmem>>
    tpu.wait_dma2 semaphore(%arg26 : memref<!tpu.dma_semaphore, #tpu.memory_space<semaphore_mem>>) src(%arg5 : memref<5008xi32, #tpu.memory_space<hbm>>) dst(%dma_wait3A_24 : memref<5008xi32, #tpu.memory_space<vmem>>)
    %scan3A_25 = arith.constant 0 : i32
    %scan3A_26 = arith.constant 313 : i32
    %scan3A_27 = arith.addi %scan3A_25, %scan3A_26 : i32
    %scan3A_28 = arith.constant 1 : i32
    scf.for %scan3A_175 = %scan3A_25 to %scan3A_27 step %scan3A_28  : i32 {
      %mul3A_176 = arith.constant 1 : i32
      %mul3A_177 = arith.muli %scan3A_175, %mul3A_176 : i32
      %add3A_178 = arith.constant 0 : i32
      %add3A_179 = arith.addi %add3A_178, %mul3A_177 : i32
      %mul3A_180 = arith.constant 16 : i32
      %mul3A_181 = arith.muli %add3A_179, %mul3A_180 : i32
      %get3A = arith.index_cast %mul3A_181 : i32 to index
      %get3A_182 = tpu.vector_load %arg12[%get3A] {strides = array<i32>} : memref<12416xi32, #tpu.memory_space<vmem>>, vector<16xi32>,
      %mul3A_183 = arith.constant 16 : i32
      %mul3A_184 = arith.muli %add3A_179, %mul3A_183 : i32
      %add3A_185 = vector.broadcast %mul3A_184 : i32 to vector<16xi32>
      %add3A_186 = arith.addi %add3A_185, %iota3A : vector<16xi32>
      tpu.vector_store_idx %arg7[%get3A_182], %add3A_186 : memref<10048xi32, #tpu.memory_space<vmem>>[vector<16xi32>], vector<16xi32>,
    }
    %scan3A_29 = arith.constant 313 : i32
    %scan3A_30 = arith.constant 0 : i32
    %scan3A_31 = arith.constant 40 : i32
    %scan3A_32 = arith.addi %scan3A_30, %scan3A_31 : i32
    %scan3A_33 = arith.constant 1 : i32
    scf.for %scan3A_175 = %scan3A_30 to %scan3A_32 step %scan3A_33  : i32 {
      %mul3A_176 = arith.constant 1 : i32
      %mul3A_177 = arith.muli %scan3A_175, %mul3A_176 : i32
      %add3A_178 = arith.constant 0 : i32
      %add3A_179 = arith.addi %add3A_178, %mul3A_177 : i32
      %broadcast_in_dim3A_180 = arith.constant 0.000000e+00 : f32
      %broadcast_in_dim3A_181 = vector.broadcast %broadcast_in_dim3A_180 : f32 to vector<16xf32>
      %swap3A = arith.index_cast %add3A_179 : i32 to index
      %swap3A_182 = arith.constant 0 : index
      %swap3A_183 = tpu.vector_load %arg21[%swap3A, %swap3A_182] {strides = array<i32>} : memref<128x128xf32, #tpu.memory_space<vmem>>, vector<16xf32>,
      tpu.vector_store %arg21[%swap3A, %swap3A_182], %broadcast_in_dim3A_181 {strides = array<i32>} : memref<128x128xf32, #tpu.memory_space<vmem>>, vector<16xf32>,
      %broadcast_in_dim3A_184 = arith.constant 0.000000e+00 : f32
      %broadcast_in_dim3A_185 = vector.broadcast %broadcast_in_dim3A_184 : f32 to vector<16xf32>
      %swap3A_186 = arith.index_cast %add3A_179 : i32 to index
      %swap3A_187 = arith.constant 16 : index
      %swap3A_188 = tpu.vector_load %arg21[%swap3A_186, %swap3A_187] {strides = array<i32>} : memref<128x128xf32, #tpu.memory_space<vmem>>, vector<16xf32>,
      tpu.vector_store %arg21[%swap3A_186, %swap3A_187], %broadcast_in_dim3A_185 {strides = array<i32>} : memref<128x128xf32, #tpu.memory_space<vmem>>, vector<16xf32>,
      %broadcast_in_dim3A_189 = arith.constant 0.000000e+00 : f32
      %broadcast_in_dim3A_190 = vector.broadcast %broadcast_in_dim3A_189 : f32 to vector<16xf32>
      %swap3A_191 = arith.index_cast %add3A_179 : i32 to index
      %swap3A_192 = arith.constant 32 : index
      %swap3A_193 = tpu.vector_load %arg21[%swap3A_191, %swap3A_192] {strides = array<i32>} : memref<128x128xf32, #tpu.memory_space<vmem>>, vector<16xf32>,
      tpu.vector_store %arg21[%swap3A_191, %swap3A_192], %broadcast_in_dim3A_190 {strides = array<i32>} : memref<128x128xf32, #tpu.memory_space<vmem>>, vector<16xf32>,
      %broadcast_in_dim3A_194 = arith.constant 0.000000e+00 : f32
      %broadcast_in_dim3A_195 = vector.broadcast %broadcast_in_dim3A_194 : f32 to vector<16xf32>
      %swap3A_196 = arith.index_cast %add3A_179 : i32 to index
      %swap3A_197 = arith.constant 48 : index
      %swap3A_198 = tpu.vector_load %arg21[%swap3A_196, %swap3A_197] {strides = array<i32>} : memref<128x128xf32, #tpu.memory_space<vmem>>, vector<16xf32>,
      tpu.vector_store %arg21[%swap3A_196, %swap3A_197], %broadcast_in_dim3A_195 {strides = array<i32>} : memref<128x128xf32, #tpu.memory_space<vmem>>, vector<16xf32>,
      %broadcast_in_dim3A_199 = arith.constant 0.000000e+00 : f32
      %broadcast_in_dim3A_200 = vector.broadcast %broadcast_in_dim3A_199 : f32 to vector<16xf32>
      %swap3A_201 = arith.index_cast %add3A_179 : i32 to index
      %swap3A_202 = arith.constant 64 : index
      %swap3A_203 = tpu.vector_load %arg21[%swap3A_201, %swap3A_202] {strides = array<i32>} : memref<128x128xf32, #tpu.memory_space<vmem>>, vector<16xf32>,
      tpu.vector_store %arg21[%swap3A_201, %swap3A_202], %broadcast_in_dim3A_200 {strides = array<i32>} : memref<128x128xf32, #tpu.memory_space<vmem>>, vector<16xf32>,
      %broadcast_in_dim3A_204 = arith.constant 0.000000e+00 : f32
      %broadcast_in_dim3A_205 = vector.broadcast %broadcast_in_dim3A_204 : f32 to vector<16xf32>
      %swap3A_206 = arith.index_cast %add3A_179 : i32 to index
      %swap3A_207 = arith.constant 80 : index
      %swap3A_208 = tpu.vector_load %arg21[%swap3A_206, %swap3A_207] {strides = array<i32>} : memref<128x128xf32, #tpu.memory_space<vmem>>, vector<16xf32>,
      tpu.vector_store %arg21[%swap3A_206, %swap3A_207], %broadcast_in_dim3A_205 {strides = array<i32>} : memref<128x128xf32, #tpu.memory_space<vmem>>, vector<16xf32>,
      %broadcast_in_dim3A_209 = arith.constant 0.000000e+00 : f32
      %broadcast_in_dim3A_210 = vector.broadcast %broadcast_in_dim3A_209 : f32 to vector<16xf32>
      %swap3A_211 = arith.index_cast %add3A_179 : i32 to index
      %swap3A_212 = arith.constant 96 : index
      %swap3A_213 = tpu.vector_load %arg21[%swap3A_211, %swap3A_212] {strides = array<i32>} : memref<128x128xf32, #tpu.memory_space<vmem>>, vector<16xf32>,
      tpu.vector_store %arg21[%swap3A_211, %swap3A_212], %broadcast_in_dim3A_210 {strides = array<i32>} : memref<128x128xf32, #tpu.memory_space<vmem>>, vector<16xf32>,
      %broadcast_in_dim3A_214 = arith.constant 0.000000e+00 : f32
      %broadcast_in_dim3A_215 = vector.broadcast %broadcast_in_dim3A_214 : f32 to vector<16xf32>
      %swap3A_216 = arith.index_cast %add3A_179 : i32 to index
      %swap3A_217 = arith.constant 112 : index
      %swap3A_218 = tpu.vector_load %arg21[%swap3A_216, %swap3A_217] {strides = array<i32>} : memref<128x128xf32, #tpu.memory_space<vmem>>, vector<16xf32>,
      tpu.vector_store %arg21[%swap3A_216, %swap3A_217], %broadcast_in_dim3A_215 {strides = array<i32>} : memref<128x128xf32, #tpu.memory_space<vmem>>, vector<16xf32>,
    }
    %scan3A_34 = arith.constant 40 : i32
    %scan3A_35 = arith.constant 0 : i32
    %scan3A_36 = arith.constant 4 : i32
    %scan3A_37 = arith.addi %scan3A_35, %scan3A_36 : i32
    %scan3A_38 = arith.constant 1 : i32
    scf.for %scan3A_175 = %scan3A_35 to %scan3A_37 step %scan3A_38  : i32 {
      %mul3A_176 = arith.constant 1 : i32
      %mul3A_177 = arith.muli %scan3A_175, %mul3A_176 : i32
      %add3A_178 = arith.constant 0 : i32
      %add3A_179 = arith.addi %add3A_178, %mul3A_177 : i32
      %mul3A_180 = arith.constant 16 : i32
      %mul3A_181 = arith.muli %mul3A_180, %add3A_179 : i32
      %add3A_182 = arith.addi %arg1, %mul3A_181 : i32
      %lt3A = arith.constant 63 : i32
      %lt3A_183 = arith.cmpi slt, %add3A_182, %lt3A : i32
      %convert_element_type3A_184 = arith.extui %lt3A_183 : i1 to i32
      %cond3A_185 = arith.constant 0 : i32
      %cond3A_186 = arith.cmpi ne, %convert_element_type3A_184, %cond3A_185 : i32
      scf.if %cond3A_186 {
        %mul3A_187 = arith.constant 40 : i32
        %mul3A_188 = arith.muli %add3A_182, %mul3A_187 : i32
        "tpu.region"() ({
          %run_scoped3A = tpu.sem_alloc : memref<!tpu.dma_semaphore, #tpu.memory_space<semaphore_mem>>
          %dma_start3A_189 = arith.constant 0 : i32
          %dma_start3A_190 = arith.constant 0 : i32
          %dma_start3A_191 = tpu.memref_slice %arg21[%dma_start3A_189, %dma_start3A_190] : memref<128x128xf32, #tpu.memory_space<vmem>> -> memref<40x128xf32, #tpu.memory_space<vmem>>
          %dma_start3A_192 = arith.constant 0 : i32
          %dma_start3A_193 = tpu.memref_slice %arg25[%mul3A_188, %dma_start3A_192] : memref<2520x128xf32, #tpu.memory_space<vmem_shared>> -> memref<40x128xf32, #tpu.memory_space<vmem_shared>>
          %dma_start3A_194 = arith.constant 0 : i32
          %dma_start3A_195 = tpu.memref_slice %arg25[%mul3A_188, %dma_start3A_194] : memref<2520x128xf32, #tpu.memory_space<vmem_shared>> -> memref<40x128xf32, #tpu.memory_space<vmem_shared>>
          %dma_start3A_196 = arith.constant 0 : i32
          %dma_start3A_197 = arith.constant 0 : i32
          %dma_start3A_198 = tpu.memref_slice %arg21[%dma_start3A_196, %dma_start3A_197] : memref<128x128xf32, #tpu.memory_space<vmem>> -> memref<40x128xf32, #tpu.memory_space<vmem>>
          tpu.enqueue_dma source(%dma_start3A_198 : memref<40x128xf32, #tpu.memory_space<vmem>>) target(%dma_start3A_195 : memref<40x128xf32, #tpu.memory_space<vmem_shared>>) target_semaphore(%run_scoped3A : memref<!tpu.dma_semaphore, #tpu.memory_space<semaphore_mem>>)
          %dma_wait3A_199 = arith.constant 0 : i32
          %dma_wait3A_200 = arith.constant 0 : i32
          %dma_wait3A_201 = tpu.memref_slice %arg21[%dma_wait3A_199, %dma_wait3A_200] : memref<128x128xf32, #tpu.memory_space<vmem>> -> memref<40x128xf32, #tpu.memory_space<vmem>>
          %dma_wait3A_202 = arith.constant 0 : i32
          %dma_wait3A_203 = tpu.memref_slice %arg25[%mul3A_188, %dma_wait3A_202] : memref<2520x128xf32, #tpu.memory_space<vmem_shared>> -> memref<40x128xf32, #tpu.memory_space<vmem_shared>>
          %dma_wait3A_204 = arith.constant 0 : i32
          %dma_wait3A_205 = tpu.memref_slice %arg25[%mul3A_188, %dma_wait3A_204] : memref<2520x128xf32, #tpu.memory_space<vmem_shared>> -> memref<40x128xf32, #tpu.memory_space<vmem_shared>>
          %dma_wait3A_206 = arith.constant 0 : i32
          %dma_wait3A_207 = arith.constant 0 : i32
          %dma_wait3A_208 = tpu.memref_slice %arg21[%dma_wait3A_206, %dma_wait3A_207] : memref<128x128xf32, #tpu.memory_space<vmem>> -> memref<40x128xf32, #tpu.memory_space<vmem>>
          tpu.wait_dma2 semaphore(%run_scoped3A : memref<!tpu.dma_semaphore, #tpu.memory_space<semaphore_mem>>) src(%dma_wait3A_208 : memref<40x128xf32, #tpu.memory_space<vmem>>) dst(%dma_wait3A_205 : memref<40x128xf32, #tpu.memory_space<vmem_shared>>)
          tpu.yield
        }) : () -> ()
      } else {
      }
    }
    %scan3A_39 = arith.constant 4 : i32
    %barrier3A = arith.constant 0 : index
    tpu.barrier barrier_id(%barrier3A)
    %broadcast_in_dim3A = arith.constant 0 : i32
    "tpu.trace_stop"() : () -> ()
    "tpu.trace_start"() <{level = 10 : i32, message = "compact"}> : () -> ()
    %broadcast_in_dim3A_40 = vector.broadcast %broadcast_in_dim3A : i32 to vector<16xi32>
    %scan3A_41 = arith.constant 0 : i32
    %scan3A_42 = arith.constant 5 : i32
    %scan3A_43 = arith.addi %scan3A_41, %scan3A_42 : i32
    %scan3A_44 = arith.constant 1 : i32
    %scan3A_45 = scf.for %scan3A_175 = %scan3A_41 to %scan3A_43 step %scan3A_44 iter_args(%scan3A_176 = %broadcast_in_dim3A_40) -> (vector<16xi32>)  : i32 {
      %mul3A_177 = arith.constant 1 : i32
      %mul3A_178 = arith.muli %scan3A_175, %mul3A_177 : i32
      %add3A_179 = arith.constant 0 : i32
      %add3A_180 = arith.addi %add3A_179, %mul3A_178 : i32
      %mul3A_181 = arith.constant 2 : i32
      %mul3A_182 = arith.muli %mul3A_181, %add3A_180 : i32
      %dma_wait3A_183 = arith.constant 0 : i32
      %dma_wait3A_184 = tpu.memref_slice %arg3[%dma_wait3A_183] : memref<320000xi32, #tpu.memory_space<hbm>> -> memref<2000xi32, #tpu.memory_space<hbm>>
      %dma_wait3A_185 = arith.constant 0 : i32
      %dma_wait3A_186 = tpu.memref_slice %arg3[%dma_wait3A_185] : memref<320000xi32, #tpu.memory_space<hbm>> -> memref<2000xi32, #tpu.memory_space<hbm>>
      tpu.wait_dma2 semaphore(%arg34 : memref<!tpu.dma_semaphore, #tpu.memory_space<semaphore_mem>>) src(%dma_wait3A_186 : memref<2000xi32, #tpu.memory_space<hbm>>) dst(%arg8 : memref<2000xi32, #tpu.memory_space<vmem>>)
      %dma_wait3A_187 = arith.constant 0 : i32
      %dma_wait3A_188 = tpu.memref_slice %arg4[%dma_wait3A_187] : memref<320000xi32, #tpu.memory_space<hbm>> -> memref<2000xi32, #tpu.memory_space<hbm>>
      %dma_wait3A_189 = arith.constant 0 : i32
      %dma_wait3A_190 = tpu.memref_slice %arg4[%dma_wait3A_189] : memref<320000xi32, #tpu.memory_space<hbm>> -> memref<2000xi32, #tpu.memory_space<hbm>>
      tpu.wait_dma2 semaphore(%arg35 : memref<!tpu.dma_semaphore, #tpu.memory_space<semaphore_mem>>) src(%dma_wait3A_190 : memref<2000xi32, #tpu.memory_space<hbm>>) dst(%arg9 : memref<2000xi32, #tpu.memory_space<vmem>>)
      %add3A_191 = arith.constant 1 : i32
      %add3A_192 = arith.addi %mul3A_182, %add3A_191 : i32
      %mul3A_193 = arith.constant 2000 : i32
      %mul3A_194 = arith.muli %add3A_192, %mul3A_193 : i32
      %add3A_195 = arith.addi %multiple_of3A, %mul3A_194 : i32
      %dma_start3A_196 = tpu.memref_slice %arg3[%add3A_195] : memref<320000xi32, #tpu.memory_space<hbm>> -> memref<2000xi32, #tpu.memory_space<hbm>>
      %dma_start3A_197 = tpu.memref_slice %arg3[%add3A_195] : memref<320000xi32, #tpu.memory_space<hbm>> -> memref<2000xi32, #tpu.memory_space<hbm>>
      tpu.enqueue_dma source(%dma_start3A_197 : memref<2000xi32, #tpu.memory_space<hbm>>) target(%arg10 : memref<2000xi32, #tpu.memory_space<vmem>>) target_semaphore(%arg36 : memref<!tpu.dma_semaphore, #tpu.memory_space<semaphore_mem>>)
      %mul3A_198 = arith.constant 2000 : i32
      %mul3A_199 = arith.muli %add3A_192, %mul3A_198 : i32
      %add3A_200 = arith.addi %multiple_of3A, %mul3A_199 : i32
      %dma_start3A_201 = tpu.memref_slice %arg4[%add3A_200] : memref<320000xi32, #tpu.memory_space<hbm>> -> memref<2000xi32, #tpu.memory_space<hbm>>
      %dma_start3A_202 = tpu.memref_slice %arg4[%add3A_200] : memref<320000xi32, #tpu.memory_space<hbm>> -> memref<2000xi32, #tpu.memory_space<hbm>>
      tpu.enqueue_dma source(%dma_start3A_202 : memref<2000xi32, #tpu.memory_space<hbm>>) target(%arg11 : memref<2000xi32, #tpu.memory_space<vmem>>) target_semaphore(%arg37 : memref<!tpu.dma_semaphore, #tpu.memory_space<semaphore_mem>>)
      %scan3A_203 = arith.constant 0 : i32
      %scan3A_204 = arith.constant 125 : i32
      %scan3A_205 = arith.addi %scan3A_203, %scan3A_204 : i32
      %scan3A_206 = arith.constant 25 : i32
      %scan3A_207 = scf.for %scan3A_227 = %scan3A_203 to %scan3A_205 step %scan3A_206 iter_args(%scan3A_228 = %scan3A_176) -> (vector<16xi32>)  : i32 {
        %mul3A_229 = arith.constant 1 : i32
        %mul3A_230 = arith.muli %scan3A_227, %mul3A_229 : i32
        %add3A_231 = arith.constant 0 : i32
        %add3A_232 = arith.addi %add3A_231, %mul3A_230 : i32
        %mul3A_233 = arith.constant 16 : i32
        %mul3A_234 = arith.muli %add3A_232, %mul3A_233 : i32
        %get3A = arith.index_cast %mul3A_234 : i32 to index
        %get3A_235 = tpu.vector_load %arg8[%get3A] {strides = array<i32>} : memref<2000xi32, #tpu.memory_space<vmem>>, vector<16xi32>,
        %mul3A_236 = arith.constant 16 : i32
        %mul3A_237 = arith.muli %add3A_232, %mul3A_236 : i32
        %get3A_238 = arith.index_cast %mul3A_237 : i32 to index
        %get3A_239 = tpu.vector_load %arg9[%get3A_238] {strides = array<i32>} : memref<2000xi32, #tpu.memory_space<vmem>>, vector<16xi32>,
        %gather3A = tpu.vector_load_idx %arg7[%get3A_239] : memref<10048xi32, #tpu.memory_space<vmem>>[vector<16xi32>], vector<16xi32>,
        %sub3A_240 = vector.broadcast %select_n3A : i32 to vector<16xi32>
        %sub3A_241 = arith.subi %gather3A, %sub3A_240 : vector<16xi32>
        %ge3A = arith.constant 0 : i32
        %ge3A_242 = vector.broadcast %ge3A : i32 to vector<16xi32>
        %ge3A_243 = arith.cmpi sge, %sub3A_241, %ge3A_242 : vector<16xi32>
        %lt3A_244 = vector.broadcast %select_n3A_6 : i32 to vector<16xi32>
        %lt3A_245 = arith.cmpi slt, %sub3A_241, %lt3A_244 : vector<16xi32>
        %and3A_246 = arith.andi %ge3A_243, %lt3A_245 : vector<16xi1>
        %convert_element_type3A_247 = arith.extui %and3A_246 : vector<16xi1> to vector<16xi32>
        %broadcast_in_dim3A_248 = arith.constant true
        %broadcast_in_dim3A_249 = vector.broadcast %broadcast_in_dim3A_248 : i1 to vector<16xi1>
        %masked_cumsum3A = tpu.scan <sum>, %convert_element_type3A_247 masked %broadcast_in_dim3A_249 : vector<16xi32>, vector<16xi1> -> vector<16xi32>
        %add3A_250 = arith.addi %scan3A_228, %masked_cumsum3A : vector<16xi32>
        %sub3A_251 = arith.constant 1 : i32
        %sub3A_252 = vector.broadcast %sub3A_251 : i32 to vector<16xi32>
        %sub3A_253 = arith.subi %add3A_250, %sub3A_252 : vector<16xi32>
        %min3A_254 = arith.constant 12287 : i32
        %min3A_255 = vector.broadcast %min3A_254 : i32 to vector<16xi32>
        %min3A_256 = arith.minsi %sub3A_253, %min3A_255 : vector<16xi32>
        %shift_left3A_257 = arith.constant 14 : i32
        %shift_left3A_258 = vector.broadcast %shift_left3A_257 : i32 to vector<16xi32>
        %shift_left3A_259 = arith.shli %sub3A_241, %shift_left3A_258 : vector<16xi32>
        %or3A = arith.ori %get3A_235, %shift_left3A_259 : vector<16xi32>
        tpu.vector_store_idx %arg12[%min3A_256], %or3A masked %and3A_246 : memref<12416xi32, #tpu.memory_space<vmem>>[vector<16xi32>], vector<16xi32>, vector<16xi1>
        %all_reduce_population_count3A = tpu.all_reduce %and3A_246 {dim = 0 : i64, kind = #tpu.reduction_kind<sum>} : vector<16xi1> -> vector<16xi32>
        %add3A_260 = arith.addi %scan3A_228, %all_reduce_population_count3A : vector<16xi32>
        %scan3A_261 = arith.constant 1 : i32
        %scan3A_262 = arith.addi %scan3A_227, %scan3A_261 : i32
        %mul3A_263 = arith.constant 1 : i32
        %mul3A_264 = arith.muli %scan3A_262, %mul3A_263 : i32
        %add3A_265 = arith.constant 0 : i32
        %add3A_266 = arith.addi %add3A_265, %mul3A_264 : i32
        %mul3A_267 = arith.constant 16 : i32
        %mul3A_268 = arith.muli %add3A_266, %mul3A_267 : i32
        %get3A_269 = arith.index_cast %mul3A_268 : i32 to index
        %get3A_270 = tpu.vector_load %arg8[%get3A_269] {strides = array<i32>} : memref<2000xi32, #tpu.memory_space<vmem>>, vector<16xi32>,
        %mul3A_271 = arith.constant 16 : i32
        %mul3A_272 = arith.muli %add3A_266, %mul3A_271 : i32
        %get3A_273 = arith.index_cast %mul3A_272 : i32 to index
        %get3A_274 = tpu.vector_load %arg9[%get3A_273] {strides = array<i32>} : memref<2000xi32, #tpu.memory_space<vmem>>, vector<16xi32>,
        %gather3A_275 = tpu.vector_load_idx %arg7[%get3A_274] : memref<10048xi32, #tpu.memory_space<vmem>>[vector<16xi32>], vector<16xi32>,
        %sub3A_276 = vector.broadcast %select_n3A : i32 to vector<16xi32>
        %sub3A_277 = arith.subi %gather3A_275, %sub3A_276 : vector<16xi32>
        %ge3A_278 = arith.constant 0 : i32
        %ge3A_279 = vector.broadcast %ge3A_278 : i32 to vector<16xi32>
        %ge3A_280 = arith.cmpi sge, %sub3A_277, %ge3A_279 : vector<16xi32>
        %lt3A_281 = vector.broadcast %select_n3A_6 : i32 to vector<16xi32>
        %lt3A_282 = arith.cmpi slt, %sub3A_277, %lt3A_281 : vector<16xi32>
        %and3A_283 = arith.andi %ge3A_280, %lt3A_282 : vector<16xi1>
        %convert_element_type3A_284 = arith.extui %and3A_283 : vector<16xi1> to vector<16xi32>
        %broadcast_in_dim3A_285 = arith.constant true
        %broadcast_in_dim3A_286 = vector.broadcast %broadcast_in_dim3A_285 : i1 to vector<16xi1>
        %masked_cumsum3A_287 = tpu.scan <sum>, %convert_element_type3A_284 masked %broadcast_in_dim3A_286 : vector<16xi32>, vector<16xi1> -> vector<16xi32>
        %add3A_288 = arith.addi %add3A_260, %masked_cumsum3A_287 : vector<16xi32>
        %sub3A_289 = arith.constant 1 : i32
        %sub3A_290 = vector.broadcast %sub3A_289 : i32 to vector<16xi32>
        %sub3A_291 = arith.subi %add3A_288, %sub3A_290 : vector<16xi32>
        %min3A_292 = arith.constant 12287 : i32
        %min3A_293 = vector.broadcast %min3A_292 : i32 to vector<16xi32>
        %min3A_294 = arith.minsi %sub3A_291, %min3A_293 : vector<16xi32>
        %shift_left3A_295 = arith.constant 14 : i32
        %shift_left3A_296 = vector.broadcast %shift_left3A_295 : i32 to vector<16xi32>
        %shift_left3A_297 = arith.shli %sub3A_277, %shift_left3A_296 : vector<16xi32>
        %or3A_298 = arith.ori %get3A_270, %shift_left3A_297 : vector<16xi32>
        tpu.vector_store_idx %arg12[%min3A_294], %or3A_298 masked %and3A_283 : memref<12416xi32, #tpu.memory_space<vmem>>[vector<16xi32>], vector<16xi32>, vector<16xi1>
        %all_reduce_population_count3A_299 = tpu.all_reduce %and3A_283 {dim = 0 : i64, kind = #tpu.reduction_kind<sum>} : vector<16xi1> -> vector<16xi32>
        %add3A_300 = arith.addi %add3A_260, %all_reduce_population_count3A_299 : vector<16xi32>
        %scan3A_301 = arith.constant 2 : i32
        %scan3A_302 = arith.addi %scan3A_227, %scan3A_301 : i32
        %mul3A_303 = arith.constant 1 : i32
        %mul3A_304 = arith.muli %scan3A_302, %mul3A_303 : i32
        %add3A_305 = arith.constant 0 : i32
        %add3A_306 = arith.addi %add3A_305, %mul3A_304 : i32
        %mul3A_307 = arith.constant 16 : i32
        %mul3A_308 = arith.muli %add3A_306, %mul3A_307 : i32
        %get3A_309 = arith.index_cast %mul3A_308 : i32 to index
        %get3A_310 = tpu.vector_load %arg8[%get3A_309] {strides = array<i32>} : memref<2000xi32, #tpu.memory_space<vmem>>, vector<16xi32>,
        %mul3A_311 = arith.constant 16 : i32
        %mul3A_312 = arith.muli %add3A_306, %mul3A_311 : i32
        %get3A_313 = arith.index_cast %mul3A_312 : i32 to index
        %get3A_314 = tpu.vector_load %arg9[%get3A_313] {strides = array<i32>} : memref<2000xi32, #tpu.memory_space<vmem>>, vector<16xi32>,
        %gather3A_315 = tpu.vector_load_idx %arg7[%get3A_314] : memref<10048xi32, #tpu.memory_space<vmem>>[vector<16xi32>], vector<16xi32>,
        %sub3A_316 = vector.broadcast %select_n3A : i32 to vector<16xi32>
        %sub3A_317 = arith.subi %gather3A_315, %sub3A_316 : vector<16xi32>
        %ge3A_318 = arith.constant 0 : i32
        %ge3A_319 = vector.broadcast %ge3A_318 : i32 to vector<16xi32>
        %ge3A_320 = arith.cmpi sge, %sub3A_317, %ge3A_319 : vector<16xi32>
        %lt3A_321 = vector.broadcast %select_n3A_6 : i32 to vector<16xi32>
        %lt3A_322 = arith.cmpi slt, %sub3A_317, %lt3A_321 : vector<16xi32>
        %and3A_323 = arith.andi %ge3A_320, %lt3A_322 : vector<16xi1>
        %convert_element_type3A_324 = arith.extui %and3A_323 : vector<16xi1> to vector<16xi32>
        %broadcast_in_dim3A_325 = arith.constant true
        %broadcast_in_dim3A_326 = vector.broadcast %broadcast_in_dim3A_325 : i1 to vector<16xi1>
        %masked_cumsum3A_327 = tpu.scan <sum>, %convert_element_type3A_324 masked %broadcast_in_dim3A_326 : vector<16xi32>, vector<16xi1> -> vector<16xi32>
        %add3A_328 = arith.addi %add3A_300, %masked_cumsum3A_327 : vector<16xi32>
        %sub3A_329 = arith.constant 1 : i32
        %sub3A_330 = vector.broadcast %sub3A_329 : i32 to vector<16xi32>
        %sub3A_331 = arith.subi %add3A_328, %sub3A_330 : vector<16xi32>
        %min3A_332 = arith.constant 12287 : i32
        %min3A_333 = vector.broadcast %min3A_332 : i32 to vector<16xi32>
        %min3A_334 = arith.minsi %sub3A_331, %min3A_333 : vector<16xi32>
        %shift_left3A_335 = arith.constant 14 : i32
        %shift_left3A_336 = vector.broadcast %shift_left3A_335 : i32 to vector<16xi32>
        %shift_left3A_337 = arith.shli %sub3A_317, %shift_left3A_336 : vector<16xi32>
        %or3A_338 = arith.ori %get3A_310, %shift_left3A_337 : vector<16xi32>
        tpu.vector_store_idx %arg12[%min3A_334], %or3A_338 masked %and3A_323 : memref<12416xi32, #tpu.memory_space<vmem>>[vector<16xi32>], vector<16xi32>, vector<16xi1>
        %all_reduce_population_count3A_339 = tpu.all_reduce %and3A_323 {dim = 0 : i64, kind = #tpu.reduction_kind<sum>} : vector<16xi1> -> vector<16xi32>
        %add3A_340 = arith.addi %add3A_300, %all_reduce_population_count3A_339 : vector<16xi32>
        %scan3A_341 = arith.constant 3 : i32
        %scan3A_342 = arith.addi %scan3A_227, %scan3A_341 : i32
        %mul3A_343 = arith.constant 1 : i32
        %mul3A_344 = arith.muli %scan3A_342, %mul3A_343 : i32
        %add3A_345 = arith.constant 0 : i32
        %add3A_346 = arith.addi %add3A_345, %mul3A_344 : i32
        %mul3A_347 = arith.constant 16 : i32
        %mul3A_348 = arith.muli %add3A_346, %mul3A_347 : i32
        %get3A_349 = arith.index_cast %mul3A_348 : i32 to index
        %get3A_350 = tpu.vector_load %arg8[%get3A_349] {strides = array<i32>} : memref<2000xi32, #tpu.memory_space<vmem>>, vector<16xi32>,
        %mul3A_351 = arith.constant 16 : i32
        %mul3A_352 = arith.muli %add3A_346, %mul3A_351 : i32
        %get3A_353 = arith.index_cast %mul3A_352 : i32 to index
        %get3A_354 = tpu.vector_load %arg9[%get3A_353] {strides = array<i32>} : memref<2000xi32, #tpu.memory_space<vmem>>, vector<16xi32>,
        %gather3A_355 = tpu.vector_load_idx %arg7[%get3A_354] : memref<10048xi32, #tpu.memory_space<vmem>>[vector<16xi32>], vector<16xi32>,
        %sub3A_356 = vector.broadcast %select_n3A : i32 to vector<16xi32>
        %sub3A_357 = arith.subi %gather3A_355, %sub3A_356 : vector<16xi32>
        %ge3A_358 = arith.constant 0 : i32
        %ge3A_359 = vector.broadcast %ge3A_358 : i32 to vector<16xi32>
        %ge3A_360 = arith.cmpi sge, %sub3A_357, %ge3A_359 : vector<16xi32>
        %lt3A_361 = vector.broadcast %select_n3A_6 : i32 to vector<16xi32>
        %lt3A_362 = arith.cmpi slt, %sub3A_357, %lt3A_361 : vector<16xi32>
        %and3A_363 = arith.andi %ge3A_360, %lt3A_362 : vector<16xi1>
        %convert_element_type3A_364 = arith.extui %and3A_363 : vector<16xi1> to vector<16xi32>
        %broadcast_in_dim3A_365 = arith.constant true
        %broadcast_in_dim3A_366 = vector.broadcast %broadcast_in_dim3A_365 : i1 to vector<16xi1>
        %masked_cumsum3A_367 = tpu.scan <sum>, %convert_element_type3A_364 masked %broadcast_in_dim3A_366 : vector<16xi32>, vector<16xi1> -> vector<16xi32>
        %add3A_368 = arith.addi %add3A_340, %masked_cumsum3A_367 : vector<16xi32>
        %sub3A_369 = arith.constant 1 : i32
        %sub3A_370 = vector.broadcast %sub3A_369 : i32 to vector<16xi32>
        %sub3A_371 = arith.subi %add3A_368, %sub3A_370 : vector<16xi32>
        %min3A_372 = arith.constant 12287 : i32
        %min3A_373 = vector.broadcast %min3A_372 : i32 to vector<16xi32>
        %min3A_374 = arith.minsi %sub3A_371, %min3A_373 : vector<16xi32>
        %shift_left3A_375 = arith.constant 14 : i32
        %shift_left3A_376 = vector.broadcast %shift_left3A_375 : i32 to vector<16xi32>
        %shift_left3A_377 = arith.shli %sub3A_357, %shift_left3A_376 : vector<16xi32>
        %or3A_378 = arith.ori %get3A_350, %shift_left3A_377 : vector<16xi32>
        tpu.vector_store_idx %arg12[%min3A_374], %or3A_378 masked %and3A_363 : memref<12416xi32, #tpu.memory_space<vmem>>[vector<16xi32>], vector<16xi32>, vector<16xi1>
        %all_reduce_population_count3A_379 = tpu.all_reduce %and3A_363 {dim = 0 : i64, kind = #tpu.reduction_kind<sum>} : vector<16xi1> -> vector<16xi32>
        %add3A_380 = arith.addi %add3A_340, %all_reduce_population_count3A_379 : vector<16xi32>
        %scan3A_381 = arith.constant 4 : i32
        %scan3A_382 = arith.addi %scan3A_227, %scan3A_381 : i32
        %mul3A_383 = arith.constant 1 : i32
        %mul3A_384 = arith.muli %scan3A_382, %mul3A_383 : i32
        %add3A_385 = arith.constant 0 : i32
        %add3A_386 = arith.addi %add3A_385, %mul3A_384 : i32
        %mul3A_387 = arith.constant 16 : i32
        %mul3A_388 = arith.muli %add3A_386, %mul3A_387 : i32
        %get3A_389 = arith.index_cast %mul3A_388 : i32 to index
        %get3A_390 = tpu.vector_load %arg8[%get3A_389] {strides = array<i32>} : memref<2000xi32, #tpu.memory_space<vmem>>, vector<16xi32>,
        %mul3A_391 = arith.constant 16 : i32
        %mul3A_392 = arith.muli %add3A_386, %mul3A_391 : i32
        %get3A_393 = arith.index_cast %mul3A_392 : i32 to index
        %get3A_394 = tpu.vector_load %arg9[%get3A_393] {strides = array<i32>} : memref<2000xi32, #tpu.memory_space<vmem>>, vector<16xi32>,
        %gather3A_395 = tpu.vector_load_idx %arg7[%get3A_394] : memref<10048xi32, #tpu.memory_space<vmem>>[vector<16xi32>], vector<16xi32>,
        %sub3A_396 = vector.broadcast %select_n3A : i32 to vector<16xi32>
        %sub3A_397 = arith.subi %gather3A_395, %sub3A_396 : vector<16xi32>
        %ge3A_398 = arith.constant 0 : i32
        %ge3A_399 = vector.broadcast %ge3A_398 : i32 to vector<16xi32>
        %ge3A_400 = arith.cmpi sge, %sub3A_397, %ge3A_399 : vector<16xi32>
        %lt3A_401 = vector.broadcast %select_n3A_6 : i32 to vector<16xi32>
        %lt3A_402 = arith.cmpi slt, %sub3A_397, %lt3A_401 : vector<16xi32>
        %and3A_403 = arith.andi %ge3A_400, %lt3A_402 : vector<16xi1>
        %convert_element_type3A_404 = arith.extui %and3A_403 : vector<16xi1> to vector<16xi32>
        %broadcast_in_dim3A_405 = arith.constant true
        %broadcast_in_dim3A_406 = vector.broadcast %broadcast_in_dim3A_405 : i1 to vector<16xi1>
        %masked_cumsum3A_407 = tpu.scan <sum>, %convert_element_type3A_404 masked %broadcast_in_dim3A_406 : vector<16xi32>, vector<16xi1> -> vector<16xi32>
        %add3A_408 = arith.addi %add3A_380, %masked_cumsum3A_407 : vector<16xi32>
        %sub3A_409 = arith.constant 1 : i32
        %sub3A_410 = vector.broadcast %sub3A_409 : i32 to vector<16xi32>
        %sub3A_411 = arith.subi %add3A_408, %sub3A_410 : vector<16xi32>
        %min3A_412 = arith.constant 12287 : i32
        %min3A_413 = vector.broadcast %min3A_412 : i32 to vector<16xi32>
        %min3A_414 = arith.minsi %sub3A_411, %min3A_413 : vector<16xi32>
        %shift_left3A_415 = arith.constant 14 : i32
        %shift_left3A_416 = vector.broadcast %shift_left3A_415 : i32 to vector<16xi32>
        %shift_left3A_417 = arith.shli %sub3A_397, %shift_left3A_416 : vector<16xi32>
        %or3A_418 = arith.ori %get3A_390, %shift_left3A_417 : vector<16xi32>
        tpu.vector_store_idx %arg12[%min3A_414], %or3A_418 masked %and3A_403 : memref<12416xi32, #tpu.memory_space<vmem>>[vector<16xi32>], vector<16xi32>, vector<16xi1>
        %all_reduce_population_count3A_419 = tpu.all_reduce %and3A_403 {dim = 0 : i64, kind = #tpu.reduction_kind<sum>} : vector<16xi1> -> vector<16xi32>
        %add3A_420 = arith.addi %add3A_380, %all_reduce_population_count3A_419 : vector<16xi32>
        %scan3A_421 = arith.constant 5 : i32
        %scan3A_422 = arith.addi %scan3A_227, %scan3A_421 : i32
        %mul3A_423 = arith.constant 1 : i32
        %mul3A_424 = arith.muli %scan3A_422, %mul3A_423 : i32
        %add3A_425 = arith.constant 0 : i32
        %add3A_426 = arith.addi %add3A_425, %mul3A_424 : i32
        %mul3A_427 = arith.constant 16 : i32
        %mul3A_428 = arith.muli %add3A_426, %mul3A_427 : i32
        %get3A_429 = arith.index_cast %mul3A_428 : i32 to index
        %get3A_430 = tpu.vector_load %arg8[%get3A_429] {strides = array<i32>} : memref<2000xi32, #tpu.memory_space<vmem>>, vector<16xi32>,
        %mul3A_431 = arith.constant 16 : i32
        %mul3A_432 = arith.muli %add3A_426, %mul3A_431 : i32
        %get3A_433 = arith.index_cast %mul3A_432 : i32 to index
        %get3A_434 = tpu.vector_load %arg9[%get3A_433] {strides = array<i32>} : memref<2000xi32, #tpu.memory_space<vmem>>, vector<16xi32>,
        %gather3A_435 = tpu.vector_load_idx %arg7[%get3A_434] : memref<10048xi32, #tpu.memory_space<vmem>>[vector<16xi32>], vector<16xi32>,
        %sub3A_436 = vector.broadcast %select_n3A : i32 to vector<16xi32>
        %sub3A_437 = arith.subi %gather3A_435, %sub3A_436 : vector<16xi32>
        %ge3A_438 = arith.constant 0 : i32
        %ge3A_439 = vector.broadcast %ge3A_438 : i32 to vector<16xi32>
        %ge3A_440 = arith.cmpi sge, %sub3A_437, %ge3A_439 : vector<16xi32>
        %lt3A_441 = vector.broadcast %select_n3A_6 : i32 to vector<16xi32>
        %lt3A_442 = arith.cmpi slt, %sub3A_437, %lt3A_441 : vector<16xi32>
        %and3A_443 = arith.andi %ge3A_440, %lt3A_442 : vector<16xi1>
        %convert_element_type3A_444 = arith.extui %and3A_443 : vector<16xi1> to vector<16xi32>
        %broadcast_in_dim3A_445 = arith.constant true
        %broadcast_in_dim3A_446 = vector.broadcast %broadcast_in_dim3A_445 : i1 to vector<16xi1>
        %masked_cumsum3A_447 = tpu.scan <sum>, %convert_element_type3A_444 masked %broadcast_in_dim3A_446 : vector<16xi32>, vector<16xi1> -> vector<16xi32>
        %add3A_448 = arith.addi %add3A_420, %masked_cumsum3A_447 : vector<16xi32>
        %sub3A_449 = arith.constant 1 : i32
        %sub3A_450 = vector.broadcast %sub3A_449 : i32 to vector<16xi32>
        %sub3A_451 = arith.subi %add3A_448, %sub3A_450 : vector<16xi32>
        %min3A_452 = arith.constant 12287 : i32
        %min3A_453 = vector.broadcast %min3A_452 : i32 to vector<16xi32>
        %min3A_454 = arith.minsi %sub3A_451, %min3A_453 : vector<16xi32>
        %shift_left3A_455 = arith.constant 14 : i32
        %shift_left3A_456 = vector.broadcast %shift_left3A_455 : i32 to vector<16xi32>
        %shift_left3A_457 = arith.shli %sub3A_437, %shift_left3A_456 : vector<16xi32>
        %or3A_458 = arith.ori %get3A_430, %shift_left3A_457 : vector<16xi32>
        tpu.vector_store_idx %arg12[%min3A_454], %or3A_458 masked %and3A_443 : memref<12416xi32, #tpu.memory_space<vmem>>[vector<16xi32>], vector<16xi32>, vector<16xi1>
        %all_reduce_population_count3A_459 = tpu.all_reduce %and3A_443 {dim = 0 : i64, kind = #tpu.reduction_kind<sum>} : vector<16xi1> -> vector<16xi32>
        %add3A_460 = arith.addi %add3A_420, %all_reduce_population_count3A_459 : vector<16xi32>
        %scan3A_461 = arith.constant 6 : i32
        %scan3A_462 = arith.addi %scan3A_227, %scan3A_461 : i32
        %mul3A_463 = arith.constant 1 : i32
        %mul3A_464 = arith.muli %scan3A_462, %mul3A_463 : i32
        %add3A_465 = arith.constant 0 : i32
        %add3A_466 = arith.addi %add3A_465, %mul3A_464 : i32
        %mul3A_467 = arith.constant 16 : i32
        %mul3A_468 = arith.muli %add3A_466, %mul3A_467 : i32
        %get3A_469 = arith.index_cast %mul3A_468 : i32 to index
        %get3A_470 = tpu.vector_load %arg8[%get3A_469] {strides = array<i32>} : memref<2000xi32, #tpu.memory_space<vmem>>, vector<16xi32>,
        %mul3A_471 = arith.constant 16 : i32
        %mul3A_472 = arith.muli %add3A_466, %mul3A_471 : i32
        %get3A_473 = arith.index_cast %mul3A_472 : i32 to index
        %get3A_474 = tpu.vector_load %arg9[%get3A_473] {strides = array<i32>} : memref<2000xi32, #tpu.memory_space<vmem>>, vector<16xi32>,
        %gather3A_475 = tpu.vector_load_idx %arg7[%get3A_474] : memref<10048xi32, #tpu.memory_space<vmem>>[vector<16xi32>], vector<16xi32>,
        %sub3A_476 = vector.broadcast %select_n3A : i32 to vector<16xi32>
        %sub3A_477 = arith.subi %gather3A_475, %sub3A_476 : vector<16xi32>
        %ge3A_478 = arith.constant 0 : i32
        %ge3A_479 = vector.broadcast %ge3A_478 : i32 to vector<16xi32>
        %ge3A_480 = arith.cmpi sge, %sub3A_477, %ge3A_479 : vector<16xi32>
        %lt3A_481 = vector.broadcast %select_n3A_6 : i32 to vector<16xi32>
        %lt3A_482 = arith.cmpi slt, %sub3A_477, %lt3A_481 : vector<16xi32>
        %and3A_483 = arith.andi %ge3A_480, %lt3A_482 : vector<16xi1>
        %convert_element_type3A_484 = arith.extui %and3A_483 : vector<16xi1> to vector<16xi32>
        %broadcast_in_dim3A_485 = arith.constant true
        %broadcast_in_dim3A_486 = vector.broadcast %broadcast_in_dim3A_485 : i1 to vector<16xi1>
        %masked_cumsum3A_487 = tpu.scan <sum>, %convert_element_type3A_484 masked %broadcast_in_dim3A_486 : vector<16xi32>, vector<16xi1> -> vector<16xi32>
        %add3A_488 = arith.addi %add3A_460, %masked_cumsum3A_487 : vector<16xi32>
        %sub3A_489 = arith.constant 1 : i32
        %sub3A_490 = vector.broadcast %sub3A_489 : i32 to vector<16xi32>
        %sub3A_491 = arith.subi %add3A_488, %sub3A_490 : vector<16xi32>
        %min3A_492 = arith.constant 12287 : i32
        %min3A_493 = vector.broadcast %min3A_492 : i32 to vector<16xi32>
        %min3A_494 = arith.minsi %sub3A_491, %min3A_493 : vector<16xi32>
        %shift_left3A_495 = arith.constant 14 : i32
        %shift_left3A_496 = vector.broadcast %shift_left3A_495 : i32 to vector<16xi32>
        %shift_left3A_497 = arith.shli %sub3A_477, %shift_left3A_496 : vector<16xi32>
        %or3A_498 = arith.ori %get3A_470, %shift_left3A_497 : vector<16xi32>
        tpu.vector_store_idx %arg12[%min3A_494], %or3A_498 masked %and3A_483 : memref<12416xi32, #tpu.memory_space<vmem>>[vector<16xi32>], vector<16xi32>, vector<16xi1>
        %all_reduce_population_count3A_499 = tpu.all_reduce %and3A_483 {dim = 0 : i64, kind = #tpu.reduction_kind<sum>} : vector<16xi1> -> vector<16xi32>
        %add3A_500 = arith.addi %add3A_460, %all_reduce_population_count3A_499 : vector<16xi32>
        %scan3A_501 = arith.constant 7 : i32
        %scan3A_502 = arith.addi %scan3A_227, %scan3A_501 : i32
        %mul3A_503 = arith.constant 1 : i32
        %mul3A_504 = arith.muli %scan3A_502, %mul3A_503 : i32
        %add3A_505 = arith.constant 0 : i32
        %add3A_506 = arith.addi %add3A_505, %mul3A_504 : i32
        %mul3A_507 = arith.constant 16 : i32
        %mul3A_508 = arith.muli %add3A_506, %mul3A_507 : i32
        %get3A_509 = arith.index_cast %mul3A_508 : i32 to index
        %get3A_510 = tpu.vector_load %arg8[%get3A_509] {strides = array<i32>} : memref<2000xi32, #tpu.memory_space<vmem>>, vector<16xi32>,
        %mul3A_511 = arith.constant 16 : i32
        %mul3A_512 = arith.muli %add3A_506, %mul3A_511 : i32
        %get3A_513 = arith.index_cast %mul3A_512 : i32 to index
        %get3A_514 = tpu.vector_load %arg9[%get3A_513] {strides = array<i32>} : memref<2000xi32, #tpu.memory_space<vmem>>, vector<16xi32>,
        %gather3A_515 = tpu.vector_load_idx %arg7[%get3A_514] : memref<10048xi32, #tpu.memory_space<vmem>>[vector<16xi32>], vector<16xi32>,
        %sub3A_516 = vector.broadcast %select_n3A : i32 to vector<16xi32>
        %sub3A_517 = arith.subi %gather3A_515, %sub3A_516 : vector<16xi32>
        %ge3A_518 = arith.constant 0 : i32
        %ge3A_519 = vector.broadcast %ge3A_518 : i32 to vector<16xi32>
        %ge3A_520 = arith.cmpi sge, %sub3A_517, %ge3A_519 : vector<16xi32>
        %lt3A_521 = vector.broadcast %select_n3A_6 : i32 to vector<16xi32>
        %lt3A_522 = arith.cmpi slt, %sub3A_517, %lt3A_521 : vector<16xi32>
        %and3A_523 = arith.andi %ge3A_520, %lt3A_522 : vector<16xi1>
        %convert_element_type3A_524 = arith.extui %and3A_523 : vector<16xi1> to vector<16xi32>
        %broadcast_in_dim3A_525 = arith.constant true
        %broadcast_in_dim3A_526 = vector.broadcast %broadcast_in_dim3A_525 : i1 to vector<16xi1>
        %masked_cumsum3A_527 = tpu.scan <sum>, %convert_element_type3A_524 masked %broadcast_in_dim3A_526 : vector<16xi32>, vector<16xi1> -> vector<16xi32>
        %add3A_528 = arith.addi %add3A_500, %masked_cumsum3A_527 : vector<16xi32>
        %sub3A_529 = arith.constant 1 : i32
        %sub3A_530 = vector.broadcast %sub3A_529 : i32 to vector<16xi32>
        %sub3A_531 = arith.subi %add3A_528, %sub3A_530 : vector<16xi32>
        %min3A_532 = arith.constant 12287 : i32
        %min3A_533 = vector.broadcast %min3A_532 : i32 to vector<16xi32>
        %min3A_534 = arith.minsi %sub3A_531, %min3A_533 : vector<16xi32>
        %shift_left3A_535 = arith.constant 14 : i32
        %shift_left3A_536 = vector.broadcast %shift_left3A_535 : i32 to vector<16xi32>
        %shift_left3A_537 = arith.shli %sub3A_517, %shift_left3A_536 : vector<16xi32>
        %or3A_538 = arith.ori %get3A_510, %shift_left3A_537 : vector<16xi32>
        tpu.vector_store_idx %arg12[%min3A_534], %or3A_538 masked %and3A_523 : memref<12416xi32, #tpu.memory_space<vmem>>[vector<16xi32>], vector<16xi32>, vector<16xi1>
        %all_reduce_population_count3A_539 = tpu.all_reduce %and3A_523 {dim = 0 : i64, kind = #tpu.reduction_kind<sum>} : vector<16xi1> -> vector<16xi32>
        %add3A_540 = arith.addi %add3A_500, %all_reduce_population_count3A_539 : vector<16xi32>
        %scan3A_541 = arith.constant 8 : i32
        %scan3A_542 = arith.addi %scan3A_227, %scan3A_541 : i32
        %mul3A_543 = arith.constant 1 : i32
        %mul3A_544 = arith.muli %scan3A_542, %mul3A_543 : i32
        %add3A_545 = arith.constant 0 : i32
        %add3A_546 = arith.addi %add3A_545, %mul3A_544 : i32
        %mul3A_547 = arith.constant 16 : i32
        %mul3A_548 = arith.muli %add3A_546, %mul3A_547 : i32
        %get3A_549 = arith.index_cast %mul3A_548 : i32 to index
        %get3A_550 = tpu.vector_load %arg8[%get3A_549] {strides = array<i32>} : memref<2000xi32, #tpu.memory_space<vmem>>, vector<16xi32>,
        %mul3A_551 = arith.constant 16 : i32
        %mul3A_552 = arith.muli %add3A_546, %mul3A_551 : i32
        %get3A_553 = arith.index_cast %mul3A_552 : i32 to index
        %get3A_554 = tpu.vector_load %arg9[%get3A_553] {strides = array<i32>} : memref<2000xi32, #tpu.memory_space<vmem>>, vector<16xi32>,
        %gather3A_555 = tpu.vector_load_idx %arg7[%get3A_554] : memref<10048xi32, #tpu.memory_space<vmem>>[vector<16xi32>], vector<16xi32>,
        %sub3A_556 = vector.broadcast %select_n3A : i32 to vector<16xi32>
        %sub3A_557 = arith.subi %gather3A_555, %sub3A_556 : vector<16xi32>
        %ge3A_558 = arith.constant 0 : i32
        %ge3A_559 = vector.broadcast %ge3A_558 : i32 to vector<16xi32>
        %ge3A_560 = arith.cmpi sge, %sub3A_557, %ge3A_559 : vector<16xi32>
        %lt3A_561 = vector.broadcast %select_n3A_6 : i32 to vector<16xi32>
        %lt3A_562 = arith.cmpi slt, %sub3A_557, %lt3A_561 : vector<16xi32>
        %and3A_563 = arith.andi %ge3A_560, %lt3A_562 : vector<16xi1>
        %convert_element_type3A_564 = arith.extui %and3A_563 : vector<16xi1> to vector<16xi32>
        %broadcast_in_dim3A_565 = arith.constant true
        %broadcast_in_dim3A_566 = vector.broadcast %broadcast_in_dim3A_565 : i1 to vector<16xi1>
        %masked_cumsum3A_567 = tpu.scan <sum>, %convert_element_type3A_564 masked %broadcast_in_dim3A_566 : vector<16xi32>, vector<16xi1> -> vector<16xi32>
        %add3A_568 = arith.addi %add3A_540, %masked_cumsum3A_567 : vector<16xi32>
        %sub3A_569 = arith.constant 1 : i32
        %sub3A_570 = vector.broadcast %sub3A_569 : i32 to vector<16xi32>
        %sub3A_571 = arith.subi %add3A_568, %sub3A_570 : vector<16xi32>
        %min3A_572 = arith.constant 12287 : i32
        %min3A_573 = vector.broadcast %min3A_572 : i32 to vector<16xi32>
        %min3A_574 = arith.minsi %sub3A_571, %min3A_573 : vector<16xi32>
        %shift_left3A_575 = arith.constant 14 : i32
        %shift_left3A_576 = vector.broadcast %shift_left3A_575 : i32 to vector<16xi32>
        %shift_left3A_577 = arith.shli %sub3A_557, %shift_left3A_576 : vector<16xi32>
        %or3A_578 = arith.ori %get3A_550, %shift_left3A_577 : vector<16xi32>
        tpu.vector_store_idx %arg12[%min3A_574], %or3A_578 masked %and3A_563 : memref<12416xi32, #tpu.memory_space<vmem>>[vector<16xi32>], vector<16xi32>, vector<16xi1>
        %all_reduce_population_count3A_579 = tpu.all_reduce %and3A_563 {dim = 0 : i64, kind = #tpu.reduction_kind<sum>} : vector<16xi1> -> vector<16xi32>
        %add3A_580 = arith.addi %add3A_540, %all_reduce_population_count3A_579 : vector<16xi32>
        %scan3A_581 = arith.constant 9 : i32
        %scan3A_582 = arith.addi %scan3A_227, %scan3A_581 : i32
        %mul3A_583 = arith.constant 1 : i32
        %mul3A_584 = arith.muli %scan3A_582, %mul3A_583 : i32
        %add3A_585 = arith.constant 0 : i32
        %add3A_586 = arith.addi %add3A_585, %mul3A_584 : i32
        %mul3A_587 = arith.constant 16 : i32
        %mul3A_588 = arith.muli %add3A_586, %mul3A_587 : i32
        %get3A_589 = arith.index_cast %mul3A_588 : i32 to index
        %get3A_590 = tpu.vector_load %arg8[%get3A_589] {strides = array<i32>} : memref<2000xi32, #tpu.memory_space<vmem>>, vector<16xi32>,
        %mul3A_591 = arith.constant 16 : i32
        %mul3A_592 = arith.muli %add3A_586, %mul3A_591 : i32
        %get3A_593 = arith.index_cast %mul3A_592 : i32 to index
        %get3A_594 = tpu.vector_load %arg9[%get3A_593] {strides = array<i32>} : memref<2000xi32, #tpu.memory_space<vmem>>, vector<16xi32>,
        %gather3A_595 = tpu.vector_load_idx %arg7[%get3A_594] : memref<10048xi32, #tpu.memory_space<vmem>>[vector<16xi32>], vector<16xi32>,
        %sub3A_596 = vector.broadcast %select_n3A : i32 to vector<16xi32>
        %sub3A_597 = arith.subi %gather3A_595, %sub3A_596 : vector<16xi32>
        %ge3A_598 = arith.constant 0 : i32
        %ge3A_599 = vector.broadcast %ge3A_598 : i32 to vector<16xi32>
        %ge3A_600 = arith.cmpi sge, %sub3A_597, %ge3A_599 : vector<16xi32>
        %lt3A_601 = vector.broadcast %select_n3A_6 : i32 to vector<16xi32>
        %lt3A_602 = arith.cmpi slt, %sub3A_597, %lt3A_601 : vector<16xi32>
        %and3A_603 = arith.andi %ge3A_600, %lt3A_602 : vector<16xi1>
        %convert_element_type3A_604 = arith.extui %and3A_603 : vector<16xi1> to vector<16xi32>
        %broadcast_in_dim3A_605 = arith.constant true
        %broadcast_in_dim3A_606 = vector.broadcast %broadcast_in_dim3A_605 : i1 to vector<16xi1>
        %masked_cumsum3A_607 = tpu.scan <sum>, %convert_element_type3A_604 masked %broadcast_in_dim3A_606 : vector<16xi32>, vector<16xi1> -> vector<16xi32>
        %add3A_608 = arith.addi %add3A_580, %masked_cumsum3A_607 : vector<16xi32>
        %sub3A_609 = arith.constant 1 : i32
        %sub3A_610 = vector.broadcast %sub3A_609 : i32 to vector<16xi32>
        %sub3A_611 = arith.subi %add3A_608, %sub3A_610 : vector<16xi32>
        %min3A_612 = arith.constant 12287 : i32
        %min3A_613 = vector.broadcast %min3A_612 : i32 to vector<16xi32>
        %min3A_614 = arith.minsi %sub3A_611, %min3A_613 : vector<16xi32>
        %shift_left3A_615 = arith.constant 14 : i32
        %shift_left3A_616 = vector.broadcast %shift_left3A_615 : i32 to vector<16xi32>
        %shift_left3A_617 = arith.shli %sub3A_597, %shift_left3A_616 : vector<16xi32>
        %or3A_618 = arith.ori %get3A_590, %shift_left3A_617 : vector<16xi32>
        tpu.vector_store_idx %arg12[%min3A_614], %or3A_618 masked %and3A_603 : memref<12416xi32, #tpu.memory_space<vmem>>[vector<16xi32>], vector<16xi32>, vector<16xi1>
        %all_reduce_population_count3A_619 = tpu.all_reduce %and3A_603 {dim = 0 : i64, kind = #tpu.reduction_kind<sum>} : vector<16xi1> -> vector<16xi32>
        %add3A_620 = arith.addi %add3A_580, %all_reduce_population_count3A_619 : vector<16xi32>
        %scan3A_621 = arith.constant 10 : i32
        %scan3A_622 = arith.addi %scan3A_227, %scan3A_621 : i32
        %mul3A_623 = arith.constant 1 : i32
        %mul3A_624 = arith.muli %scan3A_622, %mul3A_623 : i32
        %add3A_625 = arith.constant 0 : i32
        %add3A_626 = arith.addi %add3A_625, %mul3A_624 : i32
        %mul3A_627 = arith.constant 16 : i32
        %mul3A_628 = arith.muli %add3A_626, %mul3A_627 : i32
        %get3A_629 = arith.index_cast %mul3A_628 : i32 to index
        %get3A_630 = tpu.vector_load %arg8[%get3A_629] {strides = array<i32>} : memref<2000xi32, #tpu.memory_space<vmem>>, vector<16xi32>,
        %mul3A_631 = arith.constant 16 : i32
        %mul3A_632 = arith.muli %add3A_626, %mul3A_631 : i32
        %get3A_633 = arith.index_cast %mul3A_632 : i32 to index
        %get3A_634 = tpu.vector_load %arg9[%get3A_633] {strides = array<i32>} : memref<2000xi32, #tpu.memory_space<vmem>>, vector<16xi32>,
        %gather3A_635 = tpu.vector_load_idx %arg7[%get3A_634] : memref<10048xi32, #tpu.memory_space<vmem>>[vector<16xi32>], vector<16xi32>,
        %sub3A_636 = vector.broadcast %select_n3A : i32 to vector<16xi32>
        %sub3A_637 = arith.subi %gather3A_635, %sub3A_636 : vector<16xi32>
        %ge3A_638 = arith.constant 0 : i32
        %ge3A_639 = vector.broadcast %ge3A_638 : i32 to vector<16xi32>
        %ge3A_640 = arith.cmpi sge, %sub3A_637, %ge3A_639 : vector<16xi32>
        %lt3A_641 = vector.broadcast %select_n3A_6 : i32 to vector<16xi32>
        %lt3A_642 = arith.cmpi slt, %sub3A_637, %lt3A_641 : vector<16xi32>
        %and3A_643 = arith.andi %ge3A_640, %lt3A_642 : vector<16xi1>
        %convert_element_type3A_644 = arith.extui %and3A_643 : vector<16xi1> to vector<16xi32>
        %broadcast_in_dim3A_645 = arith.constant true
        %broadcast_in_dim3A_646 = vector.broadcast %broadcast_in_dim3A_645 : i1 to vector<16xi1>
        %masked_cumsum3A_647 = tpu.scan <sum>, %convert_element_type3A_644 masked %broadcast_in_dim3A_646 : vector<16xi32>, vector<16xi1> -> vector<16xi32>
        %add3A_648 = arith.addi %add3A_620, %masked_cumsum3A_647 : vector<16xi32>
        %sub3A_649 = arith.constant 1 : i32
        %sub3A_650 = vector.broadcast %sub3A_649 : i32 to vector<16xi32>
        %sub3A_651 = arith.subi %add3A_648, %sub3A_650 : vector<16xi32>
        %min3A_652 = arith.constant 12287 : i32
        %min3A_653 = vector.broadcast %min3A_652 : i32 to vector<16xi32>
        %min3A_654 = arith.minsi %sub3A_651, %min3A_653 : vector<16xi32>
        %shift_left3A_655 = arith.constant 14 : i32
        %shift_left3A_656 = vector.broadcast %shift_left3A_655 : i32 to vector<16xi32>
        %shift_left3A_657 = arith.shli %sub3A_637, %shift_left3A_656 : vector<16xi32>
        %or3A_658 = arith.ori %get3A_630, %shift_left3A_657 : vector<16xi32>
        tpu.vector_store_idx %arg12[%min3A_654], %or3A_658 masked %and3A_643 : memref<12416xi32, #tpu.memory_space<vmem>>[vector<16xi32>], vector<16xi32>, vector<16xi1>
        %all_reduce_population_count3A_659 = tpu.all_reduce %and3A_643 {dim = 0 : i64, kind = #tpu.reduction_kind<sum>} : vector<16xi1> -> vector<16xi32>
        %add3A_660 = arith.addi %add3A_620, %all_reduce_population_count3A_659 : vector<16xi32>
        %scan3A_661 = arith.constant 11 : i32
        %scan3A_662 = arith.addi %scan3A_227, %scan3A_661 : i32
        %mul3A_663 = arith.constant 1 : i32
        %mul3A_664 = arith.muli %scan3A_662, %mul3A_663 : i32
        %add3A_665 = arith.constant 0 : i32
        %add3A_666 = arith.addi %add3A_665, %mul3A_664 : i32
        %mul3A_667 = arith.constant 16 : i32
        %mul3A_668 = arith.muli %add3A_666, %mul3A_667 : i32
        %get3A_669 = arith.index_cast %mul3A_668 : i32 to index
        %get3A_670 = tpu.vector_load %arg8[%get3A_669] {strides = array<i32>} : memref<2000xi32, #tpu.memory_space<vmem>>, vector<16xi32>,
        %mul3A_671 = arith.constant 16 : i32
        %mul3A_672 = arith.muli %add3A_666, %mul3A_671 : i32
        %get3A_673 = arith.index_cast %mul3A_672 : i32 to index
        %get3A_674 = tpu.vector_load %arg9[%get3A_673] {strides = array<i32>} : memref<2000xi32, #tpu.memory_space<vmem>>, vector<16xi32>,
        %gather3A_675 = tpu.vector_load_idx %arg7[%get3A_674] : memref<10048xi32, #tpu.memory_space<vmem>>[vector<16xi32>], vector<16xi32>,
        %sub3A_676 = vector.broadcast %select_n3A : i32 to vector<16xi32>
        %sub3A_677 = arith.subi %gather3A_675, %sub3A_676 : vector<16xi32>
        %ge3A_678 = arith.constant 0 : i32
        %ge3A_679 = vector.broadcast %ge3A_678 : i32 to vector<16xi32>
        %ge3A_680 = arith.cmpi sge, %sub3A_677, %ge3A_679 : vector<16xi32>
        %lt3A_681 = vector.broadcast %select_n3A_6 : i32 to vector<16xi32>
        %lt3A_682 = arith.cmpi slt, %sub3A_677, %lt3A_681 : vector<16xi32>
        %and3A_683 = arith.andi %ge3A_680, %lt3A_682 : vector<16xi1>
        %convert_element_type3A_684 = arith.extui %and3A_683 : vector<16xi1> to vector<16xi32>
        %broadcast_in_dim3A_685 = arith.constant true
        %broadcast_in_dim3A_686 = vector.broadcast %broadcast_in_dim3A_685 : i1 to vector<16xi1>
        %masked_cumsum3A_687 = tpu.scan <sum>, %convert_element_type3A_684 masked %broadcast_in_dim3A_686 : vector<16xi32>, vector<16xi1> -> vector<16xi32>
        %add3A_688 = arith.addi %add3A_660, %masked_cumsum3A_687 : vector<16xi32>
        %sub3A_689 = arith.constant 1 : i32
        %sub3A_690 = vector.broadcast %sub3A_689 : i32 to vector<16xi32>
        %sub3A_691 = arith.subi %add3A_688, %sub3A_690 : vector<16xi32>
        %min3A_692 = arith.constant 12287 : i32
        %min3A_693 = vector.broadcast %min3A_692 : i32 to vector<16xi32>
        %min3A_694 = arith.minsi %sub3A_691, %min3A_693 : vector<16xi32>
        %shift_left3A_695 = arith.constant 14 : i32
        %shift_left3A_696 = vector.broadcast %shift_left3A_695 : i32 to vector<16xi32>
        %shift_left3A_697 = arith.shli %sub3A_677, %shift_left3A_696 : vector<16xi32>
        %or3A_698 = arith.ori %get3A_670, %shift_left3A_697 : vector<16xi32>
        tpu.vector_store_idx %arg12[%min3A_694], %or3A_698 masked %and3A_683 : memref<12416xi32, #tpu.memory_space<vmem>>[vector<16xi32>], vector<16xi32>, vector<16xi1>
        %all_reduce_population_count3A_699 = tpu.all_reduce %and3A_683 {dim = 0 : i64, kind = #tpu.reduction_kind<sum>} : vector<16xi1> -> vector<16xi32>
        %add3A_700 = arith.addi %add3A_660, %all_reduce_population_count3A_699 : vector<16xi32>
        %scan3A_701 = arith.constant 12 : i32
        %scan3A_702 = arith.addi %scan3A_227, %scan3A_701 : i32
        %mul3A_703 = arith.constant 1 : i32
        %mul3A_704 = arith.muli %scan3A_702, %mul3A_703 : i32
        %add3A_705 = arith.constant 0 : i32
        %add3A_706 = arith.addi %add3A_705, %mul3A_704 : i32
        %mul3A_707 = arith.constant 16 : i32
        %mul3A_708 = arith.muli %add3A_706, %mul3A_707 : i32
        %get3A_709 = arith.index_cast %mul3A_708 : i32 to index
        %get3A_710 = tpu.vector_load %arg8[%get3A_709] {strides = array<i32>} : memref<2000xi32, #tpu.memory_space<vmem>>, vector<16xi32>,
        %mul3A_711 = arith.constant 16 : i32
        %mul3A_712 = arith.muli %add3A_706, %mul3A_711 : i32
        %get3A_713 = arith.index_cast %mul3A_712 : i32 to index
        %get3A_714 = tpu.vector_load %arg9[%get3A_713] {strides = array<i32>} : memref<2000xi32, #tpu.memory_space<vmem>>, vector<16xi32>,
        %gather3A_715 = tpu.vector_load_idx %arg7[%get3A_714] : memref<10048xi32, #tpu.memory_space<vmem>>[vector<16xi32>], vector<16xi32>,
        %sub3A_716 = vector.broadcast %select_n3A : i32 to vector<16xi32>
        %sub3A_717 = arith.subi %gather3A_715, %sub3A_716 : vector<16xi32>
        %ge3A_718 = arith.constant 0 : i32
        %ge3A_719 = vector.broadcast %ge3A_718 : i32 to vector<16xi32>
        %ge3A_720 = arith.cmpi sge, %sub3A_717, %ge3A_719 : vector<16xi32>
        %lt3A_721 = vector.broadcast %select_n3A_6 : i32 to vector<16xi32>
        %lt3A_722 = arith.cmpi slt, %sub3A_717, %lt3A_721 : vector<16xi32>
        %and3A_723 = arith.andi %ge3A_720, %lt3A_722 : vector<16xi1>
        %convert_element_type3A_724 = arith.extui %and3A_723 : vector<16xi1> to vector<16xi32>
        %broadcast_in_dim3A_725 = arith.constant true
        %broadcast_in_dim3A_726 = vector.broadcast %broadcast_in_dim3A_725 : i1 to vector<16xi1>
        %masked_cumsum3A_727 = tpu.scan <sum>, %convert_element_type3A_724 masked %broadcast_in_dim3A_726 : vector<16xi32>, vector<16xi1> -> vector<16xi32>
        %add3A_728 = arith.addi %add3A_700, %masked_cumsum3A_727 : vector<16xi32>
        %sub3A_729 = arith.constant 1 : i32
        %sub3A_730 = vector.broadcast %sub3A_729 : i32 to vector<16xi32>
        %sub3A_731 = arith.subi %add3A_728, %sub3A_730 : vector<16xi32>
        %min3A_732 = arith.constant 12287 : i32
        %min3A_733 = vector.broadcast %min3A_732 : i32 to vector<16xi32>
        %min3A_734 = arith.minsi %sub3A_731, %min3A_733 : vector<16xi32>
        %shift_left3A_735 = arith.constant 14 : i32
        %shift_left3A_736 = vector.broadcast %shift_left3A_735 : i32 to vector<16xi32>
        %shift_left3A_737 = arith.shli %sub3A_717, %shift_left3A_736 : vector<16xi32>
        %or3A_738 = arith.ori %get3A_710, %shift_left3A_737 : vector<16xi32>
        tpu.vector_store_idx %arg12[%min3A_734], %or3A_738 masked %and3A_723 : memref<12416xi32, #tpu.memory_space<vmem>>[vector<16xi32>], vector<16xi32>, vector<16xi1>
        %all_reduce_population_count3A_739 = tpu.all_reduce %and3A_723 {dim = 0 : i64, kind = #tpu.reduction_kind<sum>} : vector<16xi1> -> vector<16xi32>
        %add3A_740 = arith.addi %add3A_700, %all_reduce_population_count3A_739 : vector<16xi32>
        %scan3A_741 = arith.constant 13 : i32
        %scan3A_742 = arith.addi %scan3A_227, %scan3A_741 : i32
        %mul3A_743 = arith.constant 1 : i32
        %mul3A_744 = arith.muli %scan3A_742, %mul3A_743 : i32
        %add3A_745 = arith.constant 0 : i32
        %add3A_746 = arith.addi %add3A_745, %mul3A_744 : i32
        %mul3A_747 = arith.constant 16 : i32
        %mul3A_748 = arith.muli %add3A_746, %mul3A_747 : i32
        %get3A_749 = arith.index_cast %mul3A_748 : i32 to index
        %get3A_750 = tpu.vector_load %arg8[%get3A_749] {strides = array<i32>} : memref<2000xi32, #tpu.memory_space<vmem>>, vector<16xi32>,
        %mul3A_751 = arith.constant 16 : i32
        %mul3A_752 = arith.muli %add3A_746, %mul3A_751 : i32
        %get3A_753 = arith.index_cast %mul3A_752 : i32 to index
        %get3A_754 = tpu.vector_load %arg9[%get3A_753] {strides = array<i32>} : memref<2000xi32, #tpu.memory_space<vmem>>, vector<16xi32>,
        %gather3A_755 = tpu.vector_load_idx %arg7[%get3A_754] : memref<10048xi32, #tpu.memory_space<vmem>>[vector<16xi32>], vector<16xi32>,
        %sub3A_756 = vector.broadcast %select_n3A : i32 to vector<16xi32>
        %sub3A_757 = arith.subi %gather3A_755, %sub3A_756 : vector<16xi32>
        %ge3A_758 = arith.constant 0 : i32
        %ge3A_759 = vector.broadcast %ge3A_758 : i32 to vector<16xi32>
        %ge3A_760 = arith.cmpi sge, %sub3A_757, %ge3A_759 : vector<16xi32>
        %lt3A_761 = vector.broadcast %select_n3A_6 : i32 to vector<16xi32>
        %lt3A_762 = arith.cmpi slt, %sub3A_757, %lt3A_761 : vector<16xi32>
        %and3A_763 = arith.andi %ge3A_760, %lt3A_762 : vector<16xi1>
        %convert_element_type3A_764 = arith.extui %and3A_763 : vector<16xi1> to vector<16xi32>
        %broadcast_in_dim3A_765 = arith.constant true
        %broadcast_in_dim3A_766 = vector.broadcast %broadcast_in_dim3A_765 : i1 to vector<16xi1>
        %masked_cumsum3A_767 = tpu.scan <sum>, %convert_element_type3A_764 masked %broadcast_in_dim3A_766 : vector<16xi32>, vector<16xi1> -> vector<16xi32>
        %add3A_768 = arith.addi %add3A_740, %masked_cumsum3A_767 : vector<16xi32>
        %sub3A_769 = arith.constant 1 : i32
        %sub3A_770 = vector.broadcast %sub3A_769 : i32 to vector<16xi32>
        %sub3A_771 = arith.subi %add3A_768, %sub3A_770 : vector<16xi32>
        %min3A_772 = arith.constant 12287 : i32
        %min3A_773 = vector.broadcast %min3A_772 : i32 to vector<16xi32>
        %min3A_774 = arith.minsi %sub3A_771, %min3A_773 : vector<16xi32>
        %shift_left3A_775 = arith.constant 14 : i32
        %shift_left3A_776 = vector.broadcast %shift_left3A_775 : i32 to vector<16xi32>
        %shift_left3A_777 = arith.shli %sub3A_757, %shift_left3A_776 : vector<16xi32>
        %or3A_778 = arith.ori %get3A_750, %shift_left3A_777 : vector<16xi32>
        tpu.vector_store_idx %arg12[%min3A_774], %or3A_778 masked %and3A_763 : memref<12416xi32, #tpu.memory_space<vmem>>[vector<16xi32>], vector<16xi32>, vector<16xi1>
        %all_reduce_population_count3A_779 = tpu.all_reduce %and3A_763 {dim = 0 : i64, kind = #tpu.reduction_kind<sum>} : vector<16xi1> -> vector<16xi32>
        %add3A_780 = arith.addi %add3A_740, %all_reduce_population_count3A_779 : vector<16xi32>
        %scan3A_781 = arith.constant 14 : i32
        %scan3A_782 = arith.addi %scan3A_227, %scan3A_781 : i32
        %mul3A_783 = arith.constant 1 : i32
        %mul3A_784 = arith.muli %scan3A_782, %mul3A_783 : i32
        %add3A_785 = arith.constant 0 : i32
        %add3A_786 = arith.addi %add3A_785, %mul3A_784 : i32
        %mul3A_787 = arith.constant 16 : i32
        %mul3A_788 = arith.muli %add3A_786, %mul3A_787 : i32
        %get3A_789 = arith.index_cast %mul3A_788 : i32 to index
        %get3A_790 = tpu.vector_load %arg8[%get3A_789] {strides = array<i32>} : memref<2000xi32, #tpu.memory_space<vmem>>, vector<16xi32>,
        %mul3A_791 = arith.constant 16 : i32
        %mul3A_792 = arith.muli %add3A_786, %mul3A_791 : i32
        %get3A_793 = arith.index_cast %mul3A_792 : i32 to index
        %get3A_794 = tpu.vector_load %arg9[%get3A_793] {strides = array<i32>} : memref<2000xi32, #tpu.memory_space<vmem>>, vector<16xi32>,
        %gather3A_795 = tpu.vector_load_idx %arg7[%get3A_794] : memref<10048xi32, #tpu.memory_space<vmem>>[vector<16xi32>], vector<16xi32>,
        %sub3A_796 = vector.broadcast %select_n3A : i32 to vector<16xi32>
        %sub3A_797 = arith.subi %gather3A_795, %sub3A_796 : vector<16xi32>
        %ge3A_798 = arith.constant 0 : i32
        %ge3A_799 = vector.broadcast %ge3A_798 : i32 to vector<16xi32>
        %ge3A_800 = arith.cmpi sge, %sub3A_797, %ge3A_799 : vector<16xi32>
        %lt3A_801 = vector.broadcast %select_n3A_6 : i32 to vector<16xi32>
        %lt3A_802 = arith.cmpi slt, %sub3A_797, %lt3A_801 : vector<16xi32>
        %and3A_803 = arith.andi %ge3A_800, %lt3A_802 : vector<16xi1>
        %convert_element_type3A_804 = arith.extui %and3A_803 : vector<16xi1> to vector<16xi32>
        %broadcast_in_dim3A_805 = arith.constant true
        %broadcast_in_dim3A_806 = vector.broadcast %broadcast_in_dim3A_805 : i1 to vector<16xi1>
        %masked_cumsum3A_807 = tpu.scan <sum>, %convert_element_type3A_804 masked %broadcast_in_dim3A_806 : vector<16xi32>, vector<16xi1> -> vector<16xi32>
        %add3A_808 = arith.addi %add3A_780, %masked_cumsum3A_807 : vector<16xi32>
        %sub3A_809 = arith.constant 1 : i32
        %sub3A_810 = vector.broadcast %sub3A_809 : i32 to vector<16xi32>
        %sub3A_811 = arith.subi %add3A_808, %sub3A_810 : vector<16xi32>
        %min3A_812 = arith.constant 12287 : i32
        %min3A_813 = vector.broadcast %min3A_812 : i32 to vector<16xi32>
        %min3A_814 = arith.minsi %sub3A_811, %min3A_813 : vector<16xi32>
        %shift_left3A_815 = arith.constant 14 : i32
        %shift_left3A_816 = vector.broadcast %shift_left3A_815 : i32 to vector<16xi32>
        %shift_left3A_817 = arith.shli %sub3A_797, %shift_left3A_816 : vector<16xi32>
        %or3A_818 = arith.ori %get3A_790, %shift_left3A_817 : vector<16xi32>
        tpu.vector_store_idx %arg12[%min3A_814], %or3A_818 masked %and3A_803 : memref<12416xi32, #tpu.memory_space<vmem>>[vector<16xi32>], vector<16xi32>, vector<16xi1>
        %all_reduce_population_count3A_819 = tpu.all_reduce %and3A_803 {dim = 0 : i64, kind = #tpu.reduction_kind<sum>} : vector<16xi1> -> vector<16xi32>
        %add3A_820 = arith.addi %add3A_780, %all_reduce_population_count3A_819 : vector<16xi32>
        %scan3A_821 = arith.constant 15 : i32
        %scan3A_822 = arith.addi %scan3A_227, %scan3A_821 : i32
        %mul3A_823 = arith.constant 1 : i32
        %mul3A_824 = arith.muli %scan3A_822, %mul3A_823 : i32
        %add3A_825 = arith.constant 0 : i32
        %add3A_826 = arith.addi %add3A_825, %mul3A_824 : i32
        %mul3A_827 = arith.constant 16 : i32
        %mul3A_828 = arith.muli %add3A_826, %mul3A_827 : i32
        %get3A_829 = arith.index_cast %mul3A_828 : i32 to index
        %get3A_830 = tpu.vector_load %arg8[%get3A_829] {strides = array<i32>} : memref<2000xi32, #tpu.memory_space<vmem>>, vector<16xi32>,
        %mul3A_831 = arith.constant 16 : i32
        %mul3A_832 = arith.muli %add3A_826, %mul3A_831 : i32
        %get3A_833 = arith.index_cast %mul3A_832 : i32 to index
        %get3A_834 = tpu.vector_load %arg9[%get3A_833] {strides = array<i32>} : memref<2000xi32, #tpu.memory_space<vmem>>, vector<16xi32>,
        %gather3A_835 = tpu.vector_load_idx %arg7[%get3A_834] : memref<10048xi32, #tpu.memory_space<vmem>>[vector<16xi32>], vector<16xi32>,
        %sub3A_836 = vector.broadcast %select_n3A : i32 to vector<16xi32>
        %sub3A_837 = arith.subi %gather3A_835, %sub3A_836 : vector<16xi32>
        %ge3A_838 = arith.constant 0 : i32
        %ge3A_839 = vector.broadcast %ge3A_838 : i32 to vector<16xi32>
        %ge3A_840 = arith.cmpi sge, %sub3A_837, %ge3A_839 : vector<16xi32>
        %lt3A_841 = vector.broadcast %select_n3A_6 : i32 to vector<16xi32>
        %lt3A_842 = arith.cmpi slt, %sub3A_837, %lt3A_841 : vector<16xi32>
        %and3A_843 = arith.andi %ge3A_840, %lt3A_842 : vector<16xi1>
        %convert_element_type3A_844 = arith.extui %and3A_843 : vector<16xi1> to vector<16xi32>
        %broadcast_in_dim3A_845 = arith.constant true
        %broadcast_in_dim3A_846 = vector.broadcast %broadcast_in_dim3A_845 : i1 to vector<16xi1>
        %masked_cumsum3A_847 = tpu.scan <sum>, %convert_element_type3A_844 masked %broadcast_in_dim3A_846 : vector<16xi32>, vector<16xi1> -> vector<16xi32>
        %add3A_848 = arith.addi %add3A_820, %masked_cumsum3A_847 : vector<16xi32>
        %sub3A_849 = arith.constant 1 : i32
        %sub3A_850 = vector.broadcast %sub3A_849 : i32 to vector<16xi32>
        %sub3A_851 = arith.subi %add3A_848, %sub3A_850 : vector<16xi32>
        %min3A_852 = arith.constant 12287 : i32
        %min3A_853 = vector.broadcast %min3A_852 : i32 to vector<16xi32>
        %min3A_854 = arith.minsi %sub3A_851, %min3A_853 : vector<16xi32>
        %shift_left3A_855 = arith.constant 14 : i32
        %shift_left3A_856 = vector.broadcast %shift_left3A_855 : i32 to vector<16xi32>
        %shift_left3A_857 = arith.shli %sub3A_837, %shift_left3A_856 : vector<16xi32>
        %or3A_858 = arith.ori %get3A_830, %shift_left3A_857 : vector<16xi32>
        tpu.vector_store_idx %arg12[%min3A_854], %or3A_858 masked %and3A_843 : memref<12416xi32, #tpu.memory_space<vmem>>[vector<16xi32>], vector<16xi32>, vector<16xi1>
        %all_reduce_population_count3A_859 = tpu.all_reduce %and3A_843 {dim = 0 : i64, kind = #tpu.reduction_kind<sum>} : vector<16xi1> -> vector<16xi32>
        %add3A_860 = arith.addi %add3A_820, %all_reduce_population_count3A_859 : vector<16xi32>
        %scan3A_861 = arith.constant 16 : i32
        %scan3A_862 = arith.addi %scan3A_227, %scan3A_861 : i32
        %mul3A_863 = arith.constant 1 : i32
        %mul3A_864 = arith.muli %scan3A_862, %mul3A_863 : i32
        %add3A_865 = arith.constant 0 : i32
        %add3A_866 = arith.addi %add3A_865, %mul3A_864 : i32
        %mul3A_867 = arith.constant 16 : i32
        %mul3A_868 = arith.muli %add3A_866, %mul3A_867 : i32
        %get3A_869 = arith.index_cast %mul3A_868 : i32 to index
        %get3A_870 = tpu.vector_load %arg8[%get3A_869] {strides = array<i32>} : memref<2000xi32, #tpu.memory_space<vmem>>, vector<16xi32>,
        %mul3A_871 = arith.constant 16 : i32
        %mul3A_872 = arith.muli %add3A_866, %mul3A_871 : i32
        %get3A_873 = arith.index_cast %mul3A_872 : i32 to index
        %get3A_874 = tpu.vector_load %arg9[%get3A_873] {strides = array<i32>} : memref<2000xi32, #tpu.memory_space<vmem>>, vector<16xi32>,
        %gather3A_875 = tpu.vector_load_idx %arg7[%get3A_874] : memref<10048xi32, #tpu.memory_space<vmem>>[vector<16xi32>], vector<16xi32>,
        %sub3A_876 = vector.broadcast %select_n3A : i32 to vector<16xi32>
        %sub3A_877 = arith.subi %gather3A_875, %sub3A_876 : vector<16xi32>
        %ge3A_878 = arith.constant 0 : i32
        %ge3A_879 = vector.broadcast %ge3A_878 : i32 to vector<16xi32>
        %ge3A_880 = arith.cmpi sge, %sub3A_877, %ge3A_879 : vector<16xi32>
        %lt3A_881 = vector.broadcast %select_n3A_6 : i32 to vector<16xi32>
        %lt3A_882 = arith.cmpi slt, %sub3A_877, %lt3A_881 : vector<16xi32>
        %and3A_883 = arith.andi %ge3A_880, %lt3A_882 : vector<16xi1>
        %convert_element_type3A_884 = arith.extui %and3A_883 : vector<16xi1> to vector<16xi32>
        %broadcast_in_dim3A_885 = arith.constant true
        %broadcast_in_dim3A_886 = vector.broadcast %broadcast_in_dim3A_885 : i1 to vector<16xi1>
        %masked_cumsum3A_887 = tpu.scan <sum>, %convert_element_type3A_884 masked %broadcast_in_dim3A_886 : vector<16xi32>, vector<16xi1> -> vector<16xi32>
        %add3A_888 = arith.addi %add3A_860, %masked_cumsum3A_887 : vector<16xi32>
        %sub3A_889 = arith.constant 1 : i32
        %sub3A_890 = vector.broadcast %sub3A_889 : i32 to vector<16xi32>
        %sub3A_891 = arith.subi %add3A_888, %sub3A_890 : vector<16xi32>
        %min3A_892 = arith.constant 12287 : i32
        %min3A_893 = vector.broadcast %min3A_892 : i32 to vector<16xi32>
        %min3A_894 = arith.minsi %sub3A_891, %min3A_893 : vector<16xi32>
        %shift_left3A_895 = arith.constant 14 : i32
        %shift_left3A_896 = vector.broadcast %shift_left3A_895 : i32 to vector<16xi32>
        %shift_left3A_897 = arith.shli %sub3A_877, %shift_left3A_896 : vector<16xi32>
        %or3A_898 = arith.ori %get3A_870, %shift_left3A_897 : vector<16xi32>
        tpu.vector_store_idx %arg12[%min3A_894], %or3A_898 masked %and3A_883 : memref<12416xi32, #tpu.memory_space<vmem>>[vector<16xi32>], vector<16xi32>, vector<16xi1>
        %all_reduce_population_count3A_899 = tpu.all_reduce %and3A_883 {dim = 0 : i64, kind = #tpu.reduction_kind<sum>} : vector<16xi1> -> vector<16xi32>
        %add3A_900 = arith.addi %add3A_860, %all_reduce_population_count3A_899 : vector<16xi32>
        %scan3A_901 = arith.constant 17 : i32
        %scan3A_902 = arith.addi %scan3A_227, %scan3A_901 : i32
        %mul3A_903 = arith.constant 1 : i32
        %mul3A_904 = arith.muli %scan3A_902, %mul3A_903 : i32
        %add3A_905 = arith.constant 0 : i32
        %add3A_906 = arith.addi %add3A_905, %mul3A_904 : i32
        %mul3A_907 = arith.constant 16 : i32
        %mul3A_908 = arith.muli %add3A_906, %mul3A_907 : i32
        %get3A_909 = arith.index_cast %mul3A_908 : i32 to index
        %get3A_910 = tpu.vector_load %arg8[%get3A_909] {strides = array<i32>} : memref<2000xi32, #tpu.memory_space<vmem>>, vector<16xi32>,
        %mul3A_911 = arith.constant 16 : i32
        %mul3A_912 = arith.muli %add3A_906, %mul3A_911 : i32
        %get3A_913 = arith.index_cast %mul3A_912 : i32 to index
        %get3A_914 = tpu.vector_load %arg9[%get3A_913] {strides = array<i32>} : memref<2000xi32, #tpu.memory_space<vmem>>, vector<16xi32>,
        %gather3A_915 = tpu.vector_load_idx %arg7[%get3A_914] : memref<10048xi32, #tpu.memory_space<vmem>>[vector<16xi32>], vector<16xi32>,
        %sub3A_916 = vector.broadcast %select_n3A : i32 to vector<16xi32>
        %sub3A_917 = arith.subi %gather3A_915, %sub3A_916 : vector<16xi32>
        %ge3A_918 = arith.constant 0 : i32
        %ge3A_919 = vector.broadcast %ge3A_918 : i32 to vector<16xi32>
        %ge3A_920 = arith.cmpi sge, %sub3A_917, %ge3A_919 : vector<16xi32>
        %lt3A_921 = vector.broadcast %select_n3A_6 : i32 to vector<16xi32>
        %lt3A_922 = arith.cmpi slt, %sub3A_917, %lt3A_921 : vector<16xi32>
        %and3A_923 = arith.andi %ge3A_920, %lt3A_922 : vector<16xi1>
        %convert_element_type3A_924 = arith.extui %and3A_923 : vector<16xi1> to vector<16xi32>
        %broadcast_in_dim3A_925 = arith.constant true
        %broadcast_in_dim3A_926 = vector.broadcast %broadcast_in_dim3A_925 : i1 to vector<16xi1>
        %masked_cumsum3A_927 = tpu.scan <sum>, %convert_element_type3A_924 masked %broadcast_in_dim3A_926 : vector<16xi32>, vector<16xi1> -> vector<16xi32>
        %add3A_928 = arith.addi %add3A_900, %masked_cumsum3A_927 : vector<16xi32>
        %sub3A_929 = arith.constant 1 : i32
        %sub3A_930 = vector.broadcast %sub3A_929 : i32 to vector<16xi32>
        %sub3A_931 = arith.subi %add3A_928, %sub3A_930 : vector<16xi32>
        %min3A_932 = arith.constant 12287 : i32
        %min3A_933 = vector.broadcast %min3A_932 : i32 to vector<16xi32>
        %min3A_934 = arith.minsi %sub3A_931, %min3A_933 : vector<16xi32>
        %shift_left3A_935 = arith.constant 14 : i32
        %shift_left3A_936 = vector.broadcast %shift_left3A_935 : i32 to vector<16xi32>
        %shift_left3A_937 = arith.shli %sub3A_917, %shift_left3A_936 : vector<16xi32>
        %or3A_938 = arith.ori %get3A_910, %shift_left3A_937 : vector<16xi32>
        tpu.vector_store_idx %arg12[%min3A_934], %or3A_938 masked %and3A_923 : memref<12416xi32, #tpu.memory_space<vmem>>[vector<16xi32>], vector<16xi32>, vector<16xi1>
        %all_reduce_population_count3A_939 = tpu.all_reduce %and3A_923 {dim = 0 : i64, kind = #tpu.reduction_kind<sum>} : vector<16xi1> -> vector<16xi32>
        %add3A_940 = arith.addi %add3A_900, %all_reduce_population_count3A_939 : vector<16xi32>
        %scan3A_941 = arith.constant 18 : i32
        %scan3A_942 = arith.addi %scan3A_227, %scan3A_941 : i32
        %mul3A_943 = arith.constant 1 : i32
        %mul3A_944 = arith.muli %scan3A_942, %mul3A_943 : i32
        %add3A_945 = arith.constant 0 : i32
        %add3A_946 = arith.addi %add3A_945, %mul3A_944 : i32
        %mul3A_947 = arith.constant 16 : i32
        %mul3A_948 = arith.muli %add3A_946, %mul3A_947 : i32
        %get3A_949 = arith.index_cast %mul3A_948 : i32 to index
        %get3A_950 = tpu.vector_load %arg8[%get3A_949] {strides = array<i32>} : memref<2000xi32, #tpu.memory_space<vmem>>, vector<16xi32>,
        %mul3A_951 = arith.constant 16 : i32
        %mul3A_952 = arith.muli %add3A_946, %mul3A_951 : i32
        %get3A_953 = arith.index_cast %mul3A_952 : i32 to index
        %get3A_954 = tpu.vector_load %arg9[%get3A_953] {strides = array<i32>} : memref<2000xi32, #tpu.memory_space<vmem>>, vector<16xi32>,
        %gather3A_955 = tpu.vector_load_idx %arg7[%get3A_954] : memref<10048xi32, #tpu.memory_space<vmem>>[vector<16xi32>], vector<16xi32>,
        %sub3A_956 = vector.broadcast %select_n3A : i32 to vector<16xi32>
        %sub3A_957 = arith.subi %gather3A_955, %sub3A_956 : vector<16xi32>
        %ge3A_958 = arith.constant 0 : i32
        %ge3A_959 = vector.broadcast %ge3A_958 : i32 to vector<16xi32>
        %ge3A_960 = arith.cmpi sge, %sub3A_957, %ge3A_959 : vector<16xi32>
        %lt3A_961 = vector.broadcast %select_n3A_6 : i32 to vector<16xi32>
        %lt3A_962 = arith.cmpi slt, %sub3A_957, %lt3A_961 : vector<16xi32>
        %and3A_963 = arith.andi %ge3A_960, %lt3A_962 : vector<16xi1>
        %convert_element_type3A_964 = arith.extui %and3A_963 : vector<16xi1> to vector<16xi32>
        %broadcast_in_dim3A_965 = arith.constant true
        %broadcast_in_dim3A_966 = vector.broadcast %broadcast_in_dim3A_965 : i1 to vector<16xi1>
        %masked_cumsum3A_967 = tpu.scan <sum>, %convert_element_type3A_964 masked %broadcast_in_dim3A_966 : vector<16xi32>, vector<16xi1> -> vector<16xi32>
        %add3A_968 = arith.addi %add3A_940, %masked_cumsum3A_967 : vector<16xi32>
        %sub3A_969 = arith.constant 1 : i32
        %sub3A_970 = vector.broadcast %sub3A_969 : i32 to vector<16xi32>
        %sub3A_971 = arith.subi %add3A_968, %sub3A_970 : vector<16xi32>
        %min3A_972 = arith.constant 12287 : i32
        %min3A_973 = vector.broadcast %min3A_972 : i32 to vector<16xi32>
        %min3A_974 = arith.minsi %sub3A_971, %min3A_973 : vector<16xi32>
        %shift_left3A_975 = arith.constant 14 : i32
        %shift_left3A_976 = vector.broadcast %shift_left3A_975 : i32 to vector<16xi32>
        %shift_left3A_977 = arith.shli %sub3A_957, %shift_left3A_976 : vector<16xi32>
        %or3A_978 = arith.ori %get3A_950, %shift_left3A_977 : vector<16xi32>
        tpu.vector_store_idx %arg12[%min3A_974], %or3A_978 masked %and3A_963 : memref<12416xi32, #tpu.memory_space<vmem>>[vector<16xi32>], vector<16xi32>, vector<16xi1>
        %all_reduce_population_count3A_979 = tpu.all_reduce %and3A_963 {dim = 0 : i64, kind = #tpu.reduction_kind<sum>} : vector<16xi1> -> vector<16xi32>
        %add3A_980 = arith.addi %add3A_940, %all_reduce_population_count3A_979 : vector<16xi32>
        %scan3A_981 = arith.constant 19 : i32
        %scan3A_982 = arith.addi %scan3A_227, %scan3A_981 : i32
        %mul3A_983 = arith.constant 1 : i32
        %mul3A_984 = arith.muli %scan3A_982, %mul3A_983 : i32
        %add3A_985 = arith.constant 0 : i32
        %add3A_986 = arith.addi %add3A_985, %mul3A_984 : i32
        %mul3A_987 = arith.constant 16 : i32
        %mul3A_988 = arith.muli %add3A_986, %mul3A_987 : i32
        %get3A_989 = arith.index_cast %mul3A_988 : i32 to index
        %get3A_990 = tpu.vector_load %arg8[%get3A_989] {strides = array<i32>} : memref<2000xi32, #tpu.memory_space<vmem>>, vector<16xi32>,
        %mul3A_991 = arith.constant 16 : i32
        %mul3A_992 = arith.muli %add3A_986, %mul3A_991 : i32
        %get3A_993 = arith.index_cast %mul3A_992 : i32 to index
        %get3A_994 = tpu.vector_load %arg9[%get3A_993] {strides = array<i32>} : memref<2000xi32, #tpu.memory_space<vmem>>, vector<16xi32>,
        %gather3A_995 = tpu.vector_load_idx %arg7[%get3A_994] : memref<10048xi32, #tpu.memory_space<vmem>>[vector<16xi32>], vector<16xi32>,
        %sub3A_996 = vector.broadcast %select_n3A : i32 to vector<16xi32>
        %sub3A_997 = arith.subi %gather3A_995, %sub3A_996 : vector<16xi32>
        %ge3A_998 = arith.constant 0 : i32
        %ge3A_999 = vector.broadcast %ge3A_998 : i32 to vector<16xi32>
        %ge3A_1000 = arith.cmpi sge, %sub3A_997, %ge3A_999 : vector<16xi32>
        %lt3A_1001 = vector.broadcast %select_n3A_6 : i32 to vector<16xi32>
        %lt3A_1002 = arith.cmpi slt, %sub3A_997, %lt3A_1001 : vector<16xi32>
        %and3A_1003 = arith.andi %ge3A_1000, %lt3A_1002 : vector<16xi1>
        %convert_element_type3A_1004 = arith.extui %and3A_1003 : vector<16xi1> to vector<16xi32>
        %broadcast_in_dim3A_1005 = arith.constant true
        %broadcast_in_dim3A_1006 = vector.broadcast %broadcast_in_dim3A_1005 : i1 to vector<16xi1>
        %masked_cumsum3A_1007 = tpu.scan <sum>, %convert_element_type3A_1004 masked %broadcast_in_dim3A_1006 : vector<16xi32>, vector<16xi1> -> vector<16xi32>
        %add3A_1008 = arith.addi %add3A_980, %masked_cumsum3A_1007 : vector<16xi32>
        %sub3A_1009 = arith.constant 1 : i32
        %sub3A_1010 = vector.broadcast %sub3A_1009 : i32 to vector<16xi32>
        %sub3A_1011 = arith.subi %add3A_1008, %sub3A_1010 : vector<16xi32>
        %min3A_1012 = arith.constant 12287 : i32
        %min3A_1013 = vector.broadcast %min3A_1012 : i32 to vector<16xi32>
        %min3A_1014 = arith.minsi %sub3A_1011, %min3A_1013 : vector<16xi32>
        %shift_left3A_1015 = arith.constant 14 : i32
        %shift_left3A_1016 = vector.broadcast %shift_left3A_1015 : i32 to vector<16xi32>
        %shift_left3A_1017 = arith.shli %sub3A_997, %shift_left3A_1016 : vector<16xi32>
        %or3A_1018 = arith.ori %get3A_990, %shift_left3A_1017 : vector<16xi32>
        tpu.vector_store_idx %arg12[%min3A_1014], %or3A_1018 masked %and3A_1003 : memref<12416xi32, #tpu.memory_space<vmem>>[vector<16xi32>], vector<16xi32>, vector<16xi1>
        %all_reduce_population_count3A_1019 = tpu.all_reduce %and3A_1003 {dim = 0 : i64, kind = #tpu.reduction_kind<sum>} : vector<16xi1> -> vector<16xi32>
        %add3A_1020 = arith.addi %add3A_980, %all_reduce_population_count3A_1019 : vector<16xi32>
        %scan3A_1021 = arith.constant 20 : i32
        %scan3A_1022 = arith.addi %scan3A_227, %scan3A_1021 : i32
        %mul3A_1023 = arith.constant 1 : i32
        %mul3A_1024 = arith.muli %scan3A_1022, %mul3A_1023 : i32
        %add3A_1025 = arith.constant 0 : i32
        %add3A_1026 = arith.addi %add3A_1025, %mul3A_1024 : i32
        %mul3A_1027 = arith.constant 16 : i32
        %mul3A_1028 = arith.muli %add3A_1026, %mul3A_1027 : i32
        %get3A_1029 = arith.index_cast %mul3A_1028 : i32 to index
        %get3A_1030 = tpu.vector_load %arg8[%get3A_1029] {strides = array<i32>} : memref<2000xi32, #tpu.memory_space<vmem>>, vector<16xi32>,
        %mul3A_1031 = arith.constant 16 : i32
        %mul3A_1032 = arith.muli %add3A_1026, %mul3A_1031 : i32
        %get3A_1033 = arith.index_cast %mul3A_1032 : i32 to index
        %get3A_1034 = tpu.vector_load %arg9[%get3A_1033] {strides = array<i32>} : memref<2000xi32, #tpu.memory_space<vmem>>, vector<16xi32>,
        %gather3A_1035 = tpu.vector_load_idx %arg7[%get3A_1034] : memref<10048xi32, #tpu.memory_space<vmem>>[vector<16xi32>], vector<16xi32>,
        %sub3A_1036 = vector.broadcast %select_n3A : i32 to vector<16xi32>
        %sub3A_1037 = arith.subi %gather3A_1035, %sub3A_1036 : vector<16xi32>
        %ge3A_1038 = arith.constant 0 : i32
        %ge3A_1039 = vector.broadcast %ge3A_1038 : i32 to vector<16xi32>
        %ge3A_1040 = arith.cmpi sge, %sub3A_1037, %ge3A_1039 : vector<16xi32>
        %lt3A_1041 = vector.broadcast %select_n3A_6 : i32 to vector<16xi32>
        %lt3A_1042 = arith.cmpi slt, %sub3A_1037, %lt3A_1041 : vector<16xi32>
        %and3A_1043 = arith.andi %ge3A_1040, %lt3A_1042 : vector<16xi1>
        %convert_element_type3A_1044 = arith.extui %and3A_1043 : vector<16xi1> to vector<16xi32>
        %broadcast_in_dim3A_1045 = arith.constant true
        %broadcast_in_dim3A_1046 = vector.broadcast %broadcast_in_dim3A_1045 : i1 to vector<16xi1>
        %masked_cumsum3A_1047 = tpu.scan <sum>, %convert_element_type3A_1044 masked %broadcast_in_dim3A_1046 : vector<16xi32>, vector<16xi1> -> vector<16xi32>
        %add3A_1048 = arith.addi %add3A_1020, %masked_cumsum3A_1047 : vector<16xi32>
        %sub3A_1049 = arith.constant 1 : i32
        %sub3A_1050 = vector.broadcast %sub3A_1049 : i32 to vector<16xi32>
        %sub3A_1051 = arith.subi %add3A_1048, %sub3A_1050 : vector<16xi32>
        %min3A_1052 = arith.constant 12287 : i32
        %min3A_1053 = vector.broadcast %min3A_1052 : i32 to vector<16xi32>
        %min3A_1054 = arith.minsi %sub3A_1051, %min3A_1053 : vector<16xi32>
        %shift_left3A_1055 = arith.constant 14 : i32
        %shift_left3A_1056 = vector.broadcast %shift_left3A_1055 : i32 to vector<16xi32>
        %shift_left3A_1057 = arith.shli %sub3A_1037, %shift_left3A_1056 : vector<16xi32>
        %or3A_1058 = arith.ori %get3A_1030, %shift_left3A_1057 : vector<16xi32>
        tpu.vector_store_idx %arg12[%min3A_1054], %or3A_1058 masked %and3A_1043 : memref<12416xi32, #tpu.memory_space<vmem>>[vector<16xi32>], vector<16xi32>, vector<16xi1>
        %all_reduce_population_count3A_1059 = tpu.all_reduce %and3A_1043 {dim = 0 : i64, kind = #tpu.reduction_kind<sum>} : vector<16xi1> -> vector<16xi32>
        %add3A_1060 = arith.addi %add3A_1020, %all_reduce_population_count3A_1059 : vector<16xi32>
        %scan3A_1061 = arith.constant 21 : i32
        %scan3A_1062 = arith.addi %scan3A_227, %scan3A_1061 : i32
        %mul3A_1063 = arith.constant 1 : i32
        %mul3A_1064 = arith.muli %scan3A_1062, %mul3A_1063 : i32
        %add3A_1065 = arith.constant 0 : i32
        %add3A_1066 = arith.addi %add3A_1065, %mul3A_1064 : i32
        %mul3A_1067 = arith.constant 16 : i32
        %mul3A_1068 = arith.muli %add3A_1066, %mul3A_1067 : i32
        %get3A_1069 = arith.index_cast %mul3A_1068 : i32 to index
        %get3A_1070 = tpu.vector_load %arg8[%get3A_1069] {strides = array<i32>} : memref<2000xi32, #tpu.memory_space<vmem>>, vector<16xi32>,
        %mul3A_1071 = arith.constant 16 : i32
        %mul3A_1072 = arith.muli %add3A_1066, %mul3A_1071 : i32
        %get3A_1073 = arith.index_cast %mul3A_1072 : i32 to index
        %get3A_1074 = tpu.vector_load %arg9[%get3A_1073] {strides = array<i32>} : memref<2000xi32, #tpu.memory_space<vmem>>, vector<16xi32>,
        %gather3A_1075 = tpu.vector_load_idx %arg7[%get3A_1074] : memref<10048xi32, #tpu.memory_space<vmem>>[vector<16xi32>], vector<16xi32>,
        %sub3A_1076 = vector.broadcast %select_n3A : i32 to vector<16xi32>
        %sub3A_1077 = arith.subi %gather3A_1075, %sub3A_1076 : vector<16xi32>
        %ge3A_1078 = arith.constant 0 : i32
        %ge3A_1079 = vector.broadcast %ge3A_1078 : i32 to vector<16xi32>
        %ge3A_1080 = arith.cmpi sge, %sub3A_1077, %ge3A_1079 : vector<16xi32>
        %lt3A_1081 = vector.broadcast %select_n3A_6 : i32 to vector<16xi32>
        %lt3A_1082 = arith.cmpi slt, %sub3A_1077, %lt3A_1081 : vector<16xi32>
        %and3A_1083 = arith.andi %ge3A_1080, %lt3A_1082 : vector<16xi1>
        %convert_element_type3A_1084 = arith.extui %and3A_1083 : vector<16xi1> to vector<16xi32>
        %broadcast_in_dim3A_1085 = arith.constant true
        %broadcast_in_dim3A_1086 = vector.broadcast %broadcast_in_dim3A_1085 : i1 to vector<16xi1>
        %masked_cumsum3A_1087 = tpu.scan <sum>, %convert_element_type3A_1084 masked %broadcast_in_dim3A_1086 : vector<16xi32>, vector<16xi1> -> vector<16xi32>
        %add3A_1088 = arith.addi %add3A_1060, %masked_cumsum3A_1087 : vector<16xi32>
        %sub3A_1089 = arith.constant 1 : i32
        %sub3A_1090 = vector.broadcast %sub3A_1089 : i32 to vector<16xi32>
        %sub3A_1091 = arith.subi %add3A_1088, %sub3A_1090 : vector<16xi32>
        %min3A_1092 = arith.constant 12287 : i32
        %min3A_1093 = vector.broadcast %min3A_1092 : i32 to vector<16xi32>
        %min3A_1094 = arith.minsi %sub3A_1091, %min3A_1093 : vector<16xi32>
        %shift_left3A_1095 = arith.constant 14 : i32
        %shift_left3A_1096 = vector.broadcast %shift_left3A_1095 : i32 to vector<16xi32>
        %shift_left3A_1097 = arith.shli %sub3A_1077, %shift_left3A_1096 : vector<16xi32>
        %or3A_1098 = arith.ori %get3A_1070, %shift_left3A_1097 : vector<16xi32>
        tpu.vector_store_idx %arg12[%min3A_1094], %or3A_1098 masked %and3A_1083 : memref<12416xi32, #tpu.memory_space<vmem>>[vector<16xi32>], vector<16xi32>, vector<16xi1>
        %all_reduce_population_count3A_1099 = tpu.all_reduce %and3A_1083 {dim = 0 : i64, kind = #tpu.reduction_kind<sum>} : vector<16xi1> -> vector<16xi32>
        %add3A_1100 = arith.addi %add3A_1060, %all_reduce_population_count3A_1099 : vector<16xi32>
        %scan3A_1101 = arith.constant 22 : i32
        %scan3A_1102 = arith.addi %scan3A_227, %scan3A_1101 : i32
        %mul3A_1103 = arith.constant 1 : i32
        %mul3A_1104 = arith.muli %scan3A_1102, %mul3A_1103 : i32
        %add3A_1105 = arith.constant 0 : i32
        %add3A_1106 = arith.addi %add3A_1105, %mul3A_1104 : i32
        %mul3A_1107 = arith.constant 16 : i32
        %mul3A_1108 = arith.muli %add3A_1106, %mul3A_1107 : i32
        %get3A_1109 = arith.index_cast %mul3A_1108 : i32 to index
        %get3A_1110 = tpu.vector_load %arg8[%get3A_1109] {strides = array<i32>} : memref<2000xi32, #tpu.memory_space<vmem>>, vector<16xi32>,
        %mul3A_1111 = arith.constant 16 : i32
        %mul3A_1112 = arith.muli %add3A_1106, %mul3A_1111 : i32
        %get3A_1113 = arith.index_cast %mul3A_1112 : i32 to index
        %get3A_1114 = tpu.vector_load %arg9[%get3A_1113] {strides = array<i32>} : memref<2000xi32, #tpu.memory_space<vmem>>, vector<16xi32>,
        %gather3A_1115 = tpu.vector_load_idx %arg7[%get3A_1114] : memref<10048xi32, #tpu.memory_space<vmem>>[vector<16xi32>], vector<16xi32>,
        %sub3A_1116 = vector.broadcast %select_n3A : i32 to vector<16xi32>
        %sub3A_1117 = arith.subi %gather3A_1115, %sub3A_1116 : vector<16xi32>
        %ge3A_1118 = arith.constant 0 : i32
        %ge3A_1119 = vector.broadcast %ge3A_1118 : i32 to vector<16xi32>
        %ge3A_1120 = arith.cmpi sge, %sub3A_1117, %ge3A_1119 : vector<16xi32>
        %lt3A_1121 = vector.broadcast %select_n3A_6 : i32 to vector<16xi32>
        %lt3A_1122 = arith.cmpi slt, %sub3A_1117, %lt3A_1121 : vector<16xi32>
        %and3A_1123 = arith.andi %ge3A_1120, %lt3A_1122 : vector<16xi1>
        %convert_element_type3A_1124 = arith.extui %and3A_1123 : vector<16xi1> to vector<16xi32>
        %broadcast_in_dim3A_1125 = arith.constant true
        %broadcast_in_dim3A_1126 = vector.broadcast %broadcast_in_dim3A_1125 : i1 to vector<16xi1>
        %masked_cumsum3A_1127 = tpu.scan <sum>, %convert_element_type3A_1124 masked %broadcast_in_dim3A_1126 : vector<16xi32>, vector<16xi1> -> vector<16xi32>
        %add3A_1128 = arith.addi %add3A_1100, %masked_cumsum3A_1127 : vector<16xi32>
        %sub3A_1129 = arith.constant 1 : i32
        %sub3A_1130 = vector.broadcast %sub3A_1129 : i32 to vector<16xi32>
        %sub3A_1131 = arith.subi %add3A_1128, %sub3A_1130 : vector<16xi32>
        %min3A_1132 = arith.constant 12287 : i32
        %min3A_1133 = vector.broadcast %min3A_1132 : i32 to vector<16xi32>
        %min3A_1134 = arith.minsi %sub3A_1131, %min3A_1133 : vector<16xi32>
        %shift_left3A_1135 = arith.constant 14 : i32
        %shift_left3A_1136 = vector.broadcast %shift_left3A_1135 : i32 to vector<16xi32>
        %shift_left3A_1137 = arith.shli %sub3A_1117, %shift_left3A_1136 : vector<16xi32>
        %or3A_1138 = arith.ori %get3A_1110, %shift_left3A_1137 : vector<16xi32>
        tpu.vector_store_idx %arg12[%min3A_1134], %or3A_1138 masked %and3A_1123 : memref<12416xi32, #tpu.memory_space<vmem>>[vector<16xi32>], vector<16xi32>, vector<16xi1>
        %all_reduce_population_count3A_1139 = tpu.all_reduce %and3A_1123 {dim = 0 : i64, kind = #tpu.reduction_kind<sum>} : vector<16xi1> -> vector<16xi32>
        %add3A_1140 = arith.addi %add3A_1100, %all_reduce_population_count3A_1139 : vector<16xi32>
        %scan3A_1141 = arith.constant 23 : i32
        %scan3A_1142 = arith.addi %scan3A_227, %scan3A_1141 : i32
        %mul3A_1143 = arith.constant 1 : i32
        %mul3A_1144 = arith.muli %scan3A_1142, %mul3A_1143 : i32
        %add3A_1145 = arith.constant 0 : i32
        %add3A_1146 = arith.addi %add3A_1145, %mul3A_1144 : i32
        %mul3A_1147 = arith.constant 16 : i32
        %mul3A_1148 = arith.muli %add3A_1146, %mul3A_1147 : i32
        %get3A_1149 = arith.index_cast %mul3A_1148 : i32 to index
        %get3A_1150 = tpu.vector_load %arg8[%get3A_1149] {strides = array<i32>} : memref<2000xi32, #tpu.memory_space<vmem>>, vector<16xi32>,
        %mul3A_1151 = arith.constant 16 : i32
        %mul3A_1152 = arith.muli %add3A_1146, %mul3A_1151 : i32
        %get3A_1153 = arith.index_cast %mul3A_1152 : i32 to index
        %get3A_1154 = tpu.vector_load %arg9[%get3A_1153] {strides = array<i32>} : memref<2000xi32, #tpu.memory_space<vmem>>, vector<16xi32>,
        %gather3A_1155 = tpu.vector_load_idx %arg7[%get3A_1154] : memref<10048xi32, #tpu.memory_space<vmem>>[vector<16xi32>], vector<16xi32>,
        %sub3A_1156 = vector.broadcast %select_n3A : i32 to vector<16xi32>
        %sub3A_1157 = arith.subi %gather3A_1155, %sub3A_1156 : vector<16xi32>
        %ge3A_1158 = arith.constant 0 : i32
        %ge3A_1159 = vector.broadcast %ge3A_1158 : i32 to vector<16xi32>
        %ge3A_1160 = arith.cmpi sge, %sub3A_1157, %ge3A_1159 : vector<16xi32>
        %lt3A_1161 = vector.broadcast %select_n3A_6 : i32 to vector<16xi32>
        %lt3A_1162 = arith.cmpi slt, %sub3A_1157, %lt3A_1161 : vector<16xi32>
        %and3A_1163 = arith.andi %ge3A_1160, %lt3A_1162 : vector<16xi1>
        %convert_element_type3A_1164 = arith.extui %and3A_1163 : vector<16xi1> to vector<16xi32>
        %broadcast_in_dim3A_1165 = arith.constant true
        %broadcast_in_dim3A_1166 = vector.broadcast %broadcast_in_dim3A_1165 : i1 to vector<16xi1>
        %masked_cumsum3A_1167 = tpu.scan <sum>, %convert_element_type3A_1164 masked %broadcast_in_dim3A_1166 : vector<16xi32>, vector<16xi1> -> vector<16xi32>
        %add3A_1168 = arith.addi %add3A_1140, %masked_cumsum3A_1167 : vector<16xi32>
        %sub3A_1169 = arith.constant 1 : i32
        %sub3A_1170 = vector.broadcast %sub3A_1169 : i32 to vector<16xi32>
        %sub3A_1171 = arith.subi %add3A_1168, %sub3A_1170 : vector<16xi32>
        %min3A_1172 = arith.constant 12287 : i32
        %min3A_1173 = vector.broadcast %min3A_1172 : i32 to vector<16xi32>
        %min3A_1174 = arith.minsi %sub3A_1171, %min3A_1173 : vector<16xi32>
        %shift_left3A_1175 = arith.constant 14 : i32
        %shift_left3A_1176 = vector.broadcast %shift_left3A_1175 : i32 to vector<16xi32>
        %shift_left3A_1177 = arith.shli %sub3A_1157, %shift_left3A_1176 : vector<16xi32>
        %or3A_1178 = arith.ori %get3A_1150, %shift_left3A_1177 : vector<16xi32>
        tpu.vector_store_idx %arg12[%min3A_1174], %or3A_1178 masked %and3A_1163 : memref<12416xi32, #tpu.memory_space<vmem>>[vector<16xi32>], vector<16xi32>, vector<16xi1>
        %all_reduce_population_count3A_1179 = tpu.all_reduce %and3A_1163 {dim = 0 : i64, kind = #tpu.reduction_kind<sum>} : vector<16xi1> -> vector<16xi32>
        %add3A_1180 = arith.addi %add3A_1140, %all_reduce_population_count3A_1179 : vector<16xi32>
        %scan3A_1181 = arith.constant 24 : i32
        %scan3A_1182 = arith.addi %scan3A_227, %scan3A_1181 : i32
        %mul3A_1183 = arith.constant 1 : i32
        %mul3A_1184 = arith.muli %scan3A_1182, %mul3A_1183 : i32
        %add3A_1185 = arith.constant 0 : i32
        %add3A_1186 = arith.addi %add3A_1185, %mul3A_1184 : i32
        %mul3A_1187 = arith.constant 16 : i32
        %mul3A_1188 = arith.muli %add3A_1186, %mul3A_1187 : i32
        %get3A_1189 = arith.index_cast %mul3A_1188 : i32 to index
        %get3A_1190 = tpu.vector_load %arg8[%get3A_1189] {strides = array<i32>} : memref<2000xi32, #tpu.memory_space<vmem>>, vector<16xi32>,
        %mul3A_1191 = arith.constant 16 : i32
        %mul3A_1192 = arith.muli %add3A_1186, %mul3A_1191 : i32
        %get3A_1193 = arith.index_cast %mul3A_1192 : i32 to index
        %get3A_1194 = tpu.vector_load %arg9[%get3A_1193] {strides = array<i32>} : memref<2000xi32, #tpu.memory_space<vmem>>, vector<16xi32>,
        %gather3A_1195 = tpu.vector_load_idx %arg7[%get3A_1194] : memref<10048xi32, #tpu.memory_space<vmem>>[vector<16xi32>], vector<16xi32>,
        %sub3A_1196 = vector.broadcast %select_n3A : i32 to vector<16xi32>
        %sub3A_1197 = arith.subi %gather3A_1195, %sub3A_1196 : vector<16xi32>
        %ge3A_1198 = arith.constant 0 : i32
        %ge3A_1199 = vector.broadcast %ge3A_1198 : i32 to vector<16xi32>
        %ge3A_1200 = arith.cmpi sge, %sub3A_1197, %ge3A_1199 : vector<16xi32>
        %lt3A_1201 = vector.broadcast %select_n3A_6 : i32 to vector<16xi32>
        %lt3A_1202 = arith.cmpi slt, %sub3A_1197, %lt3A_1201 : vector<16xi32>
        %and3A_1203 = arith.andi %ge3A_1200, %lt3A_1202 : vector<16xi1>
        %convert_element_type3A_1204 = arith.extui %and3A_1203 : vector<16xi1> to vector<16xi32>
        %broadcast_in_dim3A_1205 = arith.constant true
        %broadcast_in_dim3A_1206 = vector.broadcast %broadcast_in_dim3A_1205 : i1 to vector<16xi1>
        %masked_cumsum3A_1207 = tpu.scan <sum>, %convert_element_type3A_1204 masked %broadcast_in_dim3A_1206 : vector<16xi32>, vector<16xi1> -> vector<16xi32>
        %add3A_1208 = arith.addi %add3A_1180, %masked_cumsum3A_1207 : vector<16xi32>
        %sub3A_1209 = arith.constant 1 : i32
        %sub3A_1210 = vector.broadcast %sub3A_1209 : i32 to vector<16xi32>
        %sub3A_1211 = arith.subi %add3A_1208, %sub3A_1210 : vector<16xi32>
        %min3A_1212 = arith.constant 12287 : i32
        %min3A_1213 = vector.broadcast %min3A_1212 : i32 to vector<16xi32>
        %min3A_1214 = arith.minsi %sub3A_1211, %min3A_1213 : vector<16xi32>
        %shift_left3A_1215 = arith.constant 14 : i32
        %shift_left3A_1216 = vector.broadcast %shift_left3A_1215 : i32 to vector<16xi32>
        %shift_left3A_1217 = arith.shli %sub3A_1197, %shift_left3A_1216 : vector<16xi32>
        %or3A_1218 = arith.ori %get3A_1190, %shift_left3A_1217 : vector<16xi32>
        tpu.vector_store_idx %arg12[%min3A_1214], %or3A_1218 masked %and3A_1203 : memref<12416xi32, #tpu.memory_space<vmem>>[vector<16xi32>], vector<16xi32>, vector<16xi1>
        %all_reduce_population_count3A_1219 = tpu.all_reduce %and3A_1203 {dim = 0 : i64, kind = #tpu.reduction_kind<sum>} : vector<16xi1> -> vector<16xi32>
        %add3A_1220 = arith.addi %add3A_1180, %all_reduce_population_count3A_1219 : vector<16xi32>
        scf.yield %add3A_1220 : vector<16xi32>
      }
      %scan3A_208 = arith.constant 125 : i32
      %dma_wait3A_209 = arith.constant 0 : i32
      %dma_wait3A_210 = tpu.memref_slice %arg3[%dma_wait3A_209] : memref<320000xi32, #tpu.memory_space<hbm>> -> memref<2000xi32, #tpu.memory_space<hbm>>
      %dma_wait3A_211 = arith.constant 0 : i32
      %dma_wait3A_212 = tpu.memref_slice %arg3[%dma_wait3A_211] : memref<320000xi32, #tpu.memory_space<hbm>> -> memref<2000xi32, #tpu.memory_space<hbm>>
      tpu.wait_dma2 semaphore(%arg36 : memref<!tpu.dma_semaphore, #tpu.memory_space<semaphore_mem>>) src(%dma_wait3A_212 : memref<2000xi32, #tpu.memory_space<hbm>>) dst(%arg10 : memref<2000xi32, #tpu.memory_space<vmem>>)
      %dma_wait3A_213 = arith.constant 0 : i32
      %dma_wait3A_214 = tpu.memref_slice %arg4[%dma_wait3A_213] : memref<320000xi32, #tpu.memory_space<hbm>> -> memref<2000xi32, #tpu.memory_space<hbm>>
      %dma_wait3A_215 = arith.constant 0 : i32
      %dma_wait3A_216 = tpu.memref_slice %arg4[%dma_wait3A_215] : memref<320000xi32, #tpu.memory_space<hbm>> -> memref<2000xi32, #tpu.memory_space<hbm>>
      tpu.wait_dma2 semaphore(%arg37 : memref<!tpu.dma_semaphore, #tpu.memory_space<semaphore_mem>>) src(%dma_wait3A_216 : memref<2000xi32, #tpu.memory_space<hbm>>) dst(%arg11 : memref<2000xi32, #tpu.memory_space<vmem>>)
      %lt3A = arith.constant 4 : i32
      %lt3A_217 = arith.cmpi slt, %add3A_180, %lt3A : i32
      %convert_element_type3A_218 = arith.extui %lt3A_217 : i1 to i32
      %cond3A_219 = arith.constant 0 : i32
      %cond3A_220 = arith.cmpi ne, %convert_element_type3A_218, %cond3A_219 : i32
      scf.if %cond3A_220 {
        %add3A_227 = arith.constant 2 : i32
        %add3A_228 = arith.addi %mul3A_182, %add3A_227 : i32
        %mul3A_229 = arith.constant 2000 : i32
        %mul3A_230 = arith.muli %add3A_228, %mul3A_229 : i32
        %add3A_231 = arith.addi %multiple_of3A, %mul3A_230 : i32
        %dma_start3A_232 = tpu.memref_slice %arg3[%add3A_231] : memref<320000xi32, #tpu.memory_space<hbm>> -> memref<2000xi32, #tpu.memory_space<hbm>>
        %dma_start3A_233 = tpu.memref_slice %arg3[%add3A_231] : memref<320000xi32, #tpu.memory_space<hbm>> -> memref<2000xi32, #tpu.memory_space<hbm>>
        tpu.enqueue_dma source(%dma_start3A_233 : memref<2000xi32, #tpu.memory_space<hbm>>) target(%arg8 : memref<2000xi32, #tpu.memory_space<vmem>>) target_semaphore(%arg34 : memref<!tpu.dma_semaphore, #tpu.memory_space<semaphore_mem>>)
        %mul3A_234 = arith.constant 2000 : i32
        %mul3A_235 = arith.muli %add3A_228, %mul3A_234 : i32
        %add3A_236 = arith.addi %multiple_of3A, %mul3A_235 : i32
        %dma_start3A_237 = tpu.memref_slice %arg4[%add3A_236] : memref<320000xi32, #tpu.memory_space<hbm>> -> memref<2000xi32, #tpu.memory_space<hbm>>
        %dma_start3A_238 = tpu.memref_slice %arg4[%add3A_236] : memref<320000xi32, #tpu.memory_space<hbm>> -> memref<2000xi32, #tpu.memory_space<hbm>>
        tpu.enqueue_dma source(%dma_start3A_238 : memref<2000xi32, #tpu.memory_space<hbm>>) target(%arg9 : memref<2000xi32, #tpu.memory_space<vmem>>) target_semaphore(%arg35 : memref<!tpu.dma_semaphore, #tpu.memory_space<semaphore_mem>>)
      } else {
      }
      %scan3A_221 = arith.constant 0 : i32
      %scan3A_222 = arith.constant 125 : i32
      %scan3A_223 = arith.addi %scan3A_221, %scan3A_222 : i32
      %scan3A_224 = arith.constant 25 : i32
      %scan3A_225 = scf.for %scan3A_227 = %scan3A_221 to %scan3A_223 step %scan3A_224 iter_args(%scan3A_228 = %scan3A_207) -> (vector<16xi32>)  : i32 {
        %mul3A_229 = arith.constant 1 : i32
        %mul3A_230 = arith.muli %scan3A_227, %mul3A_229 : i32
        %add3A_231 = arith.constant 0 : i32
        %add3A_232 = arith.addi %add3A_231, %mul3A_230 : i32
        %mul3A_233 = arith.constant 16 : i32
        %mul3A_234 = arith.muli %add3A_232, %mul3A_233 : i32
        %get3A = arith.index_cast %mul3A_234 : i32 to index
        %get3A_235 = tpu.vector_load %arg10[%get3A] {strides = array<i32>} : memref<2000xi32, #tpu.memory_space<vmem>>, vector<16xi32>,
        %mul3A_236 = arith.constant 16 : i32
        %mul3A_237 = arith.muli %add3A_232, %mul3A_236 : i32
        %get3A_238 = arith.index_cast %mul3A_237 : i32 to index
        %get3A_239 = tpu.vector_load %arg11[%get3A_238] {strides = array<i32>} : memref<2000xi32, #tpu.memory_space<vmem>>, vector<16xi32>,
        %gather3A = tpu.vector_load_idx %arg7[%get3A_239] : memref<10048xi32, #tpu.memory_space<vmem>>[vector<16xi32>], vector<16xi32>,
        %sub3A_240 = vector.broadcast %select_n3A : i32 to vector<16xi32>
        %sub3A_241 = arith.subi %gather3A, %sub3A_240 : vector<16xi32>
        %ge3A = arith.constant 0 : i32
        %ge3A_242 = vector.broadcast %ge3A : i32 to vector<16xi32>
        %ge3A_243 = arith.cmpi sge, %sub3A_241, %ge3A_242 : vector<16xi32>
        %lt3A_244 = vector.broadcast %select_n3A_6 : i32 to vector<16xi32>
        %lt3A_245 = arith.cmpi slt, %sub3A_241, %lt3A_244 : vector<16xi32>
        %and3A_246 = arith.andi %ge3A_243, %lt3A_245 : vector<16xi1>
        %convert_element_type3A_247 = arith.extui %and3A_246 : vector<16xi1> to vector<16xi32>
        %broadcast_in_dim3A_248 = arith.constant true
        %broadcast_in_dim3A_249 = vector.broadcast %broadcast_in_dim3A_248 : i1 to vector<16xi1>
        %masked_cumsum3A = tpu.scan <sum>, %convert_element_type3A_247 masked %broadcast_in_dim3A_249 : vector<16xi32>, vector<16xi1> -> vector<16xi32>
        %add3A_250 = arith.addi %scan3A_228, %masked_cumsum3A : vector<16xi32>
        %sub3A_251 = arith.constant 1 : i32
        %sub3A_252 = vector.broadcast %sub3A_251 : i32 to vector<16xi32>
        %sub3A_253 = arith.subi %add3A_250, %sub3A_252 : vector<16xi32>
        %min3A_254 = arith.constant 12287 : i32
        %min3A_255 = vector.broadcast %min3A_254 : i32 to vector<16xi32>
        %min3A_256 = arith.minsi %sub3A_253, %min3A_255 : vector<16xi32>
        %shift_left3A_257 = arith.constant 14 : i32
        %shift_left3A_258 = vector.broadcast %shift_left3A_257 : i32 to vector<16xi32>
        %shift_left3A_259 = arith.shli %sub3A_241, %shift_left3A_258 : vector<16xi32>
        %or3A = arith.ori %get3A_235, %shift_left3A_259 : vector<16xi32>
        tpu.vector_store_idx %arg12[%min3A_256], %or3A masked %and3A_246 : memref<12416xi32, #tpu.memory_space<vmem>>[vector<16xi32>], vector<16xi32>, vector<16xi1>
        %all_reduce_population_count3A = tpu.all_reduce %and3A_246 {dim = 0 : i64, kind = #tpu.reduction_kind<sum>} : vector<16xi1> -> vector<16xi32>
        %add3A_260 = arith.addi %scan3A_228, %all_reduce_population_count3A : vector<16xi32>
        %scan3A_261 = arith.constant 1 : i32
        %scan3A_262 = arith.addi %scan3A_227, %scan3A_261 : i32
        %mul3A_263 = arith.constant 1 : i32
        %mul3A_264 = arith.muli %scan3A_262, %mul3A_263 : i32
        %add3A_265 = arith.constant 0 : i32
        %add3A_266 = arith.addi %add3A_265, %mul3A_264 : i32
        %mul3A_267 = arith.constant 16 : i32
        %mul3A_268 = arith.muli %add3A_266, %mul3A_267 : i32
        %get3A_269 = arith.index_cast %mul3A_268 : i32 to index
        %get3A_270 = tpu.vector_load %arg10[%get3A_269] {strides = array<i32>} : memref<2000xi32, #tpu.memory_space<vmem>>, vector<16xi32>,
        %mul3A_271 = arith.constant 16 : i32
        %mul3A_272 = arith.muli %add3A_266, %mul3A_271 : i32
        %get3A_273 = arith.index_cast %mul3A_272 : i32 to index
        %get3A_274 = tpu.vector_load %arg11[%get3A_273] {strides = array<i32>} : memref<2000xi32, #tpu.memory_space<vmem>>, vector<16xi32>,
        %gather3A_275 = tpu.vector_load_idx %arg7[%get3A_274] : memref<10048xi32, #tpu.memory_space<vmem>>[vector<16xi32>], vector<16xi32>,
        %sub3A_276 = vector.broadcast %select_n3A : i32 to vector<16xi32>
        %sub3A_277 = arith.subi %gather3A_275, %sub3A_276 : vector<16xi32>
        %ge3A_278 = arith.constant 0 : i32
        %ge3A_279 = vector.broadcast %ge3A_278 : i32 to vector<16xi32>
        %ge3A_280 = arith.cmpi sge, %sub3A_277, %ge3A_279 : vector<16xi32>
        %lt3A_281 = vector.broadcast %select_n3A_6 : i32 to vector<16xi32>
        %lt3A_282 = arith.cmpi slt, %sub3A_277, %lt3A_281 : vector<16xi32>
        %and3A_283 = arith.andi %ge3A_280, %lt3A_282 : vector<16xi1>
        %convert_element_type3A_284 = arith.extui %and3A_283 : vector<16xi1> to vector<16xi32>
        %broadcast_in_dim3A_285 = arith.constant true
        %broadcast_in_dim3A_286 = vector.broadcast %broadcast_in_dim3A_285 : i1 to vector<16xi1>
        %masked_cumsum3A_287 = tpu.scan <sum>, %convert_element_type3A_284 masked %broadcast_in_dim3A_286 : vector<16xi32>, vector<16xi1> -> vector<16xi32>
        %add3A_288 = arith.addi %add3A_260, %masked_cumsum3A_287 : vector<16xi32>
        %sub3A_289 = arith.constant 1 : i32
        %sub3A_290 = vector.broadcast %sub3A_289 : i32 to vector<16xi32>
        %sub3A_291 = arith.subi %add3A_288, %sub3A_290 : vector<16xi32>
        %min3A_292 = arith.constant 12287 : i32
        %min3A_293 = vector.broadcast %min3A_292 : i32 to vector<16xi32>
        %min3A_294 = arith.minsi %sub3A_291, %min3A_293 : vector<16xi32>
        %shift_left3A_295 = arith.constant 14 : i32
        %shift_left3A_296 = vector.broadcast %shift_left3A_295 : i32 to vector<16xi32>
        %shift_left3A_297 = arith.shli %sub3A_277, %shift_left3A_296 : vector<16xi32>
        %or3A_298 = arith.ori %get3A_270, %shift_left3A_297 : vector<16xi32>
        tpu.vector_store_idx %arg12[%min3A_294], %or3A_298 masked %and3A_283 : memref<12416xi32, #tpu.memory_space<vmem>>[vector<16xi32>], vector<16xi32>, vector<16xi1>
        %all_reduce_population_count3A_299 = tpu.all_reduce %and3A_283 {dim = 0 : i64, kind = #tpu.reduction_kind<sum>} : vector<16xi1> -> vector<16xi32>
        %add3A_300 = arith.addi %add3A_260, %all_reduce_population_count3A_299 : vector<16xi32>
        %scan3A_301 = arith.constant 2 : i32
        %scan3A_302 = arith.addi %scan3A_227, %scan3A_301 : i32
        %mul3A_303 = arith.constant 1 : i32
        %mul3A_304 = arith.muli %scan3A_302, %mul3A_303 : i32
        %add3A_305 = arith.constant 0 : i32
        %add3A_306 = arith.addi %add3A_305, %mul3A_304 : i32
        %mul3A_307 = arith.constant 16 : i32
        %mul3A_308 = arith.muli %add3A_306, %mul3A_307 : i32
        %get3A_309 = arith.index_cast %mul3A_308 : i32 to index
        %get3A_310 = tpu.vector_load %arg10[%get3A_309] {strides = array<i32>} : memref<2000xi32, #tpu.memory_space<vmem>>, vector<16xi32>,
        %mul3A_311 = arith.constant 16 : i32
        %mul3A_312 = arith.muli %add3A_306, %mul3A_311 : i32
        %get3A_313 = arith.index_cast %mul3A_312 : i32 to index
        %get3A_314 = tpu.vector_load %arg11[%get3A_313] {strides = array<i32>} : memref<2000xi32, #tpu.memory_space<vmem>>, vector<16xi32>,
        %gather3A_315 = tpu.vector_load_idx %arg7[%get3A_314] : memref<10048xi32, #tpu.memory_space<vmem>>[vector<16xi32>], vector<16xi32>,
        %sub3A_316 = vector.broadcast %select_n3A : i32 to vector<16xi32>
        %sub3A_317 = arith.subi %gather3A_315, %sub3A_316 : vector<16xi32>
        %ge3A_318 = arith.constant 0 : i32
        %ge3A_319 = vector.broadcast %ge3A_318 : i32 to vector<16xi32>
        %ge3A_320 = arith.cmpi sge, %sub3A_317, %ge3A_319 : vector<16xi32>
        %lt3A_321 = vector.broadcast %select_n3A_6 : i32 to vector<16xi32>
        %lt3A_322 = arith.cmpi slt, %sub3A_317, %lt3A_321 : vector<16xi32>
        %and3A_323 = arith.andi %ge3A_320, %lt3A_322 : vector<16xi1>
        %convert_element_type3A_324 = arith.extui %and3A_323 : vector<16xi1> to vector<16xi32>
        %broadcast_in_dim3A_325 = arith.constant true
        %broadcast_in_dim3A_326 = vector.broadcast %broadcast_in_dim3A_325 : i1 to vector<16xi1>
        %masked_cumsum3A_327 = tpu.scan <sum>, %convert_element_type3A_324 masked %broadcast_in_dim3A_326 : vector<16xi32>, vector<16xi1> -> vector<16xi32>
        %add3A_328 = arith.addi %add3A_300, %masked_cumsum3A_327 : vector<16xi32>
        %sub3A_329 = arith.constant 1 : i32
        %sub3A_330 = vector.broadcast %sub3A_329 : i32 to vector<16xi32>
        %sub3A_331 = arith.subi %add3A_328, %sub3A_330 : vector<16xi32>
        %min3A_332 = arith.constant 12287 : i32
        %min3A_333 = vector.broadcast %min3A_332 : i32 to vector<16xi32>
        %min3A_334 = arith.minsi %sub3A_331, %min3A_333 : vector<16xi32>
        %shift_left3A_335 = arith.constant 14 : i32
        %shift_left3A_336 = vector.broadcast %shift_left3A_335 : i32 to vector<16xi32>
        %shift_left3A_337 = arith.shli %sub3A_317, %shift_left3A_336 : vector<16xi32>
        %or3A_338 = arith.ori %get3A_310, %shift_left3A_337 : vector<16xi32>
        tpu.vector_store_idx %arg12[%min3A_334], %or3A_338 masked %and3A_323 : memref<12416xi32, #tpu.memory_space<vmem>>[vector<16xi32>], vector<16xi32>, vector<16xi1>
        %all_reduce_population_count3A_339 = tpu.all_reduce %and3A_323 {dim = 0 : i64, kind = #tpu.reduction_kind<sum>} : vector<16xi1> -> vector<16xi32>
        %add3A_340 = arith.addi %add3A_300, %all_reduce_population_count3A_339 : vector<16xi32>
        %scan3A_341 = arith.constant 3 : i32
        %scan3A_342 = arith.addi %scan3A_227, %scan3A_341 : i32
        %mul3A_343 = arith.constant 1 : i32
        %mul3A_344 = arith.muli %scan3A_342, %mul3A_343 : i32
        %add3A_345 = arith.constant 0 : i32
        %add3A_346 = arith.addi %add3A_345, %mul3A_344 : i32
        %mul3A_347 = arith.constant 16 : i32
        %mul3A_348 = arith.muli %add3A_346, %mul3A_347 : i32
        %get3A_349 = arith.index_cast %mul3A_348 : i32 to index
        %get3A_350 = tpu.vector_load %arg10[%get3A_349] {strides = array<i32>} : memref<2000xi32, #tpu.memory_space<vmem>>, vector<16xi32>,
        %mul3A_351 = arith.constant 16 : i32
        %mul3A_352 = arith.muli %add3A_346, %mul3A_351 : i32
        %get3A_353 = arith.index_cast %mul3A_352 : i32 to index
        %get3A_354 = tpu.vector_load %arg11[%get3A_353] {strides = array<i32>} : memref<2000xi32, #tpu.memory_space<vmem>>, vector<16xi32>,
        %gather3A_355 = tpu.vector_load_idx %arg7[%get3A_354] : memref<10048xi32, #tpu.memory_space<vmem>>[vector<16xi32>], vector<16xi32>,
        %sub3A_356 = vector.broadcast %select_n3A : i32 to vector<16xi32>
        %sub3A_357 = arith.subi %gather3A_355, %sub3A_356 : vector<16xi32>
        %ge3A_358 = arith.constant 0 : i32
        %ge3A_359 = vector.broadcast %ge3A_358 : i32 to vector<16xi32>
        %ge3A_360 = arith.cmpi sge, %sub3A_357, %ge3A_359 : vector<16xi32>
        %lt3A_361 = vector.broadcast %select_n3A_6 : i32 to vector<16xi32>
        %lt3A_362 = arith.cmpi slt, %sub3A_357, %lt3A_361 : vector<16xi32>
        %and3A_363 = arith.andi %ge3A_360, %lt3A_362 : vector<16xi1>
        %convert_element_type3A_364 = arith.extui %and3A_363 : vector<16xi1> to vector<16xi32>
        %broadcast_in_dim3A_365 = arith.constant true
        %broadcast_in_dim3A_366 = vector.broadcast %broadcast_in_dim3A_365 : i1 to vector<16xi1>
        %masked_cumsum3A_367 = tpu.scan <sum>, %convert_element_type3A_364 masked %broadcast_in_dim3A_366 : vector<16xi32>, vector<16xi1> -> vector<16xi32>
        %add3A_368 = arith.addi %add3A_340, %masked_cumsum3A_367 : vector<16xi32>
        %sub3A_369 = arith.constant 1 : i32
        %sub3A_370 = vector.broadcast %sub3A_369 : i32 to vector<16xi32>
        %sub3A_371 = arith.subi %add3A_368, %sub3A_370 : vector<16xi32>
        %min3A_372 = arith.constant 12287 : i32
        %min3A_373 = vector.broadcast %min3A_372 : i32 to vector<16xi32>
        %min3A_374 = arith.minsi %sub3A_371, %min3A_373 : vector<16xi32>
        %shift_left3A_375 = arith.constant 14 : i32
        %shift_left3A_376 = vector.broadcast %shift_left3A_375 : i32 to vector<16xi32>
        %shift_left3A_377 = arith.shli %sub3A_357, %shift_left3A_376 : vector<16xi32>
        %or3A_378 = arith.ori %get3A_350, %shift_left3A_377 : vector<16xi32>
        tpu.vector_store_idx %arg12[%min3A_374], %or3A_378 masked %and3A_363 : memref<12416xi32, #tpu.memory_space<vmem>>[vector<16xi32>], vector<16xi32>, vector<16xi1>
        %all_reduce_population_count3A_379 = tpu.all_reduce %and3A_363 {dim = 0 : i64, kind = #tpu.reduction_kind<sum>} : vector<16xi1> -> vector<16xi32>
        %add3A_380 = arith.addi %add3A_340, %all_reduce_population_count3A_379 : vector<16xi32>
        %scan3A_381 = arith.constant 4 : i32
        %scan3A_382 = arith.addi %scan3A_227, %scan3A_381 : i32
        %mul3A_383 = arith.constant 1 : i32
        %mul3A_384 = arith.muli %scan3A_382, %mul3A_383 : i32
        %add3A_385 = arith.constant 0 : i32
        %add3A_386 = arith.addi %add3A_385, %mul3A_384 : i32
        %mul3A_387 = arith.constant 16 : i32
        %mul3A_388 = arith.muli %add3A_386, %mul3A_387 : i32
        %get3A_389 = arith.index_cast %mul3A_388 : i32 to index
        %get3A_390 = tpu.vector_load %arg10[%get3A_389] {strides = array<i32>} : memref<2000xi32, #tpu.memory_space<vmem>>, vector<16xi32>,
        %mul3A_391 = arith.constant 16 : i32
        %mul3A_392 = arith.muli %add3A_386, %mul3A_391 : i32
        %get3A_393 = arith.index_cast %mul3A_392 : i32 to index
        %get3A_394 = tpu.vector_load %arg11[%get3A_393] {strides = array<i32>} : memref<2000xi32, #tpu.memory_space<vmem>>, vector<16xi32>,
        %gather3A_395 = tpu.vector_load_idx %arg7[%get3A_394] : memref<10048xi32, #tpu.memory_space<vmem>>[vector<16xi32>], vector<16xi32>,
        %sub3A_396 = vector.broadcast %select_n3A : i32 to vector<16xi32>
        %sub3A_397 = arith.subi %gather3A_395, %sub3A_396 : vector<16xi32>
        %ge3A_398 = arith.constant 0 : i32
        %ge3A_399 = vector.broadcast %ge3A_398 : i32 to vector<16xi32>
        %ge3A_400 = arith.cmpi sge, %sub3A_397, %ge3A_399 : vector<16xi32>
        %lt3A_401 = vector.broadcast %select_n3A_6 : i32 to vector<16xi32>
        %lt3A_402 = arith.cmpi slt, %sub3A_397, %lt3A_401 : vector<16xi32>
        %and3A_403 = arith.andi %ge3A_400, %lt3A_402 : vector<16xi1>
        %convert_element_type3A_404 = arith.extui %and3A_403 : vector<16xi1> to vector<16xi32>
        %broadcast_in_dim3A_405 = arith.constant true
        %broadcast_in_dim3A_406 = vector.broadcast %broadcast_in_dim3A_405 : i1 to vector<16xi1>
        %masked_cumsum3A_407 = tpu.scan <sum>, %convert_element_type3A_404 masked %broadcast_in_dim3A_406 : vector<16xi32>, vector<16xi1> -> vector<16xi32>
        %add3A_408 = arith.addi %add3A_380, %masked_cumsum3A_407 : vector<16xi32>
        %sub3A_409 = arith.constant 1 : i32
        %sub3A_410 = vector.broadcast %sub3A_409 : i32 to vector<16xi32>
        %sub3A_411 = arith.subi %add3A_408, %sub3A_410 : vector<16xi32>
        %min3A_412 = arith.constant 12287 : i32
        %min3A_413 = vector.broadcast %min3A_412 : i32 to vector<16xi32>
        %min3A_414 = arith.minsi %sub3A_411, %min3A_413 : vector<16xi32>
        %shift_left3A_415 = arith.constant 14 : i32
        %shift_left3A_416 = vector.broadcast %shift_left3A_415 : i32 to vector<16xi32>
        %shift_left3A_417 = arith.shli %sub3A_397, %shift_left3A_416 : vector<16xi32>
        %or3A_418 = arith.ori %get3A_390, %shift_left3A_417 : vector<16xi32>
        tpu.vector_store_idx %arg12[%min3A_414], %or3A_418 masked %and3A_403 : memref<12416xi32, #tpu.memory_space<vmem>>[vector<16xi32>], vector<16xi32>, vector<16xi1>
        %all_reduce_population_count3A_419 = tpu.all_reduce %and3A_403 {dim = 0 : i64, kind = #tpu.reduction_kind<sum>} : vector<16xi1> -> vector<16xi32>
        %add3A_420 = arith.addi %add3A_380, %all_reduce_population_count3A_419 : vector<16xi32>
        %scan3A_421 = arith.constant 5 : i32
        %scan3A_422 = arith.addi %scan3A_227, %scan3A_421 : i32
        %mul3A_423 = arith.constant 1 : i32
        %mul3A_424 = arith.muli %scan3A_422, %mul3A_423 : i32
        %add3A_425 = arith.constant 0 : i32
        %add3A_426 = arith.addi %add3A_425, %mul3A_424 : i32
        %mul3A_427 = arith.constant 16 : i32
        %mul3A_428 = arith.muli %add3A_426, %mul3A_427 : i32
        %get3A_429 = arith.index_cast %mul3A_428 : i32 to index
        %get3A_430 = tpu.vector_load %arg10[%get3A_429] {strides = array<i32>} : memref<2000xi32, #tpu.memory_space<vmem>>, vector<16xi32>,
        %mul3A_431 = arith.constant 16 : i32
        %mul3A_432 = arith.muli %add3A_426, %mul3A_431 : i32
        %get3A_433 = arith.index_cast %mul3A_432 : i32 to index
        %get3A_434 = tpu.vector_load %arg11[%get3A_433] {strides = array<i32>} : memref<2000xi32, #tpu.memory_space<vmem>>, vector<16xi32>,
        %gather3A_435 = tpu.vector_load_idx %arg7[%get3A_434] : memref<10048xi32, #tpu.memory_space<vmem>>[vector<16xi32>], vector<16xi32>,
        %sub3A_436 = vector.broadcast %select_n3A : i32 to vector<16xi32>
        %sub3A_437 = arith.subi %gather3A_435, %sub3A_436 : vector<16xi32>
        %ge3A_438 = arith.constant 0 : i32
        %ge3A_439 = vector.broadcast %ge3A_438 : i32 to vector<16xi32>
        %ge3A_440 = arith.cmpi sge, %sub3A_437, %ge3A_439 : vector<16xi32>
        %lt3A_441 = vector.broadcast %select_n3A_6 : i32 to vector<16xi32>
        %lt3A_442 = arith.cmpi slt, %sub3A_437, %lt3A_441 : vector<16xi32>
        %and3A_443 = arith.andi %ge3A_440, %lt3A_442 : vector<16xi1>
        %convert_element_type3A_444 = arith.extui %and3A_443 : vector<16xi1> to vector<16xi32>
        %broadcast_in_dim3A_445 = arith.constant true
        %broadcast_in_dim3A_446 = vector.broadcast %broadcast_in_dim3A_445 : i1 to vector<16xi1>
        %masked_cumsum3A_447 = tpu.scan <sum>, %convert_element_type3A_444 masked %broadcast_in_dim3A_446 : vector<16xi32>, vector<16xi1> -> vector<16xi32>
        %add3A_448 = arith.addi %add3A_420, %masked_cumsum3A_447 : vector<16xi32>
        %sub3A_449 = arith.constant 1 : i32
        %sub3A_450 = vector.broadcast %sub3A_449 : i32 to vector<16xi32>
        %sub3A_451 = arith.subi %add3A_448, %sub3A_450 : vector<16xi32>
        %min3A_452 = arith.constant 12287 : i32
        %min3A_453 = vector.broadcast %min3A_452 : i32 to vector<16xi32>
        %min3A_454 = arith.minsi %sub3A_451, %min3A_453 : vector<16xi32>
        %shift_left3A_455 = arith.constant 14 : i32
        %shift_left3A_456 = vector.broadcast %shift_left3A_455 : i32 to vector<16xi32>
        %shift_left3A_457 = arith.shli %sub3A_437, %shift_left3A_456 : vector<16xi32>
        %or3A_458 = arith.ori %get3A_430, %shift_left3A_457 : vector<16xi32>
        tpu.vector_store_idx %arg12[%min3A_454], %or3A_458 masked %and3A_443 : memref<12416xi32, #tpu.memory_space<vmem>>[vector<16xi32>], vector<16xi32>, vector<16xi1>
        %all_reduce_population_count3A_459 = tpu.all_reduce %and3A_443 {dim = 0 : i64, kind = #tpu.reduction_kind<sum>} : vector<16xi1> -> vector<16xi32>
        %add3A_460 = arith.addi %add3A_420, %all_reduce_population_count3A_459 : vector<16xi32>
        %scan3A_461 = arith.constant 6 : i32
        %scan3A_462 = arith.addi %scan3A_227, %scan3A_461 : i32
        %mul3A_463 = arith.constant 1 : i32
        %mul3A_464 = arith.muli %scan3A_462, %mul3A_463 : i32
        %add3A_465 = arith.constant 0 : i32
        %add3A_466 = arith.addi %add3A_465, %mul3A_464 : i32
        %mul3A_467 = arith.constant 16 : i32
        %mul3A_468 = arith.muli %add3A_466, %mul3A_467 : i32
        %get3A_469 = arith.index_cast %mul3A_468 : i32 to index
        %get3A_470 = tpu.vector_load %arg10[%get3A_469] {strides = array<i32>} : memref<2000xi32, #tpu.memory_space<vmem>>, vector<16xi32>,
        %mul3A_471 = arith.constant 16 : i32
        %mul3A_472 = arith.muli %add3A_466, %mul3A_471 : i32
        %get3A_473 = arith.index_cast %mul3A_472 : i32 to index
        %get3A_474 = tpu.vector_load %arg11[%get3A_473] {strides = array<i32>} : memref<2000xi32, #tpu.memory_space<vmem>>, vector<16xi32>,
        %gather3A_475 = tpu.vector_load_idx %arg7[%get3A_474] : memref<10048xi32, #tpu.memory_space<vmem>>[vector<16xi32>], vector<16xi32>,
        %sub3A_476 = vector.broadcast %select_n3A : i32 to vector<16xi32>
        %sub3A_477 = arith.subi %gather3A_475, %sub3A_476 : vector<16xi32>
        %ge3A_478 = arith.constant 0 : i32
        %ge3A_479 = vector.broadcast %ge3A_478 : i32 to vector<16xi32>
        %ge3A_480 = arith.cmpi sge, %sub3A_477, %ge3A_479 : vector<16xi32>
        %lt3A_481 = vector.broadcast %select_n3A_6 : i32 to vector<16xi32>
        %lt3A_482 = arith.cmpi slt, %sub3A_477, %lt3A_481 : vector<16xi32>
        %and3A_483 = arith.andi %ge3A_480, %lt3A_482 : vector<16xi1>
        %convert_element_type3A_484 = arith.extui %and3A_483 : vector<16xi1> to vector<16xi32>
        %broadcast_in_dim3A_485 = arith.constant true
        %broadcast_in_dim3A_486 = vector.broadcast %broadcast_in_dim3A_485 : i1 to vector<16xi1>
        %masked_cumsum3A_487 = tpu.scan <sum>, %convert_element_type3A_484 masked %broadcast_in_dim3A_486 : vector<16xi32>, vector<16xi1> -> vector<16xi32>
        %add3A_488 = arith.addi %add3A_460, %masked_cumsum3A_487 : vector<16xi32>
        %sub3A_489 = arith.constant 1 : i32
        %sub3A_490 = vector.broadcast %sub3A_489 : i32 to vector<16xi32>
        %sub3A_491 = arith.subi %add3A_488, %sub3A_490 : vector<16xi32>
        %min3A_492 = arith.constant 12287 : i32
        %min3A_493 = vector.broadcast %min3A_492 : i32 to vector<16xi32>
        %min3A_494 = arith.minsi %sub3A_491, %min3A_493 : vector<16xi32>
        %shift_left3A_495 = arith.constant 14 : i32
        %shift_left3A_496 = vector.broadcast %shift_left3A_495 : i32 to vector<16xi32>
        %shift_left3A_497 = arith.shli %sub3A_477, %shift_left3A_496 : vector<16xi32>
        %or3A_498 = arith.ori %get3A_470, %shift_left3A_497 : vector<16xi32>
        tpu.vector_store_idx %arg12[%min3A_494], %or3A_498 masked %and3A_483 : memref<12416xi32, #tpu.memory_space<vmem>>[vector<16xi32>], vector<16xi32>, vector<16xi1>
        %all_reduce_population_count3A_499 = tpu.all_reduce %and3A_483 {dim = 0 : i64, kind = #tpu.reduction_kind<sum>} : vector<16xi1> -> vector<16xi32>
        %add3A_500 = arith.addi %add3A_460, %all_reduce_population_count3A_499 : vector<16xi32>
        %scan3A_501 = arith.constant 7 : i32
        %scan3A_502 = arith.addi %scan3A_227, %scan3A_501 : i32
        %mul3A_503 = arith.constant 1 : i32
        %mul3A_504 = arith.muli %scan3A_502, %mul3A_503 : i32
        %add3A_505 = arith.constant 0 : i32
        %add3A_506 = arith.addi %add3A_505, %mul3A_504 : i32
        %mul3A_507 = arith.constant 16 : i32
        %mul3A_508 = arith.muli %add3A_506, %mul3A_507 : i32
        %get3A_509 = arith.index_cast %mul3A_508 : i32 to index
        %get3A_510 = tpu.vector_load %arg10[%get3A_509] {strides = array<i32>} : memref<2000xi32, #tpu.memory_space<vmem>>, vector<16xi32>,
        %mul3A_511 = arith.constant 16 : i32
        %mul3A_512 = arith.muli %add3A_506, %mul3A_511 : i32
        %get3A_513 = arith.index_cast %mul3A_512 : i32 to index
        %get3A_514 = tpu.vector_load %arg11[%get3A_513] {strides = array<i32>} : memref<2000xi32, #tpu.memory_space<vmem>>, vector<16xi32>,
        %gather3A_515 = tpu.vector_load_idx %arg7[%get3A_514] : memref<10048xi32, #tpu.memory_space<vmem>>[vector<16xi32>], vector<16xi32>,
        %sub3A_516 = vector.broadcast %select_n3A : i32 to vector<16xi32>
        %sub3A_517 = arith.subi %gather3A_515, %sub3A_516 : vector<16xi32>
        %ge3A_518 = arith.constant 0 : i32
        %ge3A_519 = vector.broadcast %ge3A_518 : i32 to vector<16xi32>
        %ge3A_520 = arith.cmpi sge, %sub3A_517, %ge3A_519 : vector<16xi32>
        %lt3A_521 = vector.broadcast %select_n3A_6 : i32 to vector<16xi32>
        %lt3A_522 = arith.cmpi slt, %sub3A_517, %lt3A_521 : vector<16xi32>
        %and3A_523 = arith.andi %ge3A_520, %lt3A_522 : vector<16xi1>
        %convert_element_type3A_524 = arith.extui %and3A_523 : vector<16xi1> to vector<16xi32>
        %broadcast_in_dim3A_525 = arith.constant true
        %broadcast_in_dim3A_526 = vector.broadcast %broadcast_in_dim3A_525 : i1 to vector<16xi1>
        %masked_cumsum3A_527 = tpu.scan <sum>, %convert_element_type3A_524 masked %broadcast_in_dim3A_526 : vector<16xi32>, vector<16xi1> -> vector<16xi32>
        %add3A_528 = arith.addi %add3A_500, %masked_cumsum3A_527 : vector<16xi32>
        %sub3A_529 = arith.constant 1 : i32
        %sub3A_530 = vector.broadcast %sub3A_529 : i32 to vector<16xi32>
        %sub3A_531 = arith.subi %add3A_528, %sub3A_530 : vector<16xi32>
        %min3A_532 = arith.constant 12287 : i32
        %min3A_533 = vector.broadcast %min3A_532 : i32 to vector<16xi32>
        %min3A_534 = arith.minsi %sub3A_531, %min3A_533 : vector<16xi32>
        %shift_left3A_535 = arith.constant 14 : i32
        %shift_left3A_536 = vector.broadcast %shift_left3A_535 : i32 to vector<16xi32>
        %shift_left3A_537 = arith.shli %sub3A_517, %shift_left3A_536 : vector<16xi32>
        %or3A_538 = arith.ori %get3A_510, %shift_left3A_537 : vector<16xi32>
        tpu.vector_store_idx %arg12[%min3A_534], %or3A_538 masked %and3A_523 : memref<12416xi32, #tpu.memory_space<vmem>>[vector<16xi32>], vector<16xi32>, vector<16xi1>
        %all_reduce_population_count3A_539 = tpu.all_reduce %and3A_523 {dim = 0 : i64, kind = #tpu.reduction_kind<sum>} : vector<16xi1> -> vector<16xi32>
        %add3A_540 = arith.addi %add3A_500, %all_reduce_population_count3A_539 : vector<16xi32>
        %scan3A_541 = arith.constant 8 : i32
        %scan3A_542 = arith.addi %scan3A_227, %scan3A_541 : i32
        %mul3A_543 = arith.constant 1 : i32
        %mul3A_544 = arith.muli %scan3A_542, %mul3A_543 : i32
        %add3A_545 = arith.constant 0 : i32
        %add3A_546 = arith.addi %add3A_545, %mul3A_544 : i32
        %mul3A_547 = arith.constant 16 : i32
        %mul3A_548 = arith.muli %add3A_546, %mul3A_547 : i32
        %get3A_549 = arith.index_cast %mul3A_548 : i32 to index
        %get3A_550 = tpu.vector_load %arg10[%get3A_549] {strides = array<i32>} : memref<2000xi32, #tpu.memory_space<vmem>>, vector<16xi32>,
        %mul3A_551 = arith.constant 16 : i32
        %mul3A_552 = arith.muli %add3A_546, %mul3A_551 : i32
        %get3A_553 = arith.index_cast %mul3A_552 : i32 to index
        %get3A_554 = tpu.vector_load %arg11[%get3A_553] {strides = array<i32>} : memref<2000xi32, #tpu.memory_space<vmem>>, vector<16xi32>,
        %gather3A_555 = tpu.vector_load_idx %arg7[%get3A_554] : memref<10048xi32, #tpu.memory_space<vmem>>[vector<16xi32>], vector<16xi32>,
        %sub3A_556 = vector.broadcast %select_n3A : i32 to vector<16xi32>
        %sub3A_557 = arith.subi %gather3A_555, %sub3A_556 : vector<16xi32>
        %ge3A_558 = arith.constant 0 : i32
        %ge3A_559 = vector.broadcast %ge3A_558 : i32 to vector<16xi32>
        %ge3A_560 = arith.cmpi sge, %sub3A_557, %ge3A_559 : vector<16xi32>
        %lt3A_561 = vector.broadcast %select_n3A_6 : i32 to vector<16xi32>
        %lt3A_562 = arith.cmpi slt, %sub3A_557, %lt3A_561 : vector<16xi32>
        %and3A_563 = arith.andi %ge3A_560, %lt3A_562 : vector<16xi1>
        %convert_element_type3A_564 = arith.extui %and3A_563 : vector<16xi1> to vector<16xi32>
        %broadcast_in_dim3A_565 = arith.constant true
        %broadcast_in_dim3A_566 = vector.broadcast %broadcast_in_dim3A_565 : i1 to vector<16xi1>
        %masked_cumsum3A_567 = tpu.scan <sum>, %convert_element_type3A_564 masked %broadcast_in_dim3A_566 : vector<16xi32>, vector<16xi1> -> vector<16xi32>
        %add3A_568 = arith.addi %add3A_540, %masked_cumsum3A_567 : vector<16xi32>
        %sub3A_569 = arith.constant 1 : i32
        %sub3A_570 = vector.broadcast %sub3A_569 : i32 to vector<16xi32>
        %sub3A_571 = arith.subi %add3A_568, %sub3A_570 : vector<16xi32>
        %min3A_572 = arith.constant 12287 : i32
        %min3A_573 = vector.broadcast %min3A_572 : i32 to vector<16xi32>
        %min3A_574 = arith.minsi %sub3A_571, %min3A_573 : vector<16xi32>
        %shift_left3A_575 = arith.constant 14 : i32
        %shift_left3A_576 = vector.broadcast %shift_left3A_575 : i32 to vector<16xi32>
        %shift_left3A_577 = arith.shli %sub3A_557, %shift_left3A_576 : vector<16xi32>
        %or3A_578 = arith.ori %get3A_550, %shift_left3A_577 : vector<16xi32>
        tpu.vector_store_idx %arg12[%min3A_574], %or3A_578 masked %and3A_563 : memref<12416xi32, #tpu.memory_space<vmem>>[vector<16xi32>], vector<16xi32>, vector<16xi1>
        %all_reduce_population_count3A_579 = tpu.all_reduce %and3A_563 {dim = 0 : i64, kind = #tpu.reduction_kind<sum>} : vector<16xi1> -> vector<16xi32>
        %add3A_580 = arith.addi %add3A_540, %all_reduce_population_count3A_579 : vector<16xi32>
        %scan3A_581 = arith.constant 9 : i32
        %scan3A_582 = arith.addi %scan3A_227, %scan3A_581 : i32
        %mul3A_583 = arith.constant 1 : i32
        %mul3A_584 = arith.muli %scan3A_582, %mul3A_583 : i32
        %add3A_585 = arith.constant 0 : i32
        %add3A_586 = arith.addi %add3A_585, %mul3A_584 : i32
        %mul3A_587 = arith.constant 16 : i32
        %mul3A_588 = arith.muli %add3A_586, %mul3A_587 : i32
        %get3A_589 = arith.index_cast %mul3A_588 : i32 to index
        %get3A_590 = tpu.vector_load %arg10[%get3A_589] {strides = array<i32>} : memref<2000xi32, #tpu.memory_space<vmem>>, vector<16xi32>,
        %mul3A_591 = arith.constant 16 : i32
        %mul3A_592 = arith.muli %add3A_586, %mul3A_591 : i32
        %get3A_593 = arith.index_cast %mul3A_592 : i32 to index
        %get3A_594 = tpu.vector_load %arg11[%get3A_593] {strides = array<i32>} : memref<2000xi32, #tpu.memory_space<vmem>>, vector<16xi32>,
        %gather3A_595 = tpu.vector_load_idx %arg7[%get3A_594] : memref<10048xi32, #tpu.memory_space<vmem>>[vector<16xi32>], vector<16xi32>,
        %sub3A_596 = vector.broadcast %select_n3A : i32 to vector<16xi32>
        %sub3A_597 = arith.subi %gather3A_595, %sub3A_596 : vector<16xi32>
        %ge3A_598 = arith.constant 0 : i32
        %ge3A_599 = vector.broadcast %ge3A_598 : i32 to vector<16xi32>
        %ge3A_600 = arith.cmpi sge, %sub3A_597, %ge3A_599 : vector<16xi32>
        %lt3A_601 = vector.broadcast %select_n3A_6 : i32 to vector<16xi32>
        %lt3A_602 = arith.cmpi slt, %sub3A_597, %lt3A_601 : vector<16xi32>
        %and3A_603 = arith.andi %ge3A_600, %lt3A_602 : vector<16xi1>
        %convert_element_type3A_604 = arith.extui %and3A_603 : vector<16xi1> to vector<16xi32>
        %broadcast_in_dim3A_605 = arith.constant true
        %broadcast_in_dim3A_606 = vector.broadcast %broadcast_in_dim3A_605 : i1 to vector<16xi1>
        %masked_cumsum3A_607 = tpu.scan <sum>, %convert_element_type3A_604 masked %broadcast_in_dim3A_606 : vector<16xi32>, vector<16xi1> -> vector<16xi32>
        %add3A_608 = arith.addi %add3A_580, %masked_cumsum3A_607 : vector<16xi32>
        %sub3A_609 = arith.constant 1 : i32
        %sub3A_610 = vector.broadcast %sub3A_609 : i32 to vector<16xi32>
        %sub3A_611 = arith.subi %add3A_608, %sub3A_610 : vector<16xi32>
        %min3A_612 = arith.constant 12287 : i32
        %min3A_613 = vector.broadcast %min3A_612 : i32 to vector<16xi32>
        %min3A_614 = arith.minsi %sub3A_611, %min3A_613 : vector<16xi32>
        %shift_left3A_615 = arith.constant 14 : i32
        %shift_left3A_616 = vector.broadcast %shift_left3A_615 : i32 to vector<16xi32>
        %shift_left3A_617 = arith.shli %sub3A_597, %shift_left3A_616 : vector<16xi32>
        %or3A_618 = arith.ori %get3A_590, %shift_left3A_617 : vector<16xi32>
        tpu.vector_store_idx %arg12[%min3A_614], %or3A_618 masked %and3A_603 : memref<12416xi32, #tpu.memory_space<vmem>>[vector<16xi32>], vector<16xi32>, vector<16xi1>
        %all_reduce_population_count3A_619 = tpu.all_reduce %and3A_603 {dim = 0 : i64, kind = #tpu.reduction_kind<sum>} : vector<16xi1> -> vector<16xi32>
        %add3A_620 = arith.addi %add3A_580, %all_reduce_population_count3A_619 : vector<16xi32>
        %scan3A_621 = arith.constant 10 : i32
        %scan3A_622 = arith.addi %scan3A_227, %scan3A_621 : i32
        %mul3A_623 = arith.constant 1 : i32
        %mul3A_624 = arith.muli %scan3A_622, %mul3A_623 : i32
        %add3A_625 = arith.constant 0 : i32
        %add3A_626 = arith.addi %add3A_625, %mul3A_624 : i32
        %mul3A_627 = arith.constant 16 : i32
        %mul3A_628 = arith.muli %add3A_626, %mul3A_627 : i32
        %get3A_629 = arith.index_cast %mul3A_628 : i32 to index
        %get3A_630 = tpu.vector_load %arg10[%get3A_629] {strides = array<i32>} : memref<2000xi32, #tpu.memory_space<vmem>>, vector<16xi32>,
        %mul3A_631 = arith.constant 16 : i32
        %mul3A_632 = arith.muli %add3A_626, %mul3A_631 : i32
        %get3A_633 = arith.index_cast %mul3A_632 : i32 to index
        %get3A_634 = tpu.vector_load %arg11[%get3A_633] {strides = array<i32>} : memref<2000xi32, #tpu.memory_space<vmem>>, vector<16xi32>,
        %gather3A_635 = tpu.vector_load_idx %arg7[%get3A_634] : memref<10048xi32, #tpu.memory_space<vmem>>[vector<16xi32>], vector<16xi32>,
        %sub3A_636 = vector.broadcast %select_n3A : i32 to vector<16xi32>
        %sub3A_637 = arith.subi %gather3A_635, %sub3A_636 : vector<16xi32>
        %ge3A_638 = arith.constant 0 : i32
        %ge3A_639 = vector.broadcast %ge3A_638 : i32 to vector<16xi32>
        %ge3A_640 = arith.cmpi sge, %sub3A_637, %ge3A_639 : vector<16xi32>
        %lt3A_641 = vector.broadcast %select_n3A_6 : i32 to vector<16xi32>
        %lt3A_642 = arith.cmpi slt, %sub3A_637, %lt3A_641 : vector<16xi32>
        %and3A_643 = arith.andi %ge3A_640, %lt3A_642 : vector<16xi1>
        %convert_element_type3A_644 = arith.extui %and3A_643 : vector<16xi1> to vector<16xi32>
        %broadcast_in_dim3A_645 = arith.constant true
        %broadcast_in_dim3A_646 = vector.broadcast %broadcast_in_dim3A_645 : i1 to vector<16xi1>
        %masked_cumsum3A_647 = tpu.scan <sum>, %convert_element_type3A_644 masked %broadcast_in_dim3A_646 : vector<16xi32>, vector<16xi1> -> vector<16xi32>
        %add3A_648 = arith.addi %add3A_620, %masked_cumsum3A_647 : vector<16xi32>
        %sub3A_649 = arith.constant 1 : i32
        %sub3A_650 = vector.broadcast %sub3A_649 : i32 to vector<16xi32>
        %sub3A_651 = arith.subi %add3A_648, %sub3A_650 : vector<16xi32>
        %min3A_652 = arith.constant 12287 : i32
        %min3A_653 = vector.broadcast %min3A_652 : i32 to vector<16xi32>
        %min3A_654 = arith.minsi %sub3A_651, %min3A_653 : vector<16xi32>
        %shift_left3A_655 = arith.constant 14 : i32
        %shift_left3A_656 = vector.broadcast %shift_left3A_655 : i32 to vector<16xi32>
        %shift_left3A_657 = arith.shli %sub3A_637, %shift_left3A_656 : vector<16xi32>
        %or3A_658 = arith.ori %get3A_630, %shift_left3A_657 : vector<16xi32>
        tpu.vector_store_idx %arg12[%min3A_654], %or3A_658 masked %and3A_643 : memref<12416xi32, #tpu.memory_space<vmem>>[vector<16xi32>], vector<16xi32>, vector<16xi1>
        %all_reduce_population_count3A_659 = tpu.all_reduce %and3A_643 {dim = 0 : i64, kind = #tpu.reduction_kind<sum>} : vector<16xi1> -> vector<16xi32>
        %add3A_660 = arith.addi %add3A_620, %all_reduce_population_count3A_659 : vector<16xi32>
        %scan3A_661 = arith.constant 11 : i32
        %scan3A_662 = arith.addi %scan3A_227, %scan3A_661 : i32
        %mul3A_663 = arith.constant 1 : i32
        %mul3A_664 = arith.muli %scan3A_662, %mul3A_663 : i32
        %add3A_665 = arith.constant 0 : i32
        %add3A_666 = arith.addi %add3A_665, %mul3A_664 : i32
        %mul3A_667 = arith.constant 16 : i32
        %mul3A_668 = arith.muli %add3A_666, %mul3A_667 : i32
        %get3A_669 = arith.index_cast %mul3A_668 : i32 to index
        %get3A_670 = tpu.vector_load %arg10[%get3A_669] {strides = array<i32>} : memref<2000xi32, #tpu.memory_space<vmem>>, vector<16xi32>,
        %mul3A_671 = arith.constant 16 : i32
        %mul3A_672 = arith.muli %add3A_666, %mul3A_671 : i32
        %get3A_673 = arith.index_cast %mul3A_672 : i32 to index
        %get3A_674 = tpu.vector_load %arg11[%get3A_673] {strides = array<i32>} : memref<2000xi32, #tpu.memory_space<vmem>>, vector<16xi32>,
        %gather3A_675 = tpu.vector_load_idx %arg7[%get3A_674] : memref<10048xi32, #tpu.memory_space<vmem>>[vector<16xi32>], vector<16xi32>,
        %sub3A_676 = vector.broadcast %select_n3A : i32 to vector<16xi32>
        %sub3A_677 = arith.subi %gather3A_675, %sub3A_676 : vector<16xi32>
        %ge3A_678 = arith.constant 0 : i32
        %ge3A_679 = vector.broadcast %ge3A_678 : i32 to vector<16xi32>
        %ge3A_680 = arith.cmpi sge, %sub3A_677, %ge3A_679 : vector<16xi32>
        %lt3A_681 = vector.broadcast %select_n3A_6 : i32 to vector<16xi32>
        %lt3A_682 = arith.cmpi slt, %sub3A_677, %lt3A_681 : vector<16xi32>
        %and3A_683 = arith.andi %ge3A_680, %lt3A_682 : vector<16xi1>
        %convert_element_type3A_684 = arith.extui %and3A_683 : vector<16xi1> to vector<16xi32>
        %broadcast_in_dim3A_685 = arith.constant true
        %broadcast_in_dim3A_686 = vector.broadcast %broadcast_in_dim3A_685 : i1 to vector<16xi1>
        %masked_cumsum3A_687 = tpu.scan <sum>, %convert_element_type3A_684 masked %broadcast_in_dim3A_686 : vector<16xi32>, vector<16xi1> -> vector<16xi32>
        %add3A_688 = arith.addi %add3A_660, %masked_cumsum3A_687 : vector<16xi32>
        %sub3A_689 = arith.constant 1 : i32
        %sub3A_690 = vector.broadcast %sub3A_689 : i32 to vector<16xi32>
        %sub3A_691 = arith.subi %add3A_688, %sub3A_690 : vector<16xi32>
        %min3A_692 = arith.constant 12287 : i32
        %min3A_693 = vector.broadcast %min3A_692 : i32 to vector<16xi32>
        %min3A_694 = arith.minsi %sub3A_691, %min3A_693 : vector<16xi32>
        %shift_left3A_695 = arith.constant 14 : i32
        %shift_left3A_696 = vector.broadcast %shift_left3A_695 : i32 to vector<16xi32>
        %shift_left3A_697 = arith.shli %sub3A_677, %shift_left3A_696 : vector<16xi32>
        %or3A_698 = arith.ori %get3A_670, %shift_left3A_697 : vector<16xi32>
        tpu.vector_store_idx %arg12[%min3A_694], %or3A_698 masked %and3A_683 : memref<12416xi32, #tpu.memory_space<vmem>>[vector<16xi32>], vector<16xi32>, vector<16xi1>
        %all_reduce_population_count3A_699 = tpu.all_reduce %and3A_683 {dim = 0 : i64, kind = #tpu.reduction_kind<sum>} : vector<16xi1> -> vector<16xi32>
        %add3A_700 = arith.addi %add3A_660, %all_reduce_population_count3A_699 : vector<16xi32>
        %scan3A_701 = arith.constant 12 : i32
        %scan3A_702 = arith.addi %scan3A_227, %scan3A_701 : i32
        %mul3A_703 = arith.constant 1 : i32
        %mul3A_704 = arith.muli %scan3A_702, %mul3A_703 : i32
        %add3A_705 = arith.constant 0 : i32
        %add3A_706 = arith.addi %add3A_705, %mul3A_704 : i32
        %mul3A_707 = arith.constant 16 : i32
        %mul3A_708 = arith.muli %add3A_706, %mul3A_707 : i32
        %get3A_709 = arith.index_cast %mul3A_708 : i32 to index
        %get3A_710 = tpu.vector_load %arg10[%get3A_709] {strides = array<i32>} : memref<2000xi32, #tpu.memory_space<vmem>>, vector<16xi32>,
        %mul3A_711 = arith.constant 16 : i32
        %mul3A_712 = arith.muli %add3A_706, %mul3A_711 : i32
        %get3A_713 = arith.index_cast %mul3A_712 : i32 to index
        %get3A_714 = tpu.vector_load %arg11[%get3A_713] {strides = array<i32>} : memref<2000xi32, #tpu.memory_space<vmem>>, vector<16xi32>,
        %gather3A_715 = tpu.vector_load_idx %arg7[%get3A_714] : memref<10048xi32, #tpu.memory_space<vmem>>[vector<16xi32>], vector<16xi32>,
        %sub3A_716 = vector.broadcast %select_n3A : i32 to vector<16xi32>
        %sub3A_717 = arith.subi %gather3A_715, %sub3A_716 : vector<16xi32>
        %ge3A_718 = arith.constant 0 : i32
        %ge3A_719 = vector.broadcast %ge3A_718 : i32 to vector<16xi32>
        %ge3A_720 = arith.cmpi sge, %sub3A_717, %ge3A_719 : vector<16xi32>
        %lt3A_721 = vector.broadcast %select_n3A_6 : i32 to vector<16xi32>
        %lt3A_722 = arith.cmpi slt, %sub3A_717, %lt3A_721 : vector<16xi32>
        %and3A_723 = arith.andi %ge3A_720, %lt3A_722 : vector<16xi1>
        %convert_element_type3A_724 = arith.extui %and3A_723 : vector<16xi1> to vector<16xi32>
        %broadcast_in_dim3A_725 = arith.constant true
        %broadcast_in_dim3A_726 = vector.broadcast %broadcast_in_dim3A_725 : i1 to vector<16xi1>
        %masked_cumsum3A_727 = tpu.scan <sum>, %convert_element_type3A_724 masked %broadcast_in_dim3A_726 : vector<16xi32>, vector<16xi1> -> vector<16xi32>
        %add3A_728 = arith.addi %add3A_700, %masked_cumsum3A_727 : vector<16xi32>
        %sub3A_729 = arith.constant 1 : i32
        %sub3A_730 = vector.broadcast %sub3A_729 : i32 to vector<16xi32>
        %sub3A_731 = arith.subi %add3A_728, %sub3A_730 : vector<16xi32>
        %min3A_732 = arith.constant 12287 : i32
        %min3A_733 = vector.broadcast %min3A_732 : i32 to vector<16xi32>
        %min3A_734 = arith.minsi %sub3A_731, %min3A_733 : vector<16xi32>
        %shift_left3A_735 = arith.constant 14 : i32
        %shift_left3A_736 = vector.broadcast %shift_left3A_735 : i32 to vector<16xi32>
        %shift_left3A_737 = arith.shli %sub3A_717, %shift_left3A_736 : vector<16xi32>
        %or3A_738 = arith.ori %get3A_710, %shift_left3A_737 : vector<16xi32>
        tpu.vector_store_idx %arg12[%min3A_734], %or3A_738 masked %and3A_723 : memref<12416xi32, #tpu.memory_space<vmem>>[vector<16xi32>], vector<16xi32>, vector<16xi1>
        %all_reduce_population_count3A_739 = tpu.all_reduce %and3A_723 {dim = 0 : i64, kind = #tpu.reduction_kind<sum>} : vector<16xi1> -> vector<16xi32>
        %add3A_740 = arith.addi %add3A_700, %all_reduce_population_count3A_739 : vector<16xi32>
        %scan3A_741 = arith.constant 13 : i32
        %scan3A_742 = arith.addi %scan3A_227, %scan3A_741 : i32
        %mul3A_743 = arith.constant 1 : i32
        %mul3A_744 = arith.muli %scan3A_742, %mul3A_743 : i32
        %add3A_745 = arith.constant 0 : i32
        %add3A_746 = arith.addi %add3A_745, %mul3A_744 : i32
        %mul3A_747 = arith.constant 16 : i32
        %mul3A_748 = arith.muli %add3A_746, %mul3A_747 : i32
        %get3A_749 = arith.index_cast %mul3A_748 : i32 to index
        %get3A_750 = tpu.vector_load %arg10[%get3A_749] {strides = array<i32>} : memref<2000xi32, #tpu.memory_space<vmem>>, vector<16xi32>,
        %mul3A_751 = arith.constant 16 : i32
        %mul3A_752 = arith.muli %add3A_746, %mul3A_751 : i32
        %get3A_753 = arith.index_cast %mul3A_752 : i32 to index
        %get3A_754 = tpu.vector_load %arg11[%get3A_753] {strides = array<i32>} : memref<2000xi32, #tpu.memory_space<vmem>>, vector<16xi32>,
        %gather3A_755 = tpu.vector_load_idx %arg7[%get3A_754] : memref<10048xi32, #tpu.memory_space<vmem>>[vector<16xi32>], vector<16xi32>,
        %sub3A_756 = vector.broadcast %select_n3A : i32 to vector<16xi32>
        %sub3A_757 = arith.subi %gather3A_755, %sub3A_756 : vector<16xi32>
        %ge3A_758 = arith.constant 0 : i32
        %ge3A_759 = vector.broadcast %ge3A_758 : i32 to vector<16xi32>
        %ge3A_760 = arith.cmpi sge, %sub3A_757, %ge3A_759 : vector<16xi32>
        %lt3A_761 = vector.broadcast %select_n3A_6 : i32 to vector<16xi32>
        %lt3A_762 = arith.cmpi slt, %sub3A_757, %lt3A_761 : vector<16xi32>
        %and3A_763 = arith.andi %ge3A_760, %lt3A_762 : vector<16xi1>
        %convert_element_type3A_764 = arith.extui %and3A_763 : vector<16xi1> to vector<16xi32>
        %broadcast_in_dim3A_765 = arith.constant true
        %broadcast_in_dim3A_766 = vector.broadcast %broadcast_in_dim3A_765 : i1 to vector<16xi1>
        %masked_cumsum3A_767 = tpu.scan <sum>, %convert_element_type3A_764 masked %broadcast_in_dim3A_766 : vector<16xi32>, vector<16xi1> -> vector<16xi32>
        %add3A_768 = arith.addi %add3A_740, %masked_cumsum3A_767 : vector<16xi32>
        %sub3A_769 = arith.constant 1 : i32
        %sub3A_770 = vector.broadcast %sub3A_769 : i32 to vector<16xi32>
        %sub3A_771 = arith.subi %add3A_768, %sub3A_770 : vector<16xi32>
        %min3A_772 = arith.constant 12287 : i32
        %min3A_773 = vector.broadcast %min3A_772 : i32 to vector<16xi32>
        %min3A_774 = arith.minsi %sub3A_771, %min3A_773 : vector<16xi32>
        %shift_left3A_775 = arith.constant 14 : i32
        %shift_left3A_776 = vector.broadcast %shift_left3A_775 : i32 to vector<16xi32>
        %shift_left3A_777 = arith.shli %sub3A_757, %shift_left3A_776 : vector<16xi32>
        %or3A_778 = arith.ori %get3A_750, %shift_left3A_777 : vector<16xi32>
        tpu.vector_store_idx %arg12[%min3A_774], %or3A_778 masked %and3A_763 : memref<12416xi32, #tpu.memory_space<vmem>>[vector<16xi32>], vector<16xi32>, vector<16xi1>
        %all_reduce_population_count3A_779 = tpu.all_reduce %and3A_763 {dim = 0 : i64, kind = #tpu.reduction_kind<sum>} : vector<16xi1> -> vector<16xi32>
        %add3A_780 = arith.addi %add3A_740, %all_reduce_population_count3A_779 : vector<16xi32>
        %scan3A_781 = arith.constant 14 : i32
        %scan3A_782 = arith.addi %scan3A_227, %scan3A_781 : i32
        %mul3A_783 = arith.constant 1 : i32
        %mul3A_784 = arith.muli %scan3A_782, %mul3A_783 : i32
        %add3A_785 = arith.constant 0 : i32
        %add3A_786 = arith.addi %add3A_785, %mul3A_784 : i32
        %mul3A_787 = arith.constant 16 : i32
        %mul3A_788 = arith.muli %add3A_786, %mul3A_787 : i32
        %get3A_789 = arith.index_cast %mul3A_788 : i32 to index
        %get3A_790 = tpu.vector_load %arg10[%get3A_789] {strides = array<i32>} : memref<2000xi32, #tpu.memory_space<vmem>>, vector<16xi32>,
        %mul3A_791 = arith.constant 16 : i32
        %mul3A_792 = arith.muli %add3A_786, %mul3A_791 : i32
        %get3A_793 = arith.index_cast %mul3A_792 : i32 to index
        %get3A_794 = tpu.vector_load %arg11[%get3A_793] {strides = array<i32>} : memref<2000xi32, #tpu.memory_space<vmem>>, vector<16xi32>,
        %gather3A_795 = tpu.vector_load_idx %arg7[%get3A_794] : memref<10048xi32, #tpu.memory_space<vmem>>[vector<16xi32>], vector<16xi32>,
        %sub3A_796 = vector.broadcast %select_n3A : i32 to vector<16xi32>
        %sub3A_797 = arith.subi %gather3A_795, %sub3A_796 : vector<16xi32>
        %ge3A_798 = arith.constant 0 : i32
        %ge3A_799 = vector.broadcast %ge3A_798 : i32 to vector<16xi32>
        %ge3A_800 = arith.cmpi sge, %sub3A_797, %ge3A_799 : vector<16xi32>
        %lt3A_801 = vector.broadcast %select_n3A_6 : i32 to vector<16xi32>
        %lt3A_802 = arith.cmpi slt, %sub3A_797, %lt3A_801 : vector<16xi32>
        %and3A_803 = arith.andi %ge3A_800, %lt3A_802 : vector<16xi1>
        %convert_element_type3A_804 = arith.extui %and3A_803 : vector<16xi1> to vector<16xi32>
        %broadcast_in_dim3A_805 = arith.constant true
        %broadcast_in_dim3A_806 = vector.broadcast %broadcast_in_dim3A_805 : i1 to vector<16xi1>
        %masked_cumsum3A_807 = tpu.scan <sum>, %convert_element_type3A_804 masked %broadcast_in_dim3A_806 : vector<16xi32>, vector<16xi1> -> vector<16xi32>
        %add3A_808 = arith.addi %add3A_780, %masked_cumsum3A_807 : vector<16xi32>
        %sub3A_809 = arith.constant 1 : i32
        %sub3A_810 = vector.broadcast %sub3A_809 : i32 to vector<16xi32>
        %sub3A_811 = arith.subi %add3A_808, %sub3A_810 : vector<16xi32>
        %min3A_812 = arith.constant 12287 : i32
        %min3A_813 = vector.broadcast %min3A_812 : i32 to vector<16xi32>
        %min3A_814 = arith.minsi %sub3A_811, %min3A_813 : vector<16xi32>
        %shift_left3A_815 = arith.constant 14 : i32
        %shift_left3A_816 = vector.broadcast %shift_left3A_815 : i32 to vector<16xi32>
        %shift_left3A_817 = arith.shli %sub3A_797, %shift_left3A_816 : vector<16xi32>
        %or3A_818 = arith.ori %get3A_790, %shift_left3A_817 : vector<16xi32>
        tpu.vector_store_idx %arg12[%min3A_814], %or3A_818 masked %and3A_803 : memref<12416xi32, #tpu.memory_space<vmem>>[vector<16xi32>], vector<16xi32>, vector<16xi1>
        %all_reduce_population_count3A_819 = tpu.all_reduce %and3A_803 {dim = 0 : i64, kind = #tpu.reduction_kind<sum>} : vector<16xi1> -> vector<16xi32>
        %add3A_820 = arith.addi %add3A_780, %all_reduce_population_count3A_819 : vector<16xi32>
        %scan3A_821 = arith.constant 15 : i32
        %scan3A_822 = arith.addi %scan3A_227, %scan3A_821 : i32
        %mul3A_823 = arith.constant 1 : i32
        %mul3A_824 = arith.muli %scan3A_822, %mul3A_823 : i32
        %add3A_825 = arith.constant 0 : i32
        %add3A_826 = arith.addi %add3A_825, %mul3A_824 : i32
        %mul3A_827 = arith.constant 16 : i32
        %mul3A_828 = arith.muli %add3A_826, %mul3A_827 : i32
        %get3A_829 = arith.index_cast %mul3A_828 : i32 to index
        %get3A_830 = tpu.vector_load %arg10[%get3A_829] {strides = array<i32>} : memref<2000xi32, #tpu.memory_space<vmem>>, vector<16xi32>,
        %mul3A_831 = arith.constant 16 : i32
        %mul3A_832 = arith.muli %add3A_826, %mul3A_831 : i32
        %get3A_833 = arith.index_cast %mul3A_832 : i32 to index
        %get3A_834 = tpu.vector_load %arg11[%get3A_833] {strides = array<i32>} : memref<2000xi32, #tpu.memory_space<vmem>>, vector<16xi32>,
        %gather3A_835 = tpu.vector_load_idx %arg7[%get3A_834] : memref<10048xi32, #tpu.memory_space<vmem>>[vector<16xi32>], vector<16xi32>,
        %sub3A_836 = vector.broadcast %select_n3A : i32 to vector<16xi32>
        %sub3A_837 = arith.subi %gather3A_835, %sub3A_836 : vector<16xi32>
        %ge3A_838 = arith.constant 0 : i32
        %ge3A_839 = vector.broadcast %ge3A_838 : i32 to vector<16xi32>
        %ge3A_840 = arith.cmpi sge, %sub3A_837, %ge3A_839 : vector<16xi32>
        %lt3A_841 = vector.broadcast %select_n3A_6 : i32 to vector<16xi32>
        %lt3A_842 = arith.cmpi slt, %sub3A_837, %lt3A_841 : vector<16xi32>
        %and3A_843 = arith.andi %ge3A_840, %lt3A_842 : vector<16xi1>
        %convert_element_type3A_844 = arith.extui %and3A_843 : vector<16xi1> to vector<16xi32>
        %broadcast_in_dim3A_845 = arith.constant true
        %broadcast_in_dim3A_846 = vector.broadcast %broadcast_in_dim3A_845 : i1 to vector<16xi1>
        %masked_cumsum3A_847 = tpu.scan <sum>, %convert_element_type3A_844 masked %broadcast_in_dim3A_846 : vector<16xi32>, vector<16xi1> -> vector<16xi32>
        %add3A_848 = arith.addi %add3A_820, %masked_cumsum3A_847 : vector<16xi32>
        %sub3A_849 = arith.constant 1 : i32
        %sub3A_850 = vector.broadcast %sub3A_849 : i32 to vector<16xi32>
        %sub3A_851 = arith.subi %add3A_848, %sub3A_850 : vector<16xi32>
        %min3A_852 = arith.constant 12287 : i32
        %min3A_853 = vector.broadcast %min3A_852 : i32 to vector<16xi32>
        %min3A_854 = arith.minsi %sub3A_851, %min3A_853 : vector<16xi32>
        %shift_left3A_855 = arith.constant 14 : i32
        %shift_left3A_856 = vector.broadcast %shift_left3A_855 : i32 to vector<16xi32>
        %shift_left3A_857 = arith.shli %sub3A_837, %shift_left3A_856 : vector<16xi32>
        %or3A_858 = arith.ori %get3A_830, %shift_left3A_857 : vector<16xi32>
        tpu.vector_store_idx %arg12[%min3A_854], %or3A_858 masked %and3A_843 : memref<12416xi32, #tpu.memory_space<vmem>>[vector<16xi32>], vector<16xi32>, vector<16xi1>
        %all_reduce_population_count3A_859 = tpu.all_reduce %and3A_843 {dim = 0 : i64, kind = #tpu.reduction_kind<sum>} : vector<16xi1> -> vector<16xi32>
        %add3A_860 = arith.addi %add3A_820, %all_reduce_population_count3A_859 : vector<16xi32>
        %scan3A_861 = arith.constant 16 : i32
        %scan3A_862 = arith.addi %scan3A_227, %scan3A_861 : i32
        %mul3A_863 = arith.constant 1 : i32
        %mul3A_864 = arith.muli %scan3A_862, %mul3A_863 : i32
        %add3A_865 = arith.constant 0 : i32
        %add3A_866 = arith.addi %add3A_865, %mul3A_864 : i32
        %mul3A_867 = arith.constant 16 : i32
        %mul3A_868 = arith.muli %add3A_866, %mul3A_867 : i32
        %get3A_869 = arith.index_cast %mul3A_868 : i32 to index
        %get3A_870 = tpu.vector_load %arg10[%get3A_869] {strides = array<i32>} : memref<2000xi32, #tpu.memory_space<vmem>>, vector<16xi32>,
        %mul3A_871 = arith.constant 16 : i32
        %mul3A_872 = arith.muli %add3A_866, %mul3A_871 : i32
        %get3A_873 = arith.index_cast %mul3A_872 : i32 to index
        %get3A_874 = tpu.vector_load %arg11[%get3A_873] {strides = array<i32>} : memref<2000xi32, #tpu.memory_space<vmem>>, vector<16xi32>,
        %gather3A_875 = tpu.vector_load_idx %arg7[%get3A_874] : memref<10048xi32, #tpu.memory_space<vmem>>[vector<16xi32>], vector<16xi32>,
        %sub3A_876 = vector.broadcast %select_n3A : i32 to vector<16xi32>
        %sub3A_877 = arith.subi %gather3A_875, %sub3A_876 : vector<16xi32>
        %ge3A_878 = arith.constant 0 : i32
        %ge3A_879 = vector.broadcast %ge3A_878 : i32 to vector<16xi32>
        %ge3A_880 = arith.cmpi sge, %sub3A_877, %ge3A_879 : vector<16xi32>
        %lt3A_881 = vector.broadcast %select_n3A_6 : i32 to vector<16xi32>
        %lt3A_882 = arith.cmpi slt, %sub3A_877, %lt3A_881 : vector<16xi32>
        %and3A_883 = arith.andi %ge3A_880, %lt3A_882 : vector<16xi1>
        %convert_element_type3A_884 = arith.extui %and3A_883 : vector<16xi1> to vector<16xi32>
        %broadcast_in_dim3A_885 = arith.constant true
        %broadcast_in_dim3A_886 = vector.broadcast %broadcast_in_dim3A_885 : i1 to vector<16xi1>
        %masked_cumsum3A_887 = tpu.scan <sum>, %convert_element_type3A_884 masked %broadcast_in_dim3A_886 : vector<16xi32>, vector<16xi1> -> vector<16xi32>
        %add3A_888 = arith.addi %add3A_860, %masked_cumsum3A_887 : vector<16xi32>
        %sub3A_889 = arith.constant 1 : i32
        %sub3A_890 = vector.broadcast %sub3A_889 : i32 to vector<16xi32>
        %sub3A_891 = arith.subi %add3A_888, %sub3A_890 : vector<16xi32>
        %min3A_892 = arith.constant 12287 : i32
        %min3A_893 = vector.broadcast %min3A_892 : i32 to vector<16xi32>
        %min3A_894 = arith.minsi %sub3A_891, %min3A_893 : vector<16xi32>
        %shift_left3A_895 = arith.constant 14 : i32
        %shift_left3A_896 = vector.broadcast %shift_left3A_895 : i32 to vector<16xi32>
        %shift_left3A_897 = arith.shli %sub3A_877, %shift_left3A_896 : vector<16xi32>
        %or3A_898 = arith.ori %get3A_870, %shift_left3A_897 : vector<16xi32>
        tpu.vector_store_idx %arg12[%min3A_894], %or3A_898 masked %and3A_883 : memref<12416xi32, #tpu.memory_space<vmem>>[vector<16xi32>], vector<16xi32>, vector<16xi1>
        %all_reduce_population_count3A_899 = tpu.all_reduce %and3A_883 {dim = 0 : i64, kind = #tpu.reduction_kind<sum>} : vector<16xi1> -> vector<16xi32>
        %add3A_900 = arith.addi %add3A_860, %all_reduce_population_count3A_899 : vector<16xi32>
        %scan3A_901 = arith.constant 17 : i32
        %scan3A_902 = arith.addi %scan3A_227, %scan3A_901 : i32
        %mul3A_903 = arith.constant 1 : i32
        %mul3A_904 = arith.muli %scan3A_902, %mul3A_903 : i32
        %add3A_905 = arith.constant 0 : i32
        %add3A_906 = arith.addi %add3A_905, %mul3A_904 : i32
        %mul3A_907 = arith.constant 16 : i32
        %mul3A_908 = arith.muli %add3A_906, %mul3A_907 : i32
        %get3A_909 = arith.index_cast %mul3A_908 : i32 to index
        %get3A_910 = tpu.vector_load %arg10[%get3A_909] {strides = array<i32>} : memref<2000xi32, #tpu.memory_space<vmem>>, vector<16xi32>,
        %mul3A_911 = arith.constant 16 : i32
        %mul3A_912 = arith.muli %add3A_906, %mul3A_911 : i32
        %get3A_913 = arith.index_cast %mul3A_912 : i32 to index
        %get3A_914 = tpu.vector_load %arg11[%get3A_913] {strides = array<i32>} : memref<2000xi32, #tpu.memory_space<vmem>>, vector<16xi32>,
        %gather3A_915 = tpu.vector_load_idx %arg7[%get3A_914] : memref<10048xi32, #tpu.memory_space<vmem>>[vector<16xi32>], vector<16xi32>,
        %sub3A_916 = vector.broadcast %select_n3A : i32 to vector<16xi32>
        %sub3A_917 = arith.subi %gather3A_915, %sub3A_916 : vector<16xi32>
        %ge3A_918 = arith.constant 0 : i32
        %ge3A_919 = vector.broadcast %ge3A_918 : i32 to vector<16xi32>
        %ge3A_920 = arith.cmpi sge, %sub3A_917, %ge3A_919 : vector<16xi32>
        %lt3A_921 = vector.broadcast %select_n3A_6 : i32 to vector<16xi32>
        %lt3A_922 = arith.cmpi slt, %sub3A_917, %lt3A_921 : vector<16xi32>
        %and3A_923 = arith.andi %ge3A_920, %lt3A_922 : vector<16xi1>
        %convert_element_type3A_924 = arith.extui %and3A_923 : vector<16xi1> to vector<16xi32>
        %broadcast_in_dim3A_925 = arith.constant true
        %broadcast_in_dim3A_926 = vector.broadcast %broadcast_in_dim3A_925 : i1 to vector<16xi1>
        %masked_cumsum3A_927 = tpu.scan <sum>, %convert_element_type3A_924 masked %broadcast_in_dim3A_926 : vector<16xi32>, vector<16xi1> -> vector<16xi32>
        %add3A_928 = arith.addi %add3A_900, %masked_cumsum3A_927 : vector<16xi32>
        %sub3A_929 = arith.constant 1 : i32
        %sub3A_930 = vector.broadcast %sub3A_929 : i32 to vector<16xi32>
        %sub3A_931 = arith.subi %add3A_928, %sub3A_930 : vector<16xi32>
        %min3A_932 = arith.constant 12287 : i32
        %min3A_933 = vector.broadcast %min3A_932 : i32 to vector<16xi32>
        %min3A_934 = arith.minsi %sub3A_931, %min3A_933 : vector<16xi32>
        %shift_left3A_935 = arith.constant 14 : i32
        %shift_left3A_936 = vector.broadcast %shift_left3A_935 : i32 to vector<16xi32>
        %shift_left3A_937 = arith.shli %sub3A_917, %shift_left3A_936 : vector<16xi32>
        %or3A_938 = arith.ori %get3A_910, %shift_left3A_937 : vector<16xi32>
        tpu.vector_store_idx %arg12[%min3A_934], %or3A_938 masked %and3A_923 : memref<12416xi32, #tpu.memory_space<vmem>>[vector<16xi32>], vector<16xi32>, vector<16xi1>
        %all_reduce_population_count3A_939 = tpu.all_reduce %and3A_923 {dim = 0 : i64, kind = #tpu.reduction_kind<sum>} : vector<16xi1> -> vector<16xi32>
        %add3A_940 = arith.addi %add3A_900, %all_reduce_population_count3A_939 : vector<16xi32>
        %scan3A_941 = arith.constant 18 : i32
        %scan3A_942 = arith.addi %scan3A_227, %scan3A_941 : i32
        %mul3A_943 = arith.constant 1 : i32
        %mul3A_944 = arith.muli %scan3A_942, %mul3A_943 : i32
        %add3A_945 = arith.constant 0 : i32
        %add3A_946 = arith.addi %add3A_945, %mul3A_944 : i32
        %mul3A_947 = arith.constant 16 : i32
        %mul3A_948 = arith.muli %add3A_946, %mul3A_947 : i32
        %get3A_949 = arith.index_cast %mul3A_948 : i32 to index
        %get3A_950 = tpu.vector_load %arg10[%get3A_949] {strides = array<i32>} : memref<2000xi32, #tpu.memory_space<vmem>>, vector<16xi32>,
        %mul3A_951 = arith.constant 16 : i32
        %mul3A_952 = arith.muli %add3A_946, %mul3A_951 : i32
        %get3A_953 = arith.index_cast %mul3A_952 : i32 to index
        %get3A_954 = tpu.vector_load %arg11[%get3A_953] {strides = array<i32>} : memref<2000xi32, #tpu.memory_space<vmem>>, vector<16xi32>,
        %gather3A_955 = tpu.vector_load_idx %arg7[%get3A_954] : memref<10048xi32, #tpu.memory_space<vmem>>[vector<16xi32>], vector<16xi32>,
        %sub3A_956 = vector.broadcast %select_n3A : i32 to vector<16xi32>
        %sub3A_957 = arith.subi %gather3A_955, %sub3A_956 : vector<16xi32>
        %ge3A_958 = arith.constant 0 : i32
        %ge3A_959 = vector.broadcast %ge3A_958 : i32 to vector<16xi32>
        %ge3A_960 = arith.cmpi sge, %sub3A_957, %ge3A_959 : vector<16xi32>
        %lt3A_961 = vector.broadcast %select_n3A_6 : i32 to vector<16xi32>
        %lt3A_962 = arith.cmpi slt, %sub3A_957, %lt3A_961 : vector<16xi32>
        %and3A_963 = arith.andi %ge3A_960, %lt3A_962 : vector<16xi1>
        %convert_element_type3A_964 = arith.extui %and3A_963 : vector<16xi1> to vector<16xi32>
        %broadcast_in_dim3A_965 = arith.constant true
        %broadcast_in_dim3A_966 = vector.broadcast %broadcast_in_dim3A_965 : i1 to vector<16xi1>
        %masked_cumsum3A_967 = tpu.scan <sum>, %convert_element_type3A_964 masked %broadcast_in_dim3A_966 : vector<16xi32>, vector<16xi1> -> vector<16xi32>
        %add3A_968 = arith.addi %add3A_940, %masked_cumsum3A_967 : vector<16xi32>
        %sub3A_969 = arith.constant 1 : i32
        %sub3A_970 = vector.broadcast %sub3A_969 : i32 to vector<16xi32>
        %sub3A_971 = arith.subi %add3A_968, %sub3A_970 : vector<16xi32>
        %min3A_972 = arith.constant 12287 : i32
        %min3A_973 = vector.broadcast %min3A_972 : i32 to vector<16xi32>
        %min3A_974 = arith.minsi %sub3A_971, %min3A_973 : vector<16xi32>
        %shift_left3A_975 = arith.constant 14 : i32
        %shift_left3A_976 = vector.broadcast %shift_left3A_975 : i32 to vector<16xi32>
        %shift_left3A_977 = arith.shli %sub3A_957, %shift_left3A_976 : vector<16xi32>
        %or3A_978 = arith.ori %get3A_950, %shift_left3A_977 : vector<16xi32>
        tpu.vector_store_idx %arg12[%min3A_974], %or3A_978 masked %and3A_963 : memref<12416xi32, #tpu.memory_space<vmem>>[vector<16xi32>], vector<16xi32>, vector<16xi1>
        %all_reduce_population_count3A_979 = tpu.all_reduce %and3A_963 {dim = 0 : i64, kind = #tpu.reduction_kind<sum>} : vector<16xi1> -> vector<16xi32>
        %add3A_980 = arith.addi %add3A_940, %all_reduce_population_count3A_979 : vector<16xi32>
        %scan3A_981 = arith.constant 19 : i32
        %scan3A_982 = arith.addi %scan3A_227, %scan3A_981 : i32
        %mul3A_983 = arith.constant 1 : i32
        %mul3A_984 = arith.muli %scan3A_982, %mul3A_983 : i32
        %add3A_985 = arith.constant 0 : i32
        %add3A_986 = arith.addi %add3A_985, %mul3A_984 : i32
        %mul3A_987 = arith.constant 16 : i32
        %mul3A_988 = arith.muli %add3A_986, %mul3A_987 : i32
        %get3A_989 = arith.index_cast %mul3A_988 : i32 to index
        %get3A_990 = tpu.vector_load %arg10[%get3A_989] {strides = array<i32>} : memref<2000xi32, #tpu.memory_space<vmem>>, vector<16xi32>,
        %mul3A_991 = arith.constant 16 : i32
        %mul3A_992 = arith.muli %add3A_986, %mul3A_991 : i32
        %get3A_993 = arith.index_cast %mul3A_992 : i32 to index
        %get3A_994 = tpu.vector_load %arg11[%get3A_993] {strides = array<i32>} : memref<2000xi32, #tpu.memory_space<vmem>>, vector<16xi32>,
        %gather3A_995 = tpu.vector_load_idx %arg7[%get3A_994] : memref<10048xi32, #tpu.memory_space<vmem>>[vector<16xi32>], vector<16xi32>,
        %sub3A_996 = vector.broadcast %select_n3A : i32 to vector<16xi32>
        %sub3A_997 = arith.subi %gather3A_995, %sub3A_996 : vector<16xi32>
        %ge3A_998 = arith.constant 0 : i32
        %ge3A_999 = vector.broadcast %ge3A_998 : i32 to vector<16xi32>
        %ge3A_1000 = arith.cmpi sge, %sub3A_997, %ge3A_999 : vector<16xi32>
        %lt3A_1001 = vector.broadcast %select_n3A_6 : i32 to vector<16xi32>
        %lt3A_1002 = arith.cmpi slt, %sub3A_997, %lt3A_1001 : vector<16xi32>
        %and3A_1003 = arith.andi %ge3A_1000, %lt3A_1002 : vector<16xi1>
        %convert_element_type3A_1004 = arith.extui %and3A_1003 : vector<16xi1> to vector<16xi32>
        %broadcast_in_dim3A_1005 = arith.constant true
        %broadcast_in_dim3A_1006 = vector.broadcast %broadcast_in_dim3A_1005 : i1 to vector<16xi1>
        %masked_cumsum3A_1007 = tpu.scan <sum>, %convert_element_type3A_1004 masked %broadcast_in_dim3A_1006 : vector<16xi32>, vector<16xi1> -> vector<16xi32>
        %add3A_1008 = arith.addi %add3A_980, %masked_cumsum3A_1007 : vector<16xi32>
        %sub3A_1009 = arith.constant 1 : i32
        %sub3A_1010 = vector.broadcast %sub3A_1009 : i32 to vector<16xi32>
        %sub3A_1011 = arith.subi %add3A_1008, %sub3A_1010 : vector<16xi32>
        %min3A_1012 = arith.constant 12287 : i32
        %min3A_1013 = vector.broadcast %min3A_1012 : i32 to vector<16xi32>
        %min3A_1014 = arith.minsi %sub3A_1011, %min3A_1013 : vector<16xi32>
        %shift_left3A_1015 = arith.constant 14 : i32
        %shift_left3A_1016 = vector.broadcast %shift_left3A_1015 : i32 to vector<16xi32>
        %shift_left3A_1017 = arith.shli %sub3A_997, %shift_left3A_1016 : vector<16xi32>
        %or3A_1018 = arith.ori %get3A_990, %shift_left3A_1017 : vector<16xi32>
        tpu.vector_store_idx %arg12[%min3A_1014], %or3A_1018 masked %and3A_1003 : memref<12416xi32, #tpu.memory_space<vmem>>[vector<16xi32>], vector<16xi32>, vector<16xi1>
        %all_reduce_population_count3A_1019 = tpu.all_reduce %and3A_1003 {dim = 0 : i64, kind = #tpu.reduction_kind<sum>} : vector<16xi1> -> vector<16xi32>
        %add3A_1020 = arith.addi %add3A_980, %all_reduce_population_count3A_1019 : vector<16xi32>
        %scan3A_1021 = arith.constant 20 : i32
        %scan3A_1022 = arith.addi %scan3A_227, %scan3A_1021 : i32
        %mul3A_1023 = arith.constant 1 : i32
        %mul3A_1024 = arith.muli %scan3A_1022, %mul3A_1023 : i32
        %add3A_1025 = arith.constant 0 : i32
        %add3A_1026 = arith.addi %add3A_1025, %mul3A_1024 : i32
        %mul3A_1027 = arith.constant 16 : i32
        %mul3A_1028 = arith.muli %add3A_1026, %mul3A_1027 : i32
        %get3A_1029 = arith.index_cast %mul3A_1028 : i32 to index
        %get3A_1030 = tpu.vector_load %arg10[%get3A_1029] {strides = array<i32>} : memref<2000xi32, #tpu.memory_space<vmem>>, vector<16xi32>,
        %mul3A_1031 = arith.constant 16 : i32
        %mul3A_1032 = arith.muli %add3A_1026, %mul3A_1031 : i32
        %get3A_1033 = arith.index_cast %mul3A_1032 : i32 to index
        %get3A_1034 = tpu.vector_load %arg11[%get3A_1033] {strides = array<i32>} : memref<2000xi32, #tpu.memory_space<vmem>>, vector<16xi32>,
        %gather3A_1035 = tpu.vector_load_idx %arg7[%get3A_1034] : memref<10048xi32, #tpu.memory_space<vmem>>[vector<16xi32>], vector<16xi32>,
        %sub3A_1036 = vector.broadcast %select_n3A : i32 to vector<16xi32>
        %sub3A_1037 = arith.subi %gather3A_1035, %sub3A_1036 : vector<16xi32>
        %ge3A_1038 = arith.constant 0 : i32
        %ge3A_1039 = vector.broadcast %ge3A_1038 : i32 to vector<16xi32>
        %ge3A_1040 = arith.cmpi sge, %sub3A_1037, %ge3A_1039 : vector<16xi32>
        %lt3A_1041 = vector.broadcast %select_n3A_6 : i32 to vector<16xi32>
        %lt3A_1042 = arith.cmpi slt, %sub3A_1037, %lt3A_1041 : vector<16xi32>
        %and3A_1043 = arith.andi %ge3A_1040, %lt3A_1042 : vector<16xi1>
        %convert_element_type3A_1044 = arith.extui %and3A_1043 : vector<16xi1> to vector<16xi32>
        %broadcast_in_dim3A_1045 = arith.constant true
        %broadcast_in_dim3A_1046 = vector.broadcast %broadcast_in_dim3A_1045 : i1 to vector<16xi1>
        %masked_cumsum3A_1047 = tpu.scan <sum>, %convert_element_type3A_1044 masked %broadcast_in_dim3A_1046 : vector<16xi32>, vector<16xi1> -> vector<16xi32>
        %add3A_1048 = arith.addi %add3A_1020, %masked_cumsum3A_1047 : vector<16xi32>
        %sub3A_1049 = arith.constant 1 : i32
        %sub3A_1050 = vector.broadcast %sub3A_1049 : i32 to vector<16xi32>
        %sub3A_1051 = arith.subi %add3A_1048, %sub3A_1050 : vector<16xi32>
        %min3A_1052 = arith.constant 12287 : i32
        %min3A_1053 = vector.broadcast %min3A_1052 : i32 to vector<16xi32>
        %min3A_1054 = arith.minsi %sub3A_1051, %min3A_1053 : vector<16xi32>
        %shift_left3A_1055 = arith.constant 14 : i32
        %shift_left3A_1056 = vector.broadcast %shift_left3A_1055 : i32 to vector<16xi32>
        %shift_left3A_1057 = arith.shli %sub3A_1037, %shift_left3A_1056 : vector<16xi32>
        %or3A_1058 = arith.ori %get3A_1030, %shift_left3A_1057 : vector<16xi32>
        tpu.vector_store_idx %arg12[%min3A_1054], %or3A_1058 masked %and3A_1043 : memref<12416xi32, #tpu.memory_space<vmem>>[vector<16xi32>], vector<16xi32>, vector<16xi1>
        %all_reduce_population_count3A_1059 = tpu.all_reduce %and3A_1043 {dim = 0 : i64, kind = #tpu.reduction_kind<sum>} : vector<16xi1> -> vector<16xi32>
        %add3A_1060 = arith.addi %add3A_1020, %all_reduce_population_count3A_1059 : vector<16xi32>
        %scan3A_1061 = arith.constant 21 : i32
        %scan3A_1062 = arith.addi %scan3A_227, %scan3A_1061 : i32
        %mul3A_1063 = arith.constant 1 : i32
        %mul3A_1064 = arith.muli %scan3A_1062, %mul3A_1063 : i32
        %add3A_1065 = arith.constant 0 : i32
        %add3A_1066 = arith.addi %add3A_1065, %mul3A_1064 : i32
        %mul3A_1067 = arith.constant 16 : i32
        %mul3A_1068 = arith.muli %add3A_1066, %mul3A_1067 : i32
        %get3A_1069 = arith.index_cast %mul3A_1068 : i32 to index
        %get3A_1070 = tpu.vector_load %arg10[%get3A_1069] {strides = array<i32>} : memref<2000xi32, #tpu.memory_space<vmem>>, vector<16xi32>,
        %mul3A_1071 = arith.constant 16 : i32
        %mul3A_1072 = arith.muli %add3A_1066, %mul3A_1071 : i32
        %get3A_1073 = arith.index_cast %mul3A_1072 : i32 to index
        %get3A_1074 = tpu.vector_load %arg11[%get3A_1073] {strides = array<i32>} : memref<2000xi32, #tpu.memory_space<vmem>>, vector<16xi32>,
        %gather3A_1075 = tpu.vector_load_idx %arg7[%get3A_1074] : memref<10048xi32, #tpu.memory_space<vmem>>[vector<16xi32>], vector<16xi32>,
        %sub3A_1076 = vector.broadcast %select_n3A : i32 to vector<16xi32>
        %sub3A_1077 = arith.subi %gather3A_1075, %sub3A_1076 : vector<16xi32>
        %ge3A_1078 = arith.constant 0 : i32
        %ge3A_1079 = vector.broadcast %ge3A_1078 : i32 to vector<16xi32>
        %ge3A_1080 = arith.cmpi sge, %sub3A_1077, %ge3A_1079 : vector<16xi32>
        %lt3A_1081 = vector.broadcast %select_n3A_6 : i32 to vector<16xi32>
        %lt3A_1082 = arith.cmpi slt, %sub3A_1077, %lt3A_1081 : vector<16xi32>
        %and3A_1083 = arith.andi %ge3A_1080, %lt3A_1082 : vector<16xi1>
        %convert_element_type3A_1084 = arith.extui %and3A_1083 : vector<16xi1> to vector<16xi32>
        %broadcast_in_dim3A_1085 = arith.constant true
        %broadcast_in_dim3A_1086 = vector.broadcast %broadcast_in_dim3A_1085 : i1 to vector<16xi1>
        %masked_cumsum3A_1087 = tpu.scan <sum>, %convert_element_type3A_1084 masked %broadcast_in_dim3A_1086 : vector<16xi32>, vector<16xi1> -> vector<16xi32>
        %add3A_1088 = arith.addi %add3A_1060, %masked_cumsum3A_1087 : vector<16xi32>
        %sub3A_1089 = arith.constant 1 : i32
        %sub3A_1090 = vector.broadcast %sub3A_1089 : i32 to vector<16xi32>
        %sub3A_1091 = arith.subi %add3A_1088, %sub3A_1090 : vector<16xi32>
        %min3A_1092 = arith.constant 12287 : i32
        %min3A_1093 = vector.broadcast %min3A_1092 : i32 to vector<16xi32>
        %min3A_1094 = arith.minsi %sub3A_1091, %min3A_1093 : vector<16xi32>
        %shift_left3A_1095 = arith.constant 14 : i32
        %shift_left3A_1096 = vector.broadcast %shift_left3A_1095 : i32 to vector<16xi32>
        %shift_left3A_1097 = arith.shli %sub3A_1077, %shift_left3A_1096 : vector<16xi32>
        %or3A_1098 = arith.ori %get3A_1070, %shift_left3A_1097 : vector<16xi32>
        tpu.vector_store_idx %arg12[%min3A_1094], %or3A_1098 masked %and3A_1083 : memref<12416xi32, #tpu.memory_space<vmem>>[vector<16xi32>], vector<16xi32>, vector<16xi1>
        %all_reduce_population_count3A_1099 = tpu.all_reduce %and3A_1083 {dim = 0 : i64, kind = #tpu.reduction_kind<sum>} : vector<16xi1> -> vector<16xi32>
        %add3A_1100 = arith.addi %add3A_1060, %all_reduce_population_count3A_1099 : vector<16xi32>
        %scan3A_1101 = arith.constant 22 : i32
        %scan3A_1102 = arith.addi %scan3A_227, %scan3A_1101 : i32
        %mul3A_1103 = arith.constant 1 : i32
        %mul3A_1104 = arith.muli %scan3A_1102, %mul3A_1103 : i32
        %add3A_1105 = arith.constant 0 : i32
        %add3A_1106 = arith.addi %add3A_1105, %mul3A_1104 : i32
        %mul3A_1107 = arith.constant 16 : i32
        %mul3A_1108 = arith.muli %add3A_1106, %mul3A_1107 : i32
        %get3A_1109 = arith.index_cast %mul3A_1108 : i32 to index
        %get3A_1110 = tpu.vector_load %arg10[%get3A_1109] {strides = array<i32>} : memref<2000xi32, #tpu.memory_space<vmem>>, vector<16xi32>,
        %mul3A_1111 = arith.constant 16 : i32
        %mul3A_1112 = arith.muli %add3A_1106, %mul3A_1111 : i32
        %get3A_1113 = arith.index_cast %mul3A_1112 : i32 to index
        %get3A_1114 = tpu.vector_load %arg11[%get3A_1113] {strides = array<i32>} : memref<2000xi32, #tpu.memory_space<vmem>>, vector<16xi32>,
        %gather3A_1115 = tpu.vector_load_idx %arg7[%get3A_1114] : memref<10048xi32, #tpu.memory_space<vmem>>[vector<16xi32>], vector<16xi32>,
        %sub3A_1116 = vector.broadcast %select_n3A : i32 to vector<16xi32>
        %sub3A_1117 = arith.subi %gather3A_1115, %sub3A_1116 : vector<16xi32>
        %ge3A_1118 = arith.constant 0 : i32
        %ge3A_1119 = vector.broadcast %ge3A_1118 : i32 to vector<16xi32>
        %ge3A_1120 = arith.cmpi sge, %sub3A_1117, %ge3A_1119 : vector<16xi32>
        %lt3A_1121 = vector.broadcast %select_n3A_6 : i32 to vector<16xi32>
        %lt3A_1122 = arith.cmpi slt, %sub3A_1117, %lt3A_1121 : vector<16xi32>
        %and3A_1123 = arith.andi %ge3A_1120, %lt3A_1122 : vector<16xi1>
        %convert_element_type3A_1124 = arith.extui %and3A_1123 : vector<16xi1> to vector<16xi32>
        %broadcast_in_dim3A_1125 = arith.constant true
        %broadcast_in_dim3A_1126 = vector.broadcast %broadcast_in_dim3A_1125 : i1 to vector<16xi1>
        %masked_cumsum3A_1127 = tpu.scan <sum>, %convert_element_type3A_1124 masked %broadcast_in_dim3A_1126 : vector<16xi32>, vector<16xi1> -> vector<16xi32>
        %add3A_1128 = arith.addi %add3A_1100, %masked_cumsum3A_1127 : vector<16xi32>
        %sub3A_1129 = arith.constant 1 : i32
        %sub3A_1130 = vector.broadcast %sub3A_1129 : i32 to vector<16xi32>
        %sub3A_1131 = arith.subi %add3A_1128, %sub3A_1130 : vector<16xi32>
        %min3A_1132 = arith.constant 12287 : i32
        %min3A_1133 = vector.broadcast %min3A_1132 : i32 to vector<16xi32>
        %min3A_1134 = arith.minsi %sub3A_1131, %min3A_1133 : vector<16xi32>
        %shift_left3A_1135 = arith.constant 14 : i32
        %shift_left3A_1136 = vector.broadcast %shift_left3A_1135 : i32 to vector<16xi32>
        %shift_left3A_1137 = arith.shli %sub3A_1117, %shift_left3A_1136 : vector<16xi32>
        %or3A_1138 = arith.ori %get3A_1110, %shift_left3A_1137 : vector<16xi32>
        tpu.vector_store_idx %arg12[%min3A_1134], %or3A_1138 masked %and3A_1123 : memref<12416xi32, #tpu.memory_space<vmem>>[vector<16xi32>], vector<16xi32>, vector<16xi1>
        %all_reduce_population_count3A_1139 = tpu.all_reduce %and3A_1123 {dim = 0 : i64, kind = #tpu.reduction_kind<sum>} : vector<16xi1> -> vector<16xi32>
        %add3A_1140 = arith.addi %add3A_1100, %all_reduce_population_count3A_1139 : vector<16xi32>
        %scan3A_1141 = arith.constant 23 : i32
        %scan3A_1142 = arith.addi %scan3A_227, %scan3A_1141 : i32
        %mul3A_1143 = arith.constant 1 : i32
        %mul3A_1144 = arith.muli %scan3A_1142, %mul3A_1143 : i32
        %add3A_1145 = arith.constant 0 : i32
        %add3A_1146 = arith.addi %add3A_1145, %mul3A_1144 : i32
        %mul3A_1147 = arith.constant 16 : i32
        %mul3A_1148 = arith.muli %add3A_1146, %mul3A_1147 : i32
        %get3A_1149 = arith.index_cast %mul3A_1148 : i32 to index
        %get3A_1150 = tpu.vector_load %arg10[%get3A_1149] {strides = array<i32>} : memref<2000xi32, #tpu.memory_space<vmem>>, vector<16xi32>,
        %mul3A_1151 = arith.constant 16 : i32
        %mul3A_1152 = arith.muli %add3A_1146, %mul3A_1151 : i32
        %get3A_1153 = arith.index_cast %mul3A_1152 : i32 to index
        %get3A_1154 = tpu.vector_load %arg11[%get3A_1153] {strides = array<i32>} : memref<2000xi32, #tpu.memory_space<vmem>>, vector<16xi32>,
        %gather3A_1155 = tpu.vector_load_idx %arg7[%get3A_1154] : memref<10048xi32, #tpu.memory_space<vmem>>[vector<16xi32>], vector<16xi32>,
        %sub3A_1156 = vector.broadcast %select_n3A : i32 to vector<16xi32>
        %sub3A_1157 = arith.subi %gather3A_1155, %sub3A_1156 : vector<16xi32>
        %ge3A_1158 = arith.constant 0 : i32
        %ge3A_1159 = vector.broadcast %ge3A_1158 : i32 to vector<16xi32>
        %ge3A_1160 = arith.cmpi sge, %sub3A_1157, %ge3A_1159 : vector<16xi32>
        %lt3A_1161 = vector.broadcast %select_n3A_6 : i32 to vector<16xi32>
        %lt3A_1162 = arith.cmpi slt, %sub3A_1157, %lt3A_1161 : vector<16xi32>
        %and3A_1163 = arith.andi %ge3A_1160, %lt3A_1162 : vector<16xi1>
        %convert_element_type3A_1164 = arith.extui %and3A_1163 : vector<16xi1> to vector<16xi32>
        %broadcast_in_dim3A_1165 = arith.constant true
        %broadcast_in_dim3A_1166 = vector.broadcast %broadcast_in_dim3A_1165 : i1 to vector<16xi1>
        %masked_cumsum3A_1167 = tpu.scan <sum>, %convert_element_type3A_1164 masked %broadcast_in_dim3A_1166 : vector<16xi32>, vector<16xi1> -> vector<16xi32>
        %add3A_1168 = arith.addi %add3A_1140, %masked_cumsum3A_1167 : vector<16xi32>
        %sub3A_1169 = arith.constant 1 : i32
        %sub3A_1170 = vector.broadcast %sub3A_1169 : i32 to vector<16xi32>
        %sub3A_1171 = arith.subi %add3A_1168, %sub3A_1170 : vector<16xi32>
        %min3A_1172 = arith.constant 12287 : i32
        %min3A_1173 = vector.broadcast %min3A_1172 : i32 to vector<16xi32>
        %min3A_1174 = arith.minsi %sub3A_1171, %min3A_1173 : vector<16xi32>
        %shift_left3A_1175 = arith.constant 14 : i32
        %shift_left3A_1176 = vector.broadcast %shift_left3A_1175 : i32 to vector<16xi32>
        %shift_left3A_1177 = arith.shli %sub3A_1157, %shift_left3A_1176 : vector<16xi32>
        %or3A_1178 = arith.ori %get3A_1150, %shift_left3A_1177 : vector<16xi32>
        tpu.vector_store_idx %arg12[%min3A_1174], %or3A_1178 masked %and3A_1163 : memref<12416xi32, #tpu.memory_space<vmem>>[vector<16xi32>], vector<16xi32>, vector<16xi1>
        %all_reduce_population_count3A_1179 = tpu.all_reduce %and3A_1163 {dim = 0 : i64, kind = #tpu.reduction_kind<sum>} : vector<16xi1> -> vector<16xi32>
        %add3A_1180 = arith.addi %add3A_1140, %all_reduce_population_count3A_1179 : vector<16xi32>
        %scan3A_1181 = arith.constant 24 : i32
        %scan3A_1182 = arith.addi %scan3A_227, %scan3A_1181 : i32
        %mul3A_1183 = arith.constant 1 : i32
        %mul3A_1184 = arith.muli %scan3A_1182, %mul3A_1183 : i32
        %add3A_1185 = arith.constant 0 : i32
        %add3A_1186 = arith.addi %add3A_1185, %mul3A_1184 : i32
        %mul3A_1187 = arith.constant 16 : i32
        %mul3A_1188 = arith.muli %add3A_1186, %mul3A_1187 : i32
        %get3A_1189 = arith.index_cast %mul3A_1188 : i32 to index
        %get3A_1190 = tpu.vector_load %arg10[%get3A_1189] {strides = array<i32>} : memref<2000xi32, #tpu.memory_space<vmem>>, vector<16xi32>,
        %mul3A_1191 = arith.constant 16 : i32
        %mul3A_1192 = arith.muli %add3A_1186, %mul3A_1191 : i32
        %get3A_1193 = arith.index_cast %mul3A_1192 : i32 to index
        %get3A_1194 = tpu.vector_load %arg11[%get3A_1193] {strides = array<i32>} : memref<2000xi32, #tpu.memory_space<vmem>>, vector<16xi32>,
        %gather3A_1195 = tpu.vector_load_idx %arg7[%get3A_1194] : memref<10048xi32, #tpu.memory_space<vmem>>[vector<16xi32>], vector<16xi32>,
        %sub3A_1196 = vector.broadcast %select_n3A : i32 to vector<16xi32>
        %sub3A_1197 = arith.subi %gather3A_1195, %sub3A_1196 : vector<16xi32>
        %ge3A_1198 = arith.constant 0 : i32
        %ge3A_1199 = vector.broadcast %ge3A_1198 : i32 to vector<16xi32>
        %ge3A_1200 = arith.cmpi sge, %sub3A_1197, %ge3A_1199 : vector<16xi32>
        %lt3A_1201 = vector.broadcast %select_n3A_6 : i32 to vector<16xi32>
        %lt3A_1202 = arith.cmpi slt, %sub3A_1197, %lt3A_1201 : vector<16xi32>
        %and3A_1203 = arith.andi %ge3A_1200, %lt3A_1202 : vector<16xi1>
        %convert_element_type3A_1204 = arith.extui %and3A_1203 : vector<16xi1> to vector<16xi32>
        %broadcast_in_dim3A_1205 = arith.constant true
        %broadcast_in_dim3A_1206 = vector.broadcast %broadcast_in_dim3A_1205 : i1 to vector<16xi1>
        %masked_cumsum3A_1207 = tpu.scan <sum>, %convert_element_type3A_1204 masked %broadcast_in_dim3A_1206 : vector<16xi32>, vector<16xi1> -> vector<16xi32>
        %add3A_1208 = arith.addi %add3A_1180, %masked_cumsum3A_1207 : vector<16xi32>
        %sub3A_1209 = arith.constant 1 : i32
        %sub3A_1210 = vector.broadcast %sub3A_1209 : i32 to vector<16xi32>
        %sub3A_1211 = arith.subi %add3A_1208, %sub3A_1210 : vector<16xi32>
        %min3A_1212 = arith.constant 12287 : i32
        %min3A_1213 = vector.broadcast %min3A_1212 : i32 to vector<16xi32>
        %min3A_1214 = arith.minsi %sub3A_1211, %min3A_1213 : vector<16xi32>
        %shift_left3A_1215 = arith.constant 14 : i32
        %shift_left3A_1216 = vector.broadcast %shift_left3A_1215 : i32 to vector<16xi32>
        %shift_left3A_1217 = arith.shli %sub3A_1197, %shift_left3A_1216 : vector<16xi32>
        %or3A_1218 = arith.ori %get3A_1190, %shift_left3A_1217 : vector<16xi32>
        tpu.vector_store_idx %arg12[%min3A_1214], %or3A_1218 masked %and3A_1203 : memref<12416xi32, #tpu.memory_space<vmem>>[vector<16xi32>], vector<16xi32>, vector<16xi1>
        %all_reduce_population_count3A_1219 = tpu.all_reduce %and3A_1203 {dim = 0 : i64, kind = #tpu.reduction_kind<sum>} : vector<16xi1> -> vector<16xi32>
        %add3A_1220 = arith.addi %add3A_1180, %all_reduce_population_count3A_1219 : vector<16xi32>
        scf.yield %add3A_1220 : vector<16xi32>
      }
      %scan3A_226 = arith.constant 125 : i32
      scf.yield %scan3A_225 : vector<16xi32>
    }
    %scan3A_46 = arith.constant 5 : i32
    %reduce_max3A = arith.constant true
    %reduce_max3A_47 = vector.broadcast %reduce_max3A : i1 to vector<16xi1>
    %reduce_max3A_48 = arith.constant -2147483648 : i32
    %reduce_max3A_49 = vector.broadcast %reduce_max3A_48 : i32 to vector<16xi32>
    %reduce_max3A_50 = arith.xori %scan3A_45, %reduce_max3A_49 : vector<16xi32>
    %reduce_max3A_51 = tpu.scan <max>, %reduce_max3A_50 masked %reduce_max3A_47 : vector<16xi32>, vector<16xi1> -> vector<16xi32>
    %reduce_max3A_52 = arith.xori %reduce_max3A_51, %reduce_max3A_49 : vector<16xi32>
    %reduce_max3A_53 = vector.extract %reduce_max3A_52[15] : i32 from vector<16xi32>
    %min3A = arith.constant 12288 : i32
    %min3A_54 = arith.minsi %reduce_max3A_53, %min3A : i32
    "tpu.trace_stop"() : () -> ()
    %shift_left3A = arith.constant 14 : i32
    %shift_left3A_55 = arith.shli %select_n3A_6, %shift_left3A : i32
    %broadcast_in_dim3A_56 = vector.broadcast %shift_left3A_55 : i32 to vector<16xi32>
    %add3A_57 = arith.constant 0 : i32
    %add3A_58 = arith.addi %min3A_54, %add3A_57 : i32
    %add3A_59 = vector.broadcast %add3A_58 : i32 to vector<16xi32>
    %add3A_60 = arith.addi %add3A_59, %iota3A : vector<16xi32>
    tpu.vector_store_idx %arg12[%add3A_60], %broadcast_in_dim3A_56 : memref<12416xi32, #tpu.memory_space<vmem>>[vector<16xi32>], vector<16xi32>,
    %add3A_61 = arith.constant 16 : i32
    %add3A_62 = arith.addi %min3A_54, %add3A_61 : i32
    %add3A_63 = vector.broadcast %add3A_62 : i32 to vector<16xi32>
    %add3A_64 = arith.addi %add3A_63, %iota3A : vector<16xi32>
    tpu.vector_store_idx %arg12[%add3A_64], %broadcast_in_dim3A_56 : memref<12416xi32, #tpu.memory_space<vmem>>[vector<16xi32>], vector<16xi32>,
    %add3A_65 = arith.constant 32 : i32
    %add3A_66 = arith.addi %min3A_54, %add3A_65 : i32
    %add3A_67 = vector.broadcast %add3A_66 : i32 to vector<16xi32>
    %add3A_68 = arith.addi %add3A_67, %iota3A : vector<16xi32>
    tpu.vector_store_idx %arg12[%add3A_68], %broadcast_in_dim3A_56 : memref<12416xi32, #tpu.memory_space<vmem>>[vector<16xi32>], vector<16xi32>,
    %add3A_69 = arith.constant 48 : i32
    %add3A_70 = arith.addi %min3A_54, %add3A_69 : i32
    %add3A_71 = vector.broadcast %add3A_70 : i32 to vector<16xi32>
    %add3A_72 = arith.addi %add3A_71, %iota3A : vector<16xi32>
    tpu.vector_store_idx %arg12[%add3A_72], %broadcast_in_dim3A_56 : memref<12416xi32, #tpu.memory_space<vmem>>[vector<16xi32>], vector<16xi32>,
    %add3A_73 = arith.constant 64 : i32
    %add3A_74 = arith.addi %min3A_54, %add3A_73 : i32
    %add3A_75 = vector.broadcast %add3A_74 : i32 to vector<16xi32>
    %add3A_76 = arith.addi %add3A_75, %iota3A : vector<16xi32>
    tpu.vector_store_idx %arg12[%add3A_76], %broadcast_in_dim3A_56 : memref<12416xi32, #tpu.memory_space<vmem>>[vector<16xi32>], vector<16xi32>,
    %add3A_77 = arith.constant 80 : i32
    %add3A_78 = arith.addi %min3A_54, %add3A_77 : i32
    %add3A_79 = vector.broadcast %add3A_78 : i32 to vector<16xi32>
    %add3A_80 = arith.addi %add3A_79, %iota3A : vector<16xi32>
    tpu.vector_store_idx %arg12[%add3A_80], %broadcast_in_dim3A_56 : memref<12416xi32, #tpu.memory_space<vmem>>[vector<16xi32>], vector<16xi32>,
    %add3A_81 = arith.constant 96 : i32
    %add3A_82 = arith.addi %min3A_54, %add3A_81 : i32
    %add3A_83 = vector.broadcast %add3A_82 : i32 to vector<16xi32>
    %add3A_84 = arith.addi %add3A_83, %iota3A : vector<16xi32>
    tpu.vector_store_idx %arg12[%add3A_84], %broadcast_in_dim3A_56 : memref<12416xi32, #tpu.memory_space<vmem>>[vector<16xi32>], vector<16xi32>,
    %add3A_85 = arith.constant 112 : i32
    %add3A_86 = arith.addi %min3A_54, %add3A_85 : i32
    %add3A_87 = vector.broadcast %add3A_86 : i32 to vector<16xi32>
    %add3A_88 = arith.addi %add3A_87, %iota3A : vector<16xi32>
    tpu.vector_store_idx %arg12[%add3A_88], %broadcast_in_dim3A_56 : memref<12416xi32, #tpu.memory_space<vmem>>[vector<16xi32>], vector<16xi32>,
    %add3A_89 = arith.constant 128 : i32
    %add3A_90 = arith.addi %min3A_54, %add3A_89 : i32
    %sub3A = arith.constant 1 : i32
    %sub3A_91 = arith.subi %add3A_90, %sub3A : i32
    %jit3A_92 = arith.constant 128 : i32
    %div3A = arith.divsi %sub3A_91, %jit3A_92 : i32
    %sign3A = arith.constant 0 : i32
    %sign3A_93 = arith.cmpi sgt, %sub3A_91, %sign3A : i32
    %sign3A_94 = arith.extui %sign3A_93 : i1 to i32
    %sign3A_95 = arith.constant 0 : i32
    %sign3A_96 = arith.cmpi slt, %sub3A_91, %sign3A_95 : i32
    %sign3A_97 = arith.extui %sign3A_96 : i1 to i32
    %sign3A_98 = arith.subi %sign3A_94, %sign3A_97 : i32
    %sign3A_99 = arith.constant 0 : i32
    %sign3A_100 = arith.cmpi sgt, %jit3A_92, %sign3A_99 : i32
    %sign3A_101 = arith.extui %sign3A_100 : i1 to i32
    %sign3A_102 = arith.constant 0 : i32
    %sign3A_103 = arith.cmpi slt, %jit3A_92, %sign3A_102 : i32
    %sign3A_104 = arith.extui %sign3A_103 : i1 to i32
    %sign3A_105 = arith.subi %sign3A_101, %sign3A_104 : i32
    %ne3A = arith.cmpi ne, %sign3A_98, %sign3A_105 : i32
    %rem3A = arith.remsi %sub3A_91, %jit3A_92 : i32
    %ne3A_106 = arith.constant 0 : i32
    %ne3A_107 = arith.cmpi ne, %rem3A, %ne3A_106 : i32
    %and3A = arith.andi %ne3A, %ne3A_107 : i1
    %sub3A_108 = arith.constant 1 : i32
    %sub3A_109 = arith.subi %div3A, %sub3A_108 : i32
    %select_n3A_110 = arith.select %and3A, %sub3A_109, %div3A : i32
    %gt3A = arith.constant 0 : i32
    %gt3A_111 = arith.cmpi sgt, %select_n3A_110, %gt3A : i32
    %convert_element_type3A = arith.extui %gt3A_111 : i1 to i32
    %cond3A = arith.constant 0 : i32
    %cond3A_112 = arith.cmpi ne, %convert_element_type3A, %cond3A : i32
    scf.if %cond3A_112 {
      %get3A = arith.constant 0 : index
      %get3A_175 = tpu.vector_load %arg12[%get3A] {strides = array<i32>} : memref<12416xi32, #tpu.memory_space<vmem>>, vector<16xi32>,
      %and3A_176 = arith.constant 16383 : i32
      %and3A_177 = vector.broadcast %and3A_176 : i32 to vector<16xi32>
      %and3A_178 = arith.andi %get3A_175, %and3A_177 : vector<16xi32>
      %swap3A = arith.constant 0 : index
      %swap3A_179 = tpu.vector_load %arg13[%swap3A] {strides = array<i32>} : memref<128xi32, #tpu.memory_space<vmem>>, vector<16xi32>,
      tpu.vector_store %arg13[%swap3A], %and3A_178 {strides = array<i32>} : memref<128xi32, #tpu.memory_space<vmem>>, vector<16xi32>,
      %shift_right_logical3A = arith.constant 14 : i32
      %shift_right_logical3A_180 = vector.broadcast %shift_right_logical3A : i32 to vector<16xi32>
      %shift_right_logical3A_181 = arith.shrui %get3A_175, %shift_right_logical3A_180 : vector<16xi32>
      %swap3A_182 = arith.constant 0 : index
      %swap3A_183 = tpu.vector_load %arg14[%swap3A_182] {strides = array<i32>} : memref<128xi32, #tpu.memory_space<vmem>>, vector<16xi32>,
      tpu.vector_store %arg14[%swap3A_182], %shift_right_logical3A_181 {strides = array<i32>} : memref<128xi32, #tpu.memory_space<vmem>>, vector<16xi32>,
      %get3A_184 = arith.constant 16 : index
      %get3A_185 = tpu.vector_load %arg12[%get3A_184] {strides = array<i32>} : memref<12416xi32, #tpu.memory_space<vmem>>, vector<16xi32>,
      %and3A_186 = arith.constant 16383 : i32
      %and3A_187 = vector.broadcast %and3A_186 : i32 to vector<16xi32>
      %and3A_188 = arith.andi %get3A_185, %and3A_187 : vector<16xi32>
      %swap3A_189 = arith.constant 16 : index
      %swap3A_190 = tpu.vector_load %arg13[%swap3A_189] {strides = array<i32>} : memref<128xi32, #tpu.memory_space<vmem>>, vector<16xi32>,
      tpu.vector_store %arg13[%swap3A_189], %and3A_188 {strides = array<i32>} : memref<128xi32, #tpu.memory_space<vmem>>, vector<16xi32>,
      %shift_right_logical3A_191 = arith.constant 14 : i32
      %shift_right_logical3A_192 = vector.broadcast %shift_right_logical3A_191 : i32 to vector<16xi32>
      %shift_right_logical3A_193 = arith.shrui %get3A_185, %shift_right_logical3A_192 : vector<16xi32>
      %swap3A_194 = arith.constant 16 : index
      %swap3A_195 = tpu.vector_load %arg14[%swap3A_194] {strides = array<i32>} : memref<128xi32, #tpu.memory_space<vmem>>, vector<16xi32>,
      tpu.vector_store %arg14[%swap3A_194], %shift_right_logical3A_193 {strides = array<i32>} : memref<128xi32, #tpu.memory_space<vmem>>, vector<16xi32>,
      %get3A_196 = arith.constant 32 : index
      %get3A_197 = tpu.vector_load %arg12[%get3A_196] {strides = array<i32>} : memref<12416xi32, #tpu.memory_space<vmem>>, vector<16xi32>,
      %and3A_198 = arith.constant 16383 : i32
      %and3A_199 = vector.broadcast %and3A_198 : i32 to vector<16xi32>
      %and3A_200 = arith.andi %get3A_197, %and3A_199 : vector<16xi32>
      %swap3A_201 = arith.constant 32 : index
      %swap3A_202 = tpu.vector_load %arg13[%swap3A_201] {strides = array<i32>} : memref<128xi32, #tpu.memory_space<vmem>>, vector<16xi32>,
      tpu.vector_store %arg13[%swap3A_201], %and3A_200 {strides = array<i32>} : memref<128xi32, #tpu.memory_space<vmem>>, vector<16xi32>,
      %shift_right_logical3A_203 = arith.constant 14 : i32
      %shift_right_logical3A_204 = vector.broadcast %shift_right_logical3A_203 : i32 to vector<16xi32>
      %shift_right_logical3A_205 = arith.shrui %get3A_197, %shift_right_logical3A_204 : vector<16xi32>
      %swap3A_206 = arith.constant 32 : index
      %swap3A_207 = tpu.vector_load %arg14[%swap3A_206] {strides = array<i32>} : memref<128xi32, #tpu.memory_space<vmem>>, vector<16xi32>,
      tpu.vector_store %arg14[%swap3A_206], %shift_right_logical3A_205 {strides = array<i32>} : memref<128xi32, #tpu.memory_space<vmem>>, vector<16xi32>,
      %get3A_208 = arith.constant 48 : index
      %get3A_209 = tpu.vector_load %arg12[%get3A_208] {strides = array<i32>} : memref<12416xi32, #tpu.memory_space<vmem>>, vector<16xi32>,
      %and3A_210 = arith.constant 16383 : i32
      %and3A_211 = vector.broadcast %and3A_210 : i32 to vector<16xi32>
      %and3A_212 = arith.andi %get3A_209, %and3A_211 : vector<16xi32>
      %swap3A_213 = arith.constant 48 : index
      %swap3A_214 = tpu.vector_load %arg13[%swap3A_213] {strides = array<i32>} : memref<128xi32, #tpu.memory_space<vmem>>, vector<16xi32>,
      tpu.vector_store %arg13[%swap3A_213], %and3A_212 {strides = array<i32>} : memref<128xi32, #tpu.memory_space<vmem>>, vector<16xi32>,
      %shift_right_logical3A_215 = arith.constant 14 : i32
      %shift_right_logical3A_216 = vector.broadcast %shift_right_logical3A_215 : i32 to vector<16xi32>
      %shift_right_logical3A_217 = arith.shrui %get3A_209, %shift_right_logical3A_216 : vector<16xi32>
      %swap3A_218 = arith.constant 48 : index
      %swap3A_219 = tpu.vector_load %arg14[%swap3A_218] {strides = array<i32>} : memref<128xi32, #tpu.memory_space<vmem>>, vector<16xi32>,
      tpu.vector_store %arg14[%swap3A_218], %shift_right_logical3A_217 {strides = array<i32>} : memref<128xi32, #tpu.memory_space<vmem>>, vector<16xi32>,
      %get3A_220 = arith.constant 64 : index
      %get3A_221 = tpu.vector_load %arg12[%get3A_220] {strides = array<i32>} : memref<12416xi32, #tpu.memory_space<vmem>>, vector<16xi32>,
      %and3A_222 = arith.constant 16383 : i32
      %and3A_223 = vector.broadcast %and3A_222 : i32 to vector<16xi32>
      %and3A_224 = arith.andi %get3A_221, %and3A_223 : vector<16xi32>
      %swap3A_225 = arith.constant 64 : index
      %swap3A_226 = tpu.vector_load %arg13[%swap3A_225] {strides = array<i32>} : memref<128xi32, #tpu.memory_space<vmem>>, vector<16xi32>,
      tpu.vector_store %arg13[%swap3A_225], %and3A_224 {strides = array<i32>} : memref<128xi32, #tpu.memory_space<vmem>>, vector<16xi32>,
      %shift_right_logical3A_227 = arith.constant 14 : i32
      %shift_right_logical3A_228 = vector.broadcast %shift_right_logical3A_227 : i32 to vector<16xi32>
      %shift_right_logical3A_229 = arith.shrui %get3A_221, %shift_right_logical3A_228 : vector<16xi32>
      %swap3A_230 = arith.constant 64 : index
      %swap3A_231 = tpu.vector_load %arg14[%swap3A_230] {strides = array<i32>} : memref<128xi32, #tpu.memory_space<vmem>>, vector<16xi32>,
      tpu.vector_store %arg14[%swap3A_230], %shift_right_logical3A_229 {strides = array<i32>} : memref<128xi32, #tpu.memory_space<vmem>>, vector<16xi32>,
      %get3A_232 = arith.constant 80 : index
      %get3A_233 = tpu.vector_load %arg12[%get3A_232] {strides = array<i32>} : memref<12416xi32, #tpu.memory_space<vmem>>, vector<16xi32>,
      %and3A_234 = arith.constant 16383 : i32
      %and3A_235 = vector.broadcast %and3A_234 : i32 to vector<16xi32>
      %and3A_236 = arith.andi %get3A_233, %and3A_235 : vector<16xi32>
      %swap3A_237 = arith.constant 80 : index
      %swap3A_238 = tpu.vector_load %arg13[%swap3A_237] {strides = array<i32>} : memref<128xi32, #tpu.memory_space<vmem>>, vector<16xi32>,
      tpu.vector_store %arg13[%swap3A_237], %and3A_236 {strides = array<i32>} : memref<128xi32, #tpu.memory_space<vmem>>, vector<16xi32>,
      %shift_right_logical3A_239 = arith.constant 14 : i32
      %shift_right_logical3A_240 = vector.broadcast %shift_right_logical3A_239 : i32 to vector<16xi32>
      %shift_right_logical3A_241 = arith.shrui %get3A_233, %shift_right_logical3A_240 : vector<16xi32>
      %swap3A_242 = arith.constant 80 : index
      %swap3A_243 = tpu.vector_load %arg14[%swap3A_242] {strides = array<i32>} : memref<128xi32, #tpu.memory_space<vmem>>, vector<16xi32>,
      tpu.vector_store %arg14[%swap3A_242], %shift_right_logical3A_241 {strides = array<i32>} : memref<128xi32, #tpu.memory_space<vmem>>, vector<16xi32>,
      %get3A_244 = arith.constant 96 : index
      %get3A_245 = tpu.vector_load %arg12[%get3A_244] {strides = array<i32>} : memref<12416xi32, #tpu.memory_space<vmem>>, vector<16xi32>,
      %and3A_246 = arith.constant 16383 : i32
      %and3A_247 = vector.broadcast %and3A_246 : i32 to vector<16xi32>
      %and3A_248 = arith.andi %get3A_245, %and3A_247 : vector<16xi32>
      %swap3A_249 = arith.constant 96 : index
      %swap3A_250 = tpu.vector_load %arg13[%swap3A_249] {strides = array<i32>} : memref<128xi32, #tpu.memory_space<vmem>>, vector<16xi32>,
      tpu.vector_store %arg13[%swap3A_249], %and3A_248 {strides = array<i32>} : memref<128xi32, #tpu.memory_space<vmem>>, vector<16xi32>,
      %shift_right_logical3A_251 = arith.constant 14 : i32
      %shift_right_logical3A_252 = vector.broadcast %shift_right_logical3A_251 : i32 to vector<16xi32>
      %shift_right_logical3A_253 = arith.shrui %get3A_245, %shift_right_logical3A_252 : vector<16xi32>
      %swap3A_254 = arith.constant 96 : index
      %swap3A_255 = tpu.vector_load %arg14[%swap3A_254] {strides = array<i32>} : memref<128xi32, #tpu.memory_space<vmem>>, vector<16xi32>,
      tpu.vector_store %arg14[%swap3A_254], %shift_right_logical3A_253 {strides = array<i32>} : memref<128xi32, #tpu.memory_space<vmem>>, vector<16xi32>,
      %get3A_256 = arith.constant 112 : index
      %get3A_257 = tpu.vector_load %arg12[%get3A_256] {strides = array<i32>} : memref<12416xi32, #tpu.memory_space<vmem>>, vector<16xi32>,
      %and3A_258 = arith.constant 16383 : i32
      %and3A_259 = vector.broadcast %and3A_258 : i32 to vector<16xi32>
      %and3A_260 = arith.andi %get3A_257, %and3A_259 : vector<16xi32>
      %swap3A_261 = arith.constant 112 : index
      %swap3A_262 = tpu.vector_load %arg13[%swap3A_261] {strides = array<i32>} : memref<128xi32, #tpu.memory_space<vmem>>, vector<16xi32>,
      tpu.vector_store %arg13[%swap3A_261], %and3A_260 {strides = array<i32>} : memref<128xi32, #tpu.memory_space<vmem>>, vector<16xi32>,
      %shift_right_logical3A_263 = arith.constant 14 : i32
      %shift_right_logical3A_264 = vector.broadcast %shift_right_logical3A_263 : i32 to vector<16xi32>
      %shift_right_logical3A_265 = arith.shrui %get3A_257, %shift_right_logical3A_264 : vector<16xi32>
      %swap3A_266 = arith.constant 112 : index
      %swap3A_267 = tpu.vector_load %arg14[%swap3A_266] {strides = array<i32>} : memref<128xi32, #tpu.memory_space<vmem>>, vector<16xi32>,
      tpu.vector_store %arg14[%swap3A_266], %shift_right_logical3A_265 {strides = array<i32>} : memref<128xi32, #tpu.memory_space<vmem>>, vector<16xi32>,
      %dma_start3A_268 = arith.constant 0 : i32
      %dma_start3A_269 = arith.constant 0 : i32
      %dma_start3A_270 = tpu.memref_slice %arg2[%dma_start3A_268, %dma_start3A_269] : memref<10000x128xf32, #tpu.memory_space<hbm>> -> memref<10000x128xf32, #tpu.memory_space<hbm>>
      tpu.enqueue_indirect_dma source(%dma_start3A_270 : memref<10000x128xf32, #tpu.memory_space<hbm>>) target(%arg21 : memref<128x128xf32, #tpu.memory_space<vmem>>) offsets(%arg13 : memref<128xi32, #tpu.memory_space<vmem>>) semaphore(%arg26 : memref<!tpu.dma_semaphore, #tpu.memory_space<semaphore_mem>>)
    } else {
    }
    %gt3A_113 = arith.constant 1 : i32
    %gt3A_114 = arith.cmpi sgt, %select_n3A_110, %gt3A_113 : i32
    %convert_element_type3A_115 = arith.extui %gt3A_114 : i1 to i32
    %cond3A_116 = arith.constant 0 : i32
    %cond3A_117 = arith.cmpi ne, %convert_element_type3A_115, %cond3A_116 : i32
    scf.if %cond3A_117 {
      %get3A = arith.constant 128 : index
      %get3A_175 = tpu.vector_load %arg12[%get3A] {strides = array<i32>} : memref<12416xi32, #tpu.memory_space<vmem>>, vector<16xi32>,
      %and3A_176 = arith.constant 16383 : i32
      %and3A_177 = vector.broadcast %and3A_176 : i32 to vector<16xi32>
      %and3A_178 = arith.andi %get3A_175, %and3A_177 : vector<16xi32>
      %swap3A = arith.constant 0 : index
      %swap3A_179 = tpu.vector_load %arg15[%swap3A] {strides = array<i32>} : memref<128xi32, #tpu.memory_space<vmem>>, vector<16xi32>,
      tpu.vector_store %arg15[%swap3A], %and3A_178 {strides = array<i32>} : memref<128xi32, #tpu.memory_space<vmem>>, vector<16xi32>,
      %shift_right_logical3A = arith.constant 14 : i32
      %shift_right_logical3A_180 = vector.broadcast %shift_right_logical3A : i32 to vector<16xi32>
      %shift_right_logical3A_181 = arith.shrui %get3A_175, %shift_right_logical3A_180 : vector<16xi32>
      %swap3A_182 = arith.constant 0 : index
      %swap3A_183 = tpu.vector_load %arg16[%swap3A_182] {strides = array<i32>} : memref<128xi32, #tpu.memory_space<vmem>>, vector<16xi32>,
      tpu.vector_store %arg16[%swap3A_182], %shift_right_logical3A_181 {strides = array<i32>} : memref<128xi32, #tpu.memory_space<vmem>>, vector<16xi32>,
      %get3A_184 = arith.constant 144 : index
      %get3A_185 = tpu.vector_load %arg12[%get3A_184] {strides = array<i32>} : memref<12416xi32, #tpu.memory_space<vmem>>, vector<16xi32>,
      %and3A_186 = arith.constant 16383 : i32
      %and3A_187 = vector.broadcast %and3A_186 : i32 to vector<16xi32>
      %and3A_188 = arith.andi %get3A_185, %and3A_187 : vector<16xi32>
      %swap3A_189 = arith.constant 16 : index
      %swap3A_190 = tpu.vector_load %arg15[%swap3A_189] {strides = array<i32>} : memref<128xi32, #tpu.memory_space<vmem>>, vector<16xi32>,
      tpu.vector_store %arg15[%swap3A_189], %and3A_188 {strides = array<i32>} : memref<128xi32, #tpu.memory_space<vmem>>, vector<16xi32>,
      %shift_right_logical3A_191 = arith.constant 14 : i32
      %shift_right_logical3A_192 = vector.broadcast %shift_right_logical3A_191 : i32 to vector<16xi32>
      %shift_right_logical3A_193 = arith.shrui %get3A_185, %shift_right_logical3A_192 : vector<16xi32>
      %swap3A_194 = arith.constant 16 : index
      %swap3A_195 = tpu.vector_load %arg16[%swap3A_194] {strides = array<i32>} : memref<128xi32, #tpu.memory_space<vmem>>, vector<16xi32>,
      tpu.vector_store %arg16[%swap3A_194], %shift_right_logical3A_193 {strides = array<i32>} : memref<128xi32, #tpu.memory_space<vmem>>, vector<16xi32>,
      %get3A_196 = arith.constant 160 : index
      %get3A_197 = tpu.vector_load %arg12[%get3A_196] {strides = array<i32>} : memref<12416xi32, #tpu.memory_space<vmem>>, vector<16xi32>,
      %and3A_198 = arith.constant 16383 : i32
      %and3A_199 = vector.broadcast %and3A_198 : i32 to vector<16xi32>
      %and3A_200 = arith.andi %get3A_197, %and3A_199 : vector<16xi32>
      %swap3A_201 = arith.constant 32 : index
      %swap3A_202 = tpu.vector_load %arg15[%swap3A_201] {strides = array<i32>} : memref<128xi32, #tpu.memory_space<vmem>>, vector<16xi32>,
      tpu.vector_store %arg15[%swap3A_201], %and3A_200 {strides = array<i32>} : memref<128xi32, #tpu.memory_space<vmem>>, vector<16xi32>,
      %shift_right_logical3A_203 = arith.constant 14 : i32
      %shift_right_logical3A_204 = vector.broadcast %shift_right_logical3A_203 : i32 to vector<16xi32>
      %shift_right_logical3A_205 = arith.shrui %get3A_197, %shift_right_logical3A_204 : vector<16xi32>
      %swap3A_206 = arith.constant 32 : index
      %swap3A_207 = tpu.vector_load %arg16[%swap3A_206] {strides = array<i32>} : memref<128xi32, #tpu.memory_space<vmem>>, vector<16xi32>,
      tpu.vector_store %arg16[%swap3A_206], %shift_right_logical3A_205 {strides = array<i32>} : memref<128xi32, #tpu.memory_space<vmem>>, vector<16xi32>,
      %get3A_208 = arith.constant 176 : index
      %get3A_209 = tpu.vector_load %arg12[%get3A_208] {strides = array<i32>} : memref<12416xi32, #tpu.memory_space<vmem>>, vector<16xi32>,
      %and3A_210 = arith.constant 16383 : i32
      %and3A_211 = vector.broadcast %and3A_210 : i32 to vector<16xi32>
      %and3A_212 = arith.andi %get3A_209, %and3A_211 : vector<16xi32>
      %swap3A_213 = arith.constant 48 : index
      %swap3A_214 = tpu.vector_load %arg15[%swap3A_213] {strides = array<i32>} : memref<128xi32, #tpu.memory_space<vmem>>, vector<16xi32>,
      tpu.vector_store %arg15[%swap3A_213], %and3A_212 {strides = array<i32>} : memref<128xi32, #tpu.memory_space<vmem>>, vector<16xi32>,
      %shift_right_logical3A_215 = arith.constant 14 : i32
      %shift_right_logical3A_216 = vector.broadcast %shift_right_logical3A_215 : i32 to vector<16xi32>
      %shift_right_logical3A_217 = arith.shrui %get3A_209, %shift_right_logical3A_216 : vector<16xi32>
      %swap3A_218 = arith.constant 48 : index
      %swap3A_219 = tpu.vector_load %arg16[%swap3A_218] {strides = array<i32>} : memref<128xi32, #tpu.memory_space<vmem>>, vector<16xi32>,
      tpu.vector_store %arg16[%swap3A_218], %shift_right_logical3A_217 {strides = array<i32>} : memref<128xi32, #tpu.memory_space<vmem>>, vector<16xi32>,
      %get3A_220 = arith.constant 192 : index
      %get3A_221 = tpu.vector_load %arg12[%get3A_220] {strides = array<i32>} : memref<12416xi32, #tpu.memory_space<vmem>>, vector<16xi32>,
      %and3A_222 = arith.constant 16383 : i32
      %and3A_223 = vector.broadcast %and3A_222 : i32 to vector<16xi32>
      %and3A_224 = arith.andi %get3A_221, %and3A_223 : vector<16xi32>
      %swap3A_225 = arith.constant 64 : index
      %swap3A_226 = tpu.vector_load %arg15[%swap3A_225] {strides = array<i32>} : memref<128xi32, #tpu.memory_space<vmem>>, vector<16xi32>,
      tpu.vector_store %arg15[%swap3A_225], %and3A_224 {strides = array<i32>} : memref<128xi32, #tpu.memory_space<vmem>>, vector<16xi32>,
      %shift_right_logical3A_227 = arith.constant 14 : i32
      %shift_right_logical3A_228 = vector.broadcast %shift_right_logical3A_227 : i32 to vector<16xi32>
      %shift_right_logical3A_229 = arith.shrui %get3A_221, %shift_right_logical3A_228 : vector<16xi32>
      %swap3A_230 = arith.constant 64 : index
      %swap3A_231 = tpu.vector_load %arg16[%swap3A_230] {strides = array<i32>} : memref<128xi32, #tpu.memory_space<vmem>>, vector<16xi32>,
      tpu.vector_store %arg16[%swap3A_230], %shift_right_logical3A_229 {strides = array<i32>} : memref<128xi32, #tpu.memory_space<vmem>>, vector<16xi32>,
      %get3A_232 = arith.constant 208 : index
      %get3A_233 = tpu.vector_load %arg12[%get3A_232] {strides = array<i32>} : memref<12416xi32, #tpu.memory_space<vmem>>, vector<16xi32>,
      %and3A_234 = arith.constant 16383 : i32
      %and3A_235 = vector.broadcast %and3A_234 : i32 to vector<16xi32>
      %and3A_236 = arith.andi %get3A_233, %and3A_235 : vector<16xi32>
      %swap3A_237 = arith.constant 80 : index
      %swap3A_238 = tpu.vector_load %arg15[%swap3A_237] {strides = array<i32>} : memref<128xi32, #tpu.memory_space<vmem>>, vector<16xi32>,
      tpu.vector_store %arg15[%swap3A_237], %and3A_236 {strides = array<i32>} : memref<128xi32, #tpu.memory_space<vmem>>, vector<16xi32>,
      %shift_right_logical3A_239 = arith.constant 14 : i32
      %shift_right_logical3A_240 = vector.broadcast %shift_right_logical3A_239 : i32 to vector<16xi32>
      %shift_right_logical3A_241 = arith.shrui %get3A_233, %shift_right_logical3A_240 : vector<16xi32>
      %swap3A_242 = arith.constant 80 : index
      %swap3A_243 = tpu.vector_load %arg16[%swap3A_242] {strides = array<i32>} : memref<128xi32, #tpu.memory_space<vmem>>, vector<16xi32>,
      tpu.vector_store %arg16[%swap3A_242], %shift_right_logical3A_241 {strides = array<i32>} : memref<128xi32, #tpu.memory_space<vmem>>, vector<16xi32>,
      %get3A_244 = arith.constant 224 : index
      %get3A_245 = tpu.vector_load %arg12[%get3A_244] {strides = array<i32>} : memref<12416xi32, #tpu.memory_space<vmem>>, vector<16xi32>,
      %and3A_246 = arith.constant 16383 : i32
      %and3A_247 = vector.broadcast %and3A_246 : i32 to vector<16xi32>
      %and3A_248 = arith.andi %get3A_245, %and3A_247 : vector<16xi32>
      %swap3A_249 = arith.constant 96 : index
      %swap3A_250 = tpu.vector_load %arg15[%swap3A_249] {strides = array<i32>} : memref<128xi32, #tpu.memory_space<vmem>>, vector<16xi32>,
      tpu.vector_store %arg15[%swap3A_249], %and3A_248 {strides = array<i32>} : memref<128xi32, #tpu.memory_space<vmem>>, vector<16xi32>,
      %shift_right_logical3A_251 = arith.constant 14 : i32
      %shift_right_logical3A_252 = vector.broadcast %shift_right_logical3A_251 : i32 to vector<16xi32>
      %shift_right_logical3A_253 = arith.shrui %get3A_245, %shift_right_logical3A_252 : vector<16xi32>
      %swap3A_254 = arith.constant 96 : index
      %swap3A_255 = tpu.vector_load %arg16[%swap3A_254] {strides = array<i32>} : memref<128xi32, #tpu.memory_space<vmem>>, vector<16xi32>,
      tpu.vector_store %arg16[%swap3A_254], %shift_right_logical3A_253 {strides = array<i32>} : memref<128xi32, #tpu.memory_space<vmem>>, vector<16xi32>,
      %get3A_256 = arith.constant 240 : index
      %get3A_257 = tpu.vector_load %arg12[%get3A_256] {strides = array<i32>} : memref<12416xi32, #tpu.memory_space<vmem>>, vector<16xi32>,
      %and3A_258 = arith.constant 16383 : i32
      %and3A_259 = vector.broadcast %and3A_258 : i32 to vector<16xi32>
      %and3A_260 = arith.andi %get3A_257, %and3A_259 : vector<16xi32>
      %swap3A_261 = arith.constant 112 : index
      %swap3A_262 = tpu.vector_load %arg15[%swap3A_261] {strides = array<i32>} : memref<128xi32, #tpu.memory_space<vmem>>, vector<16xi32>,
      tpu.vector_store %arg15[%swap3A_261], %and3A_260 {strides = array<i32>} : memref<128xi32, #tpu.memory_space<vmem>>, vector<16xi32>,
      %shift_right_logical3A_263 = arith.constant 14 : i32
      %shift_right_logical3A_264 = vector.broadcast %shift_right_logical3A_263 : i32 to vector<16xi32>
      %shift_right_logical3A_265 = arith.shrui %get3A_257, %shift_right_logical3A_264 : vector<16xi32>
      %swap3A_266 = arith.constant 112 : index
      %swap3A_267 = tpu.vector_load %arg16[%swap3A_266] {strides = array<i32>} : memref<128xi32, #tpu.memory_space<vmem>>, vector<16xi32>,
      tpu.vector_store %arg16[%swap3A_266], %shift_right_logical3A_265 {strides = array<i32>} : memref<128xi32, #tpu.memory_space<vmem>>, vector<16xi32>,
      %dma_start3A_268 = arith.constant 0 : i32
      %dma_start3A_269 = arith.constant 0 : i32
      %dma_start3A_270 = tpu.memref_slice %arg2[%dma_start3A_268, %dma_start3A_269] : memref<10000x128xf32, #tpu.memory_space<hbm>> -> memref<10000x128xf32, #tpu.memory_space<hbm>>
      tpu.enqueue_indirect_dma source(%dma_start3A_270 : memref<10000x128xf32, #tpu.memory_space<hbm>>) target(%arg22 : memref<128x128xf32, #tpu.memory_space<vmem>>) offsets(%arg15 : memref<128xi32, #tpu.memory_space<vmem>>) semaphore(%arg27 : memref<!tpu.dma_semaphore, #tpu.memory_space<semaphore_mem>>)
    } else {
    }
    %gt3A_118 = arith.constant 2 : i32
    %gt3A_119 = arith.cmpi sgt, %select_n3A_110, %gt3A_118 : i32
    %convert_element_type3A_120 = arith.extui %gt3A_119 : i1 to i32
    %cond3A_121 = arith.constant 0 : i32
    %cond3A_122 = arith.cmpi ne, %convert_element_type3A_120, %cond3A_121 : i32
    scf.if %cond3A_122 {
      %get3A = arith.constant 256 : index
      %get3A_175 = tpu.vector_load %arg12[%get3A] {strides = array<i32>} : memref<12416xi32, #tpu.memory_space<vmem>>, vector<16xi32>,
      %and3A_176 = arith.constant 16383 : i32
      %and3A_177 = vector.broadcast %and3A_176 : i32 to vector<16xi32>
      %and3A_178 = arith.andi %get3A_175, %and3A_177 : vector<16xi32>
      %swap3A = arith.constant 0 : index
      %swap3A_179 = tpu.vector_load %arg17[%swap3A] {strides = array<i32>} : memref<128xi32, #tpu.memory_space<vmem>>, vector<16xi32>,
      tpu.vector_store %arg17[%swap3A], %and3A_178 {strides = array<i32>} : memref<128xi32, #tpu.memory_space<vmem>>, vector<16xi32>,
      %shift_right_logical3A = arith.constant 14 : i32
      %shift_right_logical3A_180 = vector.broadcast %shift_right_logical3A : i32 to vector<16xi32>
      %shift_right_logical3A_181 = arith.shrui %get3A_175, %shift_right_logical3A_180 : vector<16xi32>
      %swap3A_182 = arith.constant 0 : index
      %swap3A_183 = tpu.vector_load %arg18[%swap3A_182] {strides = array<i32>} : memref<128xi32, #tpu.memory_space<vmem>>, vector<16xi32>,
      tpu.vector_store %arg18[%swap3A_182], %shift_right_logical3A_181 {strides = array<i32>} : memref<128xi32, #tpu.memory_space<vmem>>, vector<16xi32>,
      %get3A_184 = arith.constant 272 : index
      %get3A_185 = tpu.vector_load %arg12[%get3A_184] {strides = array<i32>} : memref<12416xi32, #tpu.memory_space<vmem>>, vector<16xi32>,
      %and3A_186 = arith.constant 16383 : i32
      %and3A_187 = vector.broadcast %and3A_186 : i32 to vector<16xi32>
      %and3A_188 = arith.andi %get3A_185, %and3A_187 : vector<16xi32>
      %swap3A_189 = arith.constant 16 : index
      %swap3A_190 = tpu.vector_load %arg17[%swap3A_189] {strides = array<i32>} : memref<128xi32, #tpu.memory_space<vmem>>, vector<16xi32>,
      tpu.vector_store %arg17[%swap3A_189], %and3A_188 {strides = array<i32>} : memref<128xi32, #tpu.memory_space<vmem>>, vector<16xi32>,
      %shift_right_logical3A_191 = arith.constant 14 : i32
      %shift_right_logical3A_192 = vector.broadcast %shift_right_logical3A_191 : i32 to vector<16xi32>
      %shift_right_logical3A_193 = arith.shrui %get3A_185, %shift_right_logical3A_192 : vector<16xi32>
      %swap3A_194 = arith.constant 16 : index
      %swap3A_195 = tpu.vector_load %arg18[%swap3A_194] {strides = array<i32>} : memref<128xi32, #tpu.memory_space<vmem>>, vector<16xi32>,
      tpu.vector_store %arg18[%swap3A_194], %shift_right_logical3A_193 {strides = array<i32>} : memref<128xi32, #tpu.memory_space<vmem>>, vector<16xi32>,
      %get3A_196 = arith.constant 288 : index
      %get3A_197 = tpu.vector_load %arg12[%get3A_196] {strides = array<i32>} : memref<12416xi32, #tpu.memory_space<vmem>>, vector<16xi32>,
      %and3A_198 = arith.constant 16383 : i32
      %and3A_199 = vector.broadcast %and3A_198 : i32 to vector<16xi32>
      %and3A_200 = arith.andi %get3A_197, %and3A_199 : vector<16xi32>
      %swap3A_201 = arith.constant 32 : index
      %swap3A_202 = tpu.vector_load %arg17[%swap3A_201] {strides = array<i32>} : memref<128xi32, #tpu.memory_space<vmem>>, vector<16xi32>,
      tpu.vector_store %arg17[%swap3A_201], %and3A_200 {strides = array<i32>} : memref<128xi32, #tpu.memory_space<vmem>>, vector<16xi32>,
      %shift_right_logical3A_203 = arith.constant 14 : i32
      %shift_right_logical3A_204 = vector.broadcast %shift_right_logical3A_203 : i32 to vector<16xi32>
      %shift_right_logical3A_205 = arith.shrui %get3A_197, %shift_right_logical3A_204 : vector<16xi32>
      %swap3A_206 = arith.constant 32 : index
      %swap3A_207 = tpu.vector_load %arg18[%swap3A_206] {strides = array<i32>} : memref<128xi32, #tpu.memory_space<vmem>>, vector<16xi32>,
      tpu.vector_store %arg18[%swap3A_206], %shift_right_logical3A_205 {strides = array<i32>} : memref<128xi32, #tpu.memory_space<vmem>>, vector<16xi32>,
      %get3A_208 = arith.constant 304 : index
      %get3A_209 = tpu.vector_load %arg12[%get3A_208] {strides = array<i32>} : memref<12416xi32, #tpu.memory_space<vmem>>, vector<16xi32>,
      %and3A_210 = arith.constant 16383 : i32
      %and3A_211 = vector.broadcast %and3A_210 : i32 to vector<16xi32>
      %and3A_212 = arith.andi %get3A_209, %and3A_211 : vector<16xi32>
      %swap3A_213 = arith.constant 48 : index
      %swap3A_214 = tpu.vector_load %arg17[%swap3A_213] {strides = array<i32>} : memref<128xi32, #tpu.memory_space<vmem>>, vector<16xi32>,
      tpu.vector_store %arg17[%swap3A_213], %and3A_212 {strides = array<i32>} : memref<128xi32, #tpu.memory_space<vmem>>, vector<16xi32>,
      %shift_right_logical3A_215 = arith.constant 14 : i32
      %shift_right_logical3A_216 = vector.broadcast %shift_right_logical3A_215 : i32 to vector<16xi32>
      %shift_right_logical3A_217 = arith.shrui %get3A_209, %shift_right_logical3A_216 : vector<16xi32>
      %swap3A_218 = arith.constant 48 : index
      %swap3A_219 = tpu.vector_load %arg18[%swap3A_218] {strides = array<i32>} : memref<128xi32, #tpu.memory_space<vmem>>, vector<16xi32>,
      tpu.vector_store %arg18[%swap3A_218], %shift_right_logical3A_217 {strides = array<i32>} : memref<128xi32, #tpu.memory_space<vmem>>, vector<16xi32>,
      %get3A_220 = arith.constant 320 : index
      %get3A_221 = tpu.vector_load %arg12[%get3A_220] {strides = array<i32>} : memref<12416xi32, #tpu.memory_space<vmem>>, vector<16xi32>,
      %and3A_222 = arith.constant 16383 : i32
      %and3A_223 = vector.broadcast %and3A_222 : i32 to vector<16xi32>
      %and3A_224 = arith.andi %get3A_221, %and3A_223 : vector<16xi32>
      %swap3A_225 = arith.constant 64 : index
      %swap3A_226 = tpu.vector_load %arg17[%swap3A_225] {strides = array<i32>} : memref<128xi32, #tpu.memory_space<vmem>>, vector<16xi32>,
      tpu.vector_store %arg17[%swap3A_225], %and3A_224 {strides = array<i32>} : memref<128xi32, #tpu.memory_space<vmem>>, vector<16xi32>,
      %shift_right_logical3A_227 = arith.constant 14 : i32
      %shift_right_logical3A_228 = vector.broadcast %shift_right_logical3A_227 : i32 to vector<16xi32>
      %shift_right_logical3A_229 = arith.shrui %get3A_221, %shift_right_logical3A_228 : vector<16xi32>
      %swap3A_230 = arith.constant 64 : index
      %swap3A_231 = tpu.vector_load %arg18[%swap3A_230] {strides = array<i32>} : memref<128xi32, #tpu.memory_space<vmem>>, vector<16xi32>,
      tpu.vector_store %arg18[%swap3A_230], %shift_right_logical3A_229 {strides = array<i32>} : memref<128xi32, #tpu.memory_space<vmem>>, vector<16xi32>,
      %get3A_232 = arith.constant 336 : index
      %get3A_233 = tpu.vector_load %arg12[%get3A_232] {strides = array<i32>} : memref<12416xi32, #tpu.memory_space<vmem>>, vector<16xi32>,
      %and3A_234 = arith.constant 16383 : i32
      %and3A_235 = vector.broadcast %and3A_234 : i32 to vector<16xi32>
      %and3A_236 = arith.andi %get3A_233, %and3A_235 : vector<16xi32>
      %swap3A_237 = arith.constant 80 : index
      %swap3A_238 = tpu.vector_load %arg17[%swap3A_237] {strides = array<i32>} : memref<128xi32, #tpu.memory_space<vmem>>, vector<16xi32>,
      tpu.vector_store %arg17[%swap3A_237], %and3A_236 {strides = array<i32>} : memref<128xi32, #tpu.memory_space<vmem>>, vector<16xi32>,
      %shift_right_logical3A_239 = arith.constant 14 : i32
      %shift_right_logical3A_240 = vector.broadcast %shift_right_logical3A_239 : i32 to vector<16xi32>
      %shift_right_logical3A_241 = arith.shrui %get3A_233, %shift_right_logical3A_240 : vector<16xi32>
      %swap3A_242 = arith.constant 80 : index
      %swap3A_243 = tpu.vector_load %arg18[%swap3A_242] {strides = array<i32>} : memref<128xi32, #tpu.memory_space<vmem>>, vector<16xi32>,
      tpu.vector_store %arg18[%swap3A_242], %shift_right_logical3A_241 {strides = array<i32>} : memref<128xi32, #tpu.memory_space<vmem>>, vector<16xi32>,
      %get3A_244 = arith.constant 352 : index
      %get3A_245 = tpu.vector_load %arg12[%get3A_244] {strides = array<i32>} : memref<12416xi32, #tpu.memory_space<vmem>>, vector<16xi32>,
      %and3A_246 = arith.constant 16383 : i32
      %and3A_247 = vector.broadcast %and3A_246 : i32 to vector<16xi32>
      %and3A_248 = arith.andi %get3A_245, %and3A_247 : vector<16xi32>
      %swap3A_249 = arith.constant 96 : index
      %swap3A_250 = tpu.vector_load %arg17[%swap3A_249] {strides = array<i32>} : memref<128xi32, #tpu.memory_space<vmem>>, vector<16xi32>,
      tpu.vector_store %arg17[%swap3A_249], %and3A_248 {strides = array<i32>} : memref<128xi32, #tpu.memory_space<vmem>>, vector<16xi32>,
      %shift_right_logical3A_251 = arith.constant 14 : i32
      %shift_right_logical3A_252 = vector.broadcast %shift_right_logical3A_251 : i32 to vector<16xi32>
      %shift_right_logical3A_253 = arith.shrui %get3A_245, %shift_right_logical3A_252 : vector<16xi32>
      %swap3A_254 = arith.constant 96 : index
      %swap3A_255 = tpu.vector_load %arg18[%swap3A_254] {strides = array<i32>} : memref<128xi32, #tpu.memory_space<vmem>>, vector<16xi32>,
      tpu.vector_store %arg18[%swap3A_254], %shift_right_logical3A_253 {strides = array<i32>} : memref<128xi32, #tpu.memory_space<vmem>>, vector<16xi32>,
      %get3A_256 = arith.constant 368 : index
      %get3A_257 = tpu.vector_load %arg12[%get3A_256] {strides = array<i32>} : memref<12416xi32, #tpu.memory_space<vmem>>, vector<16xi32>,
      %and3A_258 = arith.constant 16383 : i32
      %and3A_259 = vector.broadcast %and3A_258 : i32 to vector<16xi32>
      %and3A_260 = arith.andi %get3A_257, %and3A_259 : vector<16xi32>
      %swap3A_261 = arith.constant 112 : index
      %swap3A_262 = tpu.vector_load %arg17[%swap3A_261] {strides = array<i32>} : memref<128xi32, #tpu.memory_space<vmem>>, vector<16xi32>,
      tpu.vector_store %arg17[%swap3A_261], %and3A_260 {strides = array<i32>} : memref<128xi32, #tpu.memory_space<vmem>>, vector<16xi32>,
      %shift_right_logical3A_263 = arith.constant 14 : i32
      %shift_right_logical3A_264 = vector.broadcast %shift_right_logical3A_263 : i32 to vector<16xi32>
      %shift_right_logical3A_265 = arith.shrui %get3A_257, %shift_right_logical3A_264 : vector<16xi32>
      %swap3A_266 = arith.constant 112 : index
      %swap3A_267 = tpu.vector_load %arg18[%swap3A_266] {strides = array<i32>} : memref<128xi32, #tpu.memory_space<vmem>>, vector<16xi32>,
      tpu.vector_store %arg18[%swap3A_266], %shift_right_logical3A_265 {strides = array<i32>} : memref<128xi32, #tpu.memory_space<vmem>>, vector<16xi32>,
      %dma_start3A_268 = arith.constant 0 : i32
      %dma_start3A_269 = arith.constant 0 : i32
      %dma_start3A_270 = tpu.memref_slice %arg2[%dma_start3A_268, %dma_start3A_269] : memref<10000x128xf32, #tpu.memory_space<hbm>> -> memref<10000x128xf32, #tpu.memory_space<hbm>>
      tpu.enqueue_indirect_dma source(%dma_start3A_270 : memref<10000x128xf32, #tpu.memory_space<hbm>>) target(%arg23 : memref<128x128xf32, #tpu.memory_space<vmem>>) offsets(%arg17 : memref<128xi32, #tpu.memory_space<vmem>>) semaphore(%arg28 : memref<!tpu.dma_semaphore, #tpu.memory_space<semaphore_mem>>)
    } else {
    }
    %gt3A_123 = arith.constant 3 : i32
    %gt3A_124 = arith.cmpi sgt, %select_n3A_110, %gt3A_123 : i32
    %convert_element_type3A_125 = arith.extui %gt3A_124 : i1 to i32
    %cond3A_126 = arith.constant 0 : i32
    %cond3A_127 = arith.cmpi ne, %convert_element_type3A_125, %cond3A_126 : i32
    scf.if %cond3A_127 {
      %get3A = arith.constant 384 : index
      %get3A_175 = tpu.vector_load %arg12[%get3A] {strides = array<i32>} : memref<12416xi32, #tpu.memory_space<vmem>>, vector<16xi32>,
      %and3A_176 = arith.constant 16383 : i32
      %and3A_177 = vector.broadcast %and3A_176 : i32 to vector<16xi32>
      %and3A_178 = arith.andi %get3A_175, %and3A_177 : vector<16xi32>
      %swap3A = arith.constant 0 : index
      %swap3A_179 = tpu.vector_load %arg19[%swap3A] {strides = array<i32>} : memref<128xi32, #tpu.memory_space<vmem>>, vector<16xi32>,
      tpu.vector_store %arg19[%swap3A], %and3A_178 {strides = array<i32>} : memref<128xi32, #tpu.memory_space<vmem>>, vector<16xi32>,
      %shift_right_logical3A = arith.constant 14 : i32
      %shift_right_logical3A_180 = vector.broadcast %shift_right_logical3A : i32 to vector<16xi32>
      %shift_right_logical3A_181 = arith.shrui %get3A_175, %shift_right_logical3A_180 : vector<16xi32>
      %swap3A_182 = arith.constant 0 : index
      %swap3A_183 = tpu.vector_load %arg20[%swap3A_182] {strides = array<i32>} : memref<128xi32, #tpu.memory_space<vmem>>, vector<16xi32>,
      tpu.vector_store %arg20[%swap3A_182], %shift_right_logical3A_181 {strides = array<i32>} : memref<128xi32, #tpu.memory_space<vmem>>, vector<16xi32>,
      %get3A_184 = arith.constant 400 : index
      %get3A_185 = tpu.vector_load %arg12[%get3A_184] {strides = array<i32>} : memref<12416xi32, #tpu.memory_space<vmem>>, vector<16xi32>,
      %and3A_186 = arith.constant 16383 : i32
      %and3A_187 = vector.broadcast %and3A_186 : i32 to vector<16xi32>
      %and3A_188 = arith.andi %get3A_185, %and3A_187 : vector<16xi32>
      %swap3A_189 = arith.constant 16 : index
      %swap3A_190 = tpu.vector_load %arg19[%swap3A_189] {strides = array<i32>} : memref<128xi32, #tpu.memory_space<vmem>>, vector<16xi32>,
      tpu.vector_store %arg19[%swap3A_189], %and3A_188 {strides = array<i32>} : memref<128xi32, #tpu.memory_space<vmem>>, vector<16xi32>,
      %shift_right_logical3A_191 = arith.constant 14 : i32
      %shift_right_logical3A_192 = vector.broadcast %shift_right_logical3A_191 : i32 to vector<16xi32>
      %shift_right_logical3A_193 = arith.shrui %get3A_185, %shift_right_logical3A_192 : vector<16xi32>
      %swap3A_194 = arith.constant 16 : index
      %swap3A_195 = tpu.vector_load %arg20[%swap3A_194] {strides = array<i32>} : memref<128xi32, #tpu.memory_space<vmem>>, vector<16xi32>,
      tpu.vector_store %arg20[%swap3A_194], %shift_right_logical3A_193 {strides = array<i32>} : memref<128xi32, #tpu.memory_space<vmem>>, vector<16xi32>,
      %get3A_196 = arith.constant 416 : index
      %get3A_197 = tpu.vector_load %arg12[%get3A_196] {strides = array<i32>} : memref<12416xi32, #tpu.memory_space<vmem>>, vector<16xi32>,
      %and3A_198 = arith.constant 16383 : i32
      %and3A_199 = vector.broadcast %and3A_198 : i32 to vector<16xi32>
      %and3A_200 = arith.andi %get3A_197, %and3A_199 : vector<16xi32>
      %swap3A_201 = arith.constant 32 : index
      %swap3A_202 = tpu.vector_load %arg19[%swap3A_201] {strides = array<i32>} : memref<128xi32, #tpu.memory_space<vmem>>, vector<16xi32>,
      tpu.vector_store %arg19[%swap3A_201], %and3A_200 {strides = array<i32>} : memref<128xi32, #tpu.memory_space<vmem>>, vector<16xi32>,
      %shift_right_logical3A_203 = arith.constant 14 : i32
      %shift_right_logical3A_204 = vector.broadcast %shift_right_logical3A_203 : i32 to vector<16xi32>
      %shift_right_logical3A_205 = arith.shrui %get3A_197, %shift_right_logical3A_204 : vector<16xi32>
      %swap3A_206 = arith.constant 32 : index
      %swap3A_207 = tpu.vector_load %arg20[%swap3A_206] {strides = array<i32>} : memref<128xi32, #tpu.memory_space<vmem>>, vector<16xi32>,
      tpu.vector_store %arg20[%swap3A_206], %shift_right_logical3A_205 {strides = array<i32>} : memref<128xi32, #tpu.memory_space<vmem>>, vector<16xi32>,
      %get3A_208 = arith.constant 432 : index
      %get3A_209 = tpu.vector_load %arg12[%get3A_208] {strides = array<i32>} : memref<12416xi32, #tpu.memory_space<vmem>>, vector<16xi32>,
      %and3A_210 = arith.constant 16383 : i32
      %and3A_211 = vector.broadcast %and3A_210 : i32 to vector<16xi32>
      %and3A_212 = arith.andi %get3A_209, %and3A_211 : vector<16xi32>
      %swap3A_213 = arith.constant 48 : index
      %swap3A_214 = tpu.vector_load %arg19[%swap3A_213] {strides = array<i32>} : memref<128xi32, #tpu.memory_space<vmem>>, vector<16xi32>,
      tpu.vector_store %arg19[%swap3A_213], %and3A_212 {strides = array<i32>} : memref<128xi32, #tpu.memory_space<vmem>>, vector<16xi32>,
      %shift_right_logical3A_215 = arith.constant 14 : i32
      %shift_right_logical3A_216 = vector.broadcast %shift_right_logical3A_215 : i32 to vector<16xi32>
      %shift_right_logical3A_217 = arith.shrui %get3A_209, %shift_right_logical3A_216 : vector<16xi32>
      %swap3A_218 = arith.constant 48 : index
      %swap3A_219 = tpu.vector_load %arg20[%swap3A_218] {strides = array<i32>} : memref<128xi32, #tpu.memory_space<vmem>>, vector<16xi32>,
      tpu.vector_store %arg20[%swap3A_218], %shift_right_logical3A_217 {strides = array<i32>} : memref<128xi32, #tpu.memory_space<vmem>>, vector<16xi32>,
      %get3A_220 = arith.constant 448 : index
      %get3A_221 = tpu.vector_load %arg12[%get3A_220] {strides = array<i32>} : memref<12416xi32, #tpu.memory_space<vmem>>, vector<16xi32>,
      %and3A_222 = arith.constant 16383 : i32
      %and3A_223 = vector.broadcast %and3A_222 : i32 to vector<16xi32>
      %and3A_224 = arith.andi %get3A_221, %and3A_223 : vector<16xi32>
      %swap3A_225 = arith.constant 64 : index
      %swap3A_226 = tpu.vector_load %arg19[%swap3A_225] {strides = array<i32>} : memref<128xi32, #tpu.memory_space<vmem>>, vector<16xi32>,
      tpu.vector_store %arg19[%swap3A_225], %and3A_224 {strides = array<i32>} : memref<128xi32, #tpu.memory_space<vmem>>, vector<16xi32>,
      %shift_right_logical3A_227 = arith.constant 14 : i32
      %shift_right_logical3A_228 = vector.broadcast %shift_right_logical3A_227 : i32 to vector<16xi32>
      %shift_right_logical3A_229 = arith.shrui %get3A_221, %shift_right_logical3A_228 : vector<16xi32>
      %swap3A_230 = arith.constant 64 : index
      %swap3A_231 = tpu.vector_load %arg20[%swap3A_230] {strides = array<i32>} : memref<128xi32, #tpu.memory_space<vmem>>, vector<16xi32>,
      tpu.vector_store %arg20[%swap3A_230], %shift_right_logical3A_229 {strides = array<i32>} : memref<128xi32, #tpu.memory_space<vmem>>, vector<16xi32>,
      %get3A_232 = arith.constant 464 : index
      %get3A_233 = tpu.vector_load %arg12[%get3A_232] {strides = array<i32>} : memref<12416xi32, #tpu.memory_space<vmem>>, vector<16xi32>,
      %and3A_234 = arith.constant 16383 : i32
      %and3A_235 = vector.broadcast %and3A_234 : i32 to vector<16xi32>
      %and3A_236 = arith.andi %get3A_233, %and3A_235 : vector<16xi32>
      %swap3A_237 = arith.constant 80 : index
      %swap3A_238 = tpu.vector_load %arg19[%swap3A_237] {strides = array<i32>} : memref<128xi32, #tpu.memory_space<vmem>>, vector<16xi32>,
      tpu.vector_store %arg19[%swap3A_237], %and3A_236 {strides = array<i32>} : memref<128xi32, #tpu.memory_space<vmem>>, vector<16xi32>,
      %shift_right_logical3A_239 = arith.constant 14 : i32
      %shift_right_logical3A_240 = vector.broadcast %shift_right_logical3A_239 : i32 to vector<16xi32>
      %shift_right_logical3A_241 = arith.shrui %get3A_233, %shift_right_logical3A_240 : vector<16xi32>
      %swap3A_242 = arith.constant 80 : index
      %swap3A_243 = tpu.vector_load %arg20[%swap3A_242] {strides = array<i32>} : memref<128xi32, #tpu.memory_space<vmem>>, vector<16xi32>,
      tpu.vector_store %arg20[%swap3A_242], %shift_right_logical3A_241 {strides = array<i32>} : memref<128xi32, #tpu.memory_space<vmem>>, vector<16xi32>,
      %get3A_244 = arith.constant 480 : index
      %get3A_245 = tpu.vector_load %arg12[%get3A_244] {strides = array<i32>} : memref<12416xi32, #tpu.memory_space<vmem>>, vector<16xi32>,
      %and3A_246 = arith.constant 16383 : i32
      %and3A_247 = vector.broadcast %and3A_246 : i32 to vector<16xi32>
      %and3A_248 = arith.andi %get3A_245, %and3A_247 : vector<16xi32>
      %swap3A_249 = arith.constant 96 : index
      %swap3A_250 = tpu.vector_load %arg19[%swap3A_249] {strides = array<i32>} : memref<128xi32, #tpu.memory_space<vmem>>, vector<16xi32>,
      tpu.vector_store %arg19[%swap3A_249], %and3A_248 {strides = array<i32>} : memref<128xi32, #tpu.memory_space<vmem>>, vector<16xi32>,
      %shift_right_logical3A_251 = arith.constant 14 : i32
      %shift_right_logical3A_252 = vector.broadcast %shift_right_logical3A_251 : i32 to vector<16xi32>
      %shift_right_logical3A_253 = arith.shrui %get3A_245, %shift_right_logical3A_252 : vector<16xi32>
      %swap3A_254 = arith.constant 96 : index
      %swap3A_255 = tpu.vector_load %arg20[%swap3A_254] {strides = array<i32>} : memref<128xi32, #tpu.memory_space<vmem>>, vector<16xi32>,
      tpu.vector_store %arg20[%swap3A_254], %shift_right_logical3A_253 {strides = array<i32>} : memref<128xi32, #tpu.memory_space<vmem>>, vector<16xi32>,
      %get3A_256 = arith.constant 496 : index
      %get3A_257 = tpu.vector_load %arg12[%get3A_256] {strides = array<i32>} : memref<12416xi32, #tpu.memory_space<vmem>>, vector<16xi32>,
      %and3A_258 = arith.constant 16383 : i32
      %and3A_259 = vector.broadcast %and3A_258 : i32 to vector<16xi32>
      %and3A_260 = arith.andi %get3A_257, %and3A_259 : vector<16xi32>
      %swap3A_261 = arith.constant 112 : index
      %swap3A_262 = tpu.vector_load %arg19[%swap3A_261] {strides = array<i32>} : memref<128xi32, #tpu.memory_space<vmem>>, vector<16xi32>,
      tpu.vector_store %arg19[%swap3A_261], %and3A_260 {strides = array<i32>} : memref<128xi32, #tpu.memory_space<vmem>>, vector<16xi32>,
      %shift_right_logical3A_263 = arith.constant 14 : i32
      %shift_right_logical3A_264 = vector.broadcast %shift_right_logical3A_263 : i32 to vector<16xi32>
      %shift_right_logical3A_265 = arith.shrui %get3A_257, %shift_right_logical3A_264 : vector<16xi32>
      %swap3A_266 = arith.constant 112 : index
      %swap3A_267 = tpu.vector_load %arg20[%swap3A_266] {strides = array<i32>} : memref<128xi32, #tpu.memory_space<vmem>>, vector<16xi32>,
      tpu.vector_store %arg20[%swap3A_266], %shift_right_logical3A_265 {strides = array<i32>} : memref<128xi32, #tpu.memory_space<vmem>>, vector<16xi32>,
      %dma_start3A_268 = arith.constant 0 : i32
      %dma_start3A_269 = arith.constant 0 : i32
      %dma_start3A_270 = tpu.memref_slice %arg2[%dma_start3A_268, %dma_start3A_269] : memref<10000x128xf32, #tpu.memory_space<hbm>> -> memref<10000x128xf32, #tpu.memory_space<hbm>>
      tpu.enqueue_indirect_dma source(%dma_start3A_270 : memref<10000x128xf32, #tpu.memory_space<hbm>>) target(%arg24 : memref<128x128xf32, #tpu.memory_space<vmem>>) offsets(%arg19 : memref<128xi32, #tpu.memory_space<vmem>>) semaphore(%arg29 : memref<!tpu.dma_semaphore, #tpu.memory_space<semaphore_mem>>)
    } else {
    }
    "tpu.trace_start"() <{level = 10 : i32, message = "fire"}> : () -> ()
    %scan3A_128 = arith.constant 0 : i32
    %scan3A_129 = arith.constant 25 : i32
    %scan3A_130 = arith.addi %scan3A_128, %scan3A_129 : i32
    %scan3A_131 = arith.constant 1 : i32
    scf.for %scan3A_175 = %scan3A_128 to %scan3A_130 step %scan3A_131  : i32 {
      %mul3A_176 = arith.constant 1 : i32
      %mul3A_177 = arith.muli %scan3A_175, %mul3A_176 : i32
      %add3A_178 = arith.constant 0 : i32
      %add3A_179 = arith.addi %add3A_178, %mul3A_177 : i32
      %mul3A_180 = arith.constant 4 : i32
      %mul3A_181 = arith.muli %mul3A_180, %add3A_179 : i32
      %add3A_182 = arith.constant 0 : i32
      %add3A_183 = arith.addi %mul3A_181, %add3A_182 : i32
      %lt3A = arith.cmpi slt, %add3A_183, %select_n3A_110 : i32
      %convert_element_type3A_184 = arith.extui %lt3A : i1 to i32
      %cond3A_185 = arith.constant 0 : i32
      %cond3A_186 = arith.cmpi ne, %convert_element_type3A_184, %cond3A_185 : i32
      scf.if %cond3A_186 {
        %dma_wait3A_251 = arith.constant 0 : i32
        %dma_wait3A_252 = arith.constant 0 : i32
        %dma_wait3A_253 = tpu.memref_slice %arg2[%dma_wait3A_251, %dma_wait3A_252] : memref<10000x128xf32, #tpu.memory_space<hbm>> -> memref<10000x128xf32, #tpu.memory_space<hbm>>
        tpu.wait_indirect_dma semaphore(%arg26 : memref<!tpu.dma_semaphore, #tpu.memory_space<semaphore_mem>>) src(%dma_wait3A_253 : memref<10000x128xf32, #tpu.memory_space<hbm>>) dst(%arg21 : memref<128x128xf32, #tpu.memory_space<vmem>>)
        %dma_start3A_254 = arith.constant 0 : i32
        %dma_start3A_255 = arith.constant 0 : i32
        %dma_start3A_256 = tpu.memref_slice %arg25[%dma_start3A_254, %dma_start3A_255] : memref<2520x128xf32, #tpu.memory_space<vmem_shared>> -> memref<2520x128xf32, #tpu.memory_space<vmem_shared>>
        tpu.enqueue_indirect_dma source(%arg21 : memref<128x128xf32, #tpu.memory_space<vmem>>) target(%dma_start3A_256 : memref<2520x128xf32, #tpu.memory_space<vmem_shared>>) offsets(%arg14 : memref<128xi32, #tpu.memory_space<vmem>>) semaphore(%arg30 : memref<!tpu.dma_semaphore, #tpu.memory_space<semaphore_mem>>) {add = true}
      } else {
      }
      %mul3A_187 = arith.constant 4 : i32
      %mul3A_188 = arith.muli %mul3A_187, %add3A_179 : i32
      %add3A_189 = arith.constant 1 : i32
      %add3A_190 = arith.addi %mul3A_188, %add3A_189 : i32
      %lt3A_191 = arith.cmpi slt, %add3A_190, %select_n3A_110 : i32
      %convert_element_type3A_192 = arith.extui %lt3A_191 : i1 to i32
      %cond3A_193 = arith.constant 0 : i32
      %cond3A_194 = arith.cmpi ne, %convert_element_type3A_192, %cond3A_193 : i32
      scf.if %cond3A_194 {
        %dma_wait3A_251 = arith.constant 0 : i32
        %dma_wait3A_252 = arith.constant 0 : i32
        %dma_wait3A_253 = tpu.memref_slice %arg2[%dma_wait3A_251, %dma_wait3A_252] : memref<10000x128xf32, #tpu.memory_space<hbm>> -> memref<10000x128xf32, #tpu.memory_space<hbm>>
        tpu.wait_indirect_dma semaphore(%arg27 : memref<!tpu.dma_semaphore, #tpu.memory_space<semaphore_mem>>) src(%dma_wait3A_253 : memref<10000x128xf32, #tpu.memory_space<hbm>>) dst(%arg22 : memref<128x128xf32, #tpu.memory_space<vmem>>)
        %dma_start3A_254 = arith.constant 0 : i32
        %dma_start3A_255 = arith.constant 0 : i32
        %dma_start3A_256 = tpu.memref_slice %arg25[%dma_start3A_254, %dma_start3A_255] : memref<2520x128xf32, #tpu.memory_space<vmem_shared>> -> memref<2520x128xf32, #tpu.memory_space<vmem_shared>>
        tpu.enqueue_indirect_dma source(%arg22 : memref<128x128xf32, #tpu.memory_space<vmem>>) target(%dma_start3A_256 : memref<2520x128xf32, #tpu.memory_space<vmem_shared>>) offsets(%arg16 : memref<128xi32, #tpu.memory_space<vmem>>) semaphore(%arg31 : memref<!tpu.dma_semaphore, #tpu.memory_space<semaphore_mem>>) {add = true}
      } else {
      }
      %mul3A_195 = arith.constant 4 : i32
      %mul3A_196 = arith.muli %mul3A_195, %add3A_179 : i32
      %add3A_197 = arith.constant 2 : i32
      %add3A_198 = arith.addi %mul3A_196, %add3A_197 : i32
      %lt3A_199 = arith.cmpi slt, %add3A_198, %select_n3A_110 : i32
      %convert_element_type3A_200 = arith.extui %lt3A_199 : i1 to i32
      %cond3A_201 = arith.constant 0 : i32
      %cond3A_202 = arith.cmpi ne, %convert_element_type3A_200, %cond3A_201 : i32
      scf.if %cond3A_202 {
        %dma_wait3A_251 = arith.constant 0 : i32
        %dma_wait3A_252 = arith.constant 0 : i32
        %dma_wait3A_253 = tpu.memref_slice %arg2[%dma_wait3A_251, %dma_wait3A_252] : memref<10000x128xf32, #tpu.memory_space<hbm>> -> memref<10000x128xf32, #tpu.memory_space<hbm>>
        tpu.wait_indirect_dma semaphore(%arg28 : memref<!tpu.dma_semaphore, #tpu.memory_space<semaphore_mem>>) src(%dma_wait3A_253 : memref<10000x128xf32, #tpu.memory_space<hbm>>) dst(%arg23 : memref<128x128xf32, #tpu.memory_space<vmem>>)
        %dma_start3A_254 = arith.constant 0 : i32
        %dma_start3A_255 = arith.constant 0 : i32
        %dma_start3A_256 = tpu.memref_slice %arg25[%dma_start3A_254, %dma_start3A_255] : memref<2520x128xf32, #tpu.memory_space<vmem_shared>> -> memref<2520x128xf32, #tpu.memory_space<vmem_shared>>
        tpu.enqueue_indirect_dma source(%arg23 : memref<128x128xf32, #tpu.memory_space<vmem>>) target(%dma_start3A_256 : memref<2520x128xf32, #tpu.memory_space<vmem_shared>>) offsets(%arg18 : memref<128xi32, #tpu.memory_space<vmem>>) semaphore(%arg32 : memref<!tpu.dma_semaphore, #tpu.memory_space<semaphore_mem>>) {add = true}
      } else {
      }
      %mul3A_203 = arith.constant 4 : i32
      %mul3A_204 = arith.muli %mul3A_203, %add3A_179 : i32
      %add3A_205 = arith.constant 3 : i32
      %add3A_206 = arith.addi %mul3A_204, %add3A_205 : i32
      %lt3A_207 = arith.cmpi slt, %add3A_206, %select_n3A_110 : i32
      %convert_element_type3A_208 = arith.extui %lt3A_207 : i1 to i32
      %cond3A_209 = arith.constant 0 : i32
      %cond3A_210 = arith.cmpi ne, %convert_element_type3A_208, %cond3A_209 : i32
      scf.if %cond3A_210 {
        %dma_wait3A_251 = arith.constant 0 : i32
        %dma_wait3A_252 = arith.constant 0 : i32
        %dma_wait3A_253 = tpu.memref_slice %arg2[%dma_wait3A_251, %dma_wait3A_252] : memref<10000x128xf32, #tpu.memory_space<hbm>> -> memref<10000x128xf32, #tpu.memory_space<hbm>>
        tpu.wait_indirect_dma semaphore(%arg29 : memref<!tpu.dma_semaphore, #tpu.memory_space<semaphore_mem>>) src(%dma_wait3A_253 : memref<10000x128xf32, #tpu.memory_space<hbm>>) dst(%arg24 : memref<128x128xf32, #tpu.memory_space<vmem>>)
        %dma_start3A_254 = arith.constant 0 : i32
        %dma_start3A_255 = arith.constant 0 : i32
        %dma_start3A_256 = tpu.memref_slice %arg25[%dma_start3A_254, %dma_start3A_255] : memref<2520x128xf32, #tpu.memory_space<vmem_shared>> -> memref<2520x128xf32, #tpu.memory_space<vmem_shared>>
        tpu.enqueue_indirect_dma source(%arg24 : memref<128x128xf32, #tpu.memory_space<vmem>>) target(%dma_start3A_256 : memref<2520x128xf32, #tpu.memory_space<vmem_shared>>) offsets(%arg20 : memref<128xi32, #tpu.memory_space<vmem>>) semaphore(%arg33 : memref<!tpu.dma_semaphore, #tpu.memory_space<semaphore_mem>>) {add = true}
      } else {
      }
      %add3A_211 = arith.constant 1 : i32
      %add3A_212 = arith.addi %add3A_179, %add3A_211 : i32
      %mul3A_213 = arith.constant 4 : i32
      %mul3A_214 = arith.muli %mul3A_213, %add3A_212 : i32
      %add3A_215 = arith.constant 0 : i32
      %add3A_216 = arith.addi %mul3A_214, %add3A_215 : i32
      %lt3A_217 = arith.cmpi slt, %add3A_216, %select_n3A_110 : i32
      %convert_element_type3A_218 = arith.extui %lt3A_217 : i1 to i32
      %cond3A_219 = arith.constant 0 : i32
      %cond3A_220 = arith.cmpi ne, %convert_element_type3A_218, %cond3A_219 : i32
      scf.if %cond3A_220 {
        %dma_wait3A_251 = arith.constant 0 : i32
        %dma_wait3A_252 = arith.constant 0 : i32
        %dma_wait3A_253 = tpu.memref_slice %arg25[%dma_wait3A_251, %dma_wait3A_252] : memref<2520x128xf32, #tpu.memory_space<vmem_shared>> -> memref<2520x128xf32, #tpu.memory_space<vmem_shared>>
        tpu.wait_indirect_dma semaphore(%arg30 : memref<!tpu.dma_semaphore, #tpu.memory_space<semaphore_mem>>) src(%arg21 : memref<128x128xf32, #tpu.memory_space<vmem>>) dst(%dma_wait3A_253 : memref<2520x128xf32, #tpu.memory_space<vmem_shared>>)
        %mul3A_254 = arith.constant 128 : i32
        %mul3A_255 = arith.muli %add3A_216, %mul3A_254 : i32
        %add3A_256 = arith.constant 0 : i32
        %add3A_257 = arith.addi %mul3A_255, %add3A_256 : i32
        %get3A = arith.index_cast %add3A_257 : i32 to index
        %get3A_258 = tpu.vector_load %arg12[%get3A] {strides = array<i32>} : memref<12416xi32, #tpu.memory_space<vmem>>, vector<16xi32>,
        %and3A_259 = arith.constant 16383 : i32
        %and3A_260 = vector.broadcast %and3A_259 : i32 to vector<16xi32>
        %and3A_261 = arith.andi %get3A_258, %and3A_260 : vector<16xi32>
        %swap3A = arith.constant 0 : index
        %swap3A_262 = tpu.vector_load %arg13[%swap3A] {strides = array<i32>} : memref<128xi32, #tpu.memory_space<vmem>>, vector<16xi32>,
        tpu.vector_store %arg13[%swap3A], %and3A_261 {strides = array<i32>} : memref<128xi32, #tpu.memory_space<vmem>>, vector<16xi32>,
        %shift_right_logical3A = arith.constant 14 : i32
        %shift_right_logical3A_263 = vector.broadcast %shift_right_logical3A : i32 to vector<16xi32>
        %shift_right_logical3A_264 = arith.shrui %get3A_258, %shift_right_logical3A_263 : vector<16xi32>
        %swap3A_265 = arith.constant 0 : index
        %swap3A_266 = tpu.vector_load %arg14[%swap3A_265] {strides = array<i32>} : memref<128xi32, #tpu.memory_space<vmem>>, vector<16xi32>,
        tpu.vector_store %arg14[%swap3A_265], %shift_right_logical3A_264 {strides = array<i32>} : memref<128xi32, #tpu.memory_space<vmem>>, vector<16xi32>,
        %add3A_267 = arith.constant 16 : i32
        %add3A_268 = arith.addi %mul3A_255, %add3A_267 : i32
        %get3A_269 = arith.index_cast %add3A_268 : i32 to index
        %get3A_270 = tpu.vector_load %arg12[%get3A_269] {strides = array<i32>} : memref<12416xi32, #tpu.memory_space<vmem>>, vector<16xi32>,
        %and3A_271 = arith.constant 16383 : i32
        %and3A_272 = vector.broadcast %and3A_271 : i32 to vector<16xi32>
        %and3A_273 = arith.andi %get3A_270, %and3A_272 : vector<16xi32>
        %swap3A_274 = arith.constant 16 : index
        %swap3A_275 = tpu.vector_load %arg13[%swap3A_274] {strides = array<i32>} : memref<128xi32, #tpu.memory_space<vmem>>, vector<16xi32>,
        tpu.vector_store %arg13[%swap3A_274], %and3A_273 {strides = array<i32>} : memref<128xi32, #tpu.memory_space<vmem>>, vector<16xi32>,
        %shift_right_logical3A_276 = arith.constant 14 : i32
        %shift_right_logical3A_277 = vector.broadcast %shift_right_logical3A_276 : i32 to vector<16xi32>
        %shift_right_logical3A_278 = arith.shrui %get3A_270, %shift_right_logical3A_277 : vector<16xi32>
        %swap3A_279 = arith.constant 16 : index
        %swap3A_280 = tpu.vector_load %arg14[%swap3A_279] {strides = array<i32>} : memref<128xi32, #tpu.memory_space<vmem>>, vector<16xi32>,
        tpu.vector_store %arg14[%swap3A_279], %shift_right_logical3A_278 {strides = array<i32>} : memref<128xi32, #tpu.memory_space<vmem>>, vector<16xi32>,
        %add3A_281 = arith.constant 32 : i32
        %add3A_282 = arith.addi %mul3A_255, %add3A_281 : i32
        %get3A_283 = arith.index_cast %add3A_282 : i32 to index
        %get3A_284 = tpu.vector_load %arg12[%get3A_283] {strides = array<i32>} : memref<12416xi32, #tpu.memory_space<vmem>>, vector<16xi32>,
        %and3A_285 = arith.constant 16383 : i32
        %and3A_286 = vector.broadcast %and3A_285 : i32 to vector<16xi32>
        %and3A_287 = arith.andi %get3A_284, %and3A_286 : vector<16xi32>
        %swap3A_288 = arith.constant 32 : index
        %swap3A_289 = tpu.vector_load %arg13[%swap3A_288] {strides = array<i32>} : memref<128xi32, #tpu.memory_space<vmem>>, vector<16xi32>,
        tpu.vector_store %arg13[%swap3A_288], %and3A_287 {strides = array<i32>} : memref<128xi32, #tpu.memory_space<vmem>>, vector<16xi32>,
        %shift_right_logical3A_290 = arith.constant 14 : i32
        %shift_right_logical3A_291 = vector.broadcast %shift_right_logical3A_290 : i32 to vector<16xi32>
        %shift_right_logical3A_292 = arith.shrui %get3A_284, %shift_right_logical3A_291 : vector<16xi32>
        %swap3A_293 = arith.constant 32 : index
        %swap3A_294 = tpu.vector_load %arg14[%swap3A_293] {strides = array<i32>} : memref<128xi32, #tpu.memory_space<vmem>>, vector<16xi32>,
        tpu.vector_store %arg14[%swap3A_293], %shift_right_logical3A_292 {strides = array<i32>} : memref<128xi32, #tpu.memory_space<vmem>>, vector<16xi32>,
        %add3A_295 = arith.constant 48 : i32
        %add3A_296 = arith.addi %mul3A_255, %add3A_295 : i32
        %get3A_297 = arith.index_cast %add3A_296 : i32 to index
        %get3A_298 = tpu.vector_load %arg12[%get3A_297] {strides = array<i32>} : memref<12416xi32, #tpu.memory_space<vmem>>, vector<16xi32>,
        %and3A_299 = arith.constant 16383 : i32
        %and3A_300 = vector.broadcast %and3A_299 : i32 to vector<16xi32>
        %and3A_301 = arith.andi %get3A_298, %and3A_300 : vector<16xi32>
        %swap3A_302 = arith.constant 48 : index
        %swap3A_303 = tpu.vector_load %arg13[%swap3A_302] {strides = array<i32>} : memref<128xi32, #tpu.memory_space<vmem>>, vector<16xi32>,
        tpu.vector_store %arg13[%swap3A_302], %and3A_301 {strides = array<i32>} : memref<128xi32, #tpu.memory_space<vmem>>, vector<16xi32>,
        %shift_right_logical3A_304 = arith.constant 14 : i32
        %shift_right_logical3A_305 = vector.broadcast %shift_right_logical3A_304 : i32 to vector<16xi32>
        %shift_right_logical3A_306 = arith.shrui %get3A_298, %shift_right_logical3A_305 : vector<16xi32>
        %swap3A_307 = arith.constant 48 : index
        %swap3A_308 = tpu.vector_load %arg14[%swap3A_307] {strides = array<i32>} : memref<128xi32, #tpu.memory_space<vmem>>, vector<16xi32>,
        tpu.vector_store %arg14[%swap3A_307], %shift_right_logical3A_306 {strides = array<i32>} : memref<128xi32, #tpu.memory_space<vmem>>, vector<16xi32>,
        %add3A_309 = arith.constant 64 : i32
        %add3A_310 = arith.addi %mul3A_255, %add3A_309 : i32
        %get3A_311 = arith.index_cast %add3A_310 : i32 to index
        %get3A_312 = tpu.vector_load %arg12[%get3A_311] {strides = array<i32>} : memref<12416xi32, #tpu.memory_space<vmem>>, vector<16xi32>,
        %and3A_313 = arith.constant 16383 : i32
        %and3A_314 = vector.broadcast %and3A_313 : i32 to vector<16xi32>
        %and3A_315 = arith.andi %get3A_312, %and3A_314 : vector<16xi32>
        %swap3A_316 = arith.constant 64 : index
        %swap3A_317 = tpu.vector_load %arg13[%swap3A_316] {strides = array<i32>} : memref<128xi32, #tpu.memory_space<vmem>>, vector<16xi32>,
        tpu.vector_store %arg13[%swap3A_316], %and3A_315 {strides = array<i32>} : memref<128xi32, #tpu.memory_space<vmem>>, vector<16xi32>,
        %shift_right_logical3A_318 = arith.constant 14 : i32
        %shift_right_logical3A_319 = vector.broadcast %shift_right_logical3A_318 : i32 to vector<16xi32>
        %shift_right_logical3A_320 = arith.shrui %get3A_312, %shift_right_logical3A_319 : vector<16xi32>
        %swap3A_321 = arith.constant 64 : index
        %swap3A_322 = tpu.vector_load %arg14[%swap3A_321] {strides = array<i32>} : memref<128xi32, #tpu.memory_space<vmem>>, vector<16xi32>,
        tpu.vector_store %arg14[%swap3A_321], %shift_right_logical3A_320 {strides = array<i32>} : memref<128xi32, #tpu.memory_space<vmem>>, vector<16xi32>,
        %add3A_323 = arith.constant 80 : i32
        %add3A_324 = arith.addi %mul3A_255, %add3A_323 : i32
        %get3A_325 = arith.index_cast %add3A_324 : i32 to index
        %get3A_326 = tpu.vector_load %arg12[%get3A_325] {strides = array<i32>} : memref<12416xi32, #tpu.memory_space<vmem>>, vector<16xi32>,
        %and3A_327 = arith.constant 16383 : i32
        %and3A_328 = vector.broadcast %and3A_327 : i32 to vector<16xi32>
        %and3A_329 = arith.andi %get3A_326, %and3A_328 : vector<16xi32>
        %swap3A_330 = arith.constant 80 : index
        %swap3A_331 = tpu.vector_load %arg13[%swap3A_330] {strides = array<i32>} : memref<128xi32, #tpu.memory_space<vmem>>, vector<16xi32>,
        tpu.vector_store %arg13[%swap3A_330], %and3A_329 {strides = array<i32>} : memref<128xi32, #tpu.memory_space<vmem>>, vector<16xi32>,
        %shift_right_logical3A_332 = arith.constant 14 : i32
        %shift_right_logical3A_333 = vector.broadcast %shift_right_logical3A_332 : i32 to vector<16xi32>
        %shift_right_logical3A_334 = arith.shrui %get3A_326, %shift_right_logical3A_333 : vector<16xi32>
        %swap3A_335 = arith.constant 80 : index
        %swap3A_336 = tpu.vector_load %arg14[%swap3A_335] {strides = array<i32>} : memref<128xi32, #tpu.memory_space<vmem>>, vector<16xi32>,
        tpu.vector_store %arg14[%swap3A_335], %shift_right_logical3A_334 {strides = array<i32>} : memref<128xi32, #tpu.memory_space<vmem>>, vector<16xi32>,
        %add3A_337 = arith.constant 96 : i32
        %add3A_338 = arith.addi %mul3A_255, %add3A_337 : i32
        %get3A_339 = arith.index_cast %add3A_338 : i32 to index
        %get3A_340 = tpu.vector_load %arg12[%get3A_339] {strides = array<i32>} : memref<12416xi32, #tpu.memory_space<vmem>>, vector<16xi32>,
        %and3A_341 = arith.constant 16383 : i32
        %and3A_342 = vector.broadcast %and3A_341 : i32 to vector<16xi32>
        %and3A_343 = arith.andi %get3A_340, %and3A_342 : vector<16xi32>
        %swap3A_344 = arith.constant 96 : index
        %swap3A_345 = tpu.vector_load %arg13[%swap3A_344] {strides = array<i32>} : memref<128xi32, #tpu.memory_space<vmem>>, vector<16xi32>,
        tpu.vector_store %arg13[%swap3A_344], %and3A_343 {strides = array<i32>} : memref<128xi32, #tpu.memory_space<vmem>>, vector<16xi32>,
        %shift_right_logical3A_346 = arith.constant 14 : i32
        %shift_right_logical3A_347 = vector.broadcast %shift_right_logical3A_346 : i32 to vector<16xi32>
        %shift_right_logical3A_348 = arith.shrui %get3A_340, %shift_right_logical3A_347 : vector<16xi32>
        %swap3A_349 = arith.constant 96 : index
        %swap3A_350 = tpu.vector_load %arg14[%swap3A_349] {strides = array<i32>} : memref<128xi32, #tpu.memory_space<vmem>>, vector<16xi32>,
        tpu.vector_store %arg14[%swap3A_349], %shift_right_logical3A_348 {strides = array<i32>} : memref<128xi32, #tpu.memory_space<vmem>>, vector<16xi32>,
        %add3A_351 = arith.constant 112 : i32
        %add3A_352 = arith.addi %mul3A_255, %add3A_351 : i32
        %get3A_353 = arith.index_cast %add3A_352 : i32 to index
        %get3A_354 = tpu.vector_load %arg12[%get3A_353] {strides = array<i32>} : memref<12416xi32, #tpu.memory_space<vmem>>, vector<16xi32>,
        %and3A_355 = arith.constant 16383 : i32
        %and3A_356 = vector.broadcast %and3A_355 : i32 to vector<16xi32>
        %and3A_357 = arith.andi %get3A_354, %and3A_356 : vector<16xi32>
        %swap3A_358 = arith.constant 112 : index
        %swap3A_359 = tpu.vector_load %arg13[%swap3A_358] {strides = array<i32>} : memref<128xi32, #tpu.memory_space<vmem>>, vector<16xi32>,
        tpu.vector_store %arg13[%swap3A_358], %and3A_357 {strides = array<i32>} : memref<128xi32, #tpu.memory_space<vmem>>, vector<16xi32>,
        %shift_right_logical3A_360 = arith.constant 14 : i32
        %shift_right_logical3A_361 = vector.broadcast %shift_right_logical3A_360 : i32 to vector<16xi32>
        %shift_right_logical3A_362 = arith.shrui %get3A_354, %shift_right_logical3A_361 : vector<16xi32>
        %swap3A_363 = arith.constant 112 : index
        %swap3A_364 = tpu.vector_load %arg14[%swap3A_363] {strides = array<i32>} : memref<128xi32, #tpu.memory_space<vmem>>, vector<16xi32>,
        tpu.vector_store %arg14[%swap3A_363], %shift_right_logical3A_362 {strides = array<i32>} : memref<128xi32, #tpu.memory_space<vmem>>, vector<16xi32>,
        %dma_start3A_365 = arith.constant 0 : i32
        %dma_start3A_366 = arith.constant 0 : i32
        %dma_start3A_367 = tpu.memref_slice %arg2[%dma_start3A_365, %dma_start3A_366] : memref<10000x128xf32, #tpu.memory_space<hbm>> -> memref<10000x128xf32, #tpu.memory_space<hbm>>
        tpu.enqueue_indirect_dma source(%dma_start3A_367 : memref<10000x128xf32, #tpu.memory_space<hbm>>) target(%arg21 : memref<128x128xf32, #tpu.memory_space<vmem>>) offsets(%arg13 : memref<128xi32, #tpu.memory_space<vmem>>) semaphore(%arg26 : memref<!tpu.dma_semaphore, #tpu.memory_space<semaphore_mem>>)
      } else {
      }
      %add3A_221 = arith.constant 1 : i32
      %add3A_222 = arith.addi %add3A_179, %add3A_221 : i32
      %mul3A_223 = arith.constant 4 : i32
      %mul3A_224 = arith.muli %mul3A_223, %add3A_222 : i32
      %add3A_225 = arith.constant 1 : i32
      %add3A_226 = arith.addi %mul3A_224, %add3A_225 : i32
      %lt3A_227 = arith.cmpi slt, %add3A_226, %select_n3A_110 : i32
      %convert_element_type3A_228 = arith.extui %lt3A_227 : i1 to i32
      %cond3A_229 = arith.constant 0 : i32
      %cond3A_230 = arith.cmpi ne, %convert_element_type3A_228, %cond3A_229 : i32
      scf.if %cond3A_230 {
        %dma_wait3A_251 = arith.constant 0 : i32
        %dma_wait3A_252 = arith.constant 0 : i32
        %dma_wait3A_253 = tpu.memref_slice %arg25[%dma_wait3A_251, %dma_wait3A_252] : memref<2520x128xf32, #tpu.memory_space<vmem_shared>> -> memref<2520x128xf32, #tpu.memory_space<vmem_shared>>
        tpu.wait_indirect_dma semaphore(%arg31 : memref<!tpu.dma_semaphore, #tpu.memory_space<semaphore_mem>>) src(%arg22 : memref<128x128xf32, #tpu.memory_space<vmem>>) dst(%dma_wait3A_253 : memref<2520x128xf32, #tpu.memory_space<vmem_shared>>)
        %mul3A_254 = arith.constant 128 : i32
        %mul3A_255 = arith.muli %add3A_226, %mul3A_254 : i32
        %add3A_256 = arith.constant 0 : i32
        %add3A_257 = arith.addi %mul3A_255, %add3A_256 : i32
        %get3A = arith.index_cast %add3A_257 : i32 to index
        %get3A_258 = tpu.vector_load %arg12[%get3A] {strides = array<i32>} : memref<12416xi32, #tpu.memory_space<vmem>>, vector<16xi32>,
        %and3A_259 = arith.constant 16383 : i32
        %and3A_260 = vector.broadcast %and3A_259 : i32 to vector<16xi32>
        %and3A_261 = arith.andi %get3A_258, %and3A_260 : vector<16xi32>
        %swap3A = arith.constant 0 : index
        %swap3A_262 = tpu.vector_load %arg15[%swap3A] {strides = array<i32>} : memref<128xi32, #tpu.memory_space<vmem>>, vector<16xi32>,
        tpu.vector_store %arg15[%swap3A], %and3A_261 {strides = array<i32>} : memref<128xi32, #tpu.memory_space<vmem>>, vector<16xi32>,
        %shift_right_logical3A = arith.constant 14 : i32
        %shift_right_logical3A_263 = vector.broadcast %shift_right_logical3A : i32 to vector<16xi32>
        %shift_right_logical3A_264 = arith.shrui %get3A_258, %shift_right_logical3A_263 : vector<16xi32>
        %swap3A_265 = arith.constant 0 : index
        %swap3A_266 = tpu.vector_load %arg16[%swap3A_265] {strides = array<i32>} : memref<128xi32, #tpu.memory_space<vmem>>, vector<16xi32>,
        tpu.vector_store %arg16[%swap3A_265], %shift_right_logical3A_264 {strides = array<i32>} : memref<128xi32, #tpu.memory_space<vmem>>, vector<16xi32>,
        %add3A_267 = arith.constant 16 : i32
        %add3A_268 = arith.addi %mul3A_255, %add3A_267 : i32
        %get3A_269 = arith.index_cast %add3A_268 : i32 to index
        %get3A_270 = tpu.vector_load %arg12[%get3A_269] {strides = array<i32>} : memref<12416xi32, #tpu.memory_space<vmem>>, vector<16xi32>,
        %and3A_271 = arith.constant 16383 : i32
        %and3A_272 = vector.broadcast %and3A_271 : i32 to vector<16xi32>
        %and3A_273 = arith.andi %get3A_270, %and3A_272 : vector<16xi32>
        %swap3A_274 = arith.constant 16 : index
        %swap3A_275 = tpu.vector_load %arg15[%swap3A_274] {strides = array<i32>} : memref<128xi32, #tpu.memory_space<vmem>>, vector<16xi32>,
        tpu.vector_store %arg15[%swap3A_274], %and3A_273 {strides = array<i32>} : memref<128xi32, #tpu.memory_space<vmem>>, vector<16xi32>,
        %shift_right_logical3A_276 = arith.constant 14 : i32
        %shift_right_logical3A_277 = vector.broadcast %shift_right_logical3A_276 : i32 to vector<16xi32>
        %shift_right_logical3A_278 = arith.shrui %get3A_270, %shift_right_logical3A_277 : vector<16xi32>
        %swap3A_279 = arith.constant 16 : index
        %swap3A_280 = tpu.vector_load %arg16[%swap3A_279] {strides = array<i32>} : memref<128xi32, #tpu.memory_space<vmem>>, vector<16xi32>,
        tpu.vector_store %arg16[%swap3A_279], %shift_right_logical3A_278 {strides = array<i32>} : memref<128xi32, #tpu.memory_space<vmem>>, vector<16xi32>,
        %add3A_281 = arith.constant 32 : i32
        %add3A_282 = arith.addi %mul3A_255, %add3A_281 : i32
        %get3A_283 = arith.index_cast %add3A_282 : i32 to index
        %get3A_284 = tpu.vector_load %arg12[%get3A_283] {strides = array<i32>} : memref<12416xi32, #tpu.memory_space<vmem>>, vector<16xi32>,
        %and3A_285 = arith.constant 16383 : i32
        %and3A_286 = vector.broadcast %and3A_285 : i32 to vector<16xi32>
        %and3A_287 = arith.andi %get3A_284, %and3A_286 : vector<16xi32>
        %swap3A_288 = arith.constant 32 : index
        %swap3A_289 = tpu.vector_load %arg15[%swap3A_288] {strides = array<i32>} : memref<128xi32, #tpu.memory_space<vmem>>, vector<16xi32>,
        tpu.vector_store %arg15[%swap3A_288], %and3A_287 {strides = array<i32>} : memref<128xi32, #tpu.memory_space<vmem>>, vector<16xi32>,
        %shift_right_logical3A_290 = arith.constant 14 : i32
        %shift_right_logical3A_291 = vector.broadcast %shift_right_logical3A_290 : i32 to vector<16xi32>
        %shift_right_logical3A_292 = arith.shrui %get3A_284, %shift_right_logical3A_291 : vector<16xi32>
        %swap3A_293 = arith.constant 32 : index
        %swap3A_294 = tpu.vector_load %arg16[%swap3A_293] {strides = array<i32>} : memref<128xi32, #tpu.memory_space<vmem>>, vector<16xi32>,
        tpu.vector_store %arg16[%swap3A_293], %shift_right_logical3A_292 {strides = array<i32>} : memref<128xi32, #tpu.memory_space<vmem>>, vector<16xi32>,
        %add3A_295 = arith.constant 48 : i32
        %add3A_296 = arith.addi %mul3A_255, %add3A_295 : i32
        %get3A_297 = arith.index_cast %add3A_296 : i32 to index
        %get3A_298 = tpu.vector_load %arg12[%get3A_297] {strides = array<i32>} : memref<12416xi32, #tpu.memory_space<vmem>>, vector<16xi32>,
        %and3A_299 = arith.constant 16383 : i32
        %and3A_300 = vector.broadcast %and3A_299 : i32 to vector<16xi32>
        %and3A_301 = arith.andi %get3A_298, %and3A_300 : vector<16xi32>
        %swap3A_302 = arith.constant 48 : index
        %swap3A_303 = tpu.vector_load %arg15[%swap3A_302] {strides = array<i32>} : memref<128xi32, #tpu.memory_space<vmem>>, vector<16xi32>,
        tpu.vector_store %arg15[%swap3A_302], %and3A_301 {strides = array<i32>} : memref<128xi32, #tpu.memory_space<vmem>>, vector<16xi32>,
        %shift_right_logical3A_304 = arith.constant 14 : i32
        %shift_right_logical3A_305 = vector.broadcast %shift_right_logical3A_304 : i32 to vector<16xi32>
        %shift_right_logical3A_306 = arith.shrui %get3A_298, %shift_right_logical3A_305 : vector<16xi32>
        %swap3A_307 = arith.constant 48 : index
        %swap3A_308 = tpu.vector_load %arg16[%swap3A_307] {strides = array<i32>} : memref<128xi32, #tpu.memory_space<vmem>>, vector<16xi32>,
        tpu.vector_store %arg16[%swap3A_307], %shift_right_logical3A_306 {strides = array<i32>} : memref<128xi32, #tpu.memory_space<vmem>>, vector<16xi32>,
        %add3A_309 = arith.constant 64 : i32
        %add3A_310 = arith.addi %mul3A_255, %add3A_309 : i32
        %get3A_311 = arith.index_cast %add3A_310 : i32 to index
        %get3A_312 = tpu.vector_load %arg12[%get3A_311] {strides = array<i32>} : memref<12416xi32, #tpu.memory_space<vmem>>, vector<16xi32>,
        %and3A_313 = arith.constant 16383 : i32
        %and3A_314 = vector.broadcast %and3A_313 : i32 to vector<16xi32>
        %and3A_315 = arith.andi %get3A_312, %and3A_314 : vector<16xi32>
        %swap3A_316 = arith.constant 64 : index
        %swap3A_317 = tpu.vector_load %arg15[%swap3A_316] {strides = array<i32>} : memref<128xi32, #tpu.memory_space<vmem>>, vector<16xi32>,
        tpu.vector_store %arg15[%swap3A_316], %and3A_315 {strides = array<i32>} : memref<128xi32, #tpu.memory_space<vmem>>, vector<16xi32>,
        %shift_right_logical3A_318 = arith.constant 14 : i32
        %shift_right_logical3A_319 = vector.broadcast %shift_right_logical3A_318 : i32 to vector<16xi32>
        %shift_right_logical3A_320 = arith.shrui %get3A_312, %shift_right_logical3A_319 : vector<16xi32>
        %swap3A_321 = arith.constant 64 : index
        %swap3A_322 = tpu.vector_load %arg16[%swap3A_321] {strides = array<i32>} : memref<128xi32, #tpu.memory_space<vmem>>, vector<16xi32>,
        tpu.vector_store %arg16[%swap3A_321], %shift_right_logical3A_320 {strides = array<i32>} : memref<128xi32, #tpu.memory_space<vmem>>, vector<16xi32>,
        %add3A_323 = arith.constant 80 : i32
        %add3A_324 = arith.addi %mul3A_255, %add3A_323 : i32
        %get3A_325 = arith.index_cast %add3A_324 : i32 to index
        %get3A_326 = tpu.vector_load %arg12[%get3A_325] {strides = array<i32>} : memref<12416xi32, #tpu.memory_space<vmem>>, vector<16xi32>,
        %and3A_327 = arith.constant 16383 : i32
        %and3A_328 = vector.broadcast %and3A_327 : i32 to vector<16xi32>
        %and3A_329 = arith.andi %get3A_326, %and3A_328 : vector<16xi32>
        %swap3A_330 = arith.constant 80 : index
        %swap3A_331 = tpu.vector_load %arg15[%swap3A_330] {strides = array<i32>} : memref<128xi32, #tpu.memory_space<vmem>>, vector<16xi32>,
        tpu.vector_store %arg15[%swap3A_330], %and3A_329 {strides = array<i32>} : memref<128xi32, #tpu.memory_space<vmem>>, vector<16xi32>,
        %shift_right_logical3A_332 = arith.constant 14 : i32
        %shift_right_logical3A_333 = vector.broadcast %shift_right_logical3A_332 : i32 to vector<16xi32>
        %shift_right_logical3A_334 = arith.shrui %get3A_326, %shift_right_logical3A_333 : vector<16xi32>
        %swap3A_335 = arith.constant 80 : index
        %swap3A_336 = tpu.vector_load %arg16[%swap3A_335] {strides = array<i32>} : memref<128xi32, #tpu.memory_space<vmem>>, vector<16xi32>,
        tpu.vector_store %arg16[%swap3A_335], %shift_right_logical3A_334 {strides = array<i32>} : memref<128xi32, #tpu.memory_space<vmem>>, vector<16xi32>,
        %add3A_337 = arith.constant 96 : i32
        %add3A_338 = arith.addi %mul3A_255, %add3A_337 : i32
        %get3A_339 = arith.index_cast %add3A_338 : i32 to index
        %get3A_340 = tpu.vector_load %arg12[%get3A_339] {strides = array<i32>} : memref<12416xi32, #tpu.memory_space<vmem>>, vector<16xi32>,
        %and3A_341 = arith.constant 16383 : i32
        %and3A_342 = vector.broadcast %and3A_341 : i32 to vector<16xi32>
        %and3A_343 = arith.andi %get3A_340, %and3A_342 : vector<16xi32>
        %swap3A_344 = arith.constant 96 : index
        %swap3A_345 = tpu.vector_load %arg15[%swap3A_344] {strides = array<i32>} : memref<128xi32, #tpu.memory_space<vmem>>, vector<16xi32>,
        tpu.vector_store %arg15[%swap3A_344], %and3A_343 {strides = array<i32>} : memref<128xi32, #tpu.memory_space<vmem>>, vector<16xi32>,
        %shift_right_logical3A_346 = arith.constant 14 : i32
        %shift_right_logical3A_347 = vector.broadcast %shift_right_logical3A_346 : i32 to vector<16xi32>
        %shift_right_logical3A_348 = arith.shrui %get3A_340, %shift_right_logical3A_347 : vector<16xi32>
        %swap3A_349 = arith.constant 96 : index
        %swap3A_350 = tpu.vector_load %arg16[%swap3A_349] {strides = array<i32>} : memref<128xi32, #tpu.memory_space<vmem>>, vector<16xi32>,
        tpu.vector_store %arg16[%swap3A_349], %shift_right_logical3A_348 {strides = array<i32>} : memref<128xi32, #tpu.memory_space<vmem>>, vector<16xi32>,
        %add3A_351 = arith.constant 112 : i32
        %add3A_352 = arith.addi %mul3A_255, %add3A_351 : i32
        %get3A_353 = arith.index_cast %add3A_352 : i32 to index
        %get3A_354 = tpu.vector_load %arg12[%get3A_353] {strides = array<i32>} : memref<12416xi32, #tpu.memory_space<vmem>>, vector<16xi32>,
        %and3A_355 = arith.constant 16383 : i32
        %and3A_356 = vector.broadcast %and3A_355 : i32 to vector<16xi32>
        %and3A_357 = arith.andi %get3A_354, %and3A_356 : vector<16xi32>
        %swap3A_358 = arith.constant 112 : index
        %swap3A_359 = tpu.vector_load %arg15[%swap3A_358] {strides = array<i32>} : memref<128xi32, #tpu.memory_space<vmem>>, vector<16xi32>,
        tpu.vector_store %arg15[%swap3A_358], %and3A_357 {strides = array<i32>} : memref<128xi32, #tpu.memory_space<vmem>>, vector<16xi32>,
        %shift_right_logical3A_360 = arith.constant 14 : i32
        %shift_right_logical3A_361 = vector.broadcast %shift_right_logical3A_360 : i32 to vector<16xi32>
        %shift_right_logical3A_362 = arith.shrui %get3A_354, %shift_right_logical3A_361 : vector<16xi32>
        %swap3A_363 = arith.constant 112 : index
        %swap3A_364 = tpu.vector_load %arg16[%swap3A_363] {strides = array<i32>} : memref<128xi32, #tpu.memory_space<vmem>>, vector<16xi32>,
        tpu.vector_store %arg16[%swap3A_363], %shift_right_logical3A_362 {strides = array<i32>} : memref<128xi32, #tpu.memory_space<vmem>>, vector<16xi32>,
        %dma_start3A_365 = arith.constant 0 : i32
        %dma_start3A_366 = arith.constant 0 : i32
        %dma_start3A_367 = tpu.memref_slice %arg2[%dma_start3A_365, %dma_start3A_366] : memref<10000x128xf32, #tpu.memory_space<hbm>> -> memref<10000x128xf32, #tpu.memory_space<hbm>>
        tpu.enqueue_indirect_dma source(%dma_start3A_367 : memref<10000x128xf32, #tpu.memory_space<hbm>>) target(%arg22 : memref<128x128xf32, #tpu.memory_space<vmem>>) offsets(%arg15 : memref<128xi32, #tpu.memory_space<vmem>>) semaphore(%arg27 : memref<!tpu.dma_semaphore, #tpu.memory_space<semaphore_mem>>)
      } else {
      }
      %add3A_231 = arith.constant 1 : i32
      %add3A_232 = arith.addi %add3A_179, %add3A_231 : i32
      %mul3A_233 = arith.constant 4 : i32
      %mul3A_234 = arith.muli %mul3A_233, %add3A_232 : i32
      %add3A_235 = arith.constant 2 : i32
      %add3A_236 = arith.addi %mul3A_234, %add3A_235 : i32
      %lt3A_237 = arith.cmpi slt, %add3A_236, %select_n3A_110 : i32
      %convert_element_type3A_238 = arith.extui %lt3A_237 : i1 to i32
      %cond3A_239 = arith.constant 0 : i32
      %cond3A_240 = arith.cmpi ne, %convert_element_type3A_238, %cond3A_239 : i32
      scf.if %cond3A_240 {
        %dma_wait3A_251 = arith.constant 0 : i32
        %dma_wait3A_252 = arith.constant 0 : i32
        %dma_wait3A_253 = tpu.memref_slice %arg25[%dma_wait3A_251, %dma_wait3A_252] : memref<2520x128xf32, #tpu.memory_space<vmem_shared>> -> memref<2520x128xf32, #tpu.memory_space<vmem_shared>>
        tpu.wait_indirect_dma semaphore(%arg32 : memref<!tpu.dma_semaphore, #tpu.memory_space<semaphore_mem>>) src(%arg23 : memref<128x128xf32, #tpu.memory_space<vmem>>) dst(%dma_wait3A_253 : memref<2520x128xf32, #tpu.memory_space<vmem_shared>>)
        %mul3A_254 = arith.constant 128 : i32
        %mul3A_255 = arith.muli %add3A_236, %mul3A_254 : i32
        %add3A_256 = arith.constant 0 : i32
        %add3A_257 = arith.addi %mul3A_255, %add3A_256 : i32
        %get3A = arith.index_cast %add3A_257 : i32 to index
        %get3A_258 = tpu.vector_load %arg12[%get3A] {strides = array<i32>} : memref<12416xi32, #tpu.memory_space<vmem>>, vector<16xi32>,
        %and3A_259 = arith.constant 16383 : i32
        %and3A_260 = vector.broadcast %and3A_259 : i32 to vector<16xi32>
        %and3A_261 = arith.andi %get3A_258, %and3A_260 : vector<16xi32>
        %swap3A = arith.constant 0 : index
        %swap3A_262 = tpu.vector_load %arg17[%swap3A] {strides = array<i32>} : memref<128xi32, #tpu.memory_space<vmem>>, vector<16xi32>,
        tpu.vector_store %arg17[%swap3A], %and3A_261 {strides = array<i32>} : memref<128xi32, #tpu.memory_space<vmem>>, vector<16xi32>,
        %shift_right_logical3A = arith.constant 14 : i32
        %shift_right_logical3A_263 = vector.broadcast %shift_right_logical3A : i32 to vector<16xi32>
        %shift_right_logical3A_264 = arith.shrui %get3A_258, %shift_right_logical3A_263 : vector<16xi32>
        %swap3A_265 = arith.constant 0 : index
        %swap3A_266 = tpu.vector_load %arg18[%swap3A_265] {strides = array<i32>} : memref<128xi32, #tpu.memory_space<vmem>>, vector<16xi32>,
        tpu.vector_store %arg18[%swap3A_265], %shift_right_logical3A_264 {strides = array<i32>} : memref<128xi32, #tpu.memory_space<vmem>>, vector<16xi32>,
        %add3A_267 = arith.constant 16 : i32
        %add3A_268 = arith.addi %mul3A_255, %add3A_267 : i32
        %get3A_269 = arith.index_cast %add3A_268 : i32 to index
        %get3A_270 = tpu.vector_load %arg12[%get3A_269] {strides = array<i32>} : memref<12416xi32, #tpu.memory_space<vmem>>, vector<16xi32>,
        %and3A_271 = arith.constant 16383 : i32
        %and3A_272 = vector.broadcast %and3A_271 : i32 to vector<16xi32>
        %and3A_273 = arith.andi %get3A_270, %and3A_272 : vector<16xi32>
        %swap3A_274 = arith.constant 16 : index
        %swap3A_275 = tpu.vector_load %arg17[%swap3A_274] {strides = array<i32>} : memref<128xi32, #tpu.memory_space<vmem>>, vector<16xi32>,
        tpu.vector_store %arg17[%swap3A_274], %and3A_273 {strides = array<i32>} : memref<128xi32, #tpu.memory_space<vmem>>, vector<16xi32>,
        %shift_right_logical3A_276 = arith.constant 14 : i32
        %shift_right_logical3A_277 = vector.broadcast %shift_right_logical3A_276 : i32 to vector<16xi32>
        %shift_right_logical3A_278 = arith.shrui %get3A_270, %shift_right_logical3A_277 : vector<16xi32>
        %swap3A_279 = arith.constant 16 : index
        %swap3A_280 = tpu.vector_load %arg18[%swap3A_279] {strides = array<i32>} : memref<128xi32, #tpu.memory_space<vmem>>, vector<16xi32>,
        tpu.vector_store %arg18[%swap3A_279], %shift_right_logical3A_278 {strides = array<i32>} : memref<128xi32, #tpu.memory_space<vmem>>, vector<16xi32>,
        %add3A_281 = arith.constant 32 : i32
        %add3A_282 = arith.addi %mul3A_255, %add3A_281 : i32
        %get3A_283 = arith.index_cast %add3A_282 : i32 to index
        %get3A_284 = tpu.vector_load %arg12[%get3A_283] {strides = array<i32>} : memref<12416xi32, #tpu.memory_space<vmem>>, vector<16xi32>,
        %and3A_285 = arith.constant 16383 : i32
        %and3A_286 = vector.broadcast %and3A_285 : i32 to vector<16xi32>
        %and3A_287 = arith.andi %get3A_284, %and3A_286 : vector<16xi32>
        %swap3A_288 = arith.constant 32 : index
        %swap3A_289 = tpu.vector_load %arg17[%swap3A_288] {strides = array<i32>} : memref<128xi32, #tpu.memory_space<vmem>>, vector<16xi32>,
        tpu.vector_store %arg17[%swap3A_288], %and3A_287 {strides = array<i32>} : memref<128xi32, #tpu.memory_space<vmem>>, vector<16xi32>,
        %shift_right_logical3A_290 = arith.constant 14 : i32
        %shift_right_logical3A_291 = vector.broadcast %shift_right_logical3A_290 : i32 to vector<16xi32>
        %shift_right_logical3A_292 = arith.shrui %get3A_284, %shift_right_logical3A_291 : vector<16xi32>
        %swap3A_293 = arith.constant 32 : index
        %swap3A_294 = tpu.vector_load %arg18[%swap3A_293] {strides = array<i32>} : memref<128xi32, #tpu.memory_space<vmem>>, vector<16xi32>,
        tpu.vector_store %arg18[%swap3A_293], %shift_right_logical3A_292 {strides = array<i32>} : memref<128xi32, #tpu.memory_space<vmem>>, vector<16xi32>,
        %add3A_295 = arith.constant 48 : i32
        %add3A_296 = arith.addi %mul3A_255, %add3A_295 : i32
        %get3A_297 = arith.index_cast %add3A_296 : i32 to index
        %get3A_298 = tpu.vector_load %arg12[%get3A_297] {strides = array<i32>} : memref<12416xi32, #tpu.memory_space<vmem>>, vector<16xi32>,
        %and3A_299 = arith.constant 16383 : i32
        %and3A_300 = vector.broadcast %and3A_299 : i32 to vector<16xi32>
        %and3A_301 = arith.andi %get3A_298, %and3A_300 : vector<16xi32>
        %swap3A_302 = arith.constant 48 : index
        %swap3A_303 = tpu.vector_load %arg17[%swap3A_302] {strides = array<i32>} : memref<128xi32, #tpu.memory_space<vmem>>, vector<16xi32>,
        tpu.vector_store %arg17[%swap3A_302], %and3A_301 {strides = array<i32>} : memref<128xi32, #tpu.memory_space<vmem>>, vector<16xi32>,
        %shift_right_logical3A_304 = arith.constant 14 : i32
        %shift_right_logical3A_305 = vector.broadcast %shift_right_logical3A_304 : i32 to vector<16xi32>
        %shift_right_logical3A_306 = arith.shrui %get3A_298, %shift_right_logical3A_305 : vector<16xi32>
        %swap3A_307 = arith.constant 48 : index
        %swap3A_308 = tpu.vector_load %arg18[%swap3A_307] {strides = array<i32>} : memref<128xi32, #tpu.memory_space<vmem>>, vector<16xi32>,
        tpu.vector_store %arg18[%swap3A_307], %shift_right_logical3A_306 {strides = array<i32>} : memref<128xi32, #tpu.memory_space<vmem>>, vector<16xi32>,
        %add3A_309 = arith.constant 64 : i32
        %add3A_310 = arith.addi %mul3A_255, %add3A_309 : i32
        %get3A_311 = arith.index_cast %add3A_310 : i32 to index
        %get3A_312 = tpu.vector_load %arg12[%get3A_311] {strides = array<i32>} : memref<12416xi32, #tpu.memory_space<vmem>>, vector<16xi32>,
        %and3A_313 = arith.constant 16383 : i32
        %and3A_314 = vector.broadcast %and3A_313 : i32 to vector<16xi32>
        %and3A_315 = arith.andi %get3A_312, %and3A_314 : vector<16xi32>
        %swap3A_316 = arith.constant 64 : index
        %swap3A_317 = tpu.vector_load %arg17[%swap3A_316] {strides = array<i32>} : memref<128xi32, #tpu.memory_space<vmem>>, vector<16xi32>,
        tpu.vector_store %arg17[%swap3A_316], %and3A_315 {strides = array<i32>} : memref<128xi32, #tpu.memory_space<vmem>>, vector<16xi32>,
        %shift_right_logical3A_318 = arith.constant 14 : i32
        %shift_right_logical3A_319 = vector.broadcast %shift_right_logical3A_318 : i32 to vector<16xi32>
        %shift_right_logical3A_320 = arith.shrui %get3A_312, %shift_right_logical3A_319 : vector<16xi32>
        %swap3A_321 = arith.constant 64 : index
        %swap3A_322 = tpu.vector_load %arg18[%swap3A_321] {strides = array<i32>} : memref<128xi32, #tpu.memory_space<vmem>>, vector<16xi32>,
        tpu.vector_store %arg18[%swap3A_321], %shift_right_logical3A_320 {strides = array<i32>} : memref<128xi32, #tpu.memory_space<vmem>>, vector<16xi32>,
        %add3A_323 = arith.constant 80 : i32
        %add3A_324 = arith.addi %mul3A_255, %add3A_323 : i32
        %get3A_325 = arith.index_cast %add3A_324 : i32 to index
        %get3A_326 = tpu.vector_load %arg12[%get3A_325] {strides = array<i32>} : memref<12416xi32, #tpu.memory_space<vmem>>, vector<16xi32>,
        %and3A_327 = arith.constant 16383 : i32
        %and3A_328 = vector.broadcast %and3A_327 : i32 to vector<16xi32>
        %and3A_329 = arith.andi %get3A_326, %and3A_328 : vector<16xi32>
        %swap3A_330 = arith.constant 80 : index
        %swap3A_331 = tpu.vector_load %arg17[%swap3A_330] {strides = array<i32>} : memref<128xi32, #tpu.memory_space<vmem>>, vector<16xi32>,
        tpu.vector_store %arg17[%swap3A_330], %and3A_329 {strides = array<i32>} : memref<128xi32, #tpu.memory_space<vmem>>, vector<16xi32>,
        %shift_right_logical3A_332 = arith.constant 14 : i32
        %shift_right_logical3A_333 = vector.broadcast %shift_right_logical3A_332 : i32 to vector<16xi32>
        %shift_right_logical3A_334 = arith.shrui %get3A_326, %shift_right_logical3A_333 : vector<16xi32>
        %swap3A_335 = arith.constant 80 : index
        %swap3A_336 = tpu.vector_load %arg18[%swap3A_335] {strides = array<i32>} : memref<128xi32, #tpu.memory_space<vmem>>, vector<16xi32>,
        tpu.vector_store %arg18[%swap3A_335], %shift_right_logical3A_334 {strides = array<i32>} : memref<128xi32, #tpu.memory_space<vmem>>, vector<16xi32>,
        %add3A_337 = arith.constant 96 : i32
        %add3A_338 = arith.addi %mul3A_255, %add3A_337 : i32
        %get3A_339 = arith.index_cast %add3A_338 : i32 to index
        %get3A_340 = tpu.vector_load %arg12[%get3A_339] {strides = array<i32>} : memref<12416xi32, #tpu.memory_space<vmem>>, vector<16xi32>,
        %and3A_341 = arith.constant 16383 : i32
        %and3A_342 = vector.broadcast %and3A_341 : i32 to vector<16xi32>
        %and3A_343 = arith.andi %get3A_340, %and3A_342 : vector<16xi32>
        %swap3A_344 = arith.constant 96 : index
        %swap3A_345 = tpu.vector_load %arg17[%swap3A_344] {strides = array<i32>} : memref<128xi32, #tpu.memory_space<vmem>>, vector<16xi32>,
        tpu.vector_store %arg17[%swap3A_344], %and3A_343 {strides = array<i32>} : memref<128xi32, #tpu.memory_space<vmem>>, vector<16xi32>,
        %shift_right_logical3A_346 = arith.constant 14 : i32
        %shift_right_logical3A_347 = vector.broadcast %shift_right_logical3A_346 : i32 to vector<16xi32>
        %shift_right_logical3A_348 = arith.shrui %get3A_340, %shift_right_logical3A_347 : vector<16xi32>
        %swap3A_349 = arith.constant 96 : index
        %swap3A_350 = tpu.vector_load %arg18[%swap3A_349] {strides = array<i32>} : memref<128xi32, #tpu.memory_space<vmem>>, vector<16xi32>,
        tpu.vector_store %arg18[%swap3A_349], %shift_right_logical3A_348 {strides = array<i32>} : memref<128xi32, #tpu.memory_space<vmem>>, vector<16xi32>,
        %add3A_351 = arith.constant 112 : i32
        %add3A_352 = arith.addi %mul3A_255, %add3A_351 : i32
        %get3A_353 = arith.index_cast %add3A_352 : i32 to index
        %get3A_354 = tpu.vector_load %arg12[%get3A_353] {strides = array<i32>} : memref<12416xi32, #tpu.memory_space<vmem>>, vector<16xi32>,
        %and3A_355 = arith.constant 16383 : i32
        %and3A_356 = vector.broadcast %and3A_355 : i32 to vector<16xi32>
        %and3A_357 = arith.andi %get3A_354, %and3A_356 : vector<16xi32>
        %swap3A_358 = arith.constant 112 : index
        %swap3A_359 = tpu.vector_load %arg17[%swap3A_358] {strides = array<i32>} : memref<128xi32, #tpu.memory_space<vmem>>, vector<16xi32>,
        tpu.vector_store %arg17[%swap3A_358], %and3A_357 {strides = array<i32>} : memref<128xi32, #tpu.memory_space<vmem>>, vector<16xi32>,
        %shift_right_logical3A_360 = arith.constant 14 : i32
        %shift_right_logical3A_361 = vector.broadcast %shift_right_logical3A_360 : i32 to vector<16xi32>
        %shift_right_logical3A_362 = arith.shrui %get3A_354, %shift_right_logical3A_361 : vector<16xi32>
        %swap3A_363 = arith.constant 112 : index
        %swap3A_364 = tpu.vector_load %arg18[%swap3A_363] {strides = array<i32>} : memref<128xi32, #tpu.memory_space<vmem>>, vector<16xi32>,
        tpu.vector_store %arg18[%swap3A_363], %shift_right_logical3A_362 {strides = array<i32>} : memref<128xi32, #tpu.memory_space<vmem>>, vector<16xi32>,
        %dma_start3A_365 = arith.constant 0 : i32
        %dma_start3A_366 = arith.constant 0 : i32
        %dma_start3A_367 = tpu.memref_slice %arg2[%dma_start3A_365, %dma_start3A_366] : memref<10000x128xf32, #tpu.memory_space<hbm>> -> memref<10000x128xf32, #tpu.memory_space<hbm>>
        tpu.enqueue_indirect_dma source(%dma_start3A_367 : memref<10000x128xf32, #tpu.memory_space<hbm>>) target(%arg23 : memref<128x128xf32, #tpu.memory_space<vmem>>) offsets(%arg17 : memref<128xi32, #tpu.memory_space<vmem>>) semaphore(%arg28 : memref<!tpu.dma_semaphore, #tpu.memory_space<semaphore_mem>>)
      } else {
      }
      %add3A_241 = arith.constant 1 : i32
      %add3A_242 = arith.addi %add3A_179, %add3A_241 : i32
      %mul3A_243 = arith.constant 4 : i32
      %mul3A_244 = arith.muli %mul3A_243, %add3A_242 : i32
      %add3A_245 = arith.constant 3 : i32
      %add3A_246 = arith.addi %mul3A_244, %add3A_245 : i32
      %lt3A_247 = arith.cmpi slt, %add3A_246, %select_n3A_110 : i32
      %convert_element_type3A_248 = arith.extui %lt3A_247 : i1 to i32
      %cond3A_249 = arith.constant 0 : i32
      %cond3A_250 = arith.cmpi ne, %convert_element_type3A_248, %cond3A_249 : i32
      scf.if %cond3A_250 {
        %dma_wait3A_251 = arith.constant 0 : i32
        %dma_wait3A_252 = arith.constant 0 : i32
        %dma_wait3A_253 = tpu.memref_slice %arg25[%dma_wait3A_251, %dma_wait3A_252] : memref<2520x128xf32, #tpu.memory_space<vmem_shared>> -> memref<2520x128xf32, #tpu.memory_space<vmem_shared>>
        tpu.wait_indirect_dma semaphore(%arg33 : memref<!tpu.dma_semaphore, #tpu.memory_space<semaphore_mem>>) src(%arg24 : memref<128x128xf32, #tpu.memory_space<vmem>>) dst(%dma_wait3A_253 : memref<2520x128xf32, #tpu.memory_space<vmem_shared>>)
        %mul3A_254 = arith.constant 128 : i32
        %mul3A_255 = arith.muli %add3A_246, %mul3A_254 : i32
        %add3A_256 = arith.constant 0 : i32
        %add3A_257 = arith.addi %mul3A_255, %add3A_256 : i32
        %get3A = arith.index_cast %add3A_257 : i32 to index
        %get3A_258 = tpu.vector_load %arg12[%get3A] {strides = array<i32>} : memref<12416xi32, #tpu.memory_space<vmem>>, vector<16xi32>,
        %and3A_259 = arith.constant 16383 : i32
        %and3A_260 = vector.broadcast %and3A_259 : i32 to vector<16xi32>
        %and3A_261 = arith.andi %get3A_258, %and3A_260 : vector<16xi32>
        %swap3A = arith.constant 0 : index
        %swap3A_262 = tpu.vector_load %arg19[%swap3A] {strides = array<i32>} : memref<128xi32, #tpu.memory_space<vmem>>, vector<16xi32>,
        tpu.vector_store %arg19[%swap3A], %and3A_261 {strides = array<i32>} : memref<128xi32, #tpu.memory_space<vmem>>, vector<16xi32>,
        %shift_right_logical3A = arith.constant 14 : i32
        %shift_right_logical3A_263 = vector.broadcast %shift_right_logical3A : i32 to vector<16xi32>
        %shift_right_logical3A_264 = arith.shrui %get3A_258, %shift_right_logical3A_263 : vector<16xi32>
        %swap3A_265 = arith.constant 0 : index
        %swap3A_266 = tpu.vector_load %arg20[%swap3A_265] {strides = array<i32>} : memref<128xi32, #tpu.memory_space<vmem>>, vector<16xi32>,
        tpu.vector_store %arg20[%swap3A_265], %shift_right_logical3A_264 {strides = array<i32>} : memref<128xi32, #tpu.memory_space<vmem>>, vector<16xi32>,
        %add3A_267 = arith.constant 16 : i32
        %add3A_268 = arith.addi %mul3A_255, %add3A_267 : i32
        %get3A_269 = arith.index_cast %add3A_268 : i32 to index
        %get3A_270 = tpu.vector_load %arg12[%get3A_269] {strides = array<i32>} : memref<12416xi32, #tpu.memory_space<vmem>>, vector<16xi32>,
        %and3A_271 = arith.constant 16383 : i32
        %and3A_272 = vector.broadcast %and3A_271 : i32 to vector<16xi32>
        %and3A_273 = arith.andi %get3A_270, %and3A_272 : vector<16xi32>
        %swap3A_274 = arith.constant 16 : index
        %swap3A_275 = tpu.vector_load %arg19[%swap3A_274] {strides = array<i32>} : memref<128xi32, #tpu.memory_space<vmem>>, vector<16xi32>,
        tpu.vector_store %arg19[%swap3A_274], %and3A_273 {strides = array<i32>} : memref<128xi32, #tpu.memory_space<vmem>>, vector<16xi32>,
        %shift_right_logical3A_276 = arith.constant 14 : i32
        %shift_right_logical3A_277 = vector.broadcast %shift_right_logical3A_276 : i32 to vector<16xi32>
        %shift_right_logical3A_278 = arith.shrui %get3A_270, %shift_right_logical3A_277 : vector<16xi32>
        %swap3A_279 = arith.constant 16 : index
        %swap3A_280 = tpu.vector_load %arg20[%swap3A_279] {strides = array<i32>} : memref<128xi32, #tpu.memory_space<vmem>>, vector<16xi32>,
        tpu.vector_store %arg20[%swap3A_279], %shift_right_logical3A_278 {strides = array<i32>} : memref<128xi32, #tpu.memory_space<vmem>>, vector<16xi32>,
        %add3A_281 = arith.constant 32 : i32
        %add3A_282 = arith.addi %mul3A_255, %add3A_281 : i32
        %get3A_283 = arith.index_cast %add3A_282 : i32 to index
        %get3A_284 = tpu.vector_load %arg12[%get3A_283] {strides = array<i32>} : memref<12416xi32, #tpu.memory_space<vmem>>, vector<16xi32>,
        %and3A_285 = arith.constant 16383 : i32
        %and3A_286 = vector.broadcast %and3A_285 : i32 to vector<16xi32>
        %and3A_287 = arith.andi %get3A_284, %and3A_286 : vector<16xi32>
        %swap3A_288 = arith.constant 32 : index
        %swap3A_289 = tpu.vector_load %arg19[%swap3A_288] {strides = array<i32>} : memref<128xi32, #tpu.memory_space<vmem>>, vector<16xi32>,
        tpu.vector_store %arg19[%swap3A_288], %and3A_287 {strides = array<i32>} : memref<128xi32, #tpu.memory_space<vmem>>, vector<16xi32>,
        %shift_right_logical3A_290 = arith.constant 14 : i32
        %shift_right_logical3A_291 = vector.broadcast %shift_right_logical3A_290 : i32 to vector<16xi32>
        %shift_right_logical3A_292 = arith.shrui %get3A_284, %shift_right_logical3A_291 : vector<16xi32>
        %swap3A_293 = arith.constant 32 : index
        %swap3A_294 = tpu.vector_load %arg20[%swap3A_293] {strides = array<i32>} : memref<128xi32, #tpu.memory_space<vmem>>, vector<16xi32>,
        tpu.vector_store %arg20[%swap3A_293], %shift_right_logical3A_292 {strides = array<i32>} : memref<128xi32, #tpu.memory_space<vmem>>, vector<16xi32>,
        %add3A_295 = arith.constant 48 : i32
        %add3A_296 = arith.addi %mul3A_255, %add3A_295 : i32
        %get3A_297 = arith.index_cast %add3A_296 : i32 to index
        %get3A_298 = tpu.vector_load %arg12[%get3A_297] {strides = array<i32>} : memref<12416xi32, #tpu.memory_space<vmem>>, vector<16xi32>,
        %and3A_299 = arith.constant 16383 : i32
        %and3A_300 = vector.broadcast %and3A_299 : i32 to vector<16xi32>
        %and3A_301 = arith.andi %get3A_298, %and3A_300 : vector<16xi32>
        %swap3A_302 = arith.constant 48 : index
        %swap3A_303 = tpu.vector_load %arg19[%swap3A_302] {strides = array<i32>} : memref<128xi32, #tpu.memory_space<vmem>>, vector<16xi32>,
        tpu.vector_store %arg19[%swap3A_302], %and3A_301 {strides = array<i32>} : memref<128xi32, #tpu.memory_space<vmem>>, vector<16xi32>,
        %shift_right_logical3A_304 = arith.constant 14 : i32
        %shift_right_logical3A_305 = vector.broadcast %shift_right_logical3A_304 : i32 to vector<16xi32>
        %shift_right_logical3A_306 = arith.shrui %get3A_298, %shift_right_logical3A_305 : vector<16xi32>
        %swap3A_307 = arith.constant 48 : index
        %swap3A_308 = tpu.vector_load %arg20[%swap3A_307] {strides = array<i32>} : memref<128xi32, #tpu.memory_space<vmem>>, vector<16xi32>,
        tpu.vector_store %arg20[%swap3A_307], %shift_right_logical3A_306 {strides = array<i32>} : memref<128xi32, #tpu.memory_space<vmem>>, vector<16xi32>,
        %add3A_309 = arith.constant 64 : i32
        %add3A_310 = arith.addi %mul3A_255, %add3A_309 : i32
        %get3A_311 = arith.index_cast %add3A_310 : i32 to index
        %get3A_312 = tpu.vector_load %arg12[%get3A_311] {strides = array<i32>} : memref<12416xi32, #tpu.memory_space<vmem>>, vector<16xi32>,
        %and3A_313 = arith.constant 16383 : i32
        %and3A_314 = vector.broadcast %and3A_313 : i32 to vector<16xi32>
        %and3A_315 = arith.andi %get3A_312, %and3A_314 : vector<16xi32>
        %swap3A_316 = arith.constant 64 : index
        %swap3A_317 = tpu.vector_load %arg19[%swap3A_316] {strides = array<i32>} : memref<128xi32, #tpu.memory_space<vmem>>, vector<16xi32>,
        tpu.vector_store %arg19[%swap3A_316], %and3A_315 {strides = array<i32>} : memref<128xi32, #tpu.memory_space<vmem>>, vector<16xi32>,
        %shift_right_logical3A_318 = arith.constant 14 : i32
        %shift_right_logical3A_319 = vector.broadcast %shift_right_logical3A_318 : i32 to vector<16xi32>
        %shift_right_logical3A_320 = arith.shrui %get3A_312, %shift_right_logical3A_319 : vector<16xi32>
        %swap3A_321 = arith.constant 64 : index
        %swap3A_322 = tpu.vector_load %arg20[%swap3A_321] {strides = array<i32>} : memref<128xi32, #tpu.memory_space<vmem>>, vector<16xi32>,
        tpu.vector_store %arg20[%swap3A_321], %shift_right_logical3A_320 {strides = array<i32>} : memref<128xi32, #tpu.memory_space<vmem>>, vector<16xi32>,
        %add3A_323 = arith.constant 80 : i32
        %add3A_324 = arith.addi %mul3A_255, %add3A_323 : i32
        %get3A_325 = arith.index_cast %add3A_324 : i32 to index
        %get3A_326 = tpu.vector_load %arg12[%get3A_325] {strides = array<i32>} : memref<12416xi32, #tpu.memory_space<vmem>>, vector<16xi32>,
        %and3A_327 = arith.constant 16383 : i32
        %and3A_328 = vector.broadcast %and3A_327 : i32 to vector<16xi32>
        %and3A_329 = arith.andi %get3A_326, %and3A_328 : vector<16xi32>
        %swap3A_330 = arith.constant 80 : index
        %swap3A_331 = tpu.vector_load %arg19[%swap3A_330] {strides = array<i32>} : memref<128xi32, #tpu.memory_space<vmem>>, vector<16xi32>,
        tpu.vector_store %arg19[%swap3A_330], %and3A_329 {strides = array<i32>} : memref<128xi32, #tpu.memory_space<vmem>>, vector<16xi32>,
        %shift_right_logical3A_332 = arith.constant 14 : i32
        %shift_right_logical3A_333 = vector.broadcast %shift_right_logical3A_332 : i32 to vector<16xi32>
        %shift_right_logical3A_334 = arith.shrui %get3A_326, %shift_right_logical3A_333 : vector<16xi32>
        %swap3A_335 = arith.constant 80 : index
        %swap3A_336 = tpu.vector_load %arg20[%swap3A_335] {strides = array<i32>} : memref<128xi32, #tpu.memory_space<vmem>>, vector<16xi32>,
        tpu.vector_store %arg20[%swap3A_335], %shift_right_logical3A_334 {strides = array<i32>} : memref<128xi32, #tpu.memory_space<vmem>>, vector<16xi32>,
        %add3A_337 = arith.constant 96 : i32
        %add3A_338 = arith.addi %mul3A_255, %add3A_337 : i32
        %get3A_339 = arith.index_cast %add3A_338 : i32 to index
        %get3A_340 = tpu.vector_load %arg12[%get3A_339] {strides = array<i32>} : memref<12416xi32, #tpu.memory_space<vmem>>, vector<16xi32>,
        %and3A_341 = arith.constant 16383 : i32
        %and3A_342 = vector.broadcast %and3A_341 : i32 to vector<16xi32>
        %and3A_343 = arith.andi %get3A_340, %and3A_342 : vector<16xi32>
        %swap3A_344 = arith.constant 96 : index
        %swap3A_345 = tpu.vector_load %arg19[%swap3A_344] {strides = array<i32>} : memref<128xi32, #tpu.memory_space<vmem>>, vector<16xi32>,
        tpu.vector_store %arg19[%swap3A_344], %and3A_343 {strides = array<i32>} : memref<128xi32, #tpu.memory_space<vmem>>, vector<16xi32>,
        %shift_right_logical3A_346 = arith.constant 14 : i32
        %shift_right_logical3A_347 = vector.broadcast %shift_right_logical3A_346 : i32 to vector<16xi32>
        %shift_right_logical3A_348 = arith.shrui %get3A_340, %shift_right_logical3A_347 : vector<16xi32>
        %swap3A_349 = arith.constant 96 : index
        %swap3A_350 = tpu.vector_load %arg20[%swap3A_349] {strides = array<i32>} : memref<128xi32, #tpu.memory_space<vmem>>, vector<16xi32>,
        tpu.vector_store %arg20[%swap3A_349], %shift_right_logical3A_348 {strides = array<i32>} : memref<128xi32, #tpu.memory_space<vmem>>, vector<16xi32>,
        %add3A_351 = arith.constant 112 : i32
        %add3A_352 = arith.addi %mul3A_255, %add3A_351 : i32
        %get3A_353 = arith.index_cast %add3A_352 : i32 to index
        %get3A_354 = tpu.vector_load %arg12[%get3A_353] {strides = array<i32>} : memref<12416xi32, #tpu.memory_space<vmem>>, vector<16xi32>,
        %and3A_355 = arith.constant 16383 : i32
        %and3A_356 = vector.broadcast %and3A_355 : i32 to vector<16xi32>
        %and3A_357 = arith.andi %get3A_354, %and3A_356 : vector<16xi32>
        %swap3A_358 = arith.constant 112 : index
        %swap3A_359 = tpu.vector_load %arg19[%swap3A_358] {strides = array<i32>} : memref<128xi32, #tpu.memory_space<vmem>>, vector<16xi32>,
        tpu.vector_store %arg19[%swap3A_358], %and3A_357 {strides = array<i32>} : memref<128xi32, #tpu.memory_space<vmem>>, vector<16xi32>,
        %shift_right_logical3A_360 = arith.constant 14 : i32
        %shift_right_logical3A_361 = vector.broadcast %shift_right_logical3A_360 : i32 to vector<16xi32>
        %shift_right_logical3A_362 = arith.shrui %get3A_354, %shift_right_logical3A_361 : vector<16xi32>
        %swap3A_363 = arith.constant 112 : index
        %swap3A_364 = tpu.vector_load %arg20[%swap3A_363] {strides = array<i32>} : memref<128xi32, #tpu.memory_space<vmem>>, vector<16xi32>,
        tpu.vector_store %arg20[%swap3A_363], %shift_right_logical3A_362 {strides = array<i32>} : memref<128xi32, #tpu.memory_space<vmem>>, vector<16xi32>,
        %dma_start3A_365 = arith.constant 0 : i32
        %dma_start3A_366 = arith.constant 0 : i32
        %dma_start3A_367 = tpu.memref_slice %arg2[%dma_start3A_365, %dma_start3A_366] : memref<10000x128xf32, #tpu.memory_space<hbm>> -> memref<10000x128xf32, #tpu.memory_space<hbm>>
        tpu.enqueue_indirect_dma source(%dma_start3A_367 : memref<10000x128xf32, #tpu.memory_space<hbm>>) target(%arg24 : memref<128x128xf32, #tpu.memory_space<vmem>>) offsets(%arg19 : memref<128xi32, #tpu.memory_space<vmem>>) semaphore(%arg29 : memref<!tpu.dma_semaphore, #tpu.memory_space<semaphore_mem>>)
      } else {
      }
    }
    %scan3A_132 = arith.constant 25 : i32
    %gt3A_133 = arith.constant 0 : i32
    %gt3A_134 = arith.cmpi sgt, %select_n3A_110, %gt3A_133 : i32
    %convert_element_type3A_135 = arith.extui %gt3A_134 : i1 to i32
    %cond3A_136 = arith.constant 0 : i32
    %cond3A_137 = arith.cmpi ne, %convert_element_type3A_135, %cond3A_136 : i32
    scf.if %cond3A_137 {
      %dma_wait3A_175 = arith.constant 0 : i32
      %dma_wait3A_176 = arith.constant 0 : i32
      %dma_wait3A_177 = tpu.memref_slice %arg25[%dma_wait3A_175, %dma_wait3A_176] : memref<2520x128xf32, #tpu.memory_space<vmem_shared>> -> memref<2520x128xf32, #tpu.memory_space<vmem_shared>>
      tpu.wait_indirect_dma semaphore(%arg30 : memref<!tpu.dma_semaphore, #tpu.memory_space<semaphore_mem>>) src(%arg21 : memref<128x128xf32, #tpu.memory_space<vmem>>) dst(%dma_wait3A_177 : memref<2520x128xf32, #tpu.memory_space<vmem_shared>>)
    } else {
    }
    %gt3A_138 = arith.constant 1 : i32
    %gt3A_139 = arith.cmpi sgt, %select_n3A_110, %gt3A_138 : i32
    %convert_element_type3A_140 = arith.extui %gt3A_139 : i1 to i32
    %cond3A_141 = arith.constant 0 : i32
    %cond3A_142 = arith.cmpi ne, %convert_element_type3A_140, %cond3A_141 : i32
    scf.if %cond3A_142 {
      %dma_wait3A_175 = arith.constant 0 : i32
      %dma_wait3A_176 = arith.constant 0 : i32
      %dma_wait3A_177 = tpu.memref_slice %arg25[%dma_wait3A_175, %dma_wait3A_176] : memref<2520x128xf32, #tpu.memory_space<vmem_shared>> -> memref<2520x128xf32, #tpu.memory_space<vmem_shared>>
      tpu.wait_indirect_dma semaphore(%arg31 : memref<!tpu.dma_semaphore, #tpu.memory_space<semaphore_mem>>) src(%arg22 : memref<128x128xf32, #tpu.memory_space<vmem>>) dst(%dma_wait3A_177 : memref<2520x128xf32, #tpu.memory_space<vmem_shared>>)
    } else {
    }
    %gt3A_143 = arith.constant 2 : i32
    %gt3A_144 = arith.cmpi sgt, %select_n3A_110, %gt3A_143 : i32
    %convert_element_type3A_145 = arith.extui %gt3A_144 : i1 to i32
    %cond3A_146 = arith.constant 0 : i32
    %cond3A_147 = arith.cmpi ne, %convert_element_type3A_145, %cond3A_146 : i32
    scf.if %cond3A_147 {
      %dma_wait3A_175 = arith.constant 0 : i32
      %dma_wait3A_176 = arith.constant 0 : i32
      %dma_wait3A_177 = tpu.memref_slice %arg25[%dma_wait3A_175, %dma_wait3A_176] : memref<2520x128xf32, #tpu.memory_space<vmem_shared>> -> memref<2520x128xf32, #tpu.memory_space<vmem_shared>>
      tpu.wait_indirect_dma semaphore(%arg32 : memref<!tpu.dma_semaphore, #tpu.memory_space<semaphore_mem>>) src(%arg23 : memref<128x128xf32, #tpu.memory_space<vmem>>) dst(%dma_wait3A_177 : memref<2520x128xf32, #tpu.memory_space<vmem_shared>>)
    } else {
    }
    %gt3A_148 = arith.constant 3 : i32
    %gt3A_149 = arith.cmpi sgt, %select_n3A_110, %gt3A_148 : i32
    %convert_element_type3A_150 = arith.extui %gt3A_149 : i1 to i32
    %cond3A_151 = arith.constant 0 : i32
    %cond3A_152 = arith.cmpi ne, %convert_element_type3A_150, %cond3A_151 : i32
    scf.if %cond3A_152 {
      %dma_wait3A_175 = arith.constant 0 : i32
      %dma_wait3A_176 = arith.constant 0 : i32
      %dma_wait3A_177 = tpu.memref_slice %arg25[%dma_wait3A_175, %dma_wait3A_176] : memref<2520x128xf32, #tpu.memory_space<vmem_shared>> -> memref<2520x128xf32, #tpu.memory_space<vmem_shared>>
      tpu.wait_indirect_dma semaphore(%arg33 : memref<!tpu.dma_semaphore, #tpu.memory_space<semaphore_mem>>) src(%arg24 : memref<128x128xf32, #tpu.memory_space<vmem>>) dst(%dma_wait3A_177 : memref<2520x128xf32, #tpu.memory_space<vmem_shared>>)
    } else {
    }
    %barrier3A_153 = arith.constant 0 : index
    tpu.barrier barrier_id(%barrier3A_153)
    "tpu.trace_stop"() : () -> ()
    %scan3A_154 = arith.constant 0 : i32
    %scan3A_155 = arith.constant 4 : i32
    %scan3A_156 = arith.addi %scan3A_154, %scan3A_155 : i32
    %scan3A_157 = arith.constant 1 : i32
    scf.for %scan3A_175 = %scan3A_154 to %scan3A_156 step %scan3A_157  : i32 {
      %mul3A_176 = arith.constant 1 : i32
      %mul3A_177 = arith.muli %scan3A_175, %mul3A_176 : i32
      %add3A_178 = arith.constant 0 : i32
      %add3A_179 = arith.addi %add3A_178, %mul3A_177 : i32
      %mul3A_180 = arith.constant 16 : i32
      %mul3A_181 = arith.muli %mul3A_180, %add3A_179 : i32
      %add3A_182 = arith.addi %arg1, %mul3A_181 : i32
      %lt3A = arith.constant 62 : i32
      %lt3A_183 = arith.cmpi slt, %add3A_182, %lt3A : i32
      %convert_element_type3A_184 = arith.extui %lt3A_183 : i1 to i32
      %cond3A_185 = arith.constant 0 : i32
      %cond3A_186 = arith.cmpi ne, %convert_element_type3A_184, %cond3A_185 : i32
      scf.if %cond3A_186 {
        %mul3A_187 = arith.constant 40 : i32
        %mul3A_188 = arith.muli %add3A_182, %mul3A_187 : i32
        %add3A_189 = arith.addi %select_n3A, %mul3A_188 : i32
        %multiple_of3A_190 = tpu.assume_multiple %add3A_189, 8 : i32
        %mul3A_191 = arith.constant 40 : i32
        %mul3A_192 = arith.muli %add3A_182, %mul3A_191 : i32
        "tpu.region"() ({
          %run_scoped3A = tpu.sem_alloc : memref<!tpu.dma_semaphore, #tpu.memory_space<semaphore_mem>>
          %dma_start3A_193 = arith.constant 0 : i32
          %dma_start3A_194 = tpu.memref_slice %arg6[%multiple_of3A_190, %dma_start3A_193] : memref<5000x128xf32, #tpu.memory_space<hbm>> -> memref<40x128xf32, #tpu.memory_space<hbm>>
          %dma_start3A_195 = arith.constant 0 : i32
          %dma_start3A_196 = tpu.memref_slice %arg25[%mul3A_192, %dma_start3A_195] : memref<2520x128xf32, #tpu.memory_space<vmem_shared>> -> memref<40x128xf32, #tpu.memory_space<vmem_shared>>
          tpu.enqueue_dma source(%dma_start3A_196 : memref<40x128xf32, #tpu.memory_space<vmem_shared>>) target(%dma_start3A_194 : memref<40x128xf32, #tpu.memory_space<hbm>>) target_semaphore(%run_scoped3A : memref<!tpu.dma_semaphore, #tpu.memory_space<semaphore_mem>>)
          %dma_wait3A_197 = arith.constant 0 : i32
          %dma_wait3A_198 = tpu.memref_slice %arg6[%multiple_of3A_190, %dma_wait3A_197] : memref<5000x128xf32, #tpu.memory_space<hbm>> -> memref<40x128xf32, #tpu.memory_space<hbm>>
          %dma_wait3A_199 = arith.constant 0 : i32
          %dma_wait3A_200 = tpu.memref_slice %arg25[%mul3A_192, %dma_wait3A_199] : memref<2520x128xf32, #tpu.memory_space<vmem_shared>> -> memref<40x128xf32, #tpu.memory_space<vmem_shared>>
          tpu.wait_dma2 semaphore(%run_scoped3A : memref<!tpu.dma_semaphore, #tpu.memory_space<semaphore_mem>>) src(%dma_wait3A_200 : memref<40x128xf32, #tpu.memory_space<vmem_shared>>) dst(%dma_wait3A_198 : memref<40x128xf32, #tpu.memory_space<hbm>>)
          tpu.yield
        }) : () -> ()
      } else {
      }
    }
    %scan3A_158 = arith.constant 4 : i32
    %eq3A_159 = arith.constant 15 : i32
    %eq3A_160 = arith.cmpi eq, %arg1, %eq3A_159 : i32
    %eq3A_161 = arith.constant 0 : i32
    %eq3A_162 = arith.cmpi eq, %arg0, %eq3A_161 : i32
    %and3A_163 = arith.andi %eq3A_160, %eq3A_162 : i1
    %convert_element_type3A_164 = arith.extui %and3A_163 : i1 to i32
    %cond3A_165 = arith.constant 0 : i32
    %cond3A_166 = arith.cmpi ne, %convert_element_type3A_164, %cond3A_165 : i32
    scf.if %cond3A_166 {
      "tpu.region"() ({
        %run_scoped3A = tpu.sem_alloc : memref<!tpu.dma_semaphore, #tpu.memory_space<semaphore_mem>>
        %dma_start3A_175 = arith.constant 2480 : i32
        %dma_start3A_176 = arith.constant 0 : i32
        %dma_start3A_177 = tpu.memref_slice %arg6[%dma_start3A_175, %dma_start3A_176] : memref<5000x128xf32, #tpu.memory_space<hbm>> -> memref<24x128xf32, #tpu.memory_space<hbm>>
        %dma_start3A_178 = arith.constant 2480 : i32
        %dma_start3A_179 = arith.constant 0 : i32
        %dma_start3A_180 = tpu.memref_slice %arg25[%dma_start3A_178, %dma_start3A_179] : memref<2520x128xf32, #tpu.memory_space<vmem_shared>> -> memref<24x128xf32, #tpu.memory_space<vmem_shared>>
        tpu.enqueue_dma source(%dma_start3A_180 : memref<24x128xf32, #tpu.memory_space<vmem_shared>>) target(%dma_start3A_177 : memref<24x128xf32, #tpu.memory_space<hbm>>) target_semaphore(%run_scoped3A : memref<!tpu.dma_semaphore, #tpu.memory_space<semaphore_mem>>)
        %dma_wait3A_181 = arith.constant 2480 : i32
        %dma_wait3A_182 = arith.constant 0 : i32
        %dma_wait3A_183 = tpu.memref_slice %arg6[%dma_wait3A_181, %dma_wait3A_182] : memref<5000x128xf32, #tpu.memory_space<hbm>> -> memref<24x128xf32, #tpu.memory_space<hbm>>
        %dma_wait3A_184 = arith.constant 2480 : i32
        %dma_wait3A_185 = arith.constant 0 : i32
        %dma_wait3A_186 = tpu.memref_slice %arg25[%dma_wait3A_184, %dma_wait3A_185] : memref<2520x128xf32, #tpu.memory_space<vmem_shared>> -> memref<24x128xf32, #tpu.memory_space<vmem_shared>>
        tpu.wait_dma2 semaphore(%run_scoped3A : memref<!tpu.dma_semaphore, #tpu.memory_space<semaphore_mem>>) src(%dma_wait3A_186 : memref<24x128xf32, #tpu.memory_space<vmem_shared>>) dst(%dma_wait3A_183 : memref<24x128xf32, #tpu.memory_space<hbm>>)
        tpu.yield
      }) : () -> ()
    } else {
    }
    %eq3A_167 = arith.constant 15 : i32
    %eq3A_168 = arith.cmpi eq, %arg1, %eq3A_167 : i32
    %eq3A_169 = arith.constant 1 : i32
    %eq3A_170 = arith.cmpi eq, %arg0, %eq3A_169 : i32
    %and3A_171 = arith.andi %eq3A_168, %eq3A_170 : i1
    %convert_element_type3A_172 = arith.extui %and3A_171 : i1 to i32
    %cond3A_173 = arith.constant 0 : i32
    %cond3A_174 = arith.cmpi ne, %convert_element_type3A_172, %cond3A_173 : i32
    scf.if %cond3A_174 {
      "tpu.region"() ({
        %run_scoped3A = tpu.sem_alloc : memref<!tpu.dma_semaphore, #tpu.memory_space<semaphore_mem>>
        %dma_start3A_175 = arith.constant 4984 : i32
        %dma_start3A_176 = arith.constant 0 : i32
        %dma_start3A_177 = tpu.memref_slice %arg6[%dma_start3A_175, %dma_start3A_176] : memref<5000x128xf32, #tpu.memory_space<hbm>> -> memref<16x128xf32, #tpu.memory_space<hbm>>
        %dma_start3A_178 = arith.constant 2480 : i32
        %dma_start3A_179 = arith.constant 0 : i32
        %dma_start3A_180 = tpu.memref_slice %arg25[%dma_start3A_178, %dma_start3A_179] : memref<2520x128xf32, #tpu.memory_space<vmem_shared>> -> memref<16x128xf32, #tpu.memory_space<vmem_shared>>
        tpu.enqueue_dma source(%dma_start3A_180 : memref<16x128xf32, #tpu.memory_space<vmem_shared>>) target(%dma_start3A_177 : memref<16x128xf32, #tpu.memory_space<hbm>>) target_semaphore(%run_scoped3A : memref<!tpu.dma_semaphore, #tpu.memory_space<semaphore_mem>>)
        %dma_wait3A_181 = arith.constant 4984 : i32
        %dma_wait3A_182 = arith.constant 0 : i32
        %dma_wait3A_183 = tpu.memref_slice %arg6[%dma_wait3A_181, %dma_wait3A_182] : memref<5000x128xf32, #tpu.memory_space<hbm>> -> memref<16x128xf32, #tpu.memory_space<hbm>>
        %dma_wait3A_184 = arith.constant 2480 : i32
        %dma_wait3A_185 = arith.constant 0 : i32
        %dma_wait3A_186 = tpu.memref_slice %arg25[%dma_wait3A_184, %dma_wait3A_185] : memref<2520x128xf32, #tpu.memory_space<vmem_shared>> -> memref<16x128xf32, #tpu.memory_space<vmem_shared>>
        tpu.wait_dma2 semaphore(%run_scoped3A : memref<!tpu.dma_semaphore, #tpu.memory_space<semaphore_mem>>) src(%dma_wait3A_186 : memref<16x128xf32, #tpu.memory_space<vmem_shared>>) dst(%dma_wait3A_183 : memref<16x128xf32, #tpu.memory_space<hbm>>)
        tpu.yield
      }) : () -> ()
    } else {
    }
    return
  }
}

module attributes {stable_mosaic.version = 14 : i64} {
  func.func @_scores_body(%arg0: memref<10000x128xf32, #tpu.memory_space<vmem>>, %arg1: memref<128x1xf32, #tpu.memory_space<vmem>>, %arg2: memref<10000x1xf32, #tpu.memory_space<vmem>>) attributes {dimension_semantics = [], scalar_prefetch = 0 : i64, scratch_operands = 0 : i64, tpu.core_type = #tpu.core_type<tc>} {
    %get3A = arith.constant 0 : index
    %get3A_0 = arith.constant 0 : index
    %get3A_1 = vector.load %arg0[%get3A, %get3A_0] : memref<10000x128xf32, #tpu.memory_space<vmem>>, vector<10000x128xf32>
    %get3A_2 = arith.constant 0 : index
    %get3A_3 = arith.constant 0 : index
    %get3A_4 = vector.load %arg1[%get3A_2, %get3A_3] : memref<128x1xf32, #tpu.memory_space<vmem>>, vector<128x1xf32>
    %dot_general3A = arith.constant dense<0.000000e+00> : vector<10000x1xf32>
    %dot_general3A_5 = tpu.matmul %get3A_1, %get3A_4, %dot_general3A {dimension_numbers = #tpu.dot_dimension_numbers<[1], [0], [0], [1], [0, 0, 1, 1], [], []>, transpose_lhs_hint = false} : vector<10000x128xf32>, vector<128x1xf32>, vector<10000x1xf32> -> vector<10000x1xf32>
    %logistic3A = arith.negf %dot_general3A_5 : vector<10000x1xf32>
    %logistic3A_6 = math.exp %logistic3A : vector<10000x1xf32>
    %logistic3A_7 = arith.constant 1.000000e+00 : f32
    %logistic3A_8 = vector.broadcast %logistic3A_7 : f32 to vector<10000x1xf32>
    %logistic3A_9 = arith.addf %logistic3A_8, %logistic3A_6 : vector<10000x1xf32>
    %logistic3A_10 = arith.divf %logistic3A_8, %logistic3A_9 : vector<10000x1xf32>
    %swap3A = arith.constant 0 : index
    %swap3A_11 = arith.constant 0 : index
    %swap3A_12 = vector.load %arg2[%swap3A, %swap3A_11] : memref<10000x1xf32, #tpu.memory_space<vmem>>, vector<10000x1xf32>
    tpu.vector_store %arg2[%swap3A, %swap3A_11], %logistic3A_10 {strides = array<i32>} : memref<10000x1xf32, #tpu.memory_space<vmem>>, vector<10000x1xf32>,
    return
  }
}

</mosaic_0001>

<sc_bundles>
// kernel: kernel.4.cloned.1.call-start
scs
__scs_entry_jumppad:
0x0: {  	(pc) =	sbr.rel $0x88, $3  }
0x1: {  	(tag) =	ssettag $0x0;
	lr =	simm.s32 $0x1  }
0x2: {  	[smem:$0x3F9E] =	sst lr;
	_ =	strace $0xD0000000  }
0x3: {  	_ = 	snop  }
0x4: {  	_ = 	snop  }
0x5: {  	_ = 	snop  }
0x6: {  	_ = 	snop  }
0x7: {  	_ = 	snop  }
__scs_overlays_trampoline_lowered:
0x8: {  	[smem:$0x3FAD] =	sst s0  }
0x9: {  	[smem:$0x3FAE] =	sst s1  }
0xa: {  	[smem:$0x3FAF] =	sst s2  }
0xb: {  	[smem:$0x3FB0] =	sst s3  }
0xc: {  	[smem:$0x3FB1] =	sst s4  }
0xd: {  	[smem:$0x3FB2] =	sst s5  }
0xe: {  	[smem:$0x3FB3] =	sst s6  }
0xf: {  	[smem:$0x3FB4] =	sst s7  }
0x10: {  	[smem:$0x3FB5] =	sst s8  }
0x11: {  	[smem:$0x3FB6] =	sst s9;
	s0 =	simm.s32 @!p0 $0x0  }
0x12: {  	s1 =	sld [smem:$0x3F9C];
	s0 =	simm.s32 @p0 $0x1  }
0x13: {  	[smem:$0x3FB7] =	sst s0;
	s0 =	simm.s32 @!p1 $0x0  }
0x14: {  	s2 =	sld [smem:$0x3F9B];
	s0 =	simm.s32 @p1 $0x1  }
0x15: {  	[smem:$0x3FB8] =	sst s0;
	s0 =	simm.s32 @!p2 $0x0  }
0x16: {  	s3 =	sld [smem:$0x3FDB];
	s0 =	simm.s32 @p2 $0x1  }
0x17: {  	s4 =	simm.s32 $0x1BF5;
	[smem:$0x3FBA] =	sst s0  }
0x18: {  	s0 =	sld [smem:$0x3F9D];
	_ =	swait.ge [sflag:s4], $0x0  }
0x19: {  	s7 =	sld [smem:$0x3F9E]  }
0x1a: {  	s8 =	sadd.s32 $0xFFFFE003, lr  }
0x1b: {  	s9 =	sadd.s32 $0xFFFFFEF7, lr;
	s5 =	simm.s32 $0xFFFFFFFF;
	p2 =	slt.u32 s8, $0xFFFFF086  }
0x1c: {  	p1 =	slt.u32 s9, $0xF7A;
	s5 =	simm.s32 @!p2 $0x0  }
0x1d: {  	s5 =	simm.s32 @p1 $0x1;
	p0 =	seq.s32 s7, s2  }
0x1e: {  	s7 =	smul.u32 @!p0 $0xF7A, s2;
	p2 =	seq.s32 @!p0 s5, $0x0  }
0x1f: {  	s9 =	smul.u32 $0xF7A, s1;
	s8 =	simm.s32 @!p0 $0x1BF5;
	p2 =	por !p2, p0  }
0x20: {  	[sflag:s8] =	ssyncset.s32 @!p0 $0xFFFFF086;
	s6 =	sadd.s32 @!p0 s3, s7;
	s7 =	simm.s32 @!p0 $0x108  }
0x21: {  	s3 =	sadd.s32 s3, s9;
	s6 =	sadd.s32 @!p0 $0x88, s6;
	s7 =	simm.s32 @p2 $0x1082  }
0x22: {  	[simem:s7], [sflag:s8] =	dma.local @!p0 [hbm:s6], $0xF7A  }
0x23: {  	s9 =	sor.u32 $0xD0000000, s2;
	s6 =	simm.s32 $0x108;
	_ =	swait.ge @!p0 [sflag:s8], $0x0  }
0x24: {  	s3 =	sadd.s32 $0x88, s3;
	s6 =	simm.s32 @!p1 $0x1082;
	[sflag:s4] =	ssyncset.s32 $0xFFFFF086  }
0x25: {  	[simem:s6], [sflag:s4] =	dma.local [hbm:s3], $0xF7A  }
0x26: {  	[smem:$0x3F9E] =	sst s1;
	(tag) =	ssettag s2;
	_ =	strace s9  }
0x27: {  	s1 =	sld [smem:$0x3FAE]  }
0x28: {  	s2 =	sld [smem:$0x3FAF]  }
0x29: {  	s4 =	sld [smem:$0x3FB1]  }
0x2a: {  	p0 =	seq.s32 s5, $0x0;
	s5 =	sld [smem:$0x3FB2]  }
0x2b: {  	s6 =	sld [smem:$0x3FB3]  }
0x2c: {  	s7 =	sld [smem:$0x3FB4]  }
0x2d: {  	s3 =	simm.s32 $0x108;
	s8 =	sld [smem:$0x3FB5]  }
0x2e: {  	s3 =	simm.s32 @!p0 $0x1082;
	s9 =	sld [smem:$0x3FB6]  }
0x2f: {  	lr =	sadd.s32 s0, s3;
	s0 =	sld [smem:$0x3FAD]  }
0x30: {  	s3 =	sld [smem:$0x3FB0]  }
0x31: {  	[smem:$0x3FB9] =	sst s10  }
0x32: {  	s10 =	sld [smem:$0x3FB7];
	_ =	sdelay $0x3  }
0x33: {  	p0 =	seq.s32 s10, $0x1;
	s10 =	sld [smem:$0x3FB9];
	_ =	sdelay $0x3  }
0x34: {  	[smem:$0x3FB9] =	sst s10  }
0x35: {  	s10 =	sld [smem:$0x3FB8];
	_ =	sdelay $0x3  }
0x36: {  	p1 =	seq.s32 s10, $0x1;
	s10 =	sld [smem:$0x3FB9];
	_ =	sdelay $0x3  }
0x37: {  	[smem:$0x3FB9] =	sst s10  }
0x38: {  	s10 =	sld [smem:$0x3FBA]  }
0x39: {  	_ = 	snop;
	(pc) =	sbr.ind lr, $3  }
0x3a: {  	_ = 	snop  }
0x3b: {  	_ = 	snop  }
0x3c: {  	p2 =	seq.s32 s10, $0x1;
	s10 =	sld [smem:$0x3FB9]  }
0x3d: {  	_ =	shalt  }
0x3e: {  	_ =	shalt  }
0x3f: {  	_ =	shalt  }
0x40: {  	_ =	shalt  }
0x41: {  	_ =	shalt  }
0x42: {  	_ =	shalt  }
0x43: {  	_ =	shalt  }
0x44: {  	_ =	shalt  }
0x45: {  	_ =	shalt  }
0x46: {  	_ =	shalt  }
0x47: {  	_ =	shalt  }
0x48: {  	_ =	shalt  }
0x49: {  	_ =	shalt  }
0x4a: {  	_ =	shalt  }
0x4b: {  	_ =	shalt  }
0x4c: {  	_ =	shalt  }
0x4d: {  	_ =	shalt  }
0x4e: {  	_ =	shalt  }
0x4f: {  	_ =	shalt  }
0x50: {  	_ =	shalt  }
0x51: {  	_ =	shalt  }
0x52: {  	_ =	shalt  }
0x53: {  	_ =	shalt  }
0x54: {  	_ =	shalt  }
0x55: {  	_ =	shalt  }
0x56: {  	_ =	shalt  }
0x57: {  	_ =	shalt  }
0x58: {  	_ =	shalt  }
0x59: {  	_ =	shalt  }
0x5a: {  	_ =	shalt  }
0x5b: {  	_ =	shalt  }
0x5c: {  	_ =	shalt  }
0x5d: {  	_ =	shalt  }
0x5e: {  	_ =	shalt  }
0x5f: {  	_ =	shalt  }
0x60: {  	_ =	shalt  }
0x61: {  	_ =	shalt  }
0x62: {  	_ =	shalt  }
0x63: {  	_ =	shalt  }
0x64: {  	_ =	shalt  }
0x65: {  	_ =	shalt  }
0x66: {  	_ =	shalt  }
0x67: {  	_ =	shalt  }
0x68: {  	_ =	shalt  }
0x69: {  	_ =	shalt  }
0x6a: {  	_ =	shalt  }
0x6b: {  	_ =	shalt  }
0x6c: {  	_ =	shalt  }
0x6d: {  	_ =	shalt  }
0x6e: {  	_ =	shalt  }
0x6f: {  	_ =	shalt  }
0x70: {  	_ =	shalt  }
0x71: {  	_ =	shalt  }
0x72: {  	_ =	shalt  }
0x73: {  	_ =	shalt  }
0x74: {  	_ =	shalt  }
0x75: {  	_ =	shalt  }
0x76: {  	_ =	shalt  }
0x77: {  	_ =	shalt  }
0x78: {  	_ =	shalt  }
0x79: {  	_ =	shalt  }
0x7a: {  	_ =	shalt  }
0x7b: {  	_ =	shalt  }
0x7c: {  	_ =	shalt  }
0x7d: {  	_ =	shalt  }
0x7e: {  	_ =	shalt  }
0x7f: {  	_ =	shalt  }
0x80: {  	_ =	shalt  }
0x81: {  	_ =	shalt  }
0x82: {  	_ =	shalt  }
0x83: {  	_ =	shalt  }
0x84: {  	_ =	shalt  }
0x85: {  	_ =	shalt  }
0x86: {  	_ =	shalt  }
0x87: {  	_ =	shalt  }
.Lfunc_end0:
.L_simem_size_0:
called_computation_lowered:
.L_overlay_start_0:
0x88: {  	s2 =	sld [smem:$0x3FD9]  }
0x89: {  	s3 =	sld [smem:$0x3FFE];
	_ =	sdelay $0x1  }
0x8a: {  	s1 =	srdreg.scid  }
0x8b: {  	s0 =	sand.u32 $0x1, s1  }
0x8c: {  	s14 =	sshll.u32 s0, $0xA;
	s2 =	sadd.s32 s3, s2  }
0x8d: {  	s2 =	sadd.s32 s2, s14  }
0x8e: {  	[smem:$0x3FC5] =	sst s2  }
0x8f: {  	_ = 	snop  }
0x90: {  	s2 =	sld [smem:$0x3FD0];
	_ =	sdelay $0x2  }
0x91: {  	s4 =	simm.s32 $0xA;
	s5 =	simm.s32 $0x10;
	s15 =	sld [smem:$0x3FC9]  }
0x92: {  	[smem:s5], [sflag:s4] =	dma.local [hbm:s2], $0x1  }
0x93: {  	_ =	swait.eq [sflag:s4], $0x1  }
0x94: {  	[sflag:s4] =	ssyncset.done $0x0  }
0x95: {  	s16 =	sld [smem:$0x10];
	[sflag:s4] =	ssyncadd.s32 $0xFFFFFFFF  }
0x96: {  	s17 =	sld [smem:$0x11];
	(tm) =	ssettm $0x1  }
0x97: {  	s18 =	sld [smem:$0x3FFB];
	_ =	sdelay $0x3  }
0x98: {  	_ =	strace s18  }
0x99: {  	s5 =	sld [smem:$0x3FFC];
	_ =	sdelay $0x3  }
0x9a: {  	_ =	strace s5  }
0x9b: {  	s5 =	sld [smem:$0x3FFD];
	_ =	sdelay $0x3  }
0x9c: {  	_ =	strace s5  }
0x9d: {  	_ =	strace $0x8FFFFFFF  }
0x9e: {  	s19 =	sld [smem:$0x3FDB];
	_ =	sdelay $0x1  }
0x9f: {  	s6 =	simm.s32 $_scs_section_size  }
0xa0: {  	s7 =	simm.s32 $_size__tile_overlayer_lowered;
	s8 =	simm.s32 $_tile_overlayer_lowered  }
0xa1: {  	s22 =	simm.s32 $0x1BFF;
	s21 =	sshll.u32 s8, $0x1;
	s5 =	sadd.s32 s6, s19  }
0xa2: {  	s9 =	simm.s32 $0x0;
	s20 =	sshll.u32 s7, $0x1;
	s7 =	sadd.s32 s21, s5  }
0xa3: {  	[timem:s9], [sflag:s22] =	dma.local [hbm:s7], s20  }
0xa4: {  	_ =	swait.ge [sflag:s22], s20  }
0xa5: {  	s6 =	ssub.s32 $0x0, s20;
	[sflag:s22] =	ssyncset.done $0x0  }
0xa6: {  	[sflag:s22] =	ssyncadd.s32 s6;
	_ =	sdelay $0x1  }
0xa7: {  	s23 =	simm.s32 $0x1B8B  }
0xa8: {  	_ =	swait.ge [sflag:s23], $0x1  }
0xa9: {  	[sflag:s23] =	ssyncset.done $0x0  }
0xaa: {  	s25 =	simm.s32 $0x1B8E;
	s24 =	sld [smem:$0x3FFE];
	[sflag:s23] =	ssyncadd.s32 $0xFFFFFFFF  }
0xab: {  	s26 =	simm.s32 $execute0_lowered;
	[smem:$0x3FD2] =	sst s25  }
0xac: {  	s7 =	sshll.u32 s26, $0x1;
	_ =	strace $0x80000046;
	[dreg:$0x1] =	wrdreg $0xFFFFFFFF  }
0xad: {  	s28 =	simm.s32 $_size_execute0_lowered;
	s5 =	sadd.s32 s5, s7;
	[dreg:$0x0] =	wrdreg $0x0  }
0xae: {  	s7 =	sshll.u32 s28, $0x1;
	[dreg:$0x2] =	wrdreg s5  }
0xaf: {  	[dreg:$0x3] =	wrdreg s7  }
0xb0: {  	[dreg:$0x4] =	wrdreg $0xC0  }
0xb1: {  	_ =	task [dreg:s9], $0x5FFFF  }
0xb2: {  	[dreg:$0x1] =	wrdreg $0xFFFFFFFF  }
0xb3: {  	[dreg:$0x0] =	wrdreg $0x60  }
0xb4: {  	[dreg:$0x2] =	wrdreg s15  }
0xb5: {  	[dreg:$0x3] =	wrdreg s24  }
0xb6: {  	[dreg:$0x4] =	wrdreg s17  }
0xb7: {  	[dreg:$0x5] =	wrdreg s16  }
0xb8: {  	[dreg:$0x6] =	wrdreg $0x17C000  }
0xb9: {  	[dreg:$0x7] =	wrdreg $0x9  }
0xba: {  	_ =	task.clear_ibuf [dreg:s9], $0x8FFFF;
	_ =	strace $0x90000046  }
0xbb: {  	s29 =	simm.s32 $0x9;
	_ =	strace $0x8000004B  }
0xbc: {  	_ =	swait.ge [sflag:s29], $0x1  }
0xbd: {  	[sflag:s29] =	ssyncadd.s32 $0xFFFFFFFF  }
0xbe: {  	_ =	strace $0x9000004B  }
0xbf: {  	_ =	sfence  }
0xc0: {  	s30 =	sld [smem:$0x0];
	_ =	sdelay $0x2  }
0xc1: {  	s31 =	sshll.u32 s1, $0xD;
	s1 =	sshrl.u32 s1, $0x2  }
0xc2: {  	s3 =	sand.u32 $0x4000, s31;
	s1 =	sadd.s32 s1, s30  }
0xc3: {  	s0 =	sor.u32 s3, s0;
	s1 =	sshll.u32 s1, $0x11  }
0xc4: {  	s0 =	sor.u32 s1, s0  }
0xc5: {  	s0 =	sadd.s32 $0x8F2B, s0  }
0xc6: {  	[sflag:s0] =	ssyncadd.remote.s32 $0x1  }
0xc7: {  	_ =	sfence.sel $0xFFFF  }
0xc8: {  	[dreg:$0x0] =	wrdreg $0xFFFFFFFF;
	(pc) =	sbr.abs _section_cstart, $3  }
0xc9: {  	[dreg:$0x1] =	wrdreg $0xFFFFFFFF  }
0xca: {  	_ =	task.clear_ibuf [dreg:s9], $0x2FFFF;
	_ =	strace $0x9FFFFFFF  }
0xcb: {  	(tm) =	ssettm $0x7FFFFFFF  }
tec
execute0_lowered:
.L_overlay_start_1:
0x0: {  	(tag) =	ssettag $0x1  }
0x1: {  	s1 =	rddreg [dreg:$0x0]  }
0x2: {  	s2 =	rddreg [dreg:$0x1]  }
0x3: {  	s3 =	rddreg [dreg:$0x2]  }
0x4: {  	s0 =	rddreg [dreg:$0x3]  }
0x5: {  	s4 =	rddreg [dreg:$0x4];
	s5 =	simm.s32 $0x0;
	s6 =	srdreg.scid  }
0x6: {  	s17 =	stileid.u32;
	s12 =	simm.s32 $0x9C8;
	s28 =	simm.s32 $0x4780  }
0x7: {  	s31 =	simm.s32 $0xD;
	[smem:$0x7FF] =	sst s5;
	s9 =	smul.u32 $0x4E20, s17  }
0x8: {  	s6 =	sand.u32 $0x1, s6;
	s8 =	sadd.s32 $0x9E00, s2;
	s13 =	smul.u32 $0x5000, s17  }
0x9: {  	s14 =	sor.u32 $0x10, s17;
	p1 =	seq.s32 s17, $0xF;
	s16 =	sor.u32 $0x20, s17  }
0xa: {  	s25 =	smul.u32 $0x28, s17;
	s26 =	sadd.s32 $0x9B00, s0;
	s29 =	sor.u32 $0x30, s17  }
0xb: {  	_ =	strace $0x80000047;
	s7 =	ssub.s32 $0x2, s6;
	[dreg:$0x9] =	wrdreg s8  }
0xc: {  	s10 =	ssub.s32 $0x0, s6;
	p0 =	seq.s32 s6, $0x0;
	s15 =	smul.u32 $0x5000, s14  }
0xd: {  	p6 =	seq.s32 s6, $0x1;
	[dreg:$0xc] =	wrdreg s26;
	s14 =	smul.u32 $0x28, s14  }
0xe: {  	s30 =	smul.u32 $0x28, s29;
	[dreg:$0xd] =	wrdreg s29;
	s23 =	sshrl.u32 s7, $0x1  }
0xf: {  	s8 =	sand.u32 $0x9C8, s10;
	s24 =	sshrl.u32 s9, $0x3;
	s12 =	simm.s32 @!p0 $0x9C0  }
0x10: {  	p0 =	por !p1, !p0;
	s13 =	sshrl.u32 s13, $0x2;
	s7 =	ssub.s32 s7, s23  }
0x11: {  	s11 =	sadd.s32 s2, s24;
	s10 =	sadd.s32 s3, s24;
	p0 =	por !p0, !p0  }
0x12: {  	s6 =	sadd.s32 s8, s25;
	s14 =	sadd.s32 s8, s14;
	[dreg:$0xa] =	wrdreg s11  }
0x13: {  	s20 =	sadd.s32 s8, s30;
	s24 =	sshrl.u32 s15, $0x2;
	[dreg:$0xb] =	wrdreg s10  }
0x14: {  	s10 =	sadd.s32 $0x7D0, s9;
	s11 =	sadd.s32 $0xFA0, s9;
	s9 =	smul.u32 $0x5000, s16  }
0x15: {  	s30 =	sadd.s32 $0x4D800, s4;
	s18 =	simm.s32 @!p0 $0x0;
	s16 =	smul.u32 $0x28, s16  }
0x16: {  	s6 =	sshll.u32 s6, $0x4;
	s23 =	smax.u32 s7, $0x1;
	[dreg:$0x16] =	wrdreg s30  }
0x17: {  	s7 =	simm.s32 $0xB;
	s18 =	simm.s32 @p0 $0x1;
	[dreg:$0x13] =	wrdreg s23  }
0x18: {  	p0 =	por !p1, !p6;
	s6 =	sadd.s32 s0, s6;
	[smem:$0x7FB] =	sst s18  }
0x19: {  	s18 =	simm.s32 @!p1 $0x0;
	p0 =	por !p0, !p0;
	[dreg:$0xe] =	wrdreg s6  }
0x1a: {  	s19 =	sadd.s32 s8, s16;
	s6 =	sshll.u32 s14, $0x4;
	s16 =	sshll.u32 s20, $0x4  }
0x1b: {  	v0 =	vmov s8;
	s25 =	sshrl.u32 s9, $0x2;
	s8 =	simm.s32 $0xC;
	s18 =	simm.s32 @p1 $0x1  }
0x1c: {  	s9 =	simm.s32 $0x0;
	s6 =	sadd.s32 s0, s6;
	[smem:$0x7FC] =	sst s18  }
0x1d: {  	s17 =	simm.s32 @!p0 $0x0;
	s22 =	sadd.s32 s0, s16;
	[dreg:$0xf] =	wrdreg s6  }
0x1e: {  	s14 =	sshll.u32 s19, $0x4;
	s17 =	simm.s32 @p0 $0x1;
	[dreg:$0x11] =	wrdreg s22  }
0x1f: {  	s16 =	sadd.s32 s13, s4;
	s21 =	sadd.s32 s0, s14;
	[smem:$0x7FD] =	sst s17  }
0x20: {  	s18 =	smul.u32 $0x5000, s29;
	s0 =	sadd.s32 $0x13780, s0;
	[dreg:$0x10] =	wrdreg s21  }
0x21: {  	s29 =	sshll.u32 s12, $0xE;
	s6 =	simm.s32 $0x3F80;
	[dreg:$0x12] =	wrdreg s0  }
0x22: {  	s17 =	sadd.s32 s24, s4;
	s26 =	sshrl.u32 s18, $0x2;
	s18 =	sadd.s32 s25, s4  }
0x23: {  	v3 =	vimm.s32 $0x1388;
	v4 =	vlaneseq.u32;
	v5 =	vimm.f32 $0.0e+00;
	s0 =	simm.s32 $0x9;
	s19 =	sadd.s32 s26, s4;
	[dreg:$0x14] =	wrdreg s18  }
0x24: {  	v6 =	vimm.s32 $0x0;
	v1 =	vmov s12;
	v2 =	vmov s29;
	s25 =	simm.s32 $0xA;
	s26 =	simm.s32 $0x3780;
	[dreg:$0x15] =	wrdreg s19  }
.LBB2_1:
0x25: {  	s12 =	rddreg [dreg:$0xa];
	s13 =	simm.s32 $0x2780  }
0x26: {  	[tilespmem:s13], [sflag:$0x9] =	stream.linear.gather [hbm4b:s12+s5], $0x7D0, $0x38;
	[tilespmem:$0x1CAC0] =	vst v63  }
0x27: {  	s24 =	rddreg [dreg:$0xb];
	s29 =	simm.s32 $0x2F80  }
0x28: {  	[tilespmem:s29], [sflag:$0xA] =	stream.linear.gather [hbm4b:s24+s5], $0x7D0, $0x38;
	[tilespmem:$0x1CAC0] =	vst v63  }
0x29: {  	s30 =	rddreg [dreg:$0x9]  }
0x2a: {  	[tilespmem:s28], [sflag:$0x1] =	stream.linear.gather [hbm4b:s30+s5], $0x1390, $0x38;
	[tilespmem:$0x1CAC0] =	vst v63  }
0x2b: {  	s12 =	simm.s32 $0x40;
	s13 =	simm.s32 $0x0;
	_ =	strace $0x80000048  }
.LBB2_2:
0x2c: {  	p0 =	sne.s32 s12, $0x9CC0;
	[tilespmem:s13+$0x0] =	vst v3;
	s13 =	smov.u32 s12;
	s12 =	sadd.s32 $0x40, s12  }
.Ltmp0:
0x2d: {  	(pc) =	sbr.rel @p0 .LBB2_2-.Ltmp0, $2  }
0x2e: {  	_ =	sdelay $0x2  }
0x2f: {  	s13 =	sshra.s32 s13, $0x2  }
0x30: {  	[tilespmem:s13+$0x0] =	vst v3;
	s12 =	simm.s32 $0x1  }
0x31: {  	_ =	swait.ge [sflag:s12], $0x1390  }
0x32: {  	[sflag:s12] =	ssyncset.done $0x0  }
0x33: {  	s13 =	simm.s32 $0x4780;
	[sflag:s12] =	ssyncadd.s32 $0xFFFFEC70  }
0x34: {  	s14 =	simm.s32 $0x10;
	s15 =	simm.s32 $0x0;
	s12 =	simm.s32 $0x0;
	v7 =	vld [tilespmem:s13+$0x0]  }
.LBB2_4:
0x35: {  	p0 =	sne.s32 s14, $0x1380;
	_ =	sdelay $0x3  }
.Ltmp1:
0x36: {  	(pc) =	sbr.rel @p0 .LBB2_4-.Ltmp1, $4  }
0x37: {  	_ = 	snop  }
0x38: {  	v8 =	vor.u32 s15, v4;
	s15 =	smov.u32 s14  }
0x39: {  	s13 =	sadd.s32 $0x10, s13;
	[tilespmem:v7+s12+$0x0] =	vst.idx.msk $0xffff, v8  }
0x3a: {  	s14 =	sadd.s32 $0x10, s14;
	v7 =	vld [tilespmem:s13+$0x0]  }
0x3b: {  	_ =	sdelay $0x6  }
0x3c: {  	v8 =	vor.u32 s15, v4  }
0x3d: {  	s13 =	simm.s32 $0x200;
	[tilespmem:v7+s12+$0x0] =	vst.idx.msk $0xffff, v8;
	s12 =	simm.s32 $0x0  }
.LBB2_6:
0x3e: {  	p0 =	sne.s32 s13, $0x4E00;
	[tilespmem:s12+$0x7C70] =	vst v5  }
0x3f: {  	[tilespmem:s12+$0x7C00] =	vst v5  }
0x40: {  	[tilespmem:s12+$0x7C10] =	vst v5  }
.Ltmp2:
0x41: {  	[tilespmem:s12+$0x7C20] =	vst v5;
	(pc) =	sbr.rel @p0 .LBB2_6-.Ltmp2, $4  }
0x42: {  	[tilespmem:s12+$0x7C30] =	vst v5  }
0x43: {  	[tilespmem:s12+$0x7C40] =	vst v5  }
0x44: {  	[tilespmem:s12+$0x7C50] =	vst v5  }
0x45: {  	[tilespmem:s12+$0x7C60] =	vst v5;
	s12 =	sshra.s32 s13, $0x2;
	s13 =	sadd.s32 $0x200, s13  }
0x46: {  	[tilespmem:s12+$0x7C70] =	vst v5  }
0x47: {  	[tilespmem:s12+$0x7C00] =	vst v5  }
0x48: {  	[tilespmem:s12+$0x7C10] =	vst v5  }
0x49: {  	[tilespmem:s12+$0x7C20] =	vst v5  }
0x4a: {  	[tilespmem:s12+$0x7C30] =	vst v5  }
0x4b: {  	[tilespmem:s12+$0x7C40] =	vst v5  }
0x4c: {  	[tilespmem:s12+$0x7C50] =	vst v5  }
0x4d: {  	[tilespmem:s12+$0x7C60] =	vst v5;
	s29 =	simm.s32 $0x7C00  }
0x4e: {  	[spmem:s16] =	stream.linear.scatter [tilespmem:s29], [sflag:$0xD], $0x1400, $0x200038;
	[tilespmem:$0x1CAC0] =	vst v63  }
0x4f: {  	_ =	swait.ge [sflag:s31], $0x1400  }
0x50: {  	[sflag:s31] =	ssyncset.done $0x0  }
0x51: {  	[sflag:s31] =	ssyncadd.s32 $0xFFFFEC00  }
0x52: {  	[spmem:s17] =	stream.linear.scatter [tilespmem:s29], [sflag:$0xD], $0x1400, $0x200038;
	[tilespmem:$0x1CAC0] =	vst v63  }
0x53: {  	_ =	swait.ge [sflag:s31], $0x1400  }
0x54: {  	[sflag:s31] =	ssyncset.done $0x0  }
0x55: {  	[sflag:s31] =	ssyncadd.s32 $0xFFFFEC00  }
0x56: {  	[spmem:s18] =	stream.linear.scatter [tilespmem:s29], [sflag:$0xD], $0x1400, $0x200038;
	[tilespmem:$0x1CAC0] =	vst v63  }
0x57: {  	_ =	swait.ge [sflag:s31], $0x1400  }
0x58: {  	s30 =	sld [smem:$0x7FC];
	_ =	sdelay $0x2  }
0x59: {  	[sflag:s31] =	ssyncset.done $0x0;
	p0 =	seq.s32 s30, $0x1  }
0x5a: {  	[sflag:s31] =	ssyncadd.s32 $0xFFFFEC00;
	s12 =	simm.s32 @!p0 $0x7C00  }
0x5b: {  	[spmem:s19] =	stream.linear.scatter @!p0 [tilespmem:s12], [sflag:$0xD], $0x1400, $0x200038;
	[tilespmem:$0x1CAC0] =	vst v63  }
0x5c: {  	s12 =	simm.s32 @!p0 $0xD  }
0x5d: {  	_ =	swait.ge @!p0 [sflag:s12], $0x1400  }
0x5e: {  	[sflag:s12] =	ssyncset.done @!p0 $0x0  }
0x5f: {  	[sflag:s12] =	ssyncadd.s32 @!p0 $0xFFFFEC00  }
0x60: {  	[bflag:$0x0] =	sbarrier.arrive $0xFFFF  }
0x61: {  	s23 =	smov.u32 s16;
	s24 =	smov.u32 s17;
	_ =	strace $0x90000048  }
0x62: {  	v7 =	vimm.s32 $0x0;
	s14 =	simm.s32 $0x0;
	s12 =	simm.s32 $0x0;
	_ =	strace $0x80000049  }
.LBB2_8:
0x63: {  	_ =	swait.ge [sflag:s0], $0x7D0  }
0x64: {  	s15 =	smul.u32 $0xFA0, s14;
	[sflag:s0] =	ssyncset.done $0x0  }
0x65: {  	[sflag:s0] =	ssyncadd.s32 $0xFFFFF830  }
0x66: {  	s13 =	sadd.s32 s15, s10;
	_ =	swait.ge [sflag:s25], $0x7D0  }
0x67: {  	s17 =	simm.s32 $0x300;
	s13 =	sshrl.u32 s13, $0x3;
	[sflag:s25] =	ssyncset.done $0x0  }
0x68: {  	s18 =	simm.s32 $0x0;
	s16 =	sadd.s32 s2, s13;
	[sflag:s25] =	ssyncadd.s32 $0xFFFFF830  }
0x69: {  	[tilespmem:s26], [sflag:$0xB] =	stream.linear.gather [hbm4b:s16+s12], $0x7D0, $0x200038;
	[tilespmem:$0x1CAC0] =	vst v63  }
0x6a: {  	s19 =	simm.s32 $0x0;
	s13 =	sadd.s32 s3, s13;
	s16 =	simm.s32 $0xFFFFFFE7  }
0x6b: {  	[tilespmem:s6], [sflag:$0xC] =	stream.linear.gather [hbm4b:s13+s12], $0x7D0, $0x200038;
	[tilespmem:$0x1CAC0] =	vst v63  }
.LBB2_9:
0x6c: {  	s13 =	sshra.s32 s17, $0x2  }
0x6d: {  	v8 =	vld [tilespmem:s13+$0x2EC0];
	_ =	sdelay $0x7  }
0x6e: {  	v8 =	vld.idx.msk [tilespmem:v8+s5+$0x0], $0xffff;
	_ =	sdelay $0x4  }
0x6f: {  	v8 =	vsub.s32 v8, v0  }
0x70: {  	vm0 =	vgt.s32 v8, $0xFFFFFFFF;
	vm1 =	vlt.s32 v8, v1  }
0x71: {  	vm0 =	vmand vm0, vm1  }
0x72: {  	v9 =	vsel vm0, $0x1, v6  }
0x73: {  	(xrf0) =	vadd.scan.msk.s32 $0xffff, v9;
	_ =	sdelay $0x5  }
0x74: {  	v9, _, _ =	vpop (xrf0)  }
0x75: {  	v9 =	vadd.s32 v9, v7  }
0x76: {  	v9 =	vadd.s32 $0xFFFFFFFF, v9  }
0x77: {  	v10 =	vld [tilespmem:s13+$0x26C0];
	vm4 =	vlt.s32 v9, $0x2FFF  }
0x78: {  	v9 =	vnsel vm4, $0x2FFF, v9;
	_ =	sdelay $0x2  }
0x79: {  	v8 =	vshll.u32 v8, $0xE  }
0x7a: {  	v8 =	vor.u32 v10, v8  }
0x7b: {  	[tilespmem:v9+s28+$0x0] =	vst.idx.msk vm0, v8  }
0x7c: {  	v8 =	vld [tilespmem:s13+$0x2ED0];
	_ =	sdelay $0x7  }
0x7d: {  	v8 =	vld.idx.msk [tilespmem:v8+s5+$0x0], $0xffff;
	_ =	sdelay $0x4  }
0x7e: {  	v8 =	vsub.s32 v8, v0  }
0x7f: {  	vm5 =	vgt.s32 v8, $0xFFFFFFFF;
	vm2 =	vlt.s32 v8, v1  }
0x80: {  	vm1 =	vmand vm5, vm2  }
0x81: {  	v20 =	vsel vm1, $0x1, v6  }
0x82: {  	(xrf0) =	vadd.scan.msk.s32 $0xffff, v20;
	_ =	sdelay $0x3  }
0x83: {  	v21 =	vmpcnt.ones.xlane vm0;
	_ =	sdelay $0x1  }
0x84: {  	v7 =	vadd.s32 v7, v21;
	v22, _, _ =	vpop (xrf0)  }
0x85: {  	v9 =	vadd.s32 v22, v7  }
0x86: {  	v9 =	vadd.s32 $0xFFFFFFFF, v9  }
0x87: {  	v23 =	vld [tilespmem:s13+$0x26D0];
	vm6 =	vlt.s32 v9, $0x2FFF  }
0x88: {  	v9 =	vnsel vm6, $0x2FFF, v9;
	_ =	sdelay $0x2  }
0x89: {  	v8 =	vshll.u32 v8, $0xE  }
0x8a: {  	v8 =	vor.u32 v23, v8  }
0x8b: {  	[tilespmem:v9+s28+$0x0] =	vst.idx.msk vm1, v8  }
0x8c: {  	v8 =	vld [tilespmem:s13+$0x2EE0];
	_ =	sdelay $0x7  }
0x8d: {  	v8 =	vld.idx.msk [tilespmem:v8+s5+$0x0], $0xffff;
	_ =	sdelay $0x4  }
0x8e: {  	v8 =	vsub.s32 v8, v0  }
0x8f: {  	vm7 =	vgt.s32 v8, $0xFFFFFFFF;
	vm8 =	vlt.s32 v8, v1  }
0x90: {  	vm0 =	vmand vm7, vm8  }
0x91: {  	v24 =	vsel vm0, $0x1, v6  }
0x92: {  	(xrf0) =	vadd.scan.msk.s32 $0xffff, v24;
	_ =	sdelay $0x3  }
0x93: {  	v25 =	vmpcnt.ones.xlane vm1;
	_ =	sdelay $0x1  }
0x94: {  	v7 =	vadd.s32 v7, v25;
	v26, _, _ =	vpop (xrf0)  }
0x95: {  	v9 =	vadd.s32 v26, v7  }
0x96: {  	v9 =	vadd.s32 $0xFFFFFFFF, v9  }
0x97: {  	v27 =	vld [tilespmem:s13+$0x26E0];
	vm9 =	vlt.s32 v9, $0x2FFF  }
0x98: {  	v9 =	vnsel vm9, $0x2FFF, v9;
	_ =	sdelay $0x2  }
0x99: {  	v8 =	vshll.u32 v8, $0xE  }
0x9a: {  	v8 =	vor.u32 v27, v8  }
0x9b: {  	[tilespmem:v9+s28+$0x0] =	vst.idx.msk vm0, v8  }
0x9c: {  	v8 =	vld [tilespmem:s13+$0x2EF0];
	_ =	sdelay $0x7  }
0x9d: {  	v8 =	vld.idx.msk [tilespmem:v8+s5+$0x0], $0xffff;
	_ =	sdelay $0x4  }
0x9e: {  	v8 =	vsub.s32 v8, v0  }
0x9f: {  	vm10 =	vgt.s32 v8, $0xFFFFFFFF;
	vm11 =	vlt.s32 v8, v1  }
0xa0: {  	vm1 =	vmand vm10, vm11  }
0xa1: {  	v28 =	vsel vm1, $0x1, v6  }
0xa2: {  	(xrf0) =	vadd.scan.msk.s32 $0xffff, v28;
	_ =	sdelay $0x3  }
0xa3: {  	v29 =	vmpcnt.ones.xlane vm0;
	_ =	sdelay $0x1  }
0xa4: {  	v7 =	vadd.s32 v7, v29;
	v30, _, _ =	vpop (xrf0)  }
0xa5: {  	v9 =	vadd.s32 v30, v7  }
0xa6: {  	v9 =	vadd.s32 $0xFFFFFFFF, v9  }
0xa7: {  	v31 =	vld [tilespmem:s13+$0x26F0];
	vm12 =	vlt.s32 v9, $0x2FFF  }
0xa8: {  	v9 =	vnsel vm12, $0x2FFF, v9;
	_ =	sdelay $0x2  }
0xa9: {  	v8 =	vshll.u32 v8, $0xE  }
0xaa: {  	v8 =	vor.u32 v31, v8  }
0xab: {  	[tilespmem:v9+s28+$0x0] =	vst.idx.msk vm1, v8  }
0xac: {  	v8 =	vld [tilespmem:s13+$0x2F00];
	_ =	sdelay $0x7  }
0xad: {  	v8 =	vld.idx.msk [tilespmem:v8+s5+$0x0], $0xffff;
	_ =	sdelay $0x4  }
0xae: {  	v8 =	vsub.s32 v8, v0  }
0xaf: {  	vm13 =	vgt.s32 v8, $0xFFFFFFFF;
	vm14 =	vlt.s32 v8, v1  }
0xb0: {  	vm0 =	vmand vm13, vm14  }
0xb1: {  	v32 =	vsel vm0, $0x1, v6  }
0xb2: {  	(xrf0) =	vadd.scan.msk.s32 $0xffff, v32;
	_ =	sdelay $0x3  }
0xb3: {  	v33 =	vmpcnt.ones.xlane vm1;
	_ =	sdelay $0x1  }
0xb4: {  	v7 =	vadd.s32 v7, v33;
	v34, _, _ =	vpop (xrf0)  }
0xb5: {  	v9 =	vadd.s32 v34, v7  }
0xb6: {  	v9 =	vadd.s32 $0xFFFFFFFF, v9  }
0xb7: {  	v35 =	vld [tilespmem:s13+$0x2700];
	vm15 =	vlt.s32 v9, $0x2FFF  }
0xb8: {  	v9 =	vnsel vm15, $0x2FFF, v9;
	_ =	sdelay $0x2  }
0xb9: {  	v8 =	vshll.u32 v8, $0xE  }
0xba: {  	v8 =	vor.u32 v35, v8  }
0xbb: {  	[tilespmem:v9+s28+$0x0] =	vst.idx.msk vm0, v8  }
0xbc: {  	v8 =	vld [tilespmem:s13+$0x2F10];
	_ =	sdelay $0x7  }
0xbd: {  	v8 =	vld.idx.msk [tilespmem:v8+s5+$0x0], $0xffff;
	_ =	sdelay $0x4  }
0xbe: {  	v8 =	vsub.s32 v8, v0  }
0xbf: {  	vm4 =	vgt.s32 v8, $0xFFFFFFFF;
	vm5 =	vlt.s32 v8, v1  }
0xc0: {  	vm1 =	vmand vm4, vm5  }
0xc1: {  	v36 =	vsel vm1, $0x1, v6  }
0xc2: {  	(xrf0) =	vadd.scan.msk.s32 $0xffff, v36;
	_ =	sdelay $0x3  }
0xc3: {  	v37 =	vmpcnt.ones.xlane vm0;
	_ =	sdelay $0x1  }
0xc4: {  	v7 =	vadd.s32 v7, v37;
	v38, _, _ =	vpop (xrf0)  }
0xc5: {  	v9 =	vadd.s32 v38, v7  }
0xc6: {  	v9 =	vadd.s32 $0xFFFFFFFF, v9  }
0xc7: {  	v39 =	vld [tilespmem:s13+$0x2710];
	vm6 =	vlt.s32 v9, $0x2FFF  }
0xc8: {  	v9 =	vnsel vm6, $0x2FFF, v9;
	_ =	sdelay $0x2  }
0xc9: {  	v8 =	vshll.u32 v8, $0xE  }
0xca: {  	v8 =	vor.u32 v39, v8  }
0xcb: {  	[tilespmem:v9+s28+$0x0] =	vst.idx.msk vm1, v8  }
0xcc: {  	v8 =	vld [tilespmem:s13+$0x2F20];
	_ =	sdelay $0x7  }
0xcd: {  	v8 =	vld.idx.msk [tilespmem:v8+s5+$0x0], $0xffff;
	_ =	sdelay $0x4  }
0xce: {  	v8 =	vsub.s32 v8, v0  }
0xcf: {  	vm7 =	vgt.s32 v8, $0xFFFFFFFF;
	vm8 =	vlt.s32 v8, v1  }
0xd0: {  	vm0 =	vmand vm7, vm8  }
0xd1: {  	v40 =	vsel vm0, $0x1, v6  }
0xd2: {  	(xrf0) =	vadd.scan.msk.s32 $0xffff, v40;
	_ =	sdelay $0x3  }
0xd3: {  	v41 =	vmpcnt.ones.xlane vm1;
	_ =	sdelay $0x1  }
0xd4: {  	v7 =	vadd.s32 v7, v41;
	v42, _, _ =	vpop (xrf0)  }
0xd5: {  	v9 =	vadd.s32 v42, v7  }
0xd6: {  	v9 =	vadd.s32 $0xFFFFFFFF, v9  }
0xd7: {  	v43 =	vld [tilespmem:s13+$0x2720];
	vm9 =	vlt.s32 v9, $0x2FFF  }
0xd8: {  	v9 =	vnsel vm9, $0x2FFF, v9;
	_ =	sdelay $0x2  }
0xd9: {  	v8 =	vshll.u32 v8, $0xE  }
0xda: {  	v8 =	vor.u32 v43, v8  }
0xdb: {  	[tilespmem:v9+s28+$0x0] =	vst.idx.msk vm0, v8  }
0xdc: {  	v8 =	vld [tilespmem:s13+$0x2F30];
	_ =	sdelay $0x7  }
0xdd: {  	v8 =	vld.idx.msk [tilespmem:v8+s5+$0x0], $0xffff;
	_ =	sdelay $0x4  }
0xde: {  	v8 =	vsub.s32 v8, v0  }
0xdf: {  	vm10 =	vgt.s32 v8, $0xFFFFFFFF;
	vm11 =	vlt.s32 v8, v1  }
0xe0: {  	vm1 =	vmand vm10, vm11  }
0xe1: {  	v44 =	vsel vm1, $0x1, v6  }
0xe2: {  	(xrf0) =	vadd.scan.msk.s32 $0xffff, v44;
	_ =	sdelay $0x3  }
0xe3: {  	v45 =	vmpcnt.ones.xlane vm0;
	_ =	sdelay $0x1  }
0xe4: {  	v7 =	vadd.s32 v7, v45;
	v46, _, _ =	vpop (xrf0)  }
0xe5: {  	v9 =	vadd.s32 v46, v7  }
0xe6: {  	v9 =	vadd.s32 $0xFFFFFFFF, v9  }
0xe7: {  	v47 =	vld [tilespmem:s13+$0x2730];
	vm12 =	vlt.s32 v9, $0x2FFF  }
0xe8: {  	v9 =	vnsel vm12, $0x2FFF, v9;
	_ =	sdelay $0x1  }
0xe9: {  	s29 =	sshll.u32 s19, $0x2  }
0xea: {  	s29 =	sand.u32 $0xFFFFFE00, s29;
	v8 =	vshll.u32 v8, $0xE  }
0xeb: {  	s29 =	sadd.s32 s29, s18;
	v8 =	vor.u32 v47, v8  }
0xec: {  	s29 =	sshra.s32 s29, $0x2;
	[tilespmem:v9+s28+$0x0] =	vst.idx.msk vm1, v8  }
0xed: {  	v8 =	vld [tilespmem:s29+$0x3000];
	_ =	sdelay $0x7  }
0xee: {  	v8 =	vld.idx.msk [tilespmem:v8+s5+$0x0], $0xffff;
	_ =	sdelay $0x4  }
0xef: {  	v8 =	vsub.s32 v8, v0  }
0xf0: {  	vm13 =	vgt.s32 v8, $0xFFFFFFFF;
	vm14 =	vlt.s32 v8, v1  }
0xf1: {  	vm0 =	vmand vm13, vm14  }
0xf2: {  	v48 =	vsel vm0, $0x1, v6  }
0xf3: {  	(xrf0) =	vadd.scan.msk.s32 $0xffff, v48;
	_ =	sdelay $0x3  }
0xf4: {  	v49 =	vmpcnt.ones.xlane vm1;
	_ =	sdelay $0x1  }
0xf5: {  	v7 =	vadd.s32 v7, v49;
	v50, _, _ =	vpop (xrf0)  }
0xf6: {  	v9 =	vadd.s32 v50, v7  }
0xf7: {  	v9 =	vadd.s32 $0xFFFFFFFF, v9  }
0xf8: {  	v51 =	vld [tilespmem:s29+$0x2800];
	vm15 =	vlt.s32 v9, $0x2FFF  }
0xf9: {  	v9 =	vnsel vm15, $0x2FFF, v9;
	_ =	sdelay $0x2  }
0xfa: {  	v8 =	vshll.u32 v8, $0xE  }
0xfb: {  	v8 =	vor.u32 v51, v8  }
0xfc: {  	[tilespmem:v9+s28+$0x0] =	vst.idx.msk vm0, v8  }
0xfd: {  	v8 =	vld [tilespmem:s13+$0x2F50];
	_ =	sdelay $0x7  }
0xfe: {  	v8 =	vld.idx.msk [tilespmem:v8+s5+$0x0], $0xffff;
	_ =	sdelay $0x4  }
0xff: {  	v8 =	vsub.s32 v8, v0  }
0x100: {  	vm4 =	vgt.s32 v8, $0xFFFFFFFF;
	vm5 =	vlt.s32 v8, v1  }
0x101: {  	vm1 =	vmand vm4, vm5  }
0x102: {  	v52 =	vsel vm1, $0x1, v6  }
0x103: {  	(xrf0) =	vadd.scan.msk.s32 $0xffff, v52;
	_ =	sdelay $0x3  }
0x104: {  	v53 =	vmpcnt.ones.xlane vm0;
	_ =	sdelay $0x1  }
0x105: {  	v7 =	vadd.s32 v7, v53;
	v54, _, _ =	vpop (xrf0)  }
0x106: {  	v9 =	vadd.s32 v54, v7  }
0x107: {  	v9 =	vadd.s32 $0xFFFFFFFF, v9  }
0x108: {  	v55 =	vld [tilespmem:s13+$0x2750];
	vm6 =	vlt.s32 v9, $0x2FFF  }
0x109: {  	v9 =	vnsel vm6, $0x2FFF, v9;
	_ =	sdelay $0x2  }
0x10a: {  	v8 =	vshll.u32 v8, $0xE  }
0x10b: {  	v8 =	vor.u32 v55, v8  }
0x10c: {  	[tilespmem:v9+s28+$0x0] =	vst.idx.msk vm1, v8  }
0x10d: {  	v8 =	vld [tilespmem:s13+$0x2F60];
	_ =	sdelay $0x7  }
0x10e: {  	v8 =	vld.idx.msk [tilespmem:v8+s5+$0x0], $0xffff;
	_ =	sdelay $0x4  }
0x10f: {  	v8 =	vsub.s32 v8, v0  }
0x110: {  	vm7 =	vgt.s32 v8, $0xFFFFFFFF;
	vm8 =	vlt.s32 v8, v1  }
0x111: {  	vm0 =	vmand vm7, vm8  }
0x112: {  	v56 =	vsel vm0, $0x1, v6  }
0x113: {  	(xrf0) =	vadd.scan.msk.s32 $0xffff, v56;
	_ =	sdelay $0x3  }
0x114: {  	v57 =	vmpcnt.ones.xlane vm1;
	_ =	sdelay $0x1  }
0x115: {  	v7 =	vadd.s32 v7, v57;
	v58, _, _ =	vpop (xrf0)  }
0x116: {  	v9 =	vadd.s32 v58, v7  }
0x117: {  	v9 =	vadd.s32 $0xFFFFFFFF, v9  }
0x118: {  	v59 =	vld [tilespmem:s13+$0x2760];
	vm9 =	vlt.s32 v9, $0x2FFF  }
0x119: {  	v9 =	vnsel vm9, $0x2FFF, v9;
	_ =	sdelay $0x2  }
0x11a: {  	v8 =	vshll.u32 v8, $0xE  }
0x11b: {  	v8 =	vor.u32 v59, v8  }
0x11c: {  	[tilespmem:v9+s28+$0x0] =	vst.idx.msk vm0, v8  }
0x11d: {  	v8 =	vld [tilespmem:s13+$0x2F70];
	_ =	sdelay $0x7  }
0x11e: {  	v8 =	vld.idx.msk [tilespmem:v8+s5+$0x0], $0xffff;
	_ =	sdelay $0x4  }
0x11f: {  	v8 =	vsub.s32 v8, v0  }
0x120: {  	vm10 =	vgt.s32 v8, $0xFFFFFFFF;
	vm11 =	vlt.s32 v8, v1  }
0x121: {  	vm1 =	vmand vm10, vm11  }
0x122: {  	v60 =	vsel vm1, $0x1, v6  }
0x123: {  	(xrf0) =	vadd.scan.msk.s32 $0xffff, v60;
	_ =	sdelay $0x3  }
0x124: {  	v61 =	vmpcnt.ones.xlane vm0;
	_ =	sdelay $0x1  }
0x125: {  	v7 =	vadd.s32 v7, v61;
	v62, _, _ =	vpop (xrf0)  }
0x126: {  	v9 =	vadd.s32 v62, v7  }
0x127: {  	v9 =	vadd.s32 $0xFFFFFFFF, v9  }
0x128: {  	v63 =	vld [tilespmem:s13+$0x2770];
	vm12 =	vlt.s32 v9, $0x2FFF  }
0x129: {  	v9 =	vnsel vm12, $0x2FFF, v9;
	_ =	sdelay $0x2  }
0x12a: {  	v8 =	vshll.u32 v8, $0xE  }
0x12b: {  	v8 =	vor.u32 v63, v8  }
0x12c: {  	[tilespmem:v9+s28+$0x0] =	vst.idx.msk vm1, v8  }
0x12d: {  	v8 =	vld [tilespmem:s13+$0x2F80];
	_ =	sdelay $0x7  }
0x12e: {  	v8 =	vld.idx.msk [tilespmem:v8+s5+$0x0], $0xffff;
	_ =	sdelay $0x4  }
0x12f: {  	v8 =	vsub.s32 v8, v0  }
0x130: {  	vm13 =	vgt.s32 v8, $0xFFFFFFFF;
	vm14 =	vlt.s32 v8, v1  }
0x131: {  	vm0 =	vmand vm13, vm14  }
0x132: {  	v12 =	vsel vm0, $0x1, v6  }
0x133: {  	(xrf0) =	vadd.scan.msk.s32 $0xffff, v12;
	_ =	sdelay $0x3  }
0x134: {  	v13 =	vmpcnt.ones.xlane vm1;
	_ =	sdelay $0x1  }
0x135: {  	v7 =	vadd.s32 v7, v13;
	v14, _, _ =	vpop (xrf0)  }
0x136: {  	v9 =	vadd.s32 v14, v7  }
0x137: {  	v9 =	vadd.s32 $0xFFFFFFFF, v9  }
0x138: {  	v15 =	vld [tilespmem:s13+$0x2780];
	vm15 =	vlt.s32 v9, $0x2FFF  }
0x139: {  	v9 =	vnsel vm15, $0x2FFF, v9;
	_ =	sdelay $0x2  }
0x13a: {  	v8 =	vshll.u32 v8, $0xE  }
0x13b: {  	v8 =	vor.u32 v15, v8  }
0x13c: {  	[tilespmem:v9+s28+$0x0] =	vst.idx.msk vm0, v8  }
0x13d: {  	v8 =	vld [tilespmem:s13+$0x2F90];
	_ =	sdelay $0x7  }
0x13e: {  	v8 =	vld.idx.msk [tilespmem:v8+s5+$0x0], $0xffff;
	_ =	sdelay $0x4  }
0x13f: {  	v8 =	vsub.s32 v8, v0  }
0x140: {  	vm4 =	vgt.s32 v8, $0xFFFFFFFF;
	vm5 =	vlt.s32 v8, v1  }
0x141: {  	vm1 =	vmand vm4, vm5  }
0x142: {  	v16 =	vsel vm1, $0x1, v6  }
0x143: {  	(xrf0) =	vadd.scan.msk.s32 $0xffff, v16;
	_ =	sdelay $0x3  }
0x144: {  	v17 =	vmpcnt.ones.xlane vm0;
	_ =	sdelay $0x1  }
0x145: {  	v7 =	vadd.s32 v7, v17;
	v18, _, _ =	vpop (xrf0)  }
0x146: {  	v9 =	vadd.s32 v18, v7  }
0x147: {  	v9 =	vadd.s32 $0xFFFFFFFF, v9  }
0x148: {  	v19 =	vld [tilespmem:s13+$0x2790];
	vm6 =	vlt.s32 v9, $0x2FFF  }
0x149: {  	v9 =	vnsel vm6, $0x2FFF, v9;
	_ =	sdelay $0x2  }
0x14a: {  	v8 =	vshll.u32 v8, $0xE  }
0x14b: {  	v8 =	vor.u32 v19, v8  }
0x14c: {  	[tilespmem:v9+s28+$0x0] =	vst.idx.msk vm1, v8  }
0x14d: {  	v8 =	vld [tilespmem:s13+$0x2FA0];
	_ =	sdelay $0x7  }
0x14e: {  	v8 =	vld.idx.msk [tilespmem:v8+s5+$0x0], $0xffff;
	_ =	sdelay $0x4  }
0x14f: {  	v8 =	vsub.s32 v8, v0  }
0x150: {  	vm7 =	vgt.s32 v8, $0xFFFFFFFF;
	vm8 =	vlt.s32 v8, v1  }
0x151: {  	vm0 =	vmand vm7, vm8  }
0x152: {  	v20 =	vsel vm0, $0x1, v6  }
0x153: {  	(xrf0) =	vadd.scan.msk.s32 $0xffff, v20;
	_ =	sdelay $0x3  }
0x154: {  	v21 =	vmpcnt.ones.xlane vm1;
	_ =	sdelay $0x1  }
0x155: {  	v7 =	vadd.s32 v7, v21;
	v22, _, _ =	vpop (xrf0)  }
0x156: {  	v9 =	vadd.s32 v22, v7  }
0x157: {  	v9 =	vadd.s32 $0xFFFFFFFF, v9  }
0x158: {  	v23 =	vld [tilespmem:s13+$0x27A0];
	vm9 =	vlt.s32 v9, $0x2FFF  }
0x159: {  	v9 =	vnsel vm9, $0x2FFF, v9;
	_ =	sdelay $0x2  }
0x15a: {  	v8 =	vshll.u32 v8, $0xE  }
0x15b: {  	v8 =	vor.u32 v23, v8  }
0x15c: {  	[tilespmem:v9+s28+$0x0] =	vst.idx.msk vm0, v8  }
0x15d: {  	v8 =	vld [tilespmem:s13+$0x2FB0];
	_ =	sdelay $0x7  }
0x15e: {  	v8 =	vld.idx.msk [tilespmem:v8+s5+$0x0], $0xffff;
	_ =	sdelay $0x4  }
0x15f: {  	v8 =	vsub.s32 v8, v0  }
0x160: {  	vm10 =	vgt.s32 v8, $0xFFFFFFFF;
	vm11 =	vlt.s32 v8, v1  }
0x161: {  	vm1 =	vmand vm10, vm11  }
0x162: {  	v24 =	vsel vm1, $0x1, v6  }
0x163: {  	(xrf0) =	vadd.scan.msk.s32 $0xffff, v24;
	_ =	sdelay $0x3  }
0x164: {  	v25 =	vmpcnt.ones.xlane vm0;
	_ =	sdelay $0x1  }
0x165: {  	v7 =	vadd.s32 v7, v25;
	v26, _, _ =	vpop (xrf0)  }
0x166: {  	v9 =	vadd.s32 v26, v7  }
0x167: {  	v9 =	vadd.s32 $0xFFFFFFFF, v9  }
0x168: {  	v27 =	vld [tilespmem:s13+$0x27B0];
	vm12 =	vlt.s32 v9, $0x2FFF  }
0x169: {  	v9 =	vnsel vm12, $0x2FFF, v9;
	_ =	sdelay $0x2  }
0x16a: {  	v8 =	vshll.u32 v8, $0xE  }
0x16b: {  	v8 =	vor.u32 v27, v8  }
0x16c: {  	[tilespmem:v9+s28+$0x0] =	vst.idx.msk vm1, v8  }
0x16d: {  	v8 =	vld [tilespmem:s29+$0x3080];
	_ =	sdelay $0x7  }
0x16e: {  	v8 =	vld.idx.msk [tilespmem:v8+s5+$0x0], $0xffff;
	_ =	sdelay $0x4  }
0x16f: {  	v8 =	vsub.s32 v8, v0  }
0x170: {  	vm13 =	vgt.s32 v8, $0xFFFFFFFF;
	vm14 =	vlt.s32 v8, v1  }
0x171: {  	vm0 =	vmand vm13, vm14  }
0x172: {  	v28 =	vsel vm0, $0x1, v6  }
0x173: {  	(xrf0) =	vadd.scan.msk.s32 $0xffff, v28;
	_ =	sdelay $0x3  }
0x174: {  	v29 =	vmpcnt.ones.xlane vm1;
	_ =	sdelay $0x1  }
0x175: {  	v7 =	vadd.s32 v7, v29;
	v30, _, _ =	vpop (xrf0)  }
0x176: {  	v9 =	vadd.s32 v30, v7  }
0x177: {  	v9 =	vadd.s32 $0xFFFFFFFF, v9  }
0x178: {  	v31 =	vld [tilespmem:s29+$0x2880];
	vm15 =	vlt.s32 v9, $0x2FFF  }
0x179: {  	v9 =	vnsel vm15, $0x2FFF, v9;
	_ =	sdelay $0x2  }
0x17a: {  	v8 =	vshll.u32 v8, $0xE  }
0x17b: {  	v8 =	vor.u32 v31, v8  }
0x17c: {  	[tilespmem:v9+s28+$0x0] =	vst.idx.msk vm0, v8  }
0x17d: {  	v8 =	vld [tilespmem:s13+$0x2FD0];
	_ =	sdelay $0x7  }
0x17e: {  	v8 =	vld.idx.msk [tilespmem:v8+s5+$0x0], $0xffff;
	_ =	sdelay $0x4  }
0x17f: {  	v8 =	vsub.s32 v8, v0  }
0x180: {  	vm4 =	vgt.s32 v8, $0xFFFFFFFF;
	vm5 =	vlt.s32 v8, v1  }
0x181: {  	vm1 =	vmand vm4, vm5  }
0x182: {  	v32 =	vsel vm1, $0x1, v6  }
0x183: {  	(xrf0) =	vadd.scan.msk.s32 $0xffff, v32;
	_ =	sdelay $0x3  }
0x184: {  	v33 =	vmpcnt.ones.xlane vm0;
	_ =	sdelay $0x1  }
0x185: {  	v7 =	vadd.s32 v7, v33;
	v34, _, _ =	vpop (xrf0)  }
0x186: {  	v9 =	vadd.s32 v34, v7  }
0x187: {  	v9 =	vadd.s32 $0xFFFFFFFF, v9  }
0x188: {  	v35 =	vld [tilespmem:s13+$0x27D0];
	vm6 =	vlt.s32 v9, $0x2FFF  }
0x189: {  	v9 =	vnsel vm6, $0x2FFF, v9;
	_ =	sdelay $0x2  }
0x18a: {  	v8 =	vshll.u32 v8, $0xE  }
0x18b: {  	v8 =	vor.u32 v35, v8  }
0x18c: {  	[tilespmem:v9+s28+$0x0] =	vst.idx.msk vm1, v8  }
0x18d: {  	v8 =	vld [tilespmem:s13+$0x2FE0];
	_ =	sdelay $0x7  }
0x18e: {  	v8 =	vld.idx.msk [tilespmem:v8+s5+$0x0], $0xffff;
	_ =	sdelay $0x4  }
0x18f: {  	v8 =	vsub.s32 v8, v0  }
0x190: {  	vm7 =	vgt.s32 v8, $0xFFFFFFFF;
	vm8 =	vlt.s32 v8, v1  }
0x191: {  	vm0 =	vmand vm7, vm8  }
0x192: {  	v36 =	vsel vm0, $0x1, v6  }
0x193: {  	(xrf0) =	vadd.scan.msk.s32 $0xffff, v36;
	_ =	sdelay $0x3  }
0x194: {  	v37 =	vmpcnt.ones.xlane vm1;
	_ =	sdelay $0x1  }
0x195: {  	v7 =	vadd.s32 v7, v37;
	v38, _, _ =	vpop (xrf0)  }
0x196: {  	v9 =	vadd.s32 v38, v7  }
0x197: {  	v9 =	vadd.s32 $0xFFFFFFFF, v9  }
0x198: {  	v39 =	vld [tilespmem:s13+$0x27E0];
	vm9 =	vlt.s32 v9, $0x2FFF  }
0x199: {  	v9 =	vnsel vm9, $0x2FFF, v9;
	_ =	sdelay $0x2  }
0x19a: {  	v8 =	vshll.u32 v8, $0xE  }
0x19b: {  	v8 =	vor.u32 v39, v8  }
0x19c: {  	[tilespmem:v9+s28+$0x0] =	vst.idx.msk vm0, v8  }
0x19d: {  	v8 =	vld [tilespmem:s13+$0x2FF0];
	_ =	sdelay $0x7  }
0x19e: {  	v8 =	vld.idx.msk [tilespmem:v8+s5+$0x0], $0xffff;
	_ =	sdelay $0x4  }
0x19f: {  	v8 =	vsub.s32 v8, v0  }
0x1a0: {  	vm10 =	vgt.s32 v8, $0xFFFFFFFF;
	vm11 =	vlt.s32 v8, v1  }
0x1a1: {  	vm1 =	vmand vm10, vm11  }
0x1a2: {  	v40 =	vsel vm1, $0x1, v6  }
0x1a3: {  	(xrf0) =	vadd.scan.msk.s32 $0xffff, v40;
	_ =	sdelay $0x3  }
0x1a4: {  	v41 =	vmpcnt.ones.xlane vm0;
	_ =	sdelay $0x1  }
0x1a5: {  	v7 =	vadd.s32 v7, v41;
	v42, _, _ =	vpop (xrf0)  }
0x1a6: {  	v9 =	vadd.s32 v42, v7  }
0x1a7: {  	v9 =	vadd.s32 $0xFFFFFFFF, v9  }
0x1a8: {  	v43 =	vld [tilespmem:s13+$0x27F0];
	vm12 =	vlt.s32 v9, $0x2FFF  }
0x1a9: {  	v9 =	vnsel vm12, $0x2FFF, v9;
	_ =	sdelay $0x2  }
0x1aa: {  	v8 =	vshll.u32 v8, $0xE  }
0x1ab: {  	v8 =	vor.u32 v43, v8  }
0x1ac: {  	[tilespmem:v9+s28+$0x0] =	vst.idx.msk vm1, v8  }
0x1ad: {  	v8 =	vld [tilespmem:s13+$0x3000];
	_ =	sdelay $0x7  }
0x1ae: {  	v8 =	vld.idx.msk [tilespmem:v8+s5+$0x0], $0xffff;
	_ =	sdelay $0x4  }
0x1af: {  	v8 =	vsub.s32 v8, v0  }
0x1b0: {  	vm13 =	vgt.s32 v8, $0xFFFFFFFF;
	vm14 =	vlt.s32 v8, v1  }
0x1b1: {  	vm0 =	vmand vm13, vm14  }
0x1b2: {  	v44 =	vsel vm0, $0x1, v6  }
0x1b3: {  	(xrf0) =	vadd.scan.msk.s32 $0xffff, v44;
	_ =	sdelay $0x3  }
0x1b4: {  	v45 =	vmpcnt.ones.xlane vm1;
	_ =	sdelay $0x1  }
0x1b5: {  	v7 =	vadd.s32 v7, v45;
	v46, _, _ =	vpop (xrf0)  }
0x1b6: {  	v9 =	vadd.s32 v46, v7  }
0x1b7: {  	v9 =	vadd.s32 $0xFFFFFFFF, v9  }
0x1b8: {  	v47 =	vld [tilespmem:s13+$0x2800];
	vm15 =	vlt.s32 v9, $0x2FFF  }
0x1b9: {  	v9 =	vnsel vm15, $0x2FFF, v9;
	_ =	sdelay $0x2  }
0x1ba: {  	v8 =	vshll.u32 v8, $0xE  }
0x1bb: {  	v8 =	vor.u32 v47, v8  }
0x1bc: {  	[tilespmem:v9+s28+$0x0] =	vst.idx.msk vm0, v8  }
0x1bd: {  	v8 =	vld [tilespmem:s13+$0x3010];
	_ =	sdelay $0x7  }
0x1be: {  	v8 =	vld.idx.msk [tilespmem:v8+s5+$0x0], $0xffff;
	_ =	sdelay $0x4  }
0x1bf: {  	v8 =	vsub.s32 v8, v0  }
0x1c0: {  	vm4 =	vgt.s32 v8, $0xFFFFFFFF;
	vm5 =	vlt.s32 v8, v1  }
0x1c1: {  	vm1 =	vmand vm4, vm5  }
0x1c2: {  	v48 =	vsel vm1, $0x1, v6  }
0x1c3: {  	(xrf0) =	vadd.scan.msk.s32 $0xffff, v48;
	_ =	sdelay $0x3  }
0x1c4: {  	v49 =	vmpcnt.ones.xlane vm0;
	_ =	sdelay $0x1  }
0x1c5: {  	v7 =	vadd.s32 v7, v49;
	v50, _, _ =	vpop (xrf0)  }
0x1c6: {  	v9 =	vadd.s32 v50, v7  }
0x1c7: {  	v9 =	vadd.s32 $0xFFFFFFFF, v9  }
0x1c8: {  	v51 =	vld [tilespmem:s13+$0x2810];
	vm6 =	vlt.s32 v9, $0x2FFF  }
0x1c9: {  	v9 =	vnsel vm6, $0x2FFF, v9;
	_ =	sdelay $0x2  }
0x1ca: {  	v8 =	vshll.u32 v8, $0xE  }
0x1cb: {  	v8 =	vor.u32 v51, v8  }
0x1cc: {  	[tilespmem:v9+s28+$0x0] =	vst.idx.msk vm1, v8  }
0x1cd: {  	v8 =	vld [tilespmem:s13+$0x3020];
	_ =	sdelay $0x7  }
0x1ce: {  	v8 =	vld.idx.msk [tilespmem:v8+s5+$0x0], $0xffff;
	_ =	sdelay $0x4  }
0x1cf: {  	v8 =	vsub.s32 v8, v0  }
0x1d0: {  	vm7 =	vgt.s32 v8, $0xFFFFFFFF;
	vm8 =	vlt.s32 v8, v1  }
0x1d1: {  	vm0 =	vmand vm7, vm8  }
0x1d2: {  	v52 =	vsel vm0, $0x1, v6  }
0x1d3: {  	(xrf0) =	vadd.scan.msk.s32 $0xffff, v52;
	_ =	sdelay $0x3  }
0x1d4: {  	v53 =	vmpcnt.ones.xlane vm1;
	_ =	sdelay $0x1  }
0x1d5: {  	v7 =	vadd.s32 v7, v53;
	v54, _, _ =	vpop (xrf0)  }
0x1d6: {  	v9 =	vadd.s32 v54, v7  }
0x1d7: {  	v9 =	vadd.s32 $0xFFFFFFFF, v9  }
0x1d8: {  	v55 =	vld [tilespmem:s13+$0x2820];
	vm9 =	vlt.s32 v9, $0x2FFF  }
0x1d9: {  	v9 =	vnsel vm9, $0x2FFF, v9;
	_ =	sdelay $0x2  }
0x1da: {  	v8 =	vshll.u32 v8, $0xE  }
0x1db: {  	v8 =	vor.u32 v55, v8  }
0x1dc: {  	[tilespmem:v9+s28+$0x0] =	vst.idx.msk vm0, v8  }
0x1dd: {  	v8 =	vld [tilespmem:s13+$0x3030];
	_ =	sdelay $0x7  }
0x1de: {  	v8 =	vld.idx.msk [tilespmem:v8+s5+$0x0], $0xffff;
	_ =	sdelay $0x4  }
0x1df: {  	v8 =	vsub.s32 v8, v0  }
0x1e0: {  	vm10 =	vgt.s32 v8, $0xFFFFFFFF;
	vm11 =	vlt.s32 v8, v1  }
0x1e1: {  	vm1 =	vmand vm10, vm11  }
0x1e2: {  	v56 =	vsel vm1, $0x1, v6  }
0x1e3: {  	(xrf0) =	vadd.scan.msk.s32 $0xffff, v56;
	_ =	sdelay $0x3  }
0x1e4: {  	v57 =	vmpcnt.ones.xlane vm0;
	_ =	sdelay $0x1  }
0x1e5: {  	v7 =	vadd.s32 v7, v57;
	v58, _, _ =	vpop (xrf0)  }
0x1e6: {  	v9 =	vadd.s32 v58, v7  }
0x1e7: {  	v9 =	vadd.s32 $0xFFFFFFFF, v9  }
0x1e8: {  	v59 =	vld [tilespmem:s13+$0x2830];
	vm12 =	vlt.s32 v9, $0x2FFF  }
0x1e9: {  	v9 =	vnsel vm12, $0x2FFF, v9;
	_ =	sdelay $0x2  }
0x1ea: {  	v8 =	vshll.u32 v8, $0xE  }
0x1eb: {  	v8 =	vor.u32 v59, v8  }
0x1ec: {  	[tilespmem:v9+s28+$0x0] =	vst.idx.msk vm1, v8  }
0x1ed: {  	v8 =	vld [tilespmem:s29+$0x3100];
	_ =	sdelay $0x7  }
0x1ee: {  	v8 =	vld.idx.msk [tilespmem:v8+s5+$0x0], $0xffff;
	_ =	sdelay $0x4  }
0x1ef: {  	v8 =	vsub.s32 v8, v0  }
0x1f0: {  	vm13 =	vgt.s32 v8, $0xFFFFFFFF;
	vm14 =	vlt.s32 v8, v1  }
0x1f1: {  	vm0 =	vmand vm13, vm14  }
0x1f2: {  	v60 =	vsel vm0, $0x1, v6  }
0x1f3: {  	(xrf0) =	vadd.scan.msk.s32 $0xffff, v60;
	_ =	sdelay $0x3  }
0x1f4: {  	v61 =	vmpcnt.ones.xlane vm1;
	_ =	sdelay $0x1  }
0x1f5: {  	v7 =	vadd.s32 v7, v61;
	v62, _, _ =	vpop (xrf0)  }
0x1f6: {  	v9 =	vadd.s32 v62, v7  }
0x1f7: {  	v9 =	vadd.s32 $0xFFFFFFFF, v9  }
0x1f8: {  	s16 =	sadd.s32 $0x19, s16;
	v63 =	vld [tilespmem:s29+$0x2900];
	vm15 =	vlt.s32 v9, $0x2FFF  }
0x1f9: {  	p0 =	slt.u32 s16, $0x64;
	v9 =	vnsel vm15, $0x2FFF, v9  }
.Ltmp3:
0x1fa: {  	_ = 	snop;
	(pc) =	sbr.rel @p0 .LBB2_9-.Ltmp3, $4  }
0x1fb: {  	_ = 	snop  }
0x1fc: {  	v8 =	vshll.u32 v8, $0xE;
	v11 =	vmpcnt.ones.xlane vm0  }
0x1fd: {  	v8 =	vor.u32 v63, v8  }
0x1fe: {  	s19 =	sadd.s32 $0x190, s19;
	s17 =	sadd.s32 $0x640, s17;
	s18 =	sadd.s32 $0x40, s18;
	v7 =	vadd.s32 v7, v11;
	[tilespmem:v9+s28+$0x0] =	vst.idx.msk vm0, v8  }
0x1ff: {  	_ =	swait.ge [sflag:s7], $0x7D0  }
0x200: {  	[sflag:s7] =	ssyncset.done $0x0  }
0x201: {  	p0 =	seq.s32 s14, $0x4;
	[sflag:s7] =	ssyncadd.s32 $0xFFFFF830  }
0x202: {  	s13 =	sadd.s32 @!p0 s15, s11;
	_ =	swait.ge [sflag:s8], $0x7D0  }
0x203: {  	s16 =	simm.s32 @!p0 $0x0;
	s13 =	sshrl.u32 @!p0 s13, $0x3;
	[sflag:s8] =	ssyncset.done $0x0  }
0x204: {  	s17 =	simm.s32 @!p0 $0x2780;
	s15 =	sadd.s32 @!p0 s2, s13;
	[sflag:s8] =	ssyncadd.s32 $0xFFFFF830  }
0x205: {  	[tilespmem:s17], [sflag:$0x9] =	stream.linear.gather @!p0 [hbm4b:s15+s16], $0x7D0, $0x200038;
	[tilespmem:$0x1CAC0] =	vst v63  }
0x206: {  	s18 =	simm.s32 $0x0;
	s13 =	sadd.s32 @!p0 s3, s13;
	s15 =	simm.s32 @!p0 $0x2F80  }
0x207: {  	[tilespmem:s15], [sflag:$0xA] =	stream.linear.gather @!p0 [hbm4b:s13+s16], $0x7D0, $0x200038;
	[tilespmem:$0x1CAC0] =	vst v63  }
0x208: {  	s17 =	simm.s32 $0x300;
	s15 =	simm.s32 $0xFFFFFFE7;
	s16 =	simm.s32 $0x0  }
.LBB2_11:
0x209: {  	s13 =	sshra.s32 s17, $0x2  }
0x20a: {  	v8 =	vld [tilespmem:s13+$0x3EC0];
	_ =	sdelay $0x7  }
0x20b: {  	v8 =	vld.idx.msk [tilespmem:v8+s5+$0x0], $0xffff;
	_ =	sdelay $0x4  }
0x20c: {  	v8 =	vsub.s32 v8, v0  }
0x20d: {  	vm0 =	vgt.s32 v8, $0xFFFFFFFF;
	vm1 =	vlt.s32 v8, v1  }
0x20e: {  	vm0 =	vmand vm0, vm1  }
0x20f: {  	v9 =	vsel vm0, $0x1, v6  }
0x210: {  	(xrf0) =	vadd.scan.msk.s32 $0xffff, v9;
	_ =	sdelay $0x5  }
0x211: {  	v9, _, _ =	vpop (xrf0)  }
0x212: {  	v9 =	vadd.s32 v9, v7  }
0x213: {  	v9 =	vadd.s32 $0xFFFFFFFF, v9  }
0x214: {  	v10 =	vld [tilespmem:s13+$0x36C0];
	vm4 =	vlt.s32 v9, $0x2FFF  }
0x215: {  	v9 =	vnsel vm4, $0x2FFF, v9;
	_ =	sdelay $0x2  }
0x216: {  	v8 =	vshll.u32 v8, $0xE  }
0x217: {  	v8 =	vor.u32 v10, v8  }
0x218: {  	[tilespmem:v9+s28+$0x0] =	vst.idx.msk vm0, v8  }
0x219: {  	v8 =	vld [tilespmem:s13+$0x3ED0];
	_ =	sdelay $0x7  }
0x21a: {  	v8 =	vld.idx.msk [tilespmem:v8+s5+$0x0], $0xffff;
	_ =	sdelay $0x4  }
0x21b: {  	v8 =	vsub.s32 v8, v0  }
0x21c: {  	vm5 =	vgt.s32 v8, $0xFFFFFFFF;
	vm2 =	vlt.s32 v8, v1  }
0x21d: {  	vm1 =	vmand vm5, vm2  }
0x21e: {  	v20 =	vsel vm1, $0x1, v6  }
0x21f: {  	(xrf0) =	vadd.scan.msk.s32 $0xffff, v20;
	_ =	sdelay $0x3  }
0x220: {  	v21 =	vmpcnt.ones.xlane vm0;
	_ =	sdelay $0x1  }
0x221: {  	v7 =	vadd.s32 v7, v21;
	v22, _, _ =	vpop (xrf0)  }
0x222: {  	v9 =	vadd.s32 v22, v7  }
0x223: {  	v9 =	vadd.s32 $0xFFFFFFFF, v9  }
0x224: {  	v23 =	vld [tilespmem:s13+$0x36D0];
	vm6 =	vlt.s32 v9, $0x2FFF  }
0x225: {  	v9 =	vnsel vm6, $0x2FFF, v9;
	_ =	sdelay $0x2  }
0x226: {  	v8 =	vshll.u32 v8, $0xE  }
0x227: {  	v8 =	vor.u32 v23, v8  }
0x228: {  	[tilespmem:v9+s28+$0x0] =	vst.idx.msk vm1, v8  }
0x229: {  	v8 =	vld [tilespmem:s13+$0x3EE0];
	_ =	sdelay $0x7  }
0x22a: {  	v8 =	vld.idx.msk [tilespmem:v8+s5+$0x0], $0xffff;
	_ =	sdelay $0x4  }
0x22b: {  	v8 =	vsub.s32 v8, v0  }
0x22c: {  	vm7 =	vgt.s32 v8, $0xFFFFFFFF;
	vm8 =	vlt.s32 v8, v1  }
0x22d: {  	vm0 =	vmand vm7, vm8  }
0x22e: {  	v24 =	vsel vm0, $0x1, v6  }
0x22f: {  	(xrf0) =	vadd.scan.msk.s32 $0xffff, v24;
	_ =	sdelay $0x3  }
0x230: {  	v25 =	vmpcnt.ones.xlane vm1;
	_ =	sdelay $0x1  }
0x231: {  	v7 =	vadd.s32 v7, v25;
	v26, _, _ =	vpop (xrf0)  }
0x232: {  	v9 =	vadd.s32 v26, v7  }
0x233: {  	v9 =	vadd.s32 $0xFFFFFFFF, v9  }
0x234: {  	v27 =	vld [tilespmem:s13+$0x36E0];
	vm9 =	vlt.s32 v9, $0x2FFF  }
0x235: {  	v9 =	vnsel vm9, $0x2FFF, v9;
	_ =	sdelay $0x2  }
0x236: {  	v8 =	vshll.u32 v8, $0xE  }
0x237: {  	v8 =	vor.u32 v27, v8  }
0x238: {  	[tilespmem:v9+s28+$0x0] =	vst.idx.msk vm0, v8  }
0x239: {  	v8 =	vld [tilespmem:s13+$0x3EF0];
	_ =	sdelay $0x7  }
0x23a: {  	v8 =	vld.idx.msk [tilespmem:v8+s5+$0x0], $0xffff;
	_ =	sdelay $0x4  }
0x23b: {  	v8 =	vsub.s32 v8, v0  }
0x23c: {  	vm10 =	vgt.s32 v8, $0xFFFFFFFF;
	vm11 =	vlt.s32 v8, v1  }
0x23d: {  	vm1 =	vmand vm10, vm11  }
0x23e: {  	v28 =	vsel vm1, $0x1, v6  }
0x23f: {  	(xrf0) =	vadd.scan.msk.s32 $0xffff, v28;
	_ =	sdelay $0x3  }
0x240: {  	v29 =	vmpcnt.ones.xlane vm0;
	_ =	sdelay $0x1  }
0x241: {  	v7 =	vadd.s32 v7, v29;
	v30, _, _ =	vpop (xrf0)  }
0x242: {  	v9 =	vadd.s32 v30, v7  }
0x243: {  	v9 =	vadd.s32 $0xFFFFFFFF, v9  }
0x244: {  	v31 =	vld [tilespmem:s13+$0x36F0];
	vm12 =	vlt.s32 v9, $0x2FFF  }
0x245: {  	v9 =	vnsel vm12, $0x2FFF, v9;
	_ =	sdelay $0x2  }
0x246: {  	v8 =	vshll.u32 v8, $0xE  }
0x247: {  	v8 =	vor.u32 v31, v8  }
0x248: {  	[tilespmem:v9+s28+$0x0] =	vst.idx.msk vm1, v8  }
0x249: {  	v8 =	vld [tilespmem:s13+$0x3F00];
	_ =	sdelay $0x7  }
0x24a: {  	v8 =	vld.idx.msk [tilespmem:v8+s5+$0x0], $0xffff;
	_ =	sdelay $0x4  }
0x24b: {  	v8 =	vsub.s32 v8, v0  }
0x24c: {  	vm13 =	vgt.s32 v8, $0xFFFFFFFF;
	vm14 =	vlt.s32 v8, v1  }
0x24d: {  	vm0 =	vmand vm13, vm14  }
0x24e: {  	v32 =	vsel vm0, $0x1, v6  }
0x24f: {  	(xrf0) =	vadd.scan.msk.s32 $0xffff, v32;
	_ =	sdelay $0x3  }
0x250: {  	v33 =	vmpcnt.ones.xlane vm1;
	_ =	sdelay $0x1  }
0x251: {  	v7 =	vadd.s32 v7, v33;
	v34, _, _ =	vpop (xrf0)  }
0x252: {  	v9 =	vadd.s32 v34, v7  }
0x253: {  	v9 =	vadd.s32 $0xFFFFFFFF, v9  }
0x254: {  	v35 =	vld [tilespmem:s13+$0x3700];
	vm15 =	vlt.s32 v9, $0x2FFF  }
0x255: {  	v9 =	vnsel vm15, $0x2FFF, v9;
	_ =	sdelay $0x2  }
0x256: {  	v8 =	vshll.u32 v8, $0xE  }
0x257: {  	v8 =	vor.u32 v35, v8  }
0x258: {  	[tilespmem:v9+s28+$0x0] =	vst.idx.msk vm0, v8  }
0x259: {  	v8 =	vld [tilespmem:s13+$0x3F10];
	_ =	sdelay $0x7  }
0x25a: {  	v8 =	vld.idx.msk [tilespmem:v8+s5+$0x0], $0xffff;
	_ =	sdelay $0x4  }
0x25b: {  	v8 =	vsub.s32 v8, v0  }
0x25c: {  	vm4 =	vgt.s32 v8, $0xFFFFFFFF;
	vm5 =	vlt.s32 v8, v1  }
0x25d: {  	vm1 =	vmand vm4, vm5  }
0x25e: {  	v36 =	vsel vm1, $0x1, v6  }
0x25f: {  	(xrf0) =	vadd.scan.msk.s32 $0xffff, v36;
	_ =	sdelay $0x3  }
0x260: {  	v37 =	vmpcnt.ones.xlane vm0;
	_ =	sdelay $0x1  }
0x261: {  	v7 =	vadd.s32 v7, v37;
	v38, _, _ =	vpop (xrf0)  }
0x262: {  	v9 =	vadd.s32 v38, v7  }
0x263: {  	v9 =	vadd.s32 $0xFFFFFFFF, v9  }
0x264: {  	v39 =	vld [tilespmem:s13+$0x3710];
	vm6 =	vlt.s32 v9, $0x2FFF  }
0x265: {  	v9 =	vnsel vm6, $0x2FFF, v9;
	_ =	sdelay $0x2  }
0x266: {  	v8 =	vshll.u32 v8, $0xE  }
0x267: {  	v8 =	vor.u32 v39, v8  }
0x268: {  	[tilespmem:v9+s28+$0x0] =	vst.idx.msk vm1, v8  }
0x269: {  	v8 =	vld [tilespmem:s13+$0x3F20];
	_ =	sdelay $0x7  }
0x26a: {  	v8 =	vld.idx.msk [tilespmem:v8+s5+$0x0], $0xffff;
	_ =	sdelay $0x4  }
0x26b: {  	v8 =	vsub.s32 v8, v0  }
0x26c: {  	vm7 =	vgt.s32 v8, $0xFFFFFFFF;
	vm8 =	vlt.s32 v8, v1  }
0x26d: {  	vm0 =	vmand vm7, vm8  }
0x26e: {  	v40 =	vsel vm0, $0x1, v6  }
0x26f: {  	(xrf0) =	vadd.scan.msk.s32 $0xffff, v40;
	_ =	sdelay $0x3  }
0x270: {  	v41 =	vmpcnt.ones.xlane vm1;
	_ =	sdelay $0x1  }
0x271: {  	v7 =	vadd.s32 v7, v41;
	v42, _, _ =	vpop (xrf0)  }
0x272: {  	v9 =	vadd.s32 v42, v7  }
0x273: {  	v9 =	vadd.s32 $0xFFFFFFFF, v9  }
0x274: {  	v43 =	vld [tilespmem:s13+$0x3720];
	vm9 =	vlt.s32 v9, $0x2FFF  }
0x275: {  	v9 =	vnsel vm9, $0x2FFF, v9;
	_ =	sdelay $0x2  }
0x276: {  	v8 =	vshll.u32 v8, $0xE  }
0x277: {  	v8 =	vor.u32 v43, v8  }
0x278: {  	[tilespmem:v9+s28+$0x0] =	vst.idx.msk vm0, v8  }
0x279: {  	v8 =	vld [tilespmem:s13+$0x3F30];
	_ =	sdelay $0x7  }
0x27a: {  	v8 =	vld.idx.msk [tilespmem:v8+s5+$0x0], $0xffff;
	_ =	sdelay $0x4  }
0x27b: {  	v8 =	vsub.s32 v8, v0  }
0x27c: {  	vm10 =	vgt.s32 v8, $0xFFFFFFFF;
	vm11 =	vlt.s32 v8, v1  }
0x27d: {  	vm1 =	vmand vm10, vm11  }
0x27e: {  	v44 =	vsel vm1, $0x1, v6  }
0x27f: {  	(xrf0) =	vadd.scan.msk.s32 $0xffff, v44;
	_ =	sdelay $0x3  }
0x280: {  	v45 =	vmpcnt.ones.xlane vm0;
	_ =	sdelay $0x1  }
0x281: {  	v7 =	vadd.s32 v7, v45;
	v46, _, _ =	vpop (xrf0)  }
0x282: {  	v9 =	vadd.s32 v46, v7  }
0x283: {  	v9 =	vadd.s32 $0xFFFFFFFF, v9  }
0x284: {  	v47 =	vld [tilespmem:s13+$0x3730];
	vm12 =	vlt.s32 v9, $0x2FFF  }
0x285: {  	v9 =	vnsel vm12, $0x2FFF, v9;
	_ =	sdelay $0x1  }
0x286: {  	s19 =	sshll.u32 s18, $0x2  }
0x287: {  	s19 =	sand.u32 $0xFFFFFE00, s19;
	v8 =	vshll.u32 v8, $0xE  }
0x288: {  	s19 =	sadd.s32 s19, s16;
	v8 =	vor.u32 v47, v8  }
0x289: {  	s19 =	sshra.s32 s19, $0x2;
	[tilespmem:v9+s28+$0x0] =	vst.idx.msk vm1, v8  }
0x28a: {  	v8 =	vld [tilespmem:s19+$0x4000];
	_ =	sdelay $0x7  }
0x28b: {  	v8 =	vld.idx.msk [tilespmem:v8+s5+$0x0], $0xffff;
	_ =	sdelay $0x4  }
0x28c: {  	v8 =	vsub.s32 v8, v0  }
0x28d: {  	vm13 =	vgt.s32 v8, $0xFFFFFFFF;
	vm14 =	vlt.s32 v8, v1  }
0x28e: {  	vm0 =	vmand vm13, vm14  }
0x28f: {  	v48 =	vsel vm0, $0x1, v6  }
0x290: {  	(xrf0) =	vadd.scan.msk.s32 $0xffff, v48;
	_ =	sdelay $0x3  }
0x291: {  	v49 =	vmpcnt.ones.xlane vm1;
	_ =	sdelay $0x1  }
0x292: {  	v7 =	vadd.s32 v7, v49;
	v50, _, _ =	vpop (xrf0)  }
0x293: {  	v9 =	vadd.s32 v50, v7  }
0x294: {  	v9 =	vadd.s32 $0xFFFFFFFF, v9  }
0x295: {  	v51 =	vld [tilespmem:s19+$0x3800];
	vm15 =	vlt.s32 v9, $0x2FFF  }
0x296: {  	v9 =	vnsel vm15, $0x2FFF, v9;
	_ =	sdelay $0x2  }
0x297: {  	v8 =	vshll.u32 v8, $0xE  }
0x298: {  	v8 =	vor.u32 v51, v8  }
0x299: {  	[tilespmem:v9+s28+$0x0] =	vst.idx.msk vm0, v8  }
0x29a: {  	v8 =	vld [tilespmem:s13+$0x3F50];
	_ =	sdelay $0x7  }
0x29b: {  	v8 =	vld.idx.msk [tilespmem:v8+s5+$0x0], $0xffff;
	_ =	sdelay $0x4  }
0x29c: {  	v8 =	vsub.s32 v8, v0  }
0x29d: {  	vm4 =	vgt.s32 v8, $0xFFFFFFFF;
	vm5 =	vlt.s32 v8, v1  }
0x29e: {  	vm1 =	vmand vm4, vm5  }
0x29f: {  	v52 =	vsel vm1, $0x1, v6  }
0x2a0: {  	(xrf0) =	vadd.scan.msk.s32 $0xffff, v52;
	_ =	sdelay $0x3  }
0x2a1: {  	v53 =	vmpcnt.ones.xlane vm0;
	_ =	sdelay $0x1  }
0x2a2: {  	v7 =	vadd.s32 v7, v53;
	v54, _, _ =	vpop (xrf0)  }
0x2a3: {  	v9 =	vadd.s32 v54, v7  }
0x2a4: {  	v9 =	vadd.s32 $0xFFFFFFFF, v9  }
0x2a5: {  	v55 =	vld [tilespmem:s13+$0x3750];
	vm6 =	vlt.s32 v9, $0x2FFF  }
0x2a6: {  	v9 =	vnsel vm6, $0x2FFF, v9;
	_ =	sdelay $0x2  }
0x2a7: {  	v8 =	vshll.u32 v8, $0xE  }
0x2a8: {  	v8 =	vor.u32 v55, v8  }
0x2a9: {  	[tilespmem:v9+s28+$0x0] =	vst.idx.msk vm1, v8  }
0x2aa: {  	v8 =	vld [tilespmem:s13+$0x3F60];
	_ =	sdelay $0x7  }
0x2ab: {  	v8 =	vld.idx.msk [tilespmem:v8+s5+$0x0], $0xffff;
	_ =	sdelay $0x4  }
0x2ac: {  	v8 =	vsub.s32 v8, v0  }
0x2ad: {  	vm7 =	vgt.s32 v8, $0xFFFFFFFF;
	vm8 =	vlt.s32 v8, v1  }
0x2ae: {  	vm0 =	vmand vm7, vm8  }
0x2af: {  	v56 =	vsel vm0, $0x1, v6  }
0x2b0: {  	(xrf0) =	vadd.scan.msk.s32 $0xffff, v56;
	_ =	sdelay $0x3  }
0x2b1: {  	v57 =	vmpcnt.ones.xlane vm1;
	_ =	sdelay $0x1  }
0x2b2: {  	v7 =	vadd.s32 v7, v57;
	v58, _, _ =	vpop (xrf0)  }
0x2b3: {  	v9 =	vadd.s32 v58, v7  }
0x2b4: {  	v9 =	vadd.s32 $0xFFFFFFFF, v9  }
0x2b5: {  	v59 =	vld [tilespmem:s13+$0x3760];
	vm9 =	vlt.s32 v9, $0x2FFF  }
0x2b6: {  	v9 =	vnsel vm9, $0x2FFF, v9;
	_ =	sdelay $0x2  }
0x2b7: {  	v8 =	vshll.u32 v8, $0xE  }
0x2b8: {  	v8 =	vor.u32 v59, v8  }
0x2b9: {  	[tilespmem:v9+s28+$0x0] =	vst.idx.msk vm0, v8  }
0x2ba: {  	v8 =	vld [tilespmem:s13+$0x3F70];
	_ =	sdelay $0x7  }
0x2bb: {  	v8 =	vld.idx.msk [tilespmem:v8+s5+$0x0], $0xffff;
	_ =	sdelay $0x4  }
0x2bc: {  	v8 =	vsub.s32 v8, v0  }
0x2bd: {  	vm10 =	vgt.s32 v8, $0xFFFFFFFF;
	vm11 =	vlt.s32 v8, v1  }
0x2be: {  	vm1 =	vmand vm10, vm11  }
0x2bf: {  	v60 =	vsel vm1, $0x1, v6  }
0x2c0: {  	(xrf0) =	vadd.scan.msk.s32 $0xffff, v60;
	_ =	sdelay $0x3  }
0x2c1: {  	v61 =	vmpcnt.ones.xlane vm0;
	_ =	sdelay $0x1  }
0x2c2: {  	v7 =	vadd.s32 v7, v61;
	v62, _, _ =	vpop (xrf0)  }
0x2c3: {  	v9 =	vadd.s32 v62, v7  }
0x2c4: {  	v9 =	vadd.s32 $0xFFFFFFFF, v9  }
0x2c5: {  	v63 =	vld [tilespmem:s13+$0x3770];
	vm12 =	vlt.s32 v9, $0x2FFF  }
0x2c6: {  	v9 =	vnsel vm12, $0x2FFF, v9;
	_ =	sdelay $0x2  }
0x2c7: {  	v8 =	vshll.u32 v8, $0xE  }
0x2c8: {  	v8 =	vor.u32 v63, v8  }
0x2c9: {  	[tilespmem:v9+s28+$0x0] =	vst.idx.msk vm1, v8  }
0x2ca: {  	v8 =	vld [tilespmem:s13+$0x3F80];
	_ =	sdelay $0x7  }
0x2cb: {  	v8 =	vld.idx.msk [tilespmem:v8+s5+$0x0], $0xffff;
	_ =	sdelay $0x4  }
0x2cc: {  	v8 =	vsub.s32 v8, v0  }
0x2cd: {  	vm13 =	vgt.s32 v8, $0xFFFFFFFF;
	vm14 =	vlt.s32 v8, v1  }
0x2ce: {  	vm0 =	vmand vm13, vm14  }
0x2cf: {  	v12 =	vsel vm0, $0x1, v6  }
0x2d0: {  	(xrf0) =	vadd.scan.msk.s32 $0xffff, v12;
	_ =	sdelay $0x3  }
0x2d1: {  	v13 =	vmpcnt.ones.xlane vm1;
	_ =	sdelay $0x1  }
0x2d2: {  	v7 =	vadd.s32 v7, v13;
	v14, _, _ =	vpop (xrf0)  }
0x2d3: {  	v9 =	vadd.s32 v14, v7  }
0x2d4: {  	v9 =	vadd.s32 $0xFFFFFFFF, v9  }
0x2d5: {  	v15 =	vld [tilespmem:s13+$0x3780];
	vm15 =	vlt.s32 v9, $0x2FFF  }
0x2d6: {  	v9 =	vnsel vm15, $0x2FFF, v9;
	_ =	sdelay $0x2  }
0x2d7: {  	v8 =	vshll.u32 v8, $0xE  }
0x2d8: {  	v8 =	vor.u32 v15, v8  }
0x2d9: {  	[tilespmem:v9+s28+$0x0] =	vst.idx.msk vm0, v8  }
0x2da: {  	v8 =	vld [tilespmem:s13+$0x3F90];
	_ =	sdelay $0x7  }
0x2db: {  	v8 =	vld.idx.msk [tilespmem:v8+s5+$0x0], $0xffff;
	_ =	sdelay $0x4  }
0x2dc: {  	v8 =	vsub.s32 v8, v0  }
0x2dd: {  	vm4 =	vgt.s32 v8, $0xFFFFFFFF;
	vm5 =	vlt.s32 v8, v1  }
0x2de: {  	vm1 =	vmand vm4, vm5  }
0x2df: {  	v16 =	vsel vm1, $0x1, v6  }
0x2e0: {  	(xrf0) =	vadd.scan.msk.s32 $0xffff, v16;
	_ =	sdelay $0x3  }
0x2e1: {  	v17 =	vmpcnt.ones.xlane vm0;
	_ =	sdelay $0x1  }
0x2e2: {  	v7 =	vadd.s32 v7, v17;
	v18, _, _ =	vpop (xrf0)  }
0x2e3: {  	v9 =	vadd.s32 v18, v7  }
0x2e4: {  	v9 =	vadd.s32 $0xFFFFFFFF, v9  }
0x2e5: {  	v19 =	vld [tilespmem:s13+$0x3790];
	vm6 =	vlt.s32 v9, $0x2FFF  }
0x2e6: {  	v9 =	vnsel vm6, $0x2FFF, v9;
	_ =	sdelay $0x2  }
0x2e7: {  	v8 =	vshll.u32 v8, $0xE  }
0x2e8: {  	v8 =	vor.u32 v19, v8  }
0x2e9: {  	[tilespmem:v9+s28+$0x0] =	vst.idx.msk vm1, v8  }
0x2ea: {  	v8 =	vld [tilespmem:s13+$0x3FA0];
	_ =	sdelay $0x7  }
0x2eb: {  	v8 =	vld.idx.msk [tilespmem:v8+s5+$0x0], $0xffff;
	_ =	sdelay $0x4  }
0x2ec: {  	v8 =	vsub.s32 v8, v0  }
0x2ed: {  	vm7 =	vgt.s32 v8, $0xFFFFFFFF;
	vm8 =	vlt.s32 v8, v1  }
0x2ee: {  	vm0 =	vmand vm7, vm8  }
0x2ef: {  	v20 =	vsel vm0, $0x1, v6  }
0x2f0: {  	(xrf0) =	vadd.scan.msk.s32 $0xffff, v20;
	_ =	sdelay $0x3  }
0x2f1: {  	v21 =	vmpcnt.ones.xlane vm1;
	_ =	sdelay $0x1  }
0x2f2: {  	v7 =	vadd.s32 v7, v21;
	v22, _, _ =	vpop (xrf0)  }
0x2f3: {  	v9 =	vadd.s32 v22, v7  }
0x2f4: {  	v9 =	vadd.s32 $0xFFFFFFFF, v9  }
0x2f5: {  	v23 =	vld [tilespmem:s13+$0x37A0];
	vm9 =	vlt.s32 v9, $0x2FFF  }
0x2f6: {  	v9 =	vnsel vm9, $0x2FFF, v9;
	_ =	sdelay $0x2  }
0x2f7: {  	v8 =	vshll.u32 v8, $0xE  }
0x2f8: {  	v8 =	vor.u32 v23, v8  }
0x2f9: {  	[tilespmem:v9+s28+$0x0] =	vst.idx.msk vm0, v8  }
0x2fa: {  	v8 =	vld [tilespmem:s13+$0x3FB0];
	_ =	sdelay $0x7  }
0x2fb: {  	v8 =	vld.idx.msk [tilespmem:v8+s5+$0x0], $0xffff;
	_ =	sdelay $0x4  }
0x2fc: {  	v8 =	vsub.s32 v8, v0  }
0x2fd: {  	vm10 =	vgt.s32 v8, $0xFFFFFFFF;
	vm11 =	vlt.s32 v8, v1  }
0x2fe: {  	vm1 =	vmand vm10, vm11  }
0x2ff: {  	v24 =	vsel vm1, $0x1, v6  }
0x300: {  	(xrf0) =	vadd.scan.msk.s32 $0xffff, v24;
	_ =	sdelay $0x3  }
0x301: {  	v25 =	vmpcnt.ones.xlane vm0;
	_ =	sdelay $0x1  }
0x302: {  	v7 =	vadd.s32 v7, v25;
	v26, _, _ =	vpop (xrf0)  }
0x303: {  	v9 =	vadd.s32 v26, v7  }
0x304: {  	v9 =	vadd.s32 $0xFFFFFFFF, v9  }
0x305: {  	v27 =	vld [tilespmem:s13+$0x37B0];
	vm12 =	vlt.s32 v9, $0x2FFF  }
0x306: {  	v9 =	vnsel vm12, $0x2FFF, v9;
	_ =	sdelay $0x2  }
0x307: {  	v8 =	vshll.u32 v8, $0xE  }
0x308: {  	v8 =	vor.u32 v27, v8  }
0x309: {  	[tilespmem:v9+s28+$0x0] =	vst.idx.msk vm1, v8  }
0x30a: {  	v8 =	vld [tilespmem:s19+$0x4080];
	_ =	sdelay $0x7  }
0x30b: {  	v8 =	vld.idx.msk [tilespmem:v8+s5+$0x0], $0xffff;
	_ =	sdelay $0x4  }
0x30c: {  	v8 =	vsub.s32 v8, v0  }
0x30d: {  	vm13 =	vgt.s32 v8, $0xFFFFFFFF;
	vm14 =	vlt.s32 v8, v1  }
0x30e: {  	vm0 =	vmand vm13, vm14  }
0x30f: {  	v28 =	vsel vm0, $0x1, v6  }
0x310: {  	(xrf0) =	vadd.scan.msk.s32 $0xffff, v28;
	_ =	sdelay $0x3  }
0x311: {  	v29 =	vmpcnt.ones.xlane vm1;
	_ =	sdelay $0x1  }
0x312: {  	v7 =	vadd.s32 v7, v29;
	v30, _, _ =	vpop (xrf0)  }
0x313: {  	v9 =	vadd.s32 v30, v7  }
0x314: {  	v9 =	vadd.s32 $0xFFFFFFFF, v9  }
0x315: {  	v31 =	vld [tilespmem:s19+$0x3880];
	vm15 =	vlt.s32 v9, $0x2FFF  }
0x316: {  	v9 =	vnsel vm15, $0x2FFF, v9;
	_ =	sdelay $0x2  }
0x317: {  	v8 =	vshll.u32 v8, $0xE  }
0x318: {  	v8 =	vor.u32 v31, v8  }
0x319: {  	[tilespmem:v9+s28+$0x0] =	vst.idx.msk vm0, v8  }
0x31a: {  	v8 =	vld [tilespmem:s13+$0x3FD0];
	_ =	sdelay $0x7  }
0x31b: {  	v8 =	vld.idx.msk [tilespmem:v8+s5+$0x0], $0xffff;
	_ =	sdelay $0x4  }
0x31c: {  	v8 =	vsub.s32 v8, v0  }
0x31d: {  	vm4 =	vgt.s32 v8, $0xFFFFFFFF;
	vm5 =	vlt.s32 v8, v1  }
0x31e: {  	vm1 =	vmand vm4, vm5  }
0x31f: {  	v32 =	vsel vm1, $0x1, v6  }
0x320: {  	(xrf0) =	vadd.scan.msk.s32 $0xffff, v32;
	_ =	sdelay $0x3  }
0x321: {  	v33 =	vmpcnt.ones.xlane vm0;
	_ =	sdelay $0x1  }
0x322: {  	v7 =	vadd.s32 v7, v33;
	v34, _, _ =	vpop (xrf0)  }
0x323: {  	v9 =	vadd.s32 v34, v7  }
0x324: {  	v9 =	vadd.s32 $0xFFFFFFFF, v9  }
0x325: {  	v35 =	vld [tilespmem:s13+$0x37D0];
	vm6 =	vlt.s32 v9, $0x2FFF  }
0x326: {  	v9 =	vnsel vm6, $0x2FFF, v9;
	_ =	sdelay $0x2  }
0x327: {  	v8 =	vshll.u32 v8, $0xE  }
0x328: {  	v8 =	vor.u32 v35, v8  }
0x329: {  	[tilespmem:v9+s28+$0x0] =	vst.idx.msk vm1, v8  }
0x32a: {  	v8 =	vld [tilespmem:s13+$0x3FE0];
	_ =	sdelay $0x7  }
0x32b: {  	v8 =	vld.idx.msk [tilespmem:v8+s5+$0x0], $0xffff;
	_ =	sdelay $0x4  }
0x32c: {  	v8 =	vsub.s32 v8, v0  }
0x32d: {  	vm7 =	vgt.s32 v8, $0xFFFFFFFF;
	vm8 =	vlt.s32 v8, v1  }
0x32e: {  	vm0 =	vmand vm7, vm8  }
0x32f: {  	v36 =	vsel vm0, $0x1, v6  }
0x330: {  	(xrf0) =	vadd.scan.msk.s32 $0xffff, v36;
	_ =	sdelay $0x3  }
0x331: {  	v37 =	vmpcnt.ones.xlane vm1;
	_ =	sdelay $0x1  }
0x332: {  	v7 =	vadd.s32 v7, v37;
	v38, _, _ =	vpop (xrf0)  }
0x333: {  	v9 =	vadd.s32 v38, v7  }
0x334: {  	v9 =	vadd.s32 $0xFFFFFFFF, v9  }
0x335: {  	v39 =	vld [tilespmem:s13+$0x37E0];
	vm9 =	vlt.s32 v9, $0x2FFF  }
0x336: {  	v9 =	vnsel vm9, $0x2FFF, v9;
	_ =	sdelay $0x2  }
0x337: {  	v8 =	vshll.u32 v8, $0xE  }
0x338: {  	v8 =	vor.u32 v39, v8  }
0x339: {  	[tilespmem:v9+s28+$0x0] =	vst.idx.msk vm0, v8  }
0x33a: {  	v8 =	vld [tilespmem:s13+$0x3FF0];
	_ =	sdelay $0x7  }
0x33b: {  	v8 =	vld.idx.msk [tilespmem:v8+s5+$0x0], $0xffff;
	_ =	sdelay $0x4  }
0x33c: {  	v8 =	vsub.s32 v8, v0  }
0x33d: {  	vm10 =	vgt.s32 v8, $0xFFFFFFFF;
	vm11 =	vlt.s32 v8, v1  }
0x33e: {  	vm1 =	vmand vm10, vm11  }
0x33f: {  	v40 =	vsel vm1, $0x1, v6  }
0x340: {  	(xrf0) =	vadd.scan.msk.s32 $0xffff, v40;
	_ =	sdelay $0x3  }
0x341: {  	v41 =	vmpcnt.ones.xlane vm0;
	_ =	sdelay $0x1  }
0x342: {  	v7 =	vadd.s32 v7, v41;
	v42, _, _ =	vpop (xrf0)  }
0x343: {  	v9 =	vadd.s32 v42, v7  }
0x344: {  	v9 =	vadd.s32 $0xFFFFFFFF, v9  }
0x345: {  	v43 =	vld [tilespmem:s13+$0x37F0];
	vm12 =	vlt.s32 v9, $0x2FFF  }
0x346: {  	v9 =	vnsel vm12, $0x2FFF, v9;
	_ =	sdelay $0x2  }
0x347: {  	v8 =	vshll.u32 v8, $0xE  }
0x348: {  	v8 =	vor.u32 v43, v8  }
0x349: {  	[tilespmem:v9+s28+$0x0] =	vst.idx.msk vm1, v8  }
0x34a: {  	v8 =	vld [tilespmem:s13+$0x4000];
	_ =	sdelay $0x7  }
0x34b: {  	v8 =	vld.idx.msk [tilespmem:v8+s5+$0x0], $0xffff;
	_ =	sdelay $0x4  }
0x34c: {  	v8 =	vsub.s32 v8, v0  }
0x34d: {  	vm13 =	vgt.s32 v8, $0xFFFFFFFF;
	vm14 =	vlt.s32 v8, v1  }
0x34e: {  	vm0 =	vmand vm13, vm14  }
0x34f: {  	v44 =	vsel vm0, $0x1, v6  }
0x350: {  	(xrf0) =	vadd.scan.msk.s32 $0xffff, v44;
	_ =	sdelay $0x3  }
0x351: {  	v45 =	vmpcnt.ones.xlane vm1;
	_ =	sdelay $0x1  }
0x352: {  	v7 =	vadd.s32 v7, v45;
	v46, _, _ =	vpop (xrf0)  }
0x353: {  	v9 =	vadd.s32 v46, v7  }
0x354: {  	v9 =	vadd.s32 $0xFFFFFFFF, v9  }
0x355: {  	v47 =	vld [tilespmem:s13+$0x3800];
	vm15 =	vlt.s32 v9, $0x2FFF  }
0x356: {  	v9 =	vnsel vm15, $0x2FFF, v9;
	_ =	sdelay $0x2  }
0x357: {  	v8 =	vshll.u32 v8, $0xE  }
0x358: {  	v8 =	vor.u32 v47, v8  }
0x359: {  	[tilespmem:v9+s28+$0x0] =	vst.idx.msk vm0, v8  }
0x35a: {  	v8 =	vld [tilespmem:s13+$0x4010];
	_ =	sdelay $0x7  }
0x35b: {  	v8 =	vld.idx.msk [tilespmem:v8+s5+$0x0], $0xffff;
	_ =	sdelay $0x4  }
0x35c: {  	v8 =	vsub.s32 v8, v0  }
0x35d: {  	vm4 =	vgt.s32 v8, $0xFFFFFFFF;
	vm5 =	vlt.s32 v8, v1  }
0x35e: {  	vm1 =	vmand vm4, vm5  }
0x35f: {  	v48 =	vsel vm1, $0x1, v6  }
0x360: {  	(xrf0) =	vadd.scan.msk.s32 $0xffff, v48;
	_ =	sdelay $0x3  }
0x361: {  	v49 =	vmpcnt.ones.xlane vm0;
	_ =	sdelay $0x1  }
0x362: {  	v7 =	vadd.s32 v7, v49;
	v50, _, _ =	vpop (xrf0)  }
0x363: {  	v9 =	vadd.s32 v50, v7  }
0x364: {  	v9 =	vadd.s32 $0xFFFFFFFF, v9  }
0x365: {  	v51 =	vld [tilespmem:s13+$0x3810];
	vm6 =	vlt.s32 v9, $0x2FFF  }
0x366: {  	v9 =	vnsel vm6, $0x2FFF, v9;
	_ =	sdelay $0x2  }
0x367: {  	v8 =	vshll.u32 v8, $0xE  }
0x368: {  	v8 =	vor.u32 v51, v8  }
0x369: {  	[tilespmem:v9+s28+$0x0] =	vst.idx.msk vm1, v8  }
0x36a: {  	v8 =	vld [tilespmem:s13+$0x4020];
	_ =	sdelay $0x7  }
0x36b: {  	v8 =	vld.idx.msk [tilespmem:v8+s5+$0x0], $0xffff;
	_ =	sdelay $0x4  }
0x36c: {  	v8 =	vsub.s32 v8, v0  }
0x36d: {  	vm7 =	vgt.s32 v8, $0xFFFFFFFF;
	vm8 =	vlt.s32 v8, v1  }
0x36e: {  	vm0 =	vmand vm7, vm8  }
0x36f: {  	v52 =	vsel vm0, $0x1, v6  }
0x370: {  	(xrf0) =	vadd.scan.msk.s32 $0xffff, v52;
	_ =	sdelay $0x3  }
0x371: {  	v53 =	vmpcnt.ones.xlane vm1;
	_ =	sdelay $0x1  }
0x372: {  	v7 =	vadd.s32 v7, v53;
	v54, _, _ =	vpop (xrf0)  }
0x373: {  	v9 =	vadd.s32 v54, v7  }
0x374: {  	v9 =	vadd.s32 $0xFFFFFFFF, v9  }
0x375: {  	v55 =	vld [tilespmem:s13+$0x3820];
	vm9 =	vlt.s32 v9, $0x2FFF  }
0x376: {  	v9 =	vnsel vm9, $0x2FFF, v9;
	_ =	sdelay $0x2  }
0x377: {  	v8 =	vshll.u32 v8, $0xE  }
0x378: {  	v8 =	vor.u32 v55, v8  }
0x379: {  	[tilespmem:v9+s28+$0x0] =	vst.idx.msk vm0, v8  }
0x37a: {  	v8 =	vld [tilespmem:s13+$0x4030];
	_ =	sdelay $0x7  }
0x37b: {  	v8 =	vld.idx.msk [tilespmem:v8+s5+$0x0], $0xffff;
	_ =	sdelay $0x4  }
0x37c: {  	v8 =	vsub.s32 v8, v0  }
0x37d: {  	vm10 =	vgt.s32 v8, $0xFFFFFFFF;
	vm11 =	vlt.s32 v8, v1  }
0x37e: {  	vm1 =	vmand vm10, vm11  }
0x37f: {  	v56 =	vsel vm1, $0x1, v6  }
0x380: {  	(xrf0) =	vadd.scan.msk.s32 $0xffff, v56;
	_ =	sdelay $0x3  }
0x381: {  	v57 =	vmpcnt.ones.xlane vm0;
	_ =	sdelay $0x1  }
0x382: {  	v7 =	vadd.s32 v7, v57;
	v58, _, _ =	vpop (xrf0)  }
0x383: {  	v9 =	vadd.s32 v58, v7  }
0x384: {  	v9 =	vadd.s32 $0xFFFFFFFF, v9  }
0x385: {  	v59 =	vld [tilespmem:s13+$0x3830];
	vm12 =	vlt.s32 v9, $0x2FFF  }
0x386: {  	v9 =	vnsel vm12, $0x2FFF, v9;
	_ =	sdelay $0x2  }
0x387: {  	v8 =	vshll.u32 v8, $0xE  }
0x388: {  	v8 =	vor.u32 v59, v8  }
0x389: {  	[tilespmem:v9+s28+$0x0] =	vst.idx.msk vm1, v8  }
0x38a: {  	v8 =	vld [tilespmem:s19+$0x4100];
	_ =	sdelay $0x7  }
0x38b: {  	v8 =	vld.idx.msk [tilespmem:v8+s5+$0x0], $0xffff;
	_ =	sdelay $0x4  }
0x38c: {  	v8 =	vsub.s32 v8, v0  }
0x38d: {  	vm13 =	vgt.s32 v8, $0xFFFFFFFF;
	vm14 =	vlt.s32 v8, v1  }
0x38e: {  	vm0 =	vmand vm13, vm14  }
0x38f: {  	v60 =	vsel vm0, $0x1, v6  }
0x390: {  	(xrf0) =	vadd.scan.msk.s32 $0xffff, v60;
	_ =	sdelay $0x3  }
0x391: {  	v61 =	vmpcnt.ones.xlane vm1;
	_ =	sdelay $0x1  }
0x392: {  	v7 =	vadd.s32 v7, v61;
	v62, _, _ =	vpop (xrf0)  }
0x393: {  	v9 =	vadd.s32 v62, v7  }
0x394: {  	v9 =	vadd.s32 $0xFFFFFFFF, v9  }
0x395: {  	s15 =	sadd.s32 $0x19, s15;
	v63 =	vld [tilespmem:s19+$0x3900];
	vm15 =	vlt.s32 v9, $0x2FFF  }
0x396: {  	p0 =	slt.u32 s15, $0x64;
	v9 =	vnsel vm15, $0x2FFF, v9  }
.Ltmp4:
0x397: {  	_ = 	snop;
	(pc) =	sbr.rel @p0 .LBB2_11-.Ltmp4, $4  }
0x398: {  	_ = 	snop  }
0x399: {  	v8 =	vshll.u32 v8, $0xE;
	v11 =	vmpcnt.ones.xlane vm0  }
0x39a: {  	v8 =	vor.u32 v63, v8  }
0x39b: {  	s18 =	sadd.s32 $0x190, s18;
	s17 =	sadd.s32 $0x640, s17;
	s16 =	sadd.s32 $0x40, s16;
	v7 =	vadd.s32 v7, v11;
	[tilespmem:v9+s28+$0x0] =	vst.idx.msk vm0, v8  }
0x39c: {  	s14 =	sadd.s32 $0x1, s14  }
0x39d: {  	p0 =	sne.s32 s14, $0x5  }
.Ltmp5:
0x39e: {  	_ = 	snop;
	(pc) =	sbr.rel @p0 .LBB2_8-.Ltmp5, $1  }
0x39f: {  	_ =	sdelay $0x3  }
0x3a0: {  	v7 =	vxor.u32 $0x80000000, v7  }
0x3a1: {  	(xrf0) =	vmax.scan.msk.u32 $0xffff, v7;
	_ =	sdelay $0x5  }
0x3a2: {  	v7, _, _ =	vpop (xrf0)  }
0x3a3: {  	(v2sf) =	vpush v7, $0xF;
	_ =	sdelay $0xe  }
0x3a4: {  	s12 =	spop (v2sf)  }
0x3a5: {  	s12 =	sxor.u32 $0x80000000, s12  }
0x3a6: {  	p0 =	slt.s32 s12, $0x3000;
	s13 =	smov.u32 s12  }
0x3a7: {  	s13 =	simm.s32 @!p0 $0x3000  }
0x3a8: {  	v7 =	vadd.s32 s13, v4;
	s14 =	sadd.s32 $0x10, s13  }
0x3a9: {  	s17 =	sadd.s32 $0x20, s13;
	v8 =	vadd.s32 s14, v4  }
0x3aa: {  	s18 =	sadd.s32 $0x30, s13;
	v9 =	vadd.s32 s17, v4  }
0x3ab: {  	s19 =	sadd.s32 $0x40, s13;
	v10 =	vadd.s32 s18, v4  }
0x3ac: {  	s20 =	sadd.s32 $0x50, s13;
	v11 =	vadd.s32 s19, v4  }
0x3ad: {  	_ =	strace $0x90000049;
	s21 =	sadd.s32 $0x60, s13;
	s15 =	sadd.s32 $0x7F, s13;
	[tilespmem:v7+s28+$0x0] =	vst.idx.msk $0xffff, v2;
	v7 =	vadd.s32 s20, v4  }
0x3ae: {  	s13 =	sadd.s32 $0x70, s13;
	s22 =	sand.u32 $0x7F, s15;
	[tilespmem:v8+s28+$0x0] =	vst.idx.msk $0xffff, v2;
	v8 =	vadd.s32 s21, v4  }
0x3af: {  	p6 =	slt.s32 s12, $0xFFFFFF82;
	v63 =	vadd.s32 s13, v4;
	s29 =	sshra.s32 s15, $0x1F;
	p1 =	sne.s32 s22, $0x0;
	[tilespmem:v9+s28+$0x0] =	vst.idx.msk $0xffff, v2  }
0x3b0: {  	s30 =	sshrl.u32 s29, $0x19;
	p0 =	por !p6, !p1;
	[tilespmem:v10+s28+$0x0] =	vst.idx.msk $0xffff, v2  }
0x3b1: {  	s13 =	simm.s32 $0x1;
	s12 =	sadd.s32 s30, s15;
	p0 =	por !p0, !p0;
	[tilespmem:v11+s28+$0x0] =	vst.idx.msk $0xffff, v2  }
0x3b2: {  	s12 =	sshra.s32 s12, $0x7;
	s13 =	simm.s32 @!p0 $0x0;
	[tilespmem:v7+s28+$0x0] =	vst.idx.msk $0xffff, v2  }
0x3b3: {  	s12 =	ssub.s32 s12, s13;
	[tilespmem:v8+s28+$0x0] =	vst.idx.msk $0xffff, v2  }
0x3b4: {  	p3 =	slt.s32 s12, $0x1;
	[tilespmem:v63+s28+$0x0] =	vst.idx.msk $0xffff, v2  }
0x3b5: {  	v7 =	vld @!p3 [tilespmem:$0x4780];
	_ =	sdelay $0x1  }
0x3b6: {  	v8 =	vld @!p3 [tilespmem:$0x4790];
	_ =	sdelay $0x1  }
0x3b7: {  	v9 =	vld @!p3 [tilespmem:$0x47A0]  }
0x3b8: {  	v10 =	vand.u32 @!p3 $0x3FFF, v7  }
0x3b9: {  	v7 =	vshrl.u32 @!p3 v7, $0xE;
	[tilespmem:$0x7800] =	vst @!p3 v10;
	v10 =	vld @!p3 [tilespmem:$0x47B0]  }
0x3ba: {  	[tilespmem:$0x7880] =	vst @!p3 v7;
	v7 =	vand.u32 @!p3 $0x3FFF, v8  }
0x3bb: {  	[tilespmem:$0x7810] =	vst @!p3 v7;
	v7 =	vshrl.u32 @!p3 v8, $0xE;
	v8 =	vld @!p3 [tilespmem:$0x47C0]  }
0x3bc: {  	[tilespmem:$0x7890] =	vst @!p3 v7;
	v7 =	vand.u32 @!p3 $0x3FFF, v9  }
0x3bd: {  	[tilespmem:$0x7820] =	vst @!p3 v7;
	v7 =	vshrl.u32 @!p3 v9, $0xE;
	v9 =	vld @!p3 [tilespmem:$0x47D0]  }
0x3be: {  	[tilespmem:$0x78A0] =	vst @!p3 v7;
	v7 =	vand.u32 @!p3 $0x3FFF, v10  }
0x3bf: {  	[tilespmem:$0x7830] =	vst @!p3 v7;
	v7 =	vshrl.u32 @!p3 v10, $0xE;
	v10 =	vld @!p3 [tilespmem:$0x47E0]  }
0x3c0: {  	[tilespmem:$0x78B0] =	vst @!p3 v7;
	v7 =	vand.u32 @!p3 $0x3FFF, v8  }
0x3c1: {  	[tilespmem:$0x7840] =	vst @!p3 v7;
	v7 =	vshrl.u32 @!p3 v8, $0xE;
	v8 =	vld @!p3 [tilespmem:$0x47F0]  }
0x3c2: {  	[tilespmem:$0x78C0] =	vst @!p3 v7;
	v7 =	vand.u32 @!p3 $0x3FFF, v9  }
0x3c3: {  	[tilespmem:$0x7850] =	vst @!p3 v7;
	v7 =	vshrl.u32 @!p3 v9, $0xE  }
0x3c4: {  	[tilespmem:$0x78D0] =	vst @!p3 v7;
	v7 =	vand.u32 @!p3 $0x3FFF, v10  }
0x3c5: {  	[tilespmem:$0x7860] =	vst @!p3 v7;
	v7 =	vshrl.u32 @!p3 v10, $0xE  }
0x3c6: {  	[tilespmem:$0x78E0] =	vst @!p3 v7;
	v7 =	vand.u32 @!p3 $0x3FFF, v8  }
0x3c7: {  	s13 =	simm.s32 @!p3 $0x80;
	p0 =	seq.s32 @!p3 s12, $0x1;
	[tilespmem:$0x7870] =	vst @!p3 v7;
	v7 =	vshrl.u32 @!p3 v8, $0xE  }
0x3c8: {  	s14 =	simm.s32 @!p3 $0x7800;
	s15 =	simm.s32 @!p3 $0x7C00;
	p0 =	por p3, p0;
	[tilespmem:$0x78F0] =	vst @!p3 v7  }
0x3c9: {  	[tilespmem:s15], [sflag:$0x1] =	stream.indirect.gather @!p3 [hbm4b:s1+s13], $0x80, s14, s13, $0xb8;
	[tilespmem:$0x1CAC0] =	vst v63  }
0x3ca: {  	v7 =	vld @!p0 [tilespmem:$0x4800];
	_ =	sdelay $0x1  }
0x3cb: {  	v8 =	vld @!p0 [tilespmem:$0x4810];
	_ =	sdelay $0x1  }
0x3cc: {  	v9 =	vld @!p0 [tilespmem:$0x4820]  }
0x3cd: {  	v10 =	vand.u32 @!p0 $0x3FFF, v7  }
0x3ce: {  	v7 =	vshrl.u32 @!p0 v7, $0xE;
	[tilespmem:$0x7900] =	vst @!p0 v10;
	v10 =	vld @!p0 [tilespmem:$0x4830]  }
0x3cf: {  	[tilespmem:$0x7980] =	vst @!p0 v7;
	v7 =	vand.u32 @!p0 $0x3FFF, v8  }
0x3d0: {  	[tilespmem:$0x7910] =	vst @!p0 v7;
	v7 =	vshrl.u32 @!p0 v8, $0xE;
	v8 =	vld @!p0 [tilespmem:$0x4840]  }
0x3d1: {  	[tilespmem:$0x7990] =	vst @!p0 v7;
	v7 =	vand.u32 @!p0 $0x3FFF, v9  }
0x3d2: {  	[tilespmem:$0x7920] =	vst @!p0 v7;
	v7 =	vshrl.u32 @!p0 v9, $0xE;
	v9 =	vld @!p0 [tilespmem:$0x4850]  }
0x3d3: {  	[tilespmem:$0x79A0] =	vst @!p0 v7;
	v7 =	vand.u32 @!p0 $0x3FFF, v10  }
0x3d4: {  	[tilespmem:$0x7930] =	vst @!p0 v7;
	v7 =	vshrl.u32 @!p0 v10, $0xE;
	v10 =	vld @!p0 [tilespmem:$0x4860]  }
0x3d5: {  	[tilespmem:$0x79B0] =	vst @!p0 v7;
	v7 =	vand.u32 @!p0 $0x3FFF, v8  }
0x3d6: {  	[tilespmem:$0x7940] =	vst @!p0 v7;
	v7 =	vshrl.u32 @!p0 v8, $0xE;
	v8 =	vld @!p0 [tilespmem:$0x4870]  }
0x3d7: {  	[tilespmem:$0x79C0] =	vst @!p0 v7;
	v7 =	vand.u32 @!p0 $0x3FFF, v9  }
0x3d8: {  	p1 =	slt.u32 @!p0 s12, $0x3;
	[tilespmem:$0x7950] =	vst @!p0 v7;
	v7 =	vshrl.u32 @!p0 v9, $0xE  }
0x3d9: {  	p1 =	por p0, p1;
	[tilespmem:$0x79D0] =	vst @!p0 v7;
	v7 =	vand.u32 @!p0 $0x3FFF, v10  }
.Ltmp6:
0x3da: {  	[tilespmem:$0x7960] =	vst @!p0 v7;
	v7 =	vshrl.u32 @!p0 v10, $0xE;
	(pc) =	sbr.rel @p1 .LBB2_14-.Ltmp6, $4  }
0x3db: {  	[tilespmem:$0x79E0] =	vst @!p0 v7;
	v7 =	vand.u32 @!p0 $0x3FFF, v8  }
0x3dc: {  	[tilespmem:$0x7970] =	vst @!p0 v7;
	v7 =	vshrl.u32 @!p0 v8, $0xE  }
0x3dd: {  	s13 =	simm.s32 @!p0 $0x80;
	s14 =	simm.s32 @!p0 $0x7900;
	s15 =	simm.s32 @!p0 $0xBC00;
	[tilespmem:$0x79F0] =	vst @!p0 v7  }
0x3de: {  	[tilespmem:s15], [sflag:$0x2] =	stream.indirect.gather @!p0 [hbm4b:s1+s13], $0x80, s14, s13, $0xb8;
	[tilespmem:$0x1CAC0] =	vst v63  }
0x3df: {  	v7 =	vld [tilespmem:$0x4880];
	_ =	sdelay $0x1  }
0x3e0: {  	v8 =	vld [tilespmem:$0x4890];
	_ =	sdelay $0x1  }
0x3e1: {  	v9 =	vld [tilespmem:$0x48A0]  }
0x3e2: {  	v10 =	vand.u32 $0x3FFF, v7  }
0x3e3: {  	v61 =	vld [tilespmem:$0x48B0];
	v7 =	vshrl.u32 v7, $0xE;
	[tilespmem:$0x7A00] =	vst v10  }
0x3e4: {  	[tilespmem:$0x7A80] =	vst v7;
	v7 =	vand.u32 $0x3FFF, v8  }
0x3e5: {  	[tilespmem:$0x7A10] =	vst v7;
	v7 =	vshrl.u32 v8, $0xE;
	v8 =	vld [tilespmem:$0x48C0]  }
0x3e6: {  	[tilespmem:$0x7A90] =	vst v7;
	v7 =	vand.u32 $0x3FFF, v9  }
0x3e7: {  	v62 =	vld [tilespmem:$0x48D0];
	[tilespmem:$0x7A20] =	vst v7;
	v7 =	vshrl.u32 v9, $0xE  }
0x3e8: {  	[tilespmem:$0x7AA0] =	vst v7;
	v7 =	vand.u32 $0x3FFF, v61  }
0x3e9: {  	v63 =	vld [tilespmem:$0x48E0];
	[tilespmem:$0x7A30] =	vst v7;
	v7 =	vshrl.u32 v61, $0xE  }
0x3ea: {  	[tilespmem:$0x7AB0] =	vst v7;
	v7 =	vand.u32 $0x3FFF, v8  }
0x3eb: {  	[tilespmem:$0x7A40] =	vst v7;
	v7 =	vshrl.u32 v8, $0xE;
	v8 =	vld [tilespmem:$0x48F0]  }
0x3ec: {  	[tilespmem:$0x7AC0] =	vst v7;
	v7 =	vand.u32 $0x3FFF, v62  }
0x3ed: {  	[tilespmem:$0x7A50] =	vst v7;
	v7 =	vshrl.u32 v62, $0xE  }
0x3ee: {  	[tilespmem:$0x7AD0] =	vst v7;
	v7 =	vand.u32 $0x3FFF, v63  }
0x3ef: {  	[tilespmem:$0x7A60] =	vst v7;
	v7 =	vshrl.u32 v63, $0xE  }
0x3f0: {  	[tilespmem:$0x7AE0] =	vst v7;
	v7 =	vand.u32 $0x3FFF, v8  }
0x3f1: {  	s13 =	simm.s32 $0x80;
	[tilespmem:$0x7A70] =	vst v7;
	v7 =	vshrl.u32 v8, $0xE  }
0x3f2: {  	s14 =	simm.s32 $0x7A00;
	s15 =	simm.s32 $0xFC00;
	p0 =	seq.s32 s12, $0x3;
	[tilespmem:$0x7AF0] =	vst v7  }
0x3f3: {  	[tilespmem:s15], [sflag:$0x3] =	stream.indirect.gather [hbm4b:s1+s13], $0x80, s14, s13, $0xb8;
	[tilespmem:$0x1CAC0] =	vst v63  }
0x3f4: {  	v7 =	vld @!p0 [tilespmem:$0x4900];
	_ =	sdelay $0x1  }
0x3f5: {  	v8 =	vld @!p0 [tilespmem:$0x4910];
	_ =	sdelay $0x1  }
0x3f6: {  	v9 =	vld @!p0 [tilespmem:$0x4920]  }
0x3f7: {  	v10 =	vand.u32 @!p0 $0x3FFF, v7  }
0x3f8: {  	v7 =	vshrl.u32 @!p0 v7, $0xE;
	[tilespmem:$0x7B00] =	vst @!p0 v10;
	v10 =	vld @!p0 [tilespmem:$0x4930]  }
0x3f9: {  	[tilespmem:$0x7B80] =	vst @!p0 v7;
	v7 =	vand.u32 @!p0 $0x3FFF, v8  }
0x3fa: {  	[tilespmem:$0x7B10] =	vst @!p0 v7;
	v7 =	vshrl.u32 @!p0 v8, $0xE;
	v8 =	vld @!p0 [tilespmem:$0x4940]  }
0x3fb: {  	[tilespmem:$0x7B90] =	vst @!p0 v7;
	v7 =	vand.u32 @!p0 $0x3FFF, v9  }
0x3fc: {  	[tilespmem:$0x7B20] =	vst @!p0 v7;
	v7 =	vshrl.u32 @!p0 v9, $0xE;
	v9 =	vld @!p0 [tilespmem:$0x4950]  }
0x3fd: {  	[tilespmem:$0x7BA0] =	vst @!p0 v7;
	v7 =	vand.u32 @!p0 $0x3FFF, v10  }
0x3fe: {  	[tilespmem:$0x7B30] =	vst @!p0 v7;
	v7 =	vshrl.u32 @!p0 v10, $0xE;
	v10 =	vld @!p0 [tilespmem:$0x4960]  }
0x3ff: {  	[tilespmem:$0x7BB0] =	vst @!p0 v7;
	v7 =	vand.u32 @!p0 $0x3FFF, v8  }
0x400: {  	[tilespmem:$0x7B40] =	vst @!p0 v7;
	v7 =	vshrl.u32 @!p0 v8, $0xE;
	v8 =	vld @!p0 [tilespmem:$0x4970]  }
0x401: {  	[tilespmem:$0x7BC0] =	vst @!p0 v7;
	v7 =	vand.u32 @!p0 $0x3FFF, v9  }
0x402: {  	[tilespmem:$0x7B50] =	vst @!p0 v7;
	v7 =	vshrl.u32 @!p0 v9, $0xE  }
0x403: {  	[tilespmem:$0x7BD0] =	vst @!p0 v7;
	v7 =	vand.u32 @!p0 $0x3FFF, v10  }
.Ltmp7:
0x404: {  	p4 =	por $0x0, $0x0;
	[tilespmem:$0x7B60] =	vst @!p0 v7;
	v7 =	vshrl.u32 @!p0 v10, $0xE;
	(pc) =	sbr.rel .LBB2_16-.Ltmp7, $4  }
0x405: {  	p6 =	por $0x1, $0x1;
	p5 =	por $0x1, $0x1;
	p1 =	por @!p0 $0x1, $0x1;
	[tilespmem:$0x7BE0] =	vst @!p0 v7;
	v7 =	vand.u32 @!p0 $0x3FFF, v8  }
0x406: {  	p4 =	por @!p0 p1, p1;
	p6 =	por @!p0 p1, p1;
	p5 =	por @!p0 p1, p1;
	[tilespmem:$0x7B70] =	vst @!p0 v7;
	v7 =	vshrl.u32 @!p0 v8, $0xE  }
0x407: {  	s13 =	simm.s32 @!p0 $0x80;
	s14 =	simm.s32 @!p0 $0x7B00;
	s15 =	simm.s32 @!p0 $0x13C00;
	[tilespmem:$0x7BF0] =	vst @!p0 v7  }
0x408: {  	[tilespmem:s15], [sflag:$0x4] =	stream.indirect.gather @!p0 [hbm4b:s1+s13], $0x80, s14, s13, $0xb8;
	[tilespmem:$0x1CAC0] =	vst v63  }
.LBB2_14:
0x409: {  	p1 =	por @!p3 $0x0, $0x0;
	p5 =	por $0x0, $0x0  }
0x40a: {  	p2 =	por @!p0 $0x1, $0x1;
	p5 =	por @!p3 p1, p1  }
0x40b: {  	p1 =	por @!p0 $0x0, $0x0;
	p4 =	por p5, p5;
	p6 =	por p5, p5  }
0x40c: {  	p5 =	por @!p0 p1, p1;
	p4 =	por @!p0 p1, p1;
	p6 =	por @!p0 p2, p2  }
.LBB2_16:
0x40d: {  	s13 =	sadd.s32 $0xFFFFFFFF, s12  }
0x40e: {  	_ =	strace $0x8000004A;
	s21 =	sadd.s32 $0xFFFFFFFE, s12;
	[dreg:$0x6] =	wrdreg s13  }
0x40f: {  	s22 =	sadd.s32 $0xFFFFFFFD, s12;
	p0 =	sle.s32 s12, $0x0;
	[dreg:$0x7] =	wrdreg s21  }
0x410: {  	[dreg:$0x8] =	wrdreg s22;
	s13 =	simm.s32 @!p0 $0x1  }
0x411: {  	_ =	swait.ge @!p0 [sflag:s13], $0x4000  }
0x412: {  	s14 =	simm.s32 @!p0 $0x7C00;
	s16 =	simm.s32 @!p0 $0x80;
	[sflag:s13] =	ssyncset.done @!p0 $0x0  }
0x413: {  	s17 =	simm.s32 @!p0 $0x7880;
	s15 =	rddreg [dreg:$0x6];
	[sflag:s13] =	ssyncadd.s32 @!p0 $0xFFFFC000  }
0x414: {  	[spmem:s4] =	stream.indirect.scatter.add.f32 @!p0 [tilespmem:s14], [sflag:$0x5], $0x80, s17, s16, $0x2000b8;
	[tilespmem:$0x1CAC0] =	vst v63  }
0x415: {  	p0 =	sle.s32 s15, $0x0  }
0x416: {  	s13 =	simm.s32 @!p0 $0x2  }
0x417: {  	_ =	swait.ge @!p0 [sflag:s13], $0x4000  }
0x418: {  	s14 =	simm.s32 @!p0 $0x7980;
	s16 =	simm.s32 @!p0 $0x80;
	[sflag:s13] =	ssyncset.done @!p0 $0x0  }
0x419: {  	s17 =	simm.s32 @!p0 $0xBC00;
	s29 =	rddreg [dreg:$0x7];
	[sflag:s13] =	ssyncadd.s32 @!p0 $0xFFFFC000  }
0x41a: {  	[spmem:s4] =	stream.indirect.scatter.add.f32 @!p0 [tilespmem:s17], [sflag:$0x6], $0x80, s14, s16, $0x2000b8;
	[tilespmem:$0x1CAC0] =	vst v63  }
0x41b: {  	p0 =	sle.s32 s29, $0x0  }
0x41c: {  	s13 =	simm.s32 @!p0 $0x3  }
0x41d: {  	s14 =	simm.s32 @!p0 $0x7A80;
	_ =	swait.ge @!p0 [sflag:s13], $0x4000  }
0x41e: {  	s16 =	simm.s32 @!p0 $0xFC00;
	[sflag:s13] =	ssyncset.done @!p0 $0x0;
	s30 =	rddreg [dreg:$0x8]  }
0x41f: {  	[sflag:s13] =	ssyncadd.s32 @!p0 $0xFFFFC000;
	s13 =	simm.s32 @!p0 $0x80;
	p1 =	sle.s32 s30, $0x0  }
0x420: {  	[spmem:s4] =	stream.indirect.scatter.add.f32 @!p0 [tilespmem:s16], [sflag:$0x7], $0x80, s14, s13, $0x2000b8;
	[tilespmem:$0x1CAC0] =	vst v63  }
0x421: {  	s13 =	simm.s32 @!p1 $0x4  }
0x422: {  	p0 =	sle.s32 s12, $0x4;
	_ =	swait.ge @!p1 [sflag:s13], $0x4000  }
0x423: {  	s14 =	simm.s32 @!p1 $0x80;
	s15 =	simm.s32 @!p1 $0x7B80;
	[sflag:s13] =	ssyncset.done @!p1 $0x0  }
0x424: {  	s16 =	simm.s32 @!p0 $0x5;
	[sflag:s13] =	ssyncadd.s32 @!p1 $0xFFFFC000;
	s13 =	simm.s32 @!p1 $0x13C00  }
0x425: {  	[spmem:s4] =	stream.indirect.scatter.add.f32 @!p1 [tilespmem:s13], [sflag:$0x8], $0x80, s15, s14, $0x2000b8;
	[tilespmem:$0x1CAC0] =	vst v63  }
0x426: {  	_ =	swait.ge @!p0 [sflag:s16], $0x4000  }
0x427: {  	[sflag:s16] =	ssyncset.done @!p0 $0x0  }
0x428: {  	s14 =	simm.s32 $0x4B70;
	[sflag:s16] =	ssyncadd.s32 @!p0 $0xFFFFC000  }
0x429: {  	v7 =	vld @!p0 [tilespmem:s14+$0xFFFFFE10];
	_ =	sdelay $0x4  }
0x42a: {  	v8 =	vshrl.u32 @!p0 v7, $0xE  }
0x42b: {  	v7 =	vand.u32 @!p0 $0x3FFF, v7;
	[tilespmem:$0x7880] =	vst @!p0 v8  }
0x42c: {  	[tilespmem:$0x7800] =	vst @!p0 v7  }
0x42d: {  	v7 =	vld @!p0 [tilespmem:s14+$0xFFFFFE20];
	_ =	sdelay $0x4  }
0x42e: {  	v8 =	vand.u32 @!p0 $0x3FFF, v7  }
0x42f: {  	v7 =	vshrl.u32 @!p0 v7, $0xE;
	[tilespmem:$0x7810] =	vst @!p0 v8  }
0x430: {  	[tilespmem:$0x7890] =	vst @!p0 v7  }
0x431: {  	v7 =	vld @!p0 [tilespmem:s14+$0xFFFFFE30];
	_ =	sdelay $0x4  }
0x432: {  	v8 =	vand.u32 @!p0 $0x3FFF, v7  }
0x433: {  	v7 =	vshrl.u32 @!p0 v7, $0xE;
	[tilespmem:$0x7820] =	vst @!p0 v8  }
0x434: {  	[tilespmem:$0x78A0] =	vst @!p0 v7  }
0x435: {  	v7 =	vld @!p0 [tilespmem:s14+$0xFFFFFE40];
	_ =	sdelay $0x4  }
0x436: {  	v8 =	vand.u32 @!p0 $0x3FFF, v7  }
0x437: {  	v7 =	vshrl.u32 @!p0 v7, $0xE;
	[tilespmem:$0x7830] =	vst @!p0 v8  }
0x438: {  	[tilespmem:$0x78B0] =	vst @!p0 v7  }
0x439: {  	v7 =	vld @!p0 [tilespmem:s14+$0xFFFFFE50];
	_ =	sdelay $0x4  }
0x43a: {  	v8 =	vand.u32 @!p0 $0x3FFF, v7  }
0x43b: {  	v7 =	vshrl.u32 @!p0 v7, $0xE;
	[tilespmem:$0x7840] =	vst @!p0 v8  }
0x43c: {  	[tilespmem:$0x78C0] =	vst @!p0 v7  }
0x43d: {  	v7 =	vld @!p0 [tilespmem:s14+$0xFFFFFE60];
	_ =	sdelay $0x4  }
0x43e: {  	v8 =	vand.u32 @!p0 $0x3FFF, v7  }
0x43f: {  	v7 =	vshrl.u32 @!p0 v7, $0xE;
	[tilespmem:$0x7850] =	vst @!p0 v8  }
0x440: {  	[tilespmem:$0x78D0] =	vst @!p0 v7  }
0x441: {  	v7 =	vld @!p0 [tilespmem:s14+$0xFFFFFE70];
	_ =	sdelay $0x4  }
0x442: {  	v8 =	vand.u32 @!p0 $0x3FFF, v7  }
0x443: {  	v7 =	vshrl.u32 @!p0 v7, $0xE;
	[tilespmem:$0x7860] =	vst @!p0 v8  }
0x444: {  	[tilespmem:$0x78E0] =	vst @!p0 v7  }
0x445: {  	v7 =	vld @!p0 [tilespmem:s14+$0xFFFFFE80];
	_ =	sdelay $0x4  }
0x446: {  	v8 =	vand.u32 @!p0 $0x3FFF, v7  }
0x447: {  	s13 =	simm.s32 @!p0 $0x80;
	p1 =	sle.s32 s12, $0x5;
	v7 =	vshrl.u32 @!p0 v7, $0xE;
	[tilespmem:$0x7870] =	vst @!p0 v8  }
0x448: {  	s15 =	simm.s32 @!p0 $0x7800;
	s17 =	simm.s32 @!p1 $0x6;
	s16 =	simm.s32 @!p0 $0x7C00;
	[tilespmem:$0x78F0] =	vst @!p0 v7  }
0x449: {  	[tilespmem:s16], [sflag:$0x1] =	stream.indirect.gather @!p0 [hbm4b:s1+s13], $0x80, s15, s13, $0x2000b8;
	[tilespmem:$0x1CAC0] =	vst v63  }
0x44a: {  	_ =	swait.ge @!p1 [sflag:s17], $0x4000  }
0x44b: {  	[sflag:s17] =	ssyncset.done @!p1 $0x0  }
0x44c: {  	[sflag:s17] =	ssyncadd.s32 @!p1 $0xFFFFC000  }
0x44d: {  	v7 =	vld @!p1 [tilespmem:s14+$0xFFFFFE90];
	_ =	sdelay $0x4  }
0x44e: {  	v8 =	vand.u32 @!p1 $0x3FFF, v7  }
0x44f: {  	v7 =	vshrl.u32 @!p1 v7, $0xE;
	[tilespmem:$0x7900] =	vst @!p1 v8  }
0x450: {  	[tilespmem:$0x7980] =	vst @!p1 v7  }
0x451: {  	v7 =	vld @!p1 [tilespmem:s14+$0xFFFFFEA0];
	_ =	sdelay $0x4  }
0x452: {  	v8 =	vand.u32 @!p1 $0x3FFF, v7  }
0x453: {  	v7 =	vshrl.u32 @!p1 v7, $0xE;
	[tilespmem:$0x7910] =	vst @!p1 v8  }
0x454: {  	[tilespmem:$0x7990] =	vst @!p1 v7  }
0x455: {  	v7 =	vld @!p1 [tilespmem:s14+$0xFFFFFEB0];
	_ =	sdelay $0x4  }
0x456: {  	v8 =	vand.u32 @!p1 $0x3FFF, v7  }
0x457: {  	v7 =	vshrl.u32 @!p1 v7, $0xE;
	[tilespmem:$0x7920] =	vst @!p1 v8  }
0x458: {  	[tilespmem:$0x79A0] =	vst @!p1 v7  }
0x459: {  	v7 =	vld @!p1 [tilespmem:s14+$0xFFFFFEC0];
	_ =	sdelay $0x4  }
0x45a: {  	v8 =	vand.u32 @!p1 $0x3FFF, v7  }
0x45b: {  	v7 =	vshrl.u32 @!p1 v7, $0xE;
	[tilespmem:$0x7930] =	vst @!p1 v8  }
0x45c: {  	[tilespmem:$0x79B0] =	vst @!p1 v7  }
0x45d: {  	v7 =	vld @!p1 [tilespmem:s14+$0xFFFFFED0];
	_ =	sdelay $0x4  }
0x45e: {  	v8 =	vand.u32 @!p1 $0x3FFF, v7  }
0x45f: {  	v7 =	vshrl.u32 @!p1 v7, $0xE;
	[tilespmem:$0x7940] =	vst @!p1 v8  }
0x460: {  	[tilespmem:$0x79C0] =	vst @!p1 v7  }
0x461: {  	v7 =	vld @!p1 [tilespmem:s14+$0xFFFFFEE0];
	_ =	sdelay $0x4  }
0x462: {  	v8 =	vand.u32 @!p1 $0x3FFF, v7  }
0x463: {  	v7 =	vshrl.u32 @!p1 v7, $0xE;
	[tilespmem:$0x7950] =	vst @!p1 v8  }
0x464: {  	[tilespmem:$0x79D0] =	vst @!p1 v7  }
0x465: {  	v7 =	vld @!p1 [tilespmem:s14+$0xFFFFFEF0];
	_ =	sdelay $0x4  }
0x466: {  	v8 =	vand.u32 @!p1 $0x3FFF, v7  }
0x467: {  	v7 =	vshrl.u32 @!p1 v7, $0xE;
	[tilespmem:$0x7960] =	vst @!p1 v8  }
0x468: {  	[tilespmem:$0x79E0] =	vst @!p1 v7  }
0x469: {  	v7 =	vld @!p1 [tilespmem:s14+$0xFFFFFF00];
	_ =	sdelay $0x4  }
0x46a: {  	v8 =	vand.u32 @!p1 $0x3FFF, v7  }
0x46b: {  	s13 =	simm.s32 @!p1 $0x80;
	p0 =	sle.s32 s12, $0x6;
	v7 =	vshrl.u32 @!p1 v7, $0xE;
	[tilespmem:$0x7970] =	vst @!p1 v8  }
0x46c: {  	s15 =	simm.s32 @!p1 $0x7900;
	s16 =	simm.s32 @!p0 $0x7;
	s17 =	simm.s32 @!p1 $0xBC00;
	[tilespmem:$0x79F0] =	vst @!p1 v7  }
0x46d: {  	[tilespmem:s17], [sflag:$0x2] =	stream.indirect.gather @!p1 [hbm4b:s1+s13], $0x80, s15, s13, $0x2000b8;
	[tilespmem:$0x1CAC0] =	vst v63  }
0x46e: {  	_ =	swait.ge @!p0 [sflag:s16], $0x4000  }
0x46f: {  	[sflag:s16] =	ssyncset.done @!p0 $0x0  }
0x470: {  	[sflag:s16] =	ssyncadd.s32 @!p0 $0xFFFFC000  }
0x471: {  	v7 =	vld @!p0 [tilespmem:s14+$0xFFFFFF10];
	_ =	sdelay $0x4  }
0x472: {  	v8 =	vand.u32 @!p0 $0x3FFF, v7  }
0x473: {  	v7 =	vshrl.u32 @!p0 v7, $0xE;
	[tilespmem:$0x7A00] =	vst @!p0 v8  }
0x474: {  	[tilespmem:$0x7A80] =	vst @!p0 v7  }
0x475: {  	v7 =	vld @!p0 [tilespmem:s14+$0xFFFFFF20];
	_ =	sdelay $0x4  }
0x476: {  	v8 =	vand.u32 @!p0 $0x3FFF, v7  }
0x477: {  	v7 =	vshrl.u32 @!p0 v7, $0xE;
	[tilespmem:$0x7A10] =	vst @!p0 v8  }
0x478: {  	[tilespmem:$0x7A90] =	vst @!p0 v7  }
0x479: {  	v7 =	vld @!p0 [tilespmem:s14+$0xFFFFFF30];
	_ =	sdelay $0x4  }
0x47a: {  	v8 =	vand.u32 @!p0 $0x3FFF, v7  }
0x47b: {  	v7 =	vshrl.u32 @!p0 v7, $0xE;
	[tilespmem:$0x7A20] =	vst @!p0 v8  }
0x47c: {  	[tilespmem:$0x7AA0] =	vst @!p0 v7  }
0x47d: {  	v7 =	vld @!p0 [tilespmem:s14+$0xFFFFFF40];
	_ =	sdelay $0x4  }
0x47e: {  	v8 =	vand.u32 @!p0 $0x3FFF, v7  }
0x47f: {  	v7 =	vshrl.u32 @!p0 v7, $0xE;
	[tilespmem:$0x7A30] =	vst @!p0 v8  }
0x480: {  	[tilespmem:$0x7AB0] =	vst @!p0 v7  }
0x481: {  	v7 =	vld @!p0 [tilespmem:s14+$0xFFFFFF50];
	_ =	sdelay $0x4  }
0x482: {  	v8 =	vand.u32 @!p0 $0x3FFF, v7  }
0x483: {  	v7 =	vshrl.u32 @!p0 v7, $0xE;
	[tilespmem:$0x7A40] =	vst @!p0 v8  }
0x484: {  	[tilespmem:$0x7AC0] =	vst @!p0 v7  }
0x485: {  	v7 =	vld @!p0 [tilespmem:s14+$0xFFFFFF60];
	_ =	sdelay $0x4  }
0x486: {  	v8 =	vand.u32 @!p0 $0x3FFF, v7  }
0x487: {  	v7 =	vshrl.u32 @!p0 v7, $0xE;
	[tilespmem:$0x7A50] =	vst @!p0 v8  }
0x488: {  	[tilespmem:$0x7AD0] =	vst @!p0 v7  }
0x489: {  	v7 =	vld @!p0 [tilespmem:s14+$0xFFFFFF70];
	_ =	sdelay $0x4  }
0x48a: {  	v8 =	vand.u32 @!p0 $0x3FFF, v7  }
0x48b: {  	v7 =	vshrl.u32 @!p0 v7, $0xE;
	[tilespmem:$0x7A60] =	vst @!p0 v8  }
0x48c: {  	[tilespmem:$0x7AE0] =	vst @!p0 v7  }
0x48d: {  	v7 =	vld @!p0 [tilespmem:s14+$0xFFFFFF80];
	_ =	sdelay $0x4  }
0x48e: {  	v8 =	vand.u32 @!p0 $0x3FFF, v7  }
0x48f: {  	s13 =	simm.s32 @!p0 $0xFC00;
	p1 =	sle.s32 s12, $0x7;
	v7 =	vshrl.u32 @!p0 v7, $0xE;
	[tilespmem:$0x7A70] =	vst @!p0 v8  }
0x490: {  	s15 =	simm.s32 @!p0 $0x80;
	s17 =	simm.s32 @!p1 $0x8;
	s16 =	simm.s32 @!p0 $0x7A00;
	[tilespmem:$0x7AF0] =	vst @!p0 v7  }
0x491: {  	[tilespmem:s13], [sflag:$0x3] =	stream.indirect.gather @!p0 [hbm4b:s1+s15], $0x80, s16, s15, $0x2000b8;
	[tilespmem:$0x1CAC0] =	vst v63  }
0x492: {  	_ =	swait.ge @!p1 [sflag:s17], $0x4000  }
0x493: {  	[sflag:s17] =	ssyncset.done @!p1 $0x0  }
0x494: {  	[sflag:s17] =	ssyncadd.s32 @!p1 $0xFFFFC000  }
0x495: {  	v7 =	vld @!p1 [tilespmem:s14+$0xFFFFFF90];
	_ =	sdelay $0x4  }
0x496: {  	v8 =	vand.u32 @!p1 $0x3FFF, v7  }
0x497: {  	v7 =	vshrl.u32 @!p1 v7, $0xE;
	[tilespmem:$0x7B00] =	vst @!p1 v8  }
0x498: {  	[tilespmem:$0x7B80] =	vst @!p1 v7  }
0x499: {  	s16 =	simm.s32 $0xB;
	s15 =	simm.s32 $0x4B70;
	v7 =	vld @!p1 [tilespmem:s14+$0xFFFFFFA0]  }
.LBB2_17:
0x49a: {  	_ =	sdelay $0x3  }
0x49b: {  	v8 =	vand.u32 @!p1 $0x3FFF, v7  }
0x49c: {  	v7 =	vshrl.u32 @!p1 v7, $0xE;
	[tilespmem:$0x7B10] =	vst @!p1 v8  }
0x49d: {  	[tilespmem:$0x7B90] =	vst @!p1 v7  }
0x49e: {  	v7 =	vld @!p1 [tilespmem:s15+$0xFFFFFFB0];
	_ =	sdelay $0x4  }
0x49f: {  	v8 =	vand.u32 @!p1 $0x3FFF, v7  }
0x4a0: {  	v7 =	vshrl.u32 @!p1 v7, $0xE;
	[tilespmem:$0x7B20] =	vst @!p1 v8  }
0x4a1: {  	[tilespmem:$0x7BA0] =	vst @!p1 v7  }
0x4a2: {  	v7 =	vld @!p1 [tilespmem:s15+$0xFFFFFFC0];
	_ =	sdelay $0x4  }
0x4a3: {  	v8 =	vand.u32 @!p1 $0x3FFF, v7  }
0x4a4: {  	v7 =	vshrl.u32 @!p1 v7, $0xE;
	[tilespmem:$0x7B30] =	vst @!p1 v8  }
0x4a5: {  	[tilespmem:$0x7BB0] =	vst @!p1 v7  }
0x4a6: {  	v7 =	vld @!p1 [tilespmem:s15+$0xFFFFFFD0];
	_ =	sdelay $0x4  }
0x4a7: {  	v8 =	vand.u32 @!p1 $0x3FFF, v7  }
0x4a8: {  	v7 =	vshrl.u32 @!p1 v7, $0xE;
	[tilespmem:$0x7B40] =	vst @!p1 v8  }
0x4a9: {  	[tilespmem:$0x7BC0] =	vst @!p1 v7  }
0x4aa: {  	v7 =	vld @!p1 [tilespmem:s15+$0xFFFFFFE0];
	_ =	sdelay $0x4  }
0x4ab: {  	v8 =	vand.u32 @!p1 $0x3FFF, v7  }
0x4ac: {  	v7 =	vshrl.u32 @!p1 v7, $0xE;
	[tilespmem:$0x7B50] =	vst @!p1 v8  }
0x4ad: {  	[tilespmem:$0x7BD0] =	vst @!p1 v7  }
0x4ae: {  	v7 =	vld @!p1 [tilespmem:s15+$0xFFFFFFF0];
	_ =	sdelay $0x4  }
0x4af: {  	v8 =	vand.u32 @!p1 $0x3FFF, v7  }
0x4b0: {  	v7 =	vshrl.u32 @!p1 v7, $0xE;
	[tilespmem:$0x7B60] =	vst @!p1 v8  }
0x4b1: {  	[tilespmem:$0x7BE0] =	vst @!p1 v7  }
0x4b2: {  	v7 =	vld @!p1 [tilespmem:s15+$0x0];
	_ =	sdelay $0x3  }
0x4b3: {  	s17 =	smov.u32 s16  }
0x4b4: {  	s13 =	sadd.s32 $0xFFFFFFF9, s17;
	v8 =	vand.u32 @!p1 $0x3FFF, v7  }
0x4b5: {  	s20 =	simm.s32 @!p1 $0x80;
	p2 =	sge.s32 s13, s12;
	v7 =	vshrl.u32 @!p1 v7, $0xE;
	[tilespmem:$0x7B70] =	vst @!p1 v8  }
0x4b6: {  	s21 =	simm.s32 @!p1 $0x7B00;
	s22 =	simm.s32 @!p1 $0x13C00;
	s18 =	simm.s32 @!p2 $0x1;
	[tilespmem:$0x7BF0] =	vst @!p1 v7  }
0x4b7: {  	[tilespmem:s22], [sflag:$0x4] =	stream.indirect.gather @!p1 [hbm4b:s1+s20], $0x80, s21, s20, $0x2000b8;
	[tilespmem:$0x1CAC0] =	vst v63  }
0x4b8: {  	s19 =	simm.s32 @!p2 $0x7C00;
	_ =	swait.ge @!p2 [sflag:s18], $0x4000  }
0x4b9: {  	s29 =	simm.s32 @!p2 $0x80;
	[sflag:s18] =	ssyncset.done @!p2 $0x0;
	s22 =	rddreg [dreg:$0x6]  }
0x4ba: {  	s30 =	simm.s32 @!p2 $0x7880;
	[sflag:s18] =	ssyncadd.s32 @!p2 $0xFFFFC000;
	p1 =	sge.s32 s13, s22  }
0x4bb: {  	[spmem:s4] =	stream.indirect.scatter.add.f32 @!p2 [tilespmem:s19], [sflag:$0x5], $0x80, s30, s29, $0x2000b8;
	[tilespmem:$0x1CAC0] =	vst v63  }
0x4bc: {  	s18 =	simm.s32 @!p1 $0x2  }
0x4bd: {  	_ =	swait.ge @!p1 [sflag:s18], $0x4000  }
0x4be: {  	s19 =	simm.s32 @!p1 $0x7980;
	s20 =	simm.s32 @!p1 $0x80;
	[sflag:s18] =	ssyncset.done @!p1 $0x0  }
0x4bf: {  	s21 =	simm.s32 @!p1 $0xBC00;
	s30 =	rddreg [dreg:$0x7];
	[sflag:s18] =	ssyncadd.s32 @!p1 $0xFFFFC000  }
0x4c0: {  	[spmem:s4] =	stream.indirect.scatter.add.f32 @!p1 [tilespmem:s21], [sflag:$0x6], $0x80, s19, s20, $0x2000b8;
	[tilespmem:$0x1CAC0] =	vst v63  }
0x4c1: {  	p1 =	sge.s32 s13, s30  }
0x4c2: {  	s18 =	simm.s32 @!p1 $0x3  }
0x4c3: {  	_ =	swait.ge @!p1 [sflag:s18], $0x4000  }
0x4c4: {  	s19 =	simm.s32 @!p1 $0x7A80;
	s20 =	simm.s32 @!p1 $0xFC00;
	[sflag:s18] =	ssyncset.done @!p1 $0x0  }
0x4c5: {  	s29 =	rddreg [dreg:$0x8];
	[sflag:s18] =	ssyncadd.s32 @!p1 $0xFFFFC000;
	s18 =	simm.s32 @!p1 $0x80  }
0x4c6: {  	[spmem:s4] =	stream.indirect.scatter.add.f32 @!p1 [tilespmem:s20], [sflag:$0x7], $0x80, s19, s18, $0x2000b8;
	[tilespmem:$0x1CAC0] =	vst v63  }
0x4c7: {  	p1 =	sge.s32 s13, s29  }
0x4c8: {  	s30 =	sadd.s32 $0xFFFFFFFD, s17;
	s13 =	simm.s32 @!p1 $0x4  }
0x4c9: {  	p2 =	sge.s32 s30, s12;
	_ =	swait.ge @!p1 [sflag:s13], $0x4000  }
0x4ca: {  	s20 =	simm.s32 @!p2 $0x5;
	s18 =	simm.s32 @!p1 $0x80;
	[sflag:s13] =	ssyncset.done @!p1 $0x0  }
0x4cb: {  	s19 =	simm.s32 @!p1 $0x7B80;
	[sflag:s13] =	ssyncadd.s32 @!p1 $0xFFFFC000;
	s13 =	simm.s32 @!p1 $0x13C00  }
0x4cc: {  	[spmem:s4] =	stream.indirect.scatter.add.f32 @!p1 [tilespmem:s13], [sflag:$0x8], $0x80, s19, s18, $0x2000b8;
	[tilespmem:$0x1CAC0] =	vst v63  }
0x4cd: {  	_ =	swait.ge @!p2 [sflag:s20], $0x4000  }
0x4ce: {  	[sflag:s20] =	ssyncset.done @!p2 $0x0  }
0x4cf: {  	s14 =	sadd.s32 $0x200, s14;
	[sflag:s20] =	ssyncadd.s32 @!p2 $0xFFFFC000  }
0x4d0: {  	v7 =	vld @!p2 [tilespmem:s14+$0xFFFFFE10];
	_ =	sdelay $0x4  }
0x4d1: {  	v8 =	vand.u32 @!p2 $0x3FFF, v7;
	v7 =	vshrl.u32 @!p2 v7, $0xE  }
0x4d2: {  	[tilespmem:$0x7880] =	vst @!p2 v7  }
0x4d3: {  	[tilespmem:$0x7800] =	vst @!p2 v8  }
0x4d4: {  	v7 =	vld @!p2 [tilespmem:s14+$0xFFFFFE20];
	_ =	sdelay $0x4  }
0x4d5: {  	v8 =	vand.u32 @!p2 $0x3FFF, v7  }
0x4d6: {  	v7 =	vshrl.u32 @!p2 v7, $0xE;
	[tilespmem:$0x7810] =	vst @!p2 v8  }
0x4d7: {  	[tilespmem:$0x7890] =	vst @!p2 v7  }
0x4d8: {  	v7 =	vld @!p2 [tilespmem:s14+$0xFFFFFE30];
	_ =	sdelay $0x4  }
0x4d9: {  	v8 =	vand.u32 @!p2 $0x3FFF, v7  }
0x4da: {  	v7 =	vshrl.u32 @!p2 v7, $0xE;
	[tilespmem:$0x7820] =	vst @!p2 v8  }
0x4db: {  	[tilespmem:$0x78A0] =	vst @!p2 v7  }
0x4dc: {  	v7 =	vld @!p2 [tilespmem:s14+$0xFFFFFE40];
	_ =	sdelay $0x4  }
0x4dd: {  	v8 =	vand.u32 @!p2 $0x3FFF, v7  }
0x4de: {  	v7 =	vshrl.u32 @!p2 v7, $0xE;
	[tilespmem:$0x7830] =	vst @!p2 v8  }
0x4df: {  	[tilespmem:$0x78B0] =	vst @!p2 v7  }
0x4e0: {  	v7 =	vld @!p2 [tilespmem:s14+$0xFFFFFE50];
	_ =	sdelay $0x4  }
0x4e1: {  	v8 =	vand.u32 @!p2 $0x3FFF, v7  }
0x4e2: {  	v7 =	vshrl.u32 @!p2 v7, $0xE;
	[tilespmem:$0x7840] =	vst @!p2 v8  }
0x4e3: {  	[tilespmem:$0x78C0] =	vst @!p2 v7  }
0x4e4: {  	v7 =	vld @!p2 [tilespmem:s14+$0xFFFFFE60];
	_ =	sdelay $0x4  }
0x4e5: {  	v8 =	vand.u32 @!p2 $0x3FFF, v7  }
0x4e6: {  	v7 =	vshrl.u32 @!p2 v7, $0xE;
	[tilespmem:$0x7850] =	vst @!p2 v8  }
0x4e7: {  	[tilespmem:$0x78D0] =	vst @!p2 v7  }
0x4e8: {  	v7 =	vld @!p2 [tilespmem:s14+$0xFFFFFE70];
	_ =	sdelay $0x4  }
0x4e9: {  	v8 =	vand.u32 @!p2 $0x3FFF, v7  }
0x4ea: {  	v7 =	vshrl.u32 @!p2 v7, $0xE;
	[tilespmem:$0x7860] =	vst @!p2 v8  }
0x4eb: {  	[tilespmem:$0x78E0] =	vst @!p2 v7  }
0x4ec: {  	v7 =	vld @!p2 [tilespmem:s14+$0xFFFFFE80];
	_ =	sdelay $0x4  }
0x4ed: {  	s29 =	sadd.s32 $0xFFFFFFFE, s17;
	v8 =	vand.u32 @!p2 $0x3FFF, v7  }
0x4ee: {  	s18 =	simm.s32 @!p2 $0x80;
	p1 =	sge.s32 s29, s12;
	v7 =	vshrl.u32 @!p2 v7, $0xE;
	[tilespmem:$0x7870] =	vst @!p2 v8  }
0x4ef: {  	s19 =	simm.s32 @!p2 $0x7800;
	s13 =	simm.s32 @!p2 $0x7C00;
	s20 =	simm.s32 @!p1 $0x6;
	[tilespmem:$0x78F0] =	vst @!p2 v7  }
0x4f0: {  	[tilespmem:s13], [sflag:$0x1] =	stream.indirect.gather @!p2 [hbm4b:s1+s18], $0x80, s19, s18, $0x2000b8;
	[tilespmem:$0x1CAC0] =	vst v63  }
0x4f1: {  	_ =	swait.ge @!p1 [sflag:s20], $0x4000  }
0x4f2: {  	[sflag:s20] =	ssyncset.done @!p1 $0x0  }
0x4f3: {  	[sflag:s20] =	ssyncadd.s32 @!p1 $0xFFFFC000  }
0x4f4: {  	v7 =	vld @!p1 [tilespmem:s14+$0xFFFFFE90];
	_ =	sdelay $0x4  }
0x4f5: {  	v8 =	vand.u32 @!p1 $0x3FFF, v7  }
0x4f6: {  	v7 =	vshrl.u32 @!p1 v7, $0xE;
	[tilespmem:$0x7900] =	vst @!p1 v8  }
0x4f7: {  	[tilespmem:$0x7980] =	vst @!p1 v7  }
0x4f8: {  	v7 =	vld @!p1 [tilespmem:s14+$0xFFFFFEA0];
	_ =	sdelay $0x4  }
0x4f9: {  	v8 =	vand.u32 @!p1 $0x3FFF, v7  }
0x4fa: {  	v7 =	vshrl.u32 @!p1 v7, $0xE;
	[tilespmem:$0x7910] =	vst @!p1 v8  }
0x4fb: {  	[tilespmem:$0x7990] =	vst @!p1 v7  }
0x4fc: {  	v7 =	vld @!p1 [tilespmem:s14+$0xFFFFFEB0];
	_ =	sdelay $0x4  }
0x4fd: {  	v8 =	vand.u32 @!p1 $0x3FFF, v7  }
0x4fe: {  	v7 =	vshrl.u32 @!p1 v7, $0xE;
	[tilespmem:$0x7920] =	vst @!p1 v8  }
0x4ff: {  	[tilespmem:$0x79A0] =	vst @!p1 v7  }
0x500: {  	v7 =	vld @!p1 [tilespmem:s14+$0xFFFFFEC0];
	_ =	sdelay $0x4  }
0x501: {  	v8 =	vand.u32 @!p1 $0x3FFF, v7  }
0x502: {  	v7 =	vshrl.u32 @!p1 v7, $0xE;
	[tilespmem:$0x7930] =	vst @!p1 v8  }
0x503: {  	[tilespmem:$0x79B0] =	vst @!p1 v7  }
0x504: {  	v7 =	vld @!p1 [tilespmem:s14+$0xFFFFFED0];
	_ =	sdelay $0x4  }
0x505: {  	v8 =	vand.u32 @!p1 $0x3FFF, v7  }
0x506: {  	v7 =	vshrl.u32 @!p1 v7, $0xE;
	[tilespmem:$0x7940] =	vst @!p1 v8  }
0x507: {  	[tilespmem:$0x79C0] =	vst @!p1 v7  }
0x508: {  	v7 =	vld @!p1 [tilespmem:s14+$0xFFFFFEE0];
	_ =	sdelay $0x4  }
0x509: {  	v8 =	vand.u32 @!p1 $0x3FFF, v7  }
0x50a: {  	v7 =	vshrl.u32 @!p1 v7, $0xE;
	[tilespmem:$0x7950] =	vst @!p1 v8  }
0x50b: {  	[tilespmem:$0x79D0] =	vst @!p1 v7  }
0x50c: {  	v7 =	vld @!p1 [tilespmem:s14+$0xFFFFFEF0];
	_ =	sdelay $0x4  }
0x50d: {  	v8 =	vand.u32 @!p1 $0x3FFF, v7  }
0x50e: {  	v7 =	vshrl.u32 @!p1 v7, $0xE;
	[tilespmem:$0x7960] =	vst @!p1 v8  }
0x50f: {  	[tilespmem:$0x79E0] =	vst @!p1 v7  }
0x510: {  	v7 =	vld @!p1 [tilespmem:s14+$0xFFFFFF00];
	_ =	sdelay $0x4  }
0x511: {  	s30 =	sadd.s32 $0xFFFFFFFF, s17;
	v8 =	vand.u32 @!p1 $0x3FFF, v7  }
0x512: {  	s18 =	simm.s32 @!p1 $0x80;
	p2 =	sge.s32 s30, s12;
	v7 =	vshrl.u32 @!p1 v7, $0xE;
	[tilespmem:$0x7970] =	vst @!p1 v8  }
0x513: {  	s19 =	simm.s32 @!p1 $0x7900;
	s13 =	simm.s32 @!p2 $0x7;
	s20 =	simm.s32 @!p1 $0xBC00;
	[tilespmem:$0x79F0] =	vst @!p1 v7  }
0x514: {  	[tilespmem:s20], [sflag:$0x2] =	stream.indirect.gather @!p1 [hbm4b:s1+s18], $0x80, s19, s18, $0x2000b8;
	[tilespmem:$0x1CAC0] =	vst v63  }
0x515: {  	_ =	swait.ge @!p2 [sflag:s13], $0x4000  }
0x516: {  	[sflag:s13] =	ssyncset.done @!p2 $0x0  }
0x517: {  	[sflag:s13] =	ssyncadd.s32 @!p2 $0xFFFFC000  }
0x518: {  	v7 =	vld @!p2 [tilespmem:s14+$0xFFFFFF10];
	_ =	sdelay $0x4  }
0x519: {  	v8 =	vand.u32 @!p2 $0x3FFF, v7  }
0x51a: {  	v7 =	vshrl.u32 @!p2 v7, $0xE;
	[tilespmem:$0x7A00] =	vst @!p2 v8  }
0x51b: {  	[tilespmem:$0x7A80] =	vst @!p2 v7  }
0x51c: {  	v7 =	vld @!p2 [tilespmem:s14+$0xFFFFFF20];
	_ =	sdelay $0x4  }
0x51d: {  	v8 =	vand.u32 @!p2 $0x3FFF, v7  }
0x51e: {  	v7 =	vshrl.u32 @!p2 v7, $0xE;
	[tilespmem:$0x7A10] =	vst @!p2 v8  }
0x51f: {  	[tilespmem:$0x7A90] =	vst @!p2 v7  }
0x520: {  	v7 =	vld @!p2 [tilespmem:s14+$0xFFFFFF30];
	_ =	sdelay $0x4  }
0x521: {  	v8 =	vand.u32 @!p2 $0x3FFF, v7  }
0x522: {  	v7 =	vshrl.u32 @!p2 v7, $0xE;
	[tilespmem:$0x7A20] =	vst @!p2 v8  }
0x523: {  	[tilespmem:$0x7AA0] =	vst @!p2 v7  }
0x524: {  	v7 =	vld @!p2 [tilespmem:s14+$0xFFFFFF40];
	_ =	sdelay $0x4  }
0x525: {  	v8 =	vand.u32 @!p2 $0x3FFF, v7  }
0x526: {  	v7 =	vshrl.u32 @!p2 v7, $0xE;
	[tilespmem:$0x7A30] =	vst @!p2 v8  }
0x527: {  	[tilespmem:$0x7AB0] =	vst @!p2 v7  }
0x528: {  	v7 =	vld @!p2 [tilespmem:s14+$0xFFFFFF50];
	_ =	sdelay $0x4  }
0x529: {  	v8 =	vand.u32 @!p2 $0x3FFF, v7  }
0x52a: {  	v7 =	vshrl.u32 @!p2 v7, $0xE;
	[tilespmem:$0x7A40] =	vst @!p2 v8  }
0x52b: {  	[tilespmem:$0x7AC0] =	vst @!p2 v7  }
0x52c: {  	v7 =	vld @!p2 [tilespmem:s14+$0xFFFFFF60];
	_ =	sdelay $0x4  }
0x52d: {  	v8 =	vand.u32 @!p2 $0x3FFF, v7  }
0x52e: {  	v7 =	vshrl.u32 @!p2 v7, $0xE;
	[tilespmem:$0x7A50] =	vst @!p2 v8  }
0x52f: {  	[tilespmem:$0x7AD0] =	vst @!p2 v7  }
0x530: {  	v7 =	vld @!p2 [tilespmem:s14+$0xFFFFFF70];
	_ =	sdelay $0x4  }
0x531: {  	v8 =	vand.u32 @!p2 $0x3FFF, v7  }
0x532: {  	v7 =	vshrl.u32 @!p2 v7, $0xE;
	[tilespmem:$0x7A60] =	vst @!p2 v8  }
0x533: {  	[tilespmem:$0x7AE0] =	vst @!p2 v7  }
0x534: {  	v7 =	vld @!p2 [tilespmem:s14+$0xFFFFFF80];
	_ =	sdelay $0x4  }
0x535: {  	v8 =	vand.u32 @!p2 $0x3FFF, v7  }
0x536: {  	p1 =	sge.s32 s17, s12;
	s17 =	simm.s32 @!p2 $0x80;
	v7 =	vshrl.u32 @!p2 v7, $0xE;
	[tilespmem:$0x7A70] =	vst @!p2 v8  }
0x537: {  	s18 =	simm.s32 @!p2 $0x7A00;
	s19 =	simm.s32 @!p1 $0x8;
	s13 =	simm.s32 @!p2 $0xFC00;
	[tilespmem:$0x7AF0] =	vst @!p2 v7  }
0x538: {  	[tilespmem:s13], [sflag:$0x3] =	stream.indirect.gather @!p2 [hbm4b:s1+s17], $0x80, s18, s17, $0x2000b8;
	[tilespmem:$0x1CAC0] =	vst v63  }
0x539: {  	_ =	swait.ge @!p1 [sflag:s19], $0x4000  }
0x53a: {  	[sflag:s19] =	ssyncset.done @!p1 $0x0  }
0x53b: {  	[sflag:s19] =	ssyncadd.s32 @!p1 $0xFFFFC000  }
0x53c: {  	v7 =	vld @!p1 [tilespmem:s14+$0xFFFFFF90];
	_ =	sdelay $0x1  }
0x53d: {  	s16 =	sadd.s32 $0x4, s16  }
0x53e: {  	p0 =	sne.s32 s16, $0x6B  }
.Ltmp8:
0x53f: {  	_ = 	snop;
	(pc) =	sbr.rel @p0 .LBB2_17-.Ltmp8, $4  }
0x540: {  	v8 =	vand.u32 @!p1 $0x3FFF, v7  }
0x541: {  	v7 =	vshrl.u32 @!p1 v7, $0xE;
	[tilespmem:$0x7B00] =	vst @!p1 v8  }
0x542: {  	[tilespmem:$0x7B80] =	vst @!p1 v7  }
0x543: {  	s15 =	smov.u32 s14;
	v7 =	vld @!p1 [tilespmem:s14+$0xFFFFFFA0]  }
0x544: {  	_ =	sdelay $0x3  }
0x545: {  	v8 =	vand.u32 @!p1 $0x3FFF, v7  }
0x546: {  	v7 =	vshrl.u32 @!p1 v7, $0xE;
	[tilespmem:$0x7B10] =	vst @!p1 v8  }
0x547: {  	[tilespmem:$0x7B90] =	vst @!p1 v7  }
0x548: {  	v7 =	vld @!p1 [tilespmem:s15+$0xFFFFFFB0];
	_ =	sdelay $0x4  }
0x549: {  	v8 =	vand.u32 @!p1 $0x3FFF, v7  }
0x54a: {  	v7 =	vshrl.u32 @!p1 v7, $0xE;
	[tilespmem:$0x7B20] =	vst @!p1 v8  }
0x54b: {  	[tilespmem:$0x7BA0] =	vst @!p1 v7  }
0x54c: {  	v7 =	vld @!p1 [tilespmem:s15+$0xFFFFFFC0];
	_ =	sdelay $0x4  }
0x54d: {  	v8 =	vand.u32 @!p1 $0x3FFF, v7  }
0x54e: {  	v7 =	vshrl.u32 @!p1 v7, $0xE;
	[tilespmem:$0x7B30] =	vst @!p1 v8  }
0x54f: {  	[tilespmem:$0x7BB0] =	vst @!p1 v7  }
0x550: {  	v7 =	vld @!p1 [tilespmem:s15+$0xFFFFFFD0];
	_ =	sdelay $0x4  }
0x551: {  	v8 =	vand.u32 @!p1 $0x3FFF, v7  }
0x552: {  	v7 =	vshrl.u32 @!p1 v7, $0xE;
	[tilespmem:$0x7B40] =	vst @!p1 v8  }
0x553: {  	[tilespmem:$0x7BC0] =	vst @!p1 v7  }
0x554: {  	v7 =	vld @!p1 [tilespmem:s15+$0xFFFFFFE0];
	_ =	sdelay $0x4  }
0x555: {  	v8 =	vand.u32 @!p1 $0x3FFF, v7  }
0x556: {  	v7 =	vshrl.u32 @!p1 v7, $0xE;
	[tilespmem:$0x7B50] =	vst @!p1 v8  }
0x557: {  	[tilespmem:$0x7BD0] =	vst @!p1 v7  }
0x558: {  	v7 =	vld @!p1 [tilespmem:s15+$0xFFFFFFF0];
	_ =	sdelay $0x4  }
0x559: {  	v8 =	vand.u32 @!p1 $0x3FFF, v7  }
0x55a: {  	v7 =	vshrl.u32 @!p1 v7, $0xE;
	[tilespmem:$0x7B60] =	vst @!p1 v8  }
0x55b: {  	[tilespmem:$0x7BE0] =	vst @!p1 v7  }
0x55c: {  	v7 =	vld @!p1 [tilespmem:s15+$0x0];
	_ =	sdelay $0x4  }
0x55d: {  	v8 =	vand.u32 @!p1 $0x3FFF, v7  }
0x55e: {  	v7 =	vshrl.u32 @!p1 v7, $0xE;
	[tilespmem:$0x7B70] =	vst @!p1 v8  }
0x55f: {  	s12 =	simm.s32 @!p1 $0x80;
	s13 =	simm.s32 @!p1 $0x7B00;
	s14 =	simm.s32 @!p1 $0x13C00;
	[tilespmem:$0x7BF0] =	vst @!p1 v7  }
0x560: {  	[tilespmem:s14], [sflag:$0x4] =	stream.indirect.gather @!p1 [hbm4b:s1+s12], $0x80, s13, s12, $0x2000b8;
	[tilespmem:$0x1CAC0] =	vst v63  }
0x561: {  	s12 =	simm.s32 @!p3 $0x5  }
0x562: {  	_ =	swait.ge @!p3 [sflag:s12], $0x4000  }
0x563: {  	[sflag:s12] =	ssyncset.done @!p3 $0x0  }
0x564: {  	[sflag:s12] =	ssyncadd.s32 @!p3 $0xFFFFC000;
	s12 =	simm.s32 @p6 $0x6  }
0x565: {  	_ =	swait.ge @p6 [sflag:s12], $0x4000  }
0x566: {  	[sflag:s12] =	ssyncset.done @p6 $0x0  }
0x567: {  	[sflag:s12] =	ssyncadd.s32 @p6 $0xFFFFC000;
	s12 =	simm.s32 @p5 $0x7  }
0x568: {  	_ =	swait.ge @p5 [sflag:s12], $0x4000  }
0x569: {  	[sflag:s12] =	ssyncset.done @p5 $0x0  }
0x56a: {  	[sflag:s12] =	ssyncadd.s32 @p5 $0xFFFFC000;
	s12 =	simm.s32 @p4 $0x8  }
0x56b: {  	_ =	swait.ge @p4 [sflag:s12], $0x4000  }
0x56c: {  	[sflag:s12] =	ssyncset.done @p4 $0x0  }
0x56d: {  	[sflag:s12] =	ssyncadd.s32 @p4 $0xFFFFC000  }
0x56e: {  	s16 =	stileid.u32;
	[bflag:$0x0] =	sbarrier.arrive $0xFFFF  }
0x56f: {  	s12 =	sshll.u32 s16, $0x6;
	_ =	strace $0x9000004A  }
0x570: {  	s17 =	sshrl.u32 s23, $0x3;
	s12 =	sor.u32 $0x1C0D, s12;
	s18 =	rddreg [dreg:$0xe]  }
0x571: {  	[hbm:s18], [sflag:s12] =	dma.local [spmem:s17], $0x280  }
0x572: {  	_ =	swait.ge [sflag:s31], $0x280  }
0x573: {  	[sflag:s31] =	ssyncset.done $0x0  }
0x574: {  	s19 =	sshrl.u32 s24, $0x3;
	s20 =	rddreg [dreg:$0xf];
	[sflag:s31] =	ssyncadd.s32 $0xFFFFFD80  }
0x575: {  	[hbm:s20], [sflag:s12] =	dma.local [spmem:s19], $0x280  }
0x576: {  	_ =	swait.ge [sflag:s31], $0x280  }
0x577: {  	[sflag:s31] =	ssyncset.done $0x0;
	s18 =	rddreg [dreg:$0x14]  }
0x578: {  	s22 =	rddreg [dreg:$0x10];
	[sflag:s31] =	ssyncadd.s32 $0xFFFFFD80;
	s21 =	sshrl.u32 s18, $0x3  }
0x579: {  	[hbm:s22], [sflag:s12] =	dma.local [spmem:s21], $0x280  }
0x57a: {  	_ =	swait.ge [sflag:s31], $0x280  }
0x57b: {  	s16 =	smov.u32 s23;
	s23 =	rddreg [dreg:$0xd]  }
0x57c: {  	[sflag:s31] =	ssyncset.done $0x0;
	s19 =	rddreg [dreg:$0x15];
	p0 =	sgt.u32 s23, $0x3D  }
0x57d: {  	s14 =	rddreg [dreg:$0x11];
	[sflag:s31] =	ssyncadd.s32 $0xFFFFFD80;
	s13 =	sshrl.u32 @!p0 s19, $0x3  }
0x57e: {  	[hbm:s14], [sflag:s12] =	dma.local @!p0 [spmem:s13], $0x280  }
0x57f: {  	s12 =	simm.s32 @!p0 $0xD  }
0x580: {  	_ =	swait.ge @!p0 [sflag:s12], $0x280  }
0x581: {  	s17 =	smov.u32 s24;
	s24 =	sld [smem:$0x7FB];
	_ =	sdelay $0x1  }
0x582: {  	[sflag:s12] =	ssyncset.done @!p0 $0x0  }
0x583: {  	s15 =	rddreg [dreg:$0x16];
	[sflag:s12] =	ssyncadd.s32 @!p0 $0xFFFFFD80;
	p0 =	seq.s32 s24, $0x1  }
0x584: {  	s14 =	rddreg [dreg:$0xc];
	s12 =	sshrl.u32 @p0 s15, $0x3;
	s13 =	simm.s32 @p0 $0x1FCD  }
0x585: {  	[hbm:s14], [sflag:s13] =	dma.local @p0 [spmem:s12], $0x180  }
0x586: {  	s12 =	simm.s32 @p0 $0xD  }
0x587: {  	_ =	swait.ge @p0 [sflag:s12], $0x180  }
0x588: {  	s29 =	sld [smem:$0x7FD];
	_ =	sdelay $0x2  }
0x589: {  	[sflag:s12] =	ssyncset.done @p0 $0x0;
	s14 =	rddreg [dreg:$0x12];
	p1 =	seq.s32 s29, $0x1  }
0x58a: {  	[sflag:s12] =	ssyncadd.s32 @p0 $0xFFFFFE80;
	s12 =	sshrl.u32 @p1 s15, $0x3;
	s13 =	simm.s32 @p1 $0x1FCD  }
0x58b: {  	[hbm:s14], [sflag:s13] =	dma.local @p1 [spmem:s12], $0x100  }
0x58c: {  	s12 =	simm.s32 @p1 $0xD  }
0x58d: {  	_ =	swait.ge @p1 [sflag:s12], $0x100  }
0x58e: {  	s9 =	sadd.s32 $0x1, s9;
	s30 =	rddreg [dreg:$0x13]  }
0x58f: {  	p0 =	sne.s32 s9, s30  }
.Ltmp9:
0x590: {  	_ = 	snop;
	(pc) =	sbr.rel @p0 .LBB2_1-.Ltmp9, $3  }
0x591: {  	_ =	sdelay $0x1  }
0x592: {  	[sflag:s12] =	ssyncset.done @p1 $0x0  }
0x593: {  	[sflag:s12] =	ssyncadd.s32 @p1 $0xFFFFFF00  }
0x594: {  	_ =	sfence.sel $0x180000  }
0x595: {  	[bflag:$0x0] =	sbarrier.arrive $0xFFFF  }
0x596: {  	_ =	strace $0x90000047  }
0x597: {  	s0 =	stileid.u32;
	[bflag:$0x2] =	sbarrier.arrive $0xFFFF  }
0x598: {  	p0 =	sne.s32 s0, $0x0;
	s0 =	rddreg [dreg:$0x5]  }
0x599: {  	s0 =	sadd.s32 @!p0 $0x100000, s0  }
0x59a: {  	[sflag:s0] =	ssyncadd.tile.s32 @!p0 $0x1;
	_ =	shalt  }
.Lfunc_end2:
_tile_overlayer_lowered:
.L_overlay_start_2:
0x59b: {  	(tag) =	ssettag $0x2  }
0x59c: {  	s0 =	rddreg [dreg:$0x0];
	s2 =	stileid.u32  }
0x59d: {  	s1 =	rddreg [dreg:$0x1];
	p0 =	sne.s32 s2, $0x0  }
0x59e: {  	s3 =	rddreg [dreg:$0x2];
	[bflag:$0x3] =	sbarrier.arrive $0xFFFF;
	s2 =	simm.s32 @!p0 $0x1C0D  }
0x59f: {  	[timem:s3], [sflag:s2] =	dma.local @!p0 [hbm:s0], s1  }
0x5a0: {  	s0 =	simm.s32 @!p0 $0xD  }
0x5a1: {  	_ =	swait.ge @!p0 [sflag:s0], s1  }
0x5a2: {  	s1 =	ssub.s32 @!p0 $0x0, s1;
	[sflag:s0] =	ssyncset.done @!p0 $0x0  }
0x5a3: {  	[sflag:s0] =	ssyncadd.s32 @!p0 s1  }
0x5a4: {  	[bflag:$0x3] =	sbarrier.arrive $0xFFFF  }
0x5a5: {  	_ =	shalt  }

</sc_bundles>
